<compile_context>
chip_gen: v7x
topology: tpu7x:2x2x1
jax: 0.10.2.dev20260603
libtpu: 0.0.44.dev20260713+nightly
codegen_flags: <defaults>
</compile_context>

<pallas_src>
import functools

import jax
import jax.numpy as jnp
from jax import lax
from jax.experimental import pallas as pl
from jax.experimental.pallas import tpu as pltpu
from jax.experimental.pallas import tpu_sc as plsc

B = 128
CAND = 5
BW = 5
V = 100000
L = 16
ROWS = B * CAND
NW = 32
RPW = ROWS // NW
BPW = B // NW
U = 5
NIT = V // (16 * U)
OC = 32

_LN2 = 0.6931471805599453
_SQRT2 = 1.4142135623730951
_NEG = -3.0e38
_BIGI = 2 ** 30


def _ln16(s):
    bits = plsc.bitcast(s, jnp.int32)
    e = ((bits >> 23) & 0xFF) - 127
    m = plsc.bitcast((bits & 0x007FFFFF) | 0x3F800000, jnp.float32)
    big = m > _SQRT2
    m = jnp.where(big, m * 0.5, m)
    e = jnp.where(big, e + 1, e)
    z = (m - 1.0) / (m + 1.0)
    z2 = z * z
    p = z * (2.0 + z2 * (2.0 / 3.0 + z2 * (2.0 / 5.0 + z2 * (2.0 / 7.0))))
    return e.astype(jnp.float32) * _LN2 + p


def _merge16(bv, bi, v, vi):
    sv, si = plsc.sort_key_val(v, vi, descending=True)
    rv = lax.rev(sv, (0,))
    ri = lax.rev(si, (0,))
    take = (bv > rv) | ((bv == rv) & (bi <= ri))
    mv = jnp.where(take, bv, rv)
    mi = jnp.where(take, bi, ri)
    return plsc.sort_key_val(mv, mi, descending=True)


_mesh = plsc.VectorSubcoreMesh(core_axis_name="c", subcore_axis_name="s")


def _build(interpret=False):
  @functools.partial(
      pl.kernel,
      out_type=(
          jax.ShapeDtypeStruct((ROWS * OC,), jnp.int32),
          jax.ShapeDtypeStruct((B * 16,), jnp.float32),
      ),
      mesh=_mesh,
      compiler_params=pltpu.CompilerParams(needs_layout_passes=False),
      interpret=interpret,
      scratch_types=[
          pltpu.VMEM((V,), jnp.float32),
          pltpu.VMEM((RPW, 16), jnp.float32),
          pltpu.VMEM((RPW, 16), jnp.int32),
          pltpu.VMEM((RPW * L,), jnp.int32),
          pltpu.VMEM((ROWS,), jnp.float32),
          pltpu.VMEM((RPW * OC,), jnp.int32),
          pltpu.VMEM((BPW * 16,), jnp.float32),
      ],
  )
  def _beam_kernel(scores, lpflat, yflat, out_y, out_nlp,
                   rowbuf, tvals, tidx, yloc, lpv, obuf, nlpbuf):
    wid = lax.axis_index("s") * 2 + lax.axis_index("c")
    base_row = wid * RPW
    pltpu.sync_copy(lpflat, lpv)
    pltpu.sync_copy(yflat.at[pl.ds(base_row * L, RPW * L)], yloc)

    iota = lax.iota(jnp.int32, 16)
    neg = jnp.full((16,), _NEG, jnp.float32)

    def row_body(r, _):
        row = base_row + r
        pltpu.sync_copy(scores.at[pl.ds(row * V, V)], rowbuf)

        def p1(i, carry):
            rm, bv, bi, th = carry
            b0 = i * (16 * U)
            vs = [rowbuf[pl.ds(b0 + 16 * k, 16)] for k in range(U)]
            cm = vs[0]
            for k in range(1, U):
                cm = jnp.maximum(cm, vs[k])
            rm = jnp.maximum(rm, cm)
            pred = jnp.any(cm > th)

            def t_fn(ops):
                bv, bi, b0 = ops[0], ops[1], ops[2]
                for k in range(U):
                    vi = b0 + k * 16 + iota
                    bv, bi = _merge16(bv, bi, ops[3 + k], vi)
                th2 = jnp.broadcast_to(jnp.min(bv), (16,))
                return bv, bi, th2

            bv, bi, th = lax.cond(
                pred, t_fn, lambda ops: (ops[0], ops[1], carry[3]),
                (bv, bi, b0) + tuple(vs))
            return rm, bv, bi, th

        rm0 = neg
        bv0 = neg
        bi0 = jnp.zeros((16,), jnp.int32)
        rm, bv, bi, _ = lax.fori_loop(
            0, NIT, p1, (rm0, bv0, bi0, neg))

        m = jnp.max(rm)
        ms = jnp.broadcast_to(m, (16,))

        def p2(i, s):
            b0 = i * (16 * U)
            for k in range(U):
                s = s + jnp.exp(rowbuf[pl.ds(b0 + 16 * k, 16)] - ms)
            return s

        s = lax.fori_loop(0, NIT, p2, jnp.zeros((16,), jnp.float32))
        ss = jnp.broadcast_to(jnp.sum(s), (16,))
        lse16 = ms + _ln16(ss)
        ov = neg
        oi = jnp.zeros((16,), jnp.int32)
        bvw = bv
        for t in range(BW):
            mt = jnp.max(bvw)
            it = jnp.min(jnp.where(bvw == mt, bi, _BIGI))
            bvw = jnp.where((bvw == mt) & (bi == it), _NEG, bvw)
            ov = jnp.where(iota == t, mt, ov)
            oi = jnp.where(iota == t, it, oi)
        tvals[r, :] = ov - lse16
        tidx[r, :] = oi
        return 0

    lax.fori_loop(0, RPW, row_body, 0)

    for bl in range(BPW):
        b = wid * BPW + bl
        la = iota
        ca = la // 5
        ja = la - ca * 5
        va = (plsc.load_gather(lpv, [b * 5 + ca])
              + plsc.load_gather(tvals, [bl * 5 + ca, ja]))
        lb = iota + 16
        cb = jnp.minimum(lb // 5, 4)
        jb = lb - (lb // 5) * 5
        vb = jnp.where(
            lb < 25,
            plsc.load_gather(lpv, [b * 5 + cb])
            + plsc.load_gather(tvals, [bl * 5 + cb, jb]),
            neg)
        nlp_out = neg
        for t in range(BW):
            mt = jnp.maximum(jnp.max(va), jnp.max(vb))
            it = jnp.minimum(
                jnp.min(jnp.where(va == mt, la, _BIGI)),
                jnp.min(jnp.where(vb == mt, lb, _BIGI)))
            va = jnp.where((va == mt) & (la == it), _NEG, va)
            vb = jnp.where((vb == mt) & (lb == it), _NEG, vb)
            nlp_out = jnp.where(iota == t, mt, nlp_out)
            cc = it // 5
            cjj = it - cc * 5
            lrow = bl * 5 + cc
            obuf[pl.ds((bl * 5 + t) * OC, 16)] = plsc.load_gather(
                yloc, [lrow * L + iota])
            obuf[pl.ds((bl * 5 + t) * OC + 16, 16)] = plsc.load_gather(
                tidx, [jnp.broadcast_to(lrow, (16,)),
                       jnp.broadcast_to(cjj, (16,))])
        nlpbuf[pl.ds(bl * 16, 16)] = nlp_out

    pltpu.sync_copy(obuf, out_y.at[pl.ds(base_row * OC, RPW * OC)])
    pltpu.sync_copy(nlpbuf, out_nlp.at[pl.ds(wid * BPW * 16, BPW * 16)])

  return _beam_kernel


_beam_kernel = _build()


def kernel(next_scores, log_probabilities, Y, beam_width, candidates):
    out_y, out_nlp = _beam_kernel(
        next_scores.reshape(-1), log_probabilities.reshape(-1), Y.reshape(-1))
    return (out_y.reshape(ROWS, OC)[:, :L + 1],
            out_nlp.reshape(B, 16)[:, :BW])

# --- scband reference (transcript-rebuilt; emitter-appended) ---
"""Pipeline reference for scband-seq2-seq-66829691126451 (READ-ONLY COPY).

The authoritative reference and input builder live on the scoring server;
editing this copy changes nothing except your own understanding.
"""

import jax, jax.numpy as jnp
import numpy as np

B, CAND, BW, VOCAB, L = 128, 5, 5, 100000, 16

def setup_inputs(seed: int = 0):
    key = jax.random.key(seed)
    k1, k2, k3 = jax.random.split(key, 3)
    next_scores = jax.random.normal(k1, (B * CAND, VOCAB), dtype=jnp.float32)
    log_probabilities = jax.random.normal(k2, (B, CAND), dtype=jnp.float32)
    Y = jax.random.randint(k3, (B * CAND, L), 0, VOCAB, dtype=jnp.int32)
    return {
        'next_scores': next_scores,
        'log_probabilities': log_probabilities,
        'Y': Y,
        'beam_width': BW,
        'candidates': CAND,
    }

def reference(next_scores, log_probabilities, Y, beam_width, candidates):
    # One beam-search expansion step from Seq2Seq.beam_search (the top-k masking core).
    batch = log_probabilities.shape[0]
    zero = (jnp.asarray(beam_width) * 0 + jnp.asarray(candidates) * 0).astype(jnp.int32)
    # next_log_probabilities.log_softmax(-1).topk(k=beam_width)
    lp = jax.nn.log_softmax(next_scores, axis=-1)
    best_next_lp, next_chars = jax.lax.top_k(lp, BW)  # [B*cand, bw]
    best_next_lp = best_next_lp.reshape(batch, CAND * BW)
    next_chars = next_chars.reshape(-1, 1)
    # Y.repeat((1, beam_width)).reshape(-1, Y.shape[1]) == repeat each row bw times
    Y_exp = jnp.repeat(Y, BW, axis=0)
    Y_new = jnp.concatenate([Y_exp, next_chars.astype(Y.dtype)], axis=-1)  # [B*cand*bw, L+1]
    # log_probabilities.repeat(bw,1,1).permute(1,2,0).flatten(start_dim=1) == repeat each col bw times
    lp_acc = jnp.repeat(log_probabilities, BW, axis=1)  # [B, cand*bw]
    lp_acc = lp_acc + best_next_lp
    # log_probabilities.topk(k=candidates, axis=-1)
    new_log_probabilities, best_candidates = jax.lax.top_k(lp_acc, CAND)  # [B, cand]
    fix_indices = CAND * BW * jnp.repeat(jnp.arange(batch, dtype=jnp.int32), CAND)
    sel = fix_indices + best_candidates.reshape(-1) + zero
    Y_sel = jnp.take(Y_new, sel, axis=0)  # torch.index_select
    return Y_sel, new_log_probabilities

if __name__ == "__main__":
    import jax
    _d = setup_inputs()
    print(jax.jit(kernel)(*tuple(_d.values())))

</pallas_src>

<mosaic_0001>
#map = affine_map<(d0, d1) -> (0)>
module attributes {stable_mosaic.version = 14 : i64} {
  func.func @_beam_kernel(%arg0: i32, %arg1: i32, %arg2: memref<64000000xf32, #tpu.memory_space<hbm>>, %arg3: memref<640xf32, #tpu.memory_space<hbm>>, %arg4: memref<10240xi32, #tpu.memory_space<hbm>>, %arg5: memref<20480xi32, #tpu.memory_space<hbm>>, %arg6: memref<2048xf32, #tpu.memory_space<hbm>>, %arg7: memref<100000xf32, #tpu.memory_space<vmem>>, %arg8: memref<20x16xf32, #tpu.memory_space<vmem>>, %arg9: memref<20x16xi32, #tpu.memory_space<vmem>>, %arg10: memref<320xi32, #tpu.memory_space<vmem>>, %arg11: memref<640xf32, #tpu.memory_space<vmem>>, %arg12: memref<640xi32, #tpu.memory_space<vmem>>, %arg13: memref<64xf32, #tpu.memory_space<vmem>>) attributes {dimension_semantics = [#tpu.dimension_semantics<core_parallel>, #tpu.dimension_semantics<subcore_parallel>], iteration_bounds = array<i64: 2, 16>, scalar_prefetch = 0 : i64, scratch_operands = 7 : i64, tpu.core_type = #tpu.core_type<sc_vector_subcore>, window_params = [{transform_indices = #map}, {transform_indices = #map}, {transform_indices = #map}, {transform_indices = #map}, {transform_indices = #map}]} {
    %mul3A = arith.constant 2 : i32
    %mul3A_0 = arith.muli %arg1, %mul3A : i32
    %add3A = arith.addi %mul3A_0, %arg0 : i32
    %mul3A_1 = arith.constant 20 : i32
    %mul3A_2 = arith.muli %add3A, %mul3A_1 : i32
    "tpu.region"() ({
      %run_scoped3A = tpu.sem_alloc : memref<!tpu.dma_semaphore, #tpu.memory_space<semaphore_mem>>
      tpu.enqueue_dma source(%arg3 : memref<640xf32, #tpu.memory_space<hbm>>) target(%arg11 : memref<640xf32, #tpu.memory_space<vmem>>) target_semaphore(%run_scoped3A : memref<!tpu.dma_semaphore, #tpu.memory_space<semaphore_mem>>)
      tpu.wait_dma2 semaphore(%run_scoped3A : memref<!tpu.dma_semaphore, #tpu.memory_space<semaphore_mem>>) src(%arg3 : memref<640xf32, #tpu.memory_space<hbm>>) dst(%arg11 : memref<640xf32, #tpu.memory_space<vmem>>)
      tpu.yield
    }) : () -> ()
    %mul3A_3 = arith.constant 16 : i32
    %mul3A_4 = arith.muli %mul3A_2, %mul3A_3 : i32
    "tpu.region"() ({
      %run_scoped3A = tpu.sem_alloc : memref<!tpu.dma_semaphore, #tpu.memory_space<semaphore_mem>>
      %dma_start3A = tpu.memref_slice %arg4[%mul3A_4] : memref<10240xi32, #tpu.memory_space<hbm>> -> memref<320xi32, #tpu.memory_space<hbm>>
      %dma_start3A_2510 = tpu.memref_slice %arg4[%mul3A_4] : memref<10240xi32, #tpu.memory_space<hbm>> -> memref<320xi32, #tpu.memory_space<hbm>>
      tpu.enqueue_dma source(%dma_start3A_2510 : memref<320xi32, #tpu.memory_space<hbm>>) target(%arg10 : memref<320xi32, #tpu.memory_space<vmem>>) target_semaphore(%run_scoped3A : memref<!tpu.dma_semaphore, #tpu.memory_space<semaphore_mem>>)
      %dma_wait3A = tpu.memref_slice %arg4[%mul3A_4] : memref<10240xi32, #tpu.memory_space<hbm>> -> memref<320xi32, #tpu.memory_space<hbm>>
      %dma_wait3A_2511 = tpu.memref_slice %arg4[%mul3A_4] : memref<10240xi32, #tpu.memory_space<hbm>> -> memref<320xi32, #tpu.memory_space<hbm>>
      tpu.wait_dma2 semaphore(%run_scoped3A : memref<!tpu.dma_semaphore, #tpu.memory_space<semaphore_mem>>) src(%dma_wait3A_2511 : memref<320xi32, #tpu.memory_space<hbm>>) dst(%arg10 : memref<320xi32, #tpu.memory_space<vmem>>)
      tpu.yield
    }) : () -> ()
    %iota3A = tpu.iota {dimensions = array<i32: 0>} : vector<16xi32>
    %broadcast_in_dim3A = arith.constant -3.000000e+38 : f32
    %broadcast_in_dim3A_5 = vector.broadcast %broadcast_in_dim3A : f32 to vector<16xf32>
    %scan3A = arith.constant 0 : i32
    %scan3A_6 = arith.constant 0 : i32
    %scan3A_7 = arith.constant 20 : i32
    %scan3A_8 = arith.addi %scan3A_6, %scan3A_7 : i32
    %scan3A_9 = arith.constant 1 : i32
    %scan3A_10 = scf.for %scan3A_2510 = %scan3A_6 to %scan3A_8 step %scan3A_9 iter_args(%scan3A_2511 = %scan3A) -> (i32)  : i32 {
      %add3A_2512 = arith.addi %mul3A_2, %scan3A_2510 : i32
      %mul3A_2513 = arith.constant 100000 : i32
      %mul3A_2514 = arith.muli %add3A_2512, %mul3A_2513 : i32
      "tpu.region"() ({
        %run_scoped3A = tpu.sem_alloc : memref<!tpu.dma_semaphore, #tpu.memory_space<semaphore_mem>>
        %dma_start3A = tpu.memref_slice %arg2[%mul3A_2514] : memref<64000000xf32, #tpu.memory_space<hbm>> -> memref<100000xf32, #tpu.memory_space<hbm>>
        %dma_start3A_2777 = tpu.memref_slice %arg2[%mul3A_2514] : memref<64000000xf32, #tpu.memory_space<hbm>> -> memref<100000xf32, #tpu.memory_space<hbm>>
        tpu.enqueue_dma source(%dma_start3A_2777 : memref<100000xf32, #tpu.memory_space<hbm>>) target(%arg7 : memref<100000xf32, #tpu.memory_space<vmem>>) target_semaphore(%run_scoped3A : memref<!tpu.dma_semaphore, #tpu.memory_space<semaphore_mem>>)
        %dma_wait3A = tpu.memref_slice %arg2[%mul3A_2514] : memref<64000000xf32, #tpu.memory_space<hbm>> -> memref<100000xf32, #tpu.memory_space<hbm>>
        %dma_wait3A_2778 = tpu.memref_slice %arg2[%mul3A_2514] : memref<64000000xf32, #tpu.memory_space<hbm>> -> memref<100000xf32, #tpu.memory_space<hbm>>
        tpu.wait_dma2 semaphore(%run_scoped3A : memref<!tpu.dma_semaphore, #tpu.memory_space<semaphore_mem>>) src(%dma_wait3A_2778 : memref<100000xf32, #tpu.memory_space<hbm>>) dst(%arg7 : memref<100000xf32, #tpu.memory_space<vmem>>)
        tpu.yield
      }) : () -> ()
      %broadcast_in_dim3A_2515 = arith.constant 0 : i32
      %broadcast_in_dim3A_2516 = vector.broadcast %broadcast_in_dim3A_2515 : i32 to vector<16xi32>
      %scan3A_2517 = arith.constant 0 : i32
      %scan3A_2518 = arith.constant 1250 : i32
      %scan3A_2519 = arith.addi %scan3A_2517, %scan3A_2518 : i32
      %scan3A_2520 = arith.constant 1 : i32
      %scan3A_2521:4 = scf.for %scan3A_2777 = %scan3A_2517 to %scan3A_2519 step %scan3A_2520 iter_args(%scan3A_2778 = %broadcast_in_dim3A_5, %scan3A_2779 = %broadcast_in_dim3A_5, %scan3A_2780 = %broadcast_in_dim3A_2516, %scan3A_2781 = %broadcast_in_dim3A_5) -> (vector<16xf32>, vector<16xf32>, vector<16xi32>, vector<16xf32>)  : i32 {
        %mul3A_2782 = arith.constant 80 : i32
        %mul3A_2783 = arith.muli %scan3A_2777, %mul3A_2782 : i32
        %add3A_2784 = arith.constant 0 : i32
        %add3A_2785 = arith.addi %mul3A_2783, %add3A_2784 : i32
        %get3A = arith.index_cast %add3A_2785 : i32 to index
        %get3A_2786 = tpu.vector_load %arg7[%get3A] {strides = array<i32>} : memref<100000xf32, #tpu.memory_space<vmem>>, vector<16xf32>,
        %add3A_2787 = arith.constant 16 : i32
        %add3A_2788 = arith.addi %mul3A_2783, %add3A_2787 : i32
        %get3A_2789 = arith.index_cast %add3A_2788 : i32 to index
        %get3A_2790 = tpu.vector_load %arg7[%get3A_2789] {strides = array<i32>} : memref<100000xf32, #tpu.memory_space<vmem>>, vector<16xf32>,
        %add3A_2791 = arith.constant 32 : i32
        %add3A_2792 = arith.addi %mul3A_2783, %add3A_2791 : i32
        %get3A_2793 = arith.index_cast %add3A_2792 : i32 to index
        %get3A_2794 = tpu.vector_load %arg7[%get3A_2793] {strides = array<i32>} : memref<100000xf32, #tpu.memory_space<vmem>>, vector<16xf32>,
        %add3A_2795 = arith.constant 48 : i32
        %add3A_2796 = arith.addi %mul3A_2783, %add3A_2795 : i32
        %get3A_2797 = arith.index_cast %add3A_2796 : i32 to index
        %get3A_2798 = tpu.vector_load %arg7[%get3A_2797] {strides = array<i32>} : memref<100000xf32, #tpu.memory_space<vmem>>, vector<16xf32>,
        %add3A_2799 = arith.constant 64 : i32
        %add3A_2800 = arith.addi %mul3A_2783, %add3A_2799 : i32
        %get3A_2801 = arith.index_cast %add3A_2800 : i32 to index
        %get3A_2802 = tpu.vector_load %arg7[%get3A_2801] {strides = array<i32>} : memref<100000xf32, #tpu.memory_space<vmem>>, vector<16xf32>,
        %max3A_2803 = arith.maximumf %get3A_2786, %get3A_2790 : vector<16xf32>
        %max3A_2804 = arith.maximumf %max3A_2803, %get3A_2794 : vector<16xf32>
        %max3A_2805 = arith.maximumf %max3A_2804, %get3A_2798 : vector<16xf32>
        %max3A_2806 = arith.maximumf %max3A_2805, %get3A_2802 : vector<16xf32>
        %max3A_2807 = arith.maximumf %scan3A_2778, %max3A_2806 : vector<16xf32>
        %gt3A_2808 = arith.cmpf ogt, %max3A_2806, %scan3A_2781 : vector<16xf32>
        %reduce_or3A = arith.constant 1.000000e+00 : f32
        %reduce_or3A_2809 = arith.constant 0.000000e+00 : f32
        %reduce_or3A_2810 = vector.broadcast %reduce_or3A : f32 to vector<16xf32>
        %reduce_or3A_2811 = vector.broadcast %reduce_or3A_2809 : f32 to vector<16xf32>
        %reduce_or3A_2812 = arith.select %gt3A_2808, %reduce_or3A_2810, %reduce_or3A_2811 : vector<16xi1>, vector<16xf32>
        %reduce_or3A_2813 = arith.constant true
        %reduce_or3A_2814 = vector.broadcast %reduce_or3A_2813 : i1 to vector<16xi1>
        %reduce_or3A_2815 = tpu.scan <max>, %reduce_or3A_2812 masked %reduce_or3A_2814 : vector<16xf32>, vector<16xi1> -> vector<16xf32>
        %reduce_or3A_2816 = vector.extract %reduce_or3A_2815[15] : f32 from vector<16xf32>
        %reduce_or3A_2817 = arith.constant 0.000000e+00 : f32
        %reduce_or3A_2818 = arith.cmpf ogt, %reduce_or3A_2816, %reduce_or3A_2817 : f32
        %convert_element_type3A_2819 = arith.extui %reduce_or3A_2818 : i1 to i32
        %cond3A = arith.constant 0 : i32
        %cond3A_2820 = arith.cmpi ne, %convert_element_type3A_2819, %cond3A : i32
        %cond3A_2821:3 = scf.if %cond3A_2820 -> (vector<16xf32>, vector<16xi32>, vector<16xf32>) {
          %add3A_2822 = arith.constant 0 : i32
          %add3A_2823 = arith.addi %mul3A_2783, %add3A_2822 : i32
          %add3A_2824 = vector.broadcast %add3A_2823 : i32 to vector<16xi32>
          %add3A_2825 = arith.addi %add3A_2824, %iota3A : vector<16xi32>
          %masked_sort3A = arith.constant dense<true> : vector<16xi1>
          %masked_sort3A_2826, %masked_sort3A_2827, %masked_sort3A_2828 = tpu.sort %get3A_2786, %add3A_2825 masked %masked_sort3A {descending = true} : (vector<16xf32>, vector<16xi32>, vector<16xi1>) -> (vector<16xi1>, vector<16xf32>, vector<16xi32>)
          %rev3A = arith.constant 15 : i32
          %rev3A_2829 = vector.broadcast %rev3A : i32 to vector<16xi32>
          %rev3A_2830 = tpu.iota {dimensions = array<i32: 0>} : vector<16xi32>
          %rev3A_2831 = arith.subi %rev3A_2829, %rev3A_2830 : vector<16xi32>
          %rev3A_2832 = tpu.dynamic_gather %masked_sort3A_2827[%rev3A_2831] in [0] : vector<16xf32>, vector<16xi32> -> vector<16xf32>
          %rev3A_2833 = arith.constant 15 : i32
          %rev3A_2834 = vector.broadcast %rev3A_2833 : i32 to vector<16xi32>
          %rev3A_2835 = tpu.iota {dimensions = array<i32: 0>} : vector<16xi32>
          %rev3A_2836 = arith.subi %rev3A_2834, %rev3A_2835 : vector<16xi32>
          %rev3A_2837 = tpu.dynamic_gather %masked_sort3A_2828[%rev3A_2836] in [0] : vector<16xi32>, vector<16xi32> -> vector<16xi32>
          %gt3A_2838 = arith.cmpf ogt, %scan3A_2779, %rev3A_2832 : vector<16xf32>
          %eq3A_2839 = arith.cmpf oeq, %scan3A_2779, %rev3A_2832 : vector<16xf32>
          %le3A = arith.cmpi sle, %scan3A_2780, %rev3A_2837 : vector<16xi32>
          %and3A_2840 = arith.andi %eq3A_2839, %le3A : vector<16xi1>
          %or3A_2841 = arith.ori %gt3A_2838, %and3A_2840 : vector<16xi1>
          %select_n3A_2842 = arith.select %or3A_2841, %scan3A_2779, %rev3A_2832 : vector<16xi1>, vector<16xf32>
          %select_n3A_2843 = arith.select %or3A_2841, %scan3A_2780, %rev3A_2837 : vector<16xi1>, vector<16xi32>
          %masked_sort3A_2844 = arith.constant dense<true> : vector<16xi1>
          %masked_sort3A_2845, %masked_sort3A_2846, %masked_sort3A_2847 = tpu.sort %select_n3A_2842, %select_n3A_2843 masked %masked_sort3A_2844 {descending = true} : (vector<16xf32>, vector<16xi32>, vector<16xi1>) -> (vector<16xi1>, vector<16xf32>, vector<16xi32>)
          %add3A_2848 = arith.constant 16 : i32
          %add3A_2849 = arith.addi %mul3A_2783, %add3A_2848 : i32
          %add3A_2850 = vector.broadcast %add3A_2849 : i32 to vector<16xi32>
          %add3A_2851 = arith.addi %add3A_2850, %iota3A : vector<16xi32>
          %masked_sort3A_2852 = arith.constant dense<true> : vector<16xi1>
          %masked_sort3A_2853, %masked_sort3A_2854, %masked_sort3A_2855 = tpu.sort %get3A_2790, %add3A_2851 masked %masked_sort3A_2852 {descending = true} : (vector<16xf32>, vector<16xi32>, vector<16xi1>) -> (vector<16xi1>, vector<16xf32>, vector<16xi32>)
          %rev3A_2856 = arith.constant 15 : i32
          %rev3A_2857 = vector.broadcast %rev3A_2856 : i32 to vector<16xi32>
          %rev3A_2858 = tpu.iota {dimensions = array<i32: 0>} : vector<16xi32>
          %rev3A_2859 = arith.subi %rev3A_2857, %rev3A_2858 : vector<16xi32>
          %rev3A_2860 = tpu.dynamic_gather %masked_sort3A_2854[%rev3A_2859] in [0] : vector<16xf32>, vector<16xi32> -> vector<16xf32>
          %rev3A_2861 = arith.constant 15 : i32
          %rev3A_2862 = vector.broadcast %rev3A_2861 : i32 to vector<16xi32>
          %rev3A_2863 = tpu.iota {dimensions = array<i32: 0>} : vector<16xi32>
          %rev3A_2864 = arith.subi %rev3A_2862, %rev3A_2863 : vector<16xi32>
          %rev3A_2865 = tpu.dynamic_gather %masked_sort3A_2855[%rev3A_2864] in [0] : vector<16xi32>, vector<16xi32> -> vector<16xi32>
          %gt3A_2866 = arith.cmpf ogt, %masked_sort3A_2846, %rev3A_2860 : vector<16xf32>
          %eq3A_2867 = arith.cmpf oeq, %masked_sort3A_2846, %rev3A_2860 : vector<16xf32>
          %le3A_2868 = arith.cmpi sle, %masked_sort3A_2847, %rev3A_2865 : vector<16xi32>
          %and3A_2869 = arith.andi %eq3A_2867, %le3A_2868 : vector<16xi1>
          %or3A_2870 = arith.ori %gt3A_2866, %and3A_2869 : vector<16xi1>
          %select_n3A_2871 = arith.select %or3A_2870, %masked_sort3A_2846, %rev3A_2860 : vector<16xi1>, vector<16xf32>
          %select_n3A_2872 = arith.select %or3A_2870, %masked_sort3A_2847, %rev3A_2865 : vector<16xi1>, vector<16xi32>
          %masked_sort3A_2873 = arith.constant dense<true> : vector<16xi1>
          %masked_sort3A_2874, %masked_sort3A_2875, %masked_sort3A_2876 = tpu.sort %select_n3A_2871, %select_n3A_2872 masked %masked_sort3A_2873 {descending = true} : (vector<16xf32>, vector<16xi32>, vector<16xi1>) -> (vector<16xi1>, vector<16xf32>, vector<16xi32>)
          %add3A_2877 = arith.constant 32 : i32
          %add3A_2878 = arith.addi %mul3A_2783, %add3A_2877 : i32
          %add3A_2879 = vector.broadcast %add3A_2878 : i32 to vector<16xi32>
          %add3A_2880 = arith.addi %add3A_2879, %iota3A : vector<16xi32>
          %masked_sort3A_2881 = arith.constant dense<true> : vector<16xi1>
          %masked_sort3A_2882, %masked_sort3A_2883, %masked_sort3A_2884 = tpu.sort %get3A_2794, %add3A_2880 masked %masked_sort3A_2881 {descending = true} : (vector<16xf32>, vector<16xi32>, vector<16xi1>) -> (vector<16xi1>, vector<16xf32>, vector<16xi32>)
          %rev3A_2885 = arith.constant 15 : i32
          %rev3A_2886 = vector.broadcast %rev3A_2885 : i32 to vector<16xi32>
          %rev3A_2887 = tpu.iota {dimensions = array<i32: 0>} : vector<16xi32>
          %rev3A_2888 = arith.subi %rev3A_2886, %rev3A_2887 : vector<16xi32>
          %rev3A_2889 = tpu.dynamic_gather %masked_sort3A_2883[%rev3A_2888] in [0] : vector<16xf32>, vector<16xi32> -> vector<16xf32>
          %rev3A_2890 = arith.constant 15 : i32
          %rev3A_2891 = vector.broadcast %rev3A_2890 : i32 to vector<16xi32>
          %rev3A_2892 = tpu.iota {dimensions = array<i32: 0>} : vector<16xi32>
          %rev3A_2893 = arith.subi %rev3A_2891, %rev3A_2892 : vector<16xi32>
          %rev3A_2894 = tpu.dynamic_gather %masked_sort3A_2884[%rev3A_2893] in [0] : vector<16xi32>, vector<16xi32> -> vector<16xi32>
          %gt3A_2895 = arith.cmpf ogt, %masked_sort3A_2875, %rev3A_2889 : vector<16xf32>
          %eq3A_2896 = arith.cmpf oeq, %masked_sort3A_2875, %rev3A_2889 : vector<16xf32>
          %le3A_2897 = arith.cmpi sle, %masked_sort3A_2876, %rev3A_2894 : vector<16xi32>
          %and3A_2898 = arith.andi %eq3A_2896, %le3A_2897 : vector<16xi1>
          %or3A_2899 = arith.ori %gt3A_2895, %and3A_2898 : vector<16xi1>
          %select_n3A_2900 = arith.select %or3A_2899, %masked_sort3A_2875, %rev3A_2889 : vector<16xi1>, vector<16xf32>
          %select_n3A_2901 = arith.select %or3A_2899, %masked_sort3A_2876, %rev3A_2894 : vector<16xi1>, vector<16xi32>
          %masked_sort3A_2902 = arith.constant dense<true> : vector<16xi1>
          %masked_sort3A_2903, %masked_sort3A_2904, %masked_sort3A_2905 = tpu.sort %select_n3A_2900, %select_n3A_2901 masked %masked_sort3A_2902 {descending = true} : (vector<16xf32>, vector<16xi32>, vector<16xi1>) -> (vector<16xi1>, vector<16xf32>, vector<16xi32>)
          %add3A_2906 = arith.constant 48 : i32
          %add3A_2907 = arith.addi %mul3A_2783, %add3A_2906 : i32
          %add3A_2908 = vector.broadcast %add3A_2907 : i32 to vector<16xi32>
          %add3A_2909 = arith.addi %add3A_2908, %iota3A : vector<16xi32>
          %masked_sort3A_2910 = arith.constant dense<true> : vector<16xi1>
          %masked_sort3A_2911, %masked_sort3A_2912, %masked_sort3A_2913 = tpu.sort %get3A_2798, %add3A_2909 masked %masked_sort3A_2910 {descending = true} : (vector<16xf32>, vector<16xi32>, vector<16xi1>) -> (vector<16xi1>, vector<16xf32>, vector<16xi32>)
          %rev3A_2914 = arith.constant 15 : i32
          %rev3A_2915 = vector.broadcast %rev3A_2914 : i32 to vector<16xi32>
          %rev3A_2916 = tpu.iota {dimensions = array<i32: 0>} : vector<16xi32>
          %rev3A_2917 = arith.subi %rev3A_2915, %rev3A_2916 : vector<16xi32>
          %rev3A_2918 = tpu.dynamic_gather %masked_sort3A_2912[%rev3A_2917] in [0] : vector<16xf32>, vector<16xi32> -> vector<16xf32>
          %rev3A_2919 = arith.constant 15 : i32
          %rev3A_2920 = vector.broadcast %rev3A_2919 : i32 to vector<16xi32>
          %rev3A_2921 = tpu.iota {dimensions = array<i32: 0>} : vector<16xi32>
          %rev3A_2922 = arith.subi %rev3A_2920, %rev3A_2921 : vector<16xi32>
          %rev3A_2923 = tpu.dynamic_gather %masked_sort3A_2913[%rev3A_2922] in [0] : vector<16xi32>, vector<16xi32> -> vector<16xi32>
          %gt3A_2924 = arith.cmpf ogt, %masked_sort3A_2904, %rev3A_2918 : vector<16xf32>
          %eq3A_2925 = arith.cmpf oeq, %masked_sort3A_2904, %rev3A_2918 : vector<16xf32>
          %le3A_2926 = arith.cmpi sle, %masked_sort3A_2905, %rev3A_2923 : vector<16xi32>
          %and3A_2927 = arith.andi %eq3A_2925, %le3A_2926 : vector<16xi1>
          %or3A_2928 = arith.ori %gt3A_2924, %and3A_2927 : vector<16xi1>
          %select_n3A_2929 = arith.select %or3A_2928, %masked_sort3A_2904, %rev3A_2918 : vector<16xi1>, vector<16xf32>
          %select_n3A_2930 = arith.select %or3A_2928, %masked_sort3A_2905, %rev3A_2923 : vector<16xi1>, vector<16xi32>
          %masked_sort3A_2931 = arith.constant dense<true> : vector<16xi1>
          %masked_sort3A_2932, %masked_sort3A_2933, %masked_sort3A_2934 = tpu.sort %select_n3A_2929, %select_n3A_2930 masked %masked_sort3A_2931 {descending = true} : (vector<16xf32>, vector<16xi32>, vector<16xi1>) -> (vector<16xi1>, vector<16xf32>, vector<16xi32>)
          %add3A_2935 = arith.constant 64 : i32
          %add3A_2936 = arith.addi %mul3A_2783, %add3A_2935 : i32
          %add3A_2937 = vector.broadcast %add3A_2936 : i32 to vector<16xi32>
          %add3A_2938 = arith.addi %add3A_2937, %iota3A : vector<16xi32>
          %masked_sort3A_2939 = arith.constant dense<true> : vector<16xi1>
          %masked_sort3A_2940, %masked_sort3A_2941, %masked_sort3A_2942 = tpu.sort %get3A_2802, %add3A_2938 masked %masked_sort3A_2939 {descending = true} : (vector<16xf32>, vector<16xi32>, vector<16xi1>) -> (vector<16xi1>, vector<16xf32>, vector<16xi32>)
          %rev3A_2943 = arith.constant 15 : i32
          %rev3A_2944 = vector.broadcast %rev3A_2943 : i32 to vector<16xi32>
          %rev3A_2945 = tpu.iota {dimensions = array<i32: 0>} : vector<16xi32>
          %rev3A_2946 = arith.subi %rev3A_2944, %rev3A_2945 : vector<16xi32>
          %rev3A_2947 = tpu.dynamic_gather %masked_sort3A_2941[%rev3A_2946] in [0] : vector<16xf32>, vector<16xi32> -> vector<16xf32>
          %rev3A_2948 = arith.constant 15 : i32
          %rev3A_2949 = vector.broadcast %rev3A_2948 : i32 to vector<16xi32>
          %rev3A_2950 = tpu.iota {dimensions = array<i32: 0>} : vector<16xi32>
          %rev3A_2951 = arith.subi %rev3A_2949, %rev3A_2950 : vector<16xi32>
          %rev3A_2952 = tpu.dynamic_gather %masked_sort3A_2942[%rev3A_2951] in [0] : vector<16xi32>, vector<16xi32> -> vector<16xi32>
          %gt3A_2953 = arith.cmpf ogt, %masked_sort3A_2933, %rev3A_2947 : vector<16xf32>
          %eq3A_2954 = arith.cmpf oeq, %masked_sort3A_2933, %rev3A_2947 : vector<16xf32>
          %le3A_2955 = arith.cmpi sle, %masked_sort3A_2934, %rev3A_2952 : vector<16xi32>
          %and3A_2956 = arith.andi %eq3A_2954, %le3A_2955 : vector<16xi1>
          %or3A_2957 = arith.ori %gt3A_2953, %and3A_2956 : vector<16xi1>
          %select_n3A_2958 = arith.select %or3A_2957, %masked_sort3A_2933, %rev3A_2947 : vector<16xi1>, vector<16xf32>
          %select_n3A_2959 = arith.select %or3A_2957, %masked_sort3A_2934, %rev3A_2952 : vector<16xi1>, vector<16xi32>
          %masked_sort3A_2960 = arith.constant dense<true> : vector<16xi1>
          %masked_sort3A_2961, %masked_sort3A_2962, %masked_sort3A_2963 = tpu.sort %select_n3A_2958, %select_n3A_2959 masked %masked_sort3A_2960 {descending = true} : (vector<16xf32>, vector<16xi32>, vector<16xi1>) -> (vector<16xi1>, vector<16xf32>, vector<16xi32>)
          %reduce_min3A_2964 = arith.constant true
          %reduce_min3A_2965 = vector.broadcast %reduce_min3A_2964 : i1 to vector<16xi1>
          %reduce_min3A_2966 = tpu.scan <min>, %masked_sort3A_2962 masked %reduce_min3A_2965 : vector<16xf32>, vector<16xi1> -> vector<16xf32>
          %reduce_min3A_2967 = vector.extract %reduce_min3A_2966[15] : f32 from vector<16xf32>
          %broadcast_in_dim3A_2968 = vector.broadcast %reduce_min3A_2967 : f32 to vector<16xf32>
          scf.yield %masked_sort3A_2962, %masked_sort3A_2963, %broadcast_in_dim3A_2968 : vector<16xf32>, vector<16xi32>, vector<16xf32>
        } else {
          scf.yield %scan3A_2779, %scan3A_2780, %scan3A_2781 : vector<16xf32>, vector<16xi32>, vector<16xf32>
        }
        scf.yield %max3A_2807, %cond3A_2821#0, %cond3A_2821#1, %cond3A_2821#2 : vector<16xf32>, vector<16xf32>, vector<16xi32>, vector<16xf32>
      }
      %scan3A_2522 = arith.constant 1250 : i32
      %reduce_max3A_2523 = arith.constant true
      %reduce_max3A_2524 = vector.broadcast %reduce_max3A_2523 : i1 to vector<16xi1>
      %reduce_max3A_2525 = tpu.scan <max>, %scan3A_2521#0 masked %reduce_max3A_2524 : vector<16xf32>, vector<16xi1> -> vector<16xf32>
      %reduce_max3A_2526 = vector.extract %reduce_max3A_2525[15] : f32 from vector<16xf32>
      %broadcast_in_dim3A_2527 = vector.broadcast %reduce_max3A_2526 : f32 to vector<16xf32>
      %broadcast_in_dim3A_2528 = arith.constant 0.000000e+00 : f32
      %broadcast_in_dim3A_2529 = vector.broadcast %broadcast_in_dim3A_2528 : f32 to vector<16xf32>
      %scan3A_2530 = arith.constant 0 : i32
      %scan3A_2531 = arith.constant 1250 : i32
      %scan3A_2532 = arith.addi %scan3A_2530, %scan3A_2531 : i32
      %scan3A_2533 = arith.constant 1 : i32
      %scan3A_2534 = scf.for %scan3A_2777 = %scan3A_2530 to %scan3A_2532 step %scan3A_2533 iter_args(%scan3A_2778 = %broadcast_in_dim3A_2529) -> (vector<16xf32>)  : i32 {
        %mul3A_2779 = arith.constant 80 : i32
        %mul3A_2780 = arith.muli %scan3A_2777, %mul3A_2779 : i32
        %add3A_2781 = arith.constant 0 : i32
        %add3A_2782 = arith.addi %mul3A_2780, %add3A_2781 : i32
        %get3A = arith.index_cast %add3A_2782 : i32 to index
        %get3A_2783 = tpu.vector_load %arg7[%get3A] {strides = array<i32>} : memref<100000xf32, #tpu.memory_space<vmem>>, vector<16xf32>,
        %sub3A_2784 = arith.subf %get3A_2783, %broadcast_in_dim3A_2527 : vector<16xf32>
        %exp3A = math.exp %sub3A_2784 : vector<16xf32>
        %add3A_2785 = arith.addf %scan3A_2778, %exp3A : vector<16xf32>
        %add3A_2786 = arith.constant 16 : i32
        %add3A_2787 = arith.addi %mul3A_2780, %add3A_2786 : i32
        %get3A_2788 = arith.index_cast %add3A_2787 : i32 to index
        %get3A_2789 = tpu.vector_load %arg7[%get3A_2788] {strides = array<i32>} : memref<100000xf32, #tpu.memory_space<vmem>>, vector<16xf32>,
        %sub3A_2790 = arith.subf %get3A_2789, %broadcast_in_dim3A_2527 : vector<16xf32>
        %exp3A_2791 = math.exp %sub3A_2790 : vector<16xf32>
        %add3A_2792 = arith.addf %add3A_2785, %exp3A_2791 : vector<16xf32>
        %add3A_2793 = arith.constant 32 : i32
        %add3A_2794 = arith.addi %mul3A_2780, %add3A_2793 : i32
        %get3A_2795 = arith.index_cast %add3A_2794 : i32 to index
        %get3A_2796 = tpu.vector_load %arg7[%get3A_2795] {strides = array<i32>} : memref<100000xf32, #tpu.memory_space<vmem>>, vector<16xf32>,
        %sub3A_2797 = arith.subf %get3A_2796, %broadcast_in_dim3A_2527 : vector<16xf32>
        %exp3A_2798 = math.exp %sub3A_2797 : vector<16xf32>
        %add3A_2799 = arith.addf %add3A_2792, %exp3A_2798 : vector<16xf32>
        %add3A_2800 = arith.constant 48 : i32
        %add3A_2801 = arith.addi %mul3A_2780, %add3A_2800 : i32
        %get3A_2802 = arith.index_cast %add3A_2801 : i32 to index
        %get3A_2803 = tpu.vector_load %arg7[%get3A_2802] {strides = array<i32>} : memref<100000xf32, #tpu.memory_space<vmem>>, vector<16xf32>,
        %sub3A_2804 = arith.subf %get3A_2803, %broadcast_in_dim3A_2527 : vector<16xf32>
        %exp3A_2805 = math.exp %sub3A_2804 : vector<16xf32>
        %add3A_2806 = arith.addf %add3A_2799, %exp3A_2805 : vector<16xf32>
        %add3A_2807 = arith.constant 64 : i32
        %add3A_2808 = arith.addi %mul3A_2780, %add3A_2807 : i32
        %get3A_2809 = arith.index_cast %add3A_2808 : i32 to index
        %get3A_2810 = tpu.vector_load %arg7[%get3A_2809] {strides = array<i32>} : memref<100000xf32, #tpu.memory_space<vmem>>, vector<16xf32>,
        %sub3A_2811 = arith.subf %get3A_2810, %broadcast_in_dim3A_2527 : vector<16xf32>
        %exp3A_2812 = math.exp %sub3A_2811 : vector<16xf32>
        %add3A_2813 = arith.addf %add3A_2806, %exp3A_2812 : vector<16xf32>
        scf.yield %add3A_2813 : vector<16xf32>
      }
      %scan3A_2535 = arith.constant 1250 : i32
      %reduce_sum3A = arith.constant true
      %reduce_sum3A_2536 = vector.broadcast %reduce_sum3A : i1 to vector<16xi1>
      %reduce_sum3A_2537 = tpu.scan <sum>, %scan3A_2534 masked %reduce_sum3A_2536 : vector<16xf32>, vector<16xi1> -> vector<16xf32>
      %reduce_sum3A_2538 = vector.extract %reduce_sum3A_2537[15] : f32 from vector<16xf32>
      %broadcast_in_dim3A_2539 = vector.broadcast %reduce_sum3A_2538 : f32 to vector<16xf32>
      %bitcast3A = vector.bitcast %broadcast_in_dim3A_2539 : vector<16xf32> to vector<16xi32>
      %shift_right_arithmetic3A = arith.constant 23 : i32
      %shift_right_arithmetic3A_2540 = vector.broadcast %shift_right_arithmetic3A : i32 to vector<16xi32>
      %shift_right_arithmetic3A_2541 = arith.shrsi %bitcast3A, %shift_right_arithmetic3A_2540 : vector<16xi32>
      %and3A_2542 = arith.constant 255 : i32
      %and3A_2543 = vector.broadcast %and3A_2542 : i32 to vector<16xi32>
      %and3A_2544 = arith.andi %shift_right_arithmetic3A_2541, %and3A_2543 : vector<16xi32>
      %sub3A_2545 = arith.constant 127 : i32
      %sub3A_2546 = vector.broadcast %sub3A_2545 : i32 to vector<16xi32>
      %sub3A_2547 = arith.subi %and3A_2544, %sub3A_2546 : vector<16xi32>
      %and3A_2548 = arith.constant 8388607 : i32
      %and3A_2549 = vector.broadcast %and3A_2548 : i32 to vector<16xi32>
      %and3A_2550 = arith.andi %bitcast3A, %and3A_2549 : vector<16xi32>
      %or3A = arith.constant 1065353216 : i32
      %or3A_2551 = vector.broadcast %or3A : i32 to vector<16xi32>
      %or3A_2552 = arith.ori %and3A_2550, %or3A_2551 : vector<16xi32>
      %bitcast3A_2553 = vector.bitcast %or3A_2552 : vector<16xi32> to vector<16xf32>
      %gt3A = arith.constant 1.41421354 : f32
      %gt3A_2554 = vector.broadcast %gt3A : f32 to vector<16xf32>
      %gt3A_2555 = arith.cmpf ogt, %bitcast3A_2553, %gt3A_2554 : vector<16xf32>
      %mul3A_2556 = arith.constant 5.000000e-01 : f32
      %mul3A_2557 = vector.broadcast %mul3A_2556 : f32 to vector<16xf32>
      %mul3A_2558 = arith.mulf %bitcast3A_2553, %mul3A_2557 : vector<16xf32>
      %select_n3A_2559 = arith.select %gt3A_2555, %mul3A_2558, %bitcast3A_2553 : vector<16xi1>, vector<16xf32>
      %add3A_2560 = arith.constant 1 : i32
      %add3A_2561 = vector.broadcast %add3A_2560 : i32 to vector<16xi32>
      %add3A_2562 = arith.addi %sub3A_2547, %add3A_2561 : vector<16xi32>
      %select_n3A_2563 = arith.select %gt3A_2555, %add3A_2562, %sub3A_2547 : vector<16xi1>, vector<16xi32>
      %sub3A_2564 = arith.constant 1.000000e+00 : f32
      %sub3A_2565 = vector.broadcast %sub3A_2564 : f32 to vector<16xf32>
      %sub3A_2566 = arith.subf %select_n3A_2559, %sub3A_2565 : vector<16xf32>
      %add3A_2567 = arith.constant 1.000000e+00 : f32
      %add3A_2568 = vector.broadcast %add3A_2567 : f32 to vector<16xf32>
      %add3A_2569 = arith.addf %select_n3A_2559, %add3A_2568 : vector<16xf32>
      %div3A_2570 = arith.divf %sub3A_2566, %add3A_2569 : vector<16xf32>
      %mul3A_2571 = arith.mulf %div3A_2570, %div3A_2570 : vector<16xf32>
      %mul3A_2572 = arith.constant 0.285714298 : f32
      %mul3A_2573 = vector.broadcast %mul3A_2572 : f32 to vector<16xf32>
      %mul3A_2574 = arith.mulf %mul3A_2571, %mul3A_2573 : vector<16xf32>
      %add3A_2575 = arith.constant 4.000000e-01 : f32
      %add3A_2576 = vector.broadcast %add3A_2575 : f32 to vector<16xf32>
      %add3A_2577 = arith.addf %add3A_2576, %mul3A_2574 : vector<16xf32>
      %mul3A_2578 = arith.mulf %mul3A_2571, %add3A_2577 : vector<16xf32>
      %add3A_2579 = arith.constant 0.666666686 : f32
      %add3A_2580 = vector.broadcast %add3A_2579 : f32 to vector<16xf32>
      %add3A_2581 = arith.addf %add3A_2580, %mul3A_2578 : vector<16xf32>
      %mul3A_2582 = arith.mulf %mul3A_2571, %add3A_2581 : vector<16xf32>
      %add3A_2583 = arith.constant 2.000000e+00 : f32
      %add3A_2584 = vector.broadcast %add3A_2583 : f32 to vector<16xf32>
      %add3A_2585 = arith.addf %add3A_2584, %mul3A_2582 : vector<16xf32>
      %mul3A_2586 = arith.mulf %div3A_2570, %add3A_2585 : vector<16xf32>
      %convert_element_type3A = arith.sitofp %select_n3A_2563 : vector<16xi32> to vector<16xf32>
      %mul3A_2587 = arith.constant 0.693147182 : f32
      %mul3A_2588 = vector.broadcast %mul3A_2587 : f32 to vector<16xf32>
      %mul3A_2589 = arith.mulf %convert_element_type3A, %mul3A_2588 : vector<16xf32>
      %add3A_2590 = arith.addf %mul3A_2589, %mul3A_2586 : vector<16xf32>
      %add3A_2591 = arith.addf %broadcast_in_dim3A_2527, %add3A_2590 : vector<16xf32>
      %broadcast_in_dim3A_2592 = arith.constant 0 : i32
      %broadcast_in_dim3A_2593 = vector.broadcast %broadcast_in_dim3A_2592 : i32 to vector<16xi32>
      %reduce_max3A_2594 = arith.constant true
      %reduce_max3A_2595 = vector.broadcast %reduce_max3A_2594 : i1 to vector<16xi1>
      %reduce_max3A_2596 = tpu.scan <max>, %scan3A_2521#1 masked %reduce_max3A_2595 : vector<16xf32>, vector<16xi1> -> vector<16xf32>
      %reduce_max3A_2597 = vector.extract %reduce_max3A_2596[15] : f32 from vector<16xf32>
      %eq3A_2598 = vector.broadcast %reduce_max3A_2597 : f32 to vector<16xf32>
      %eq3A_2599 = arith.cmpf oeq, %scan3A_2521#1, %eq3A_2598 : vector<16xf32>
      %jit3A_2600 = arith.constant 1073741824 : i32
      %broadcast_in_dim3A_2601 = vector.broadcast %jit3A_2600 : i32 to vector<16xi32>
      %select_n3A_2602 = arith.select %eq3A_2599, %scan3A_2521#2, %broadcast_in_dim3A_2601 : vector<16xi1>, vector<16xi32>
      %reduce_min3A_2603 = arith.constant true
      %reduce_min3A_2604 = vector.broadcast %reduce_min3A_2603 : i1 to vector<16xi1>
      %reduce_min3A_2605 = arith.constant -2147483648 : i32
      %reduce_min3A_2606 = vector.broadcast %reduce_min3A_2605 : i32 to vector<16xi32>
      %reduce_min3A_2607 = arith.xori %select_n3A_2602, %reduce_min3A_2606 : vector<16xi32>
      %reduce_min3A_2608 = tpu.scan <min>, %reduce_min3A_2607 masked %reduce_min3A_2604 : vector<16xi32>, vector<16xi1> -> vector<16xi32>
      %reduce_min3A_2609 = arith.xori %reduce_min3A_2608, %reduce_min3A_2606 : vector<16xi32>
      %reduce_min3A_2610 = vector.extract %reduce_min3A_2609[15] : i32 from vector<16xi32>
      %eq3A_2611 = vector.broadcast %reduce_max3A_2597 : f32 to vector<16xf32>
      %eq3A_2612 = arith.cmpf oeq, %scan3A_2521#1, %eq3A_2611 : vector<16xf32>
      %eq3A_2613 = vector.broadcast %reduce_min3A_2610 : i32 to vector<16xi32>
      %eq3A_2614 = arith.cmpi eq, %scan3A_2521#2, %eq3A_2613 : vector<16xi32>
      %and3A_2615 = arith.andi %eq3A_2612, %eq3A_2614 : vector<16xi1>
      %jit3A_2616 = arith.constant -3.000000e+38 : f32
      %broadcast_in_dim3A_2617 = vector.broadcast %jit3A_2616 : f32 to vector<16xf32>
      %select_n3A_2618 = arith.select %and3A_2615, %broadcast_in_dim3A_2617, %scan3A_2521#1 : vector<16xi1>, vector<16xf32>
      %eq3A_2619 = arith.constant 0 : i32
      %eq3A_2620 = vector.broadcast %eq3A_2619 : i32 to vector<16xi32>
      %eq3A_2621 = arith.cmpi eq, %iota3A, %eq3A_2620 : vector<16xi32>
      %broadcast_in_dim3A_2622 = vector.broadcast %reduce_max3A_2597 : f32 to vector<16xf32>
      %select_n3A_2623 = arith.select %eq3A_2621, %broadcast_in_dim3A_2622, %broadcast_in_dim3A_5 : vector<16xi1>, vector<16xf32>
      %eq3A_2624 = arith.constant 0 : i32
      %eq3A_2625 = vector.broadcast %eq3A_2624 : i32 to vector<16xi32>
      %eq3A_2626 = arith.cmpi eq, %iota3A, %eq3A_2625 : vector<16xi32>
      %broadcast_in_dim3A_2627 = vector.broadcast %reduce_min3A_2610 : i32 to vector<16xi32>
      %select_n3A_2628 = arith.select %eq3A_2626, %broadcast_in_dim3A_2627, %broadcast_in_dim3A_2593 : vector<16xi1>, vector<16xi32>
      %reduce_max3A_2629 = arith.constant true
      %reduce_max3A_2630 = vector.broadcast %reduce_max3A_2629 : i1 to vector<16xi1>
      %reduce_max3A_2631 = tpu.scan <max>, %select_n3A_2618 masked %reduce_max3A_2630 : vector<16xf32>, vector<16xi1> -> vector<16xf32>
      %reduce_max3A_2632 = vector.extract %reduce_max3A_2631[15] : f32 from vector<16xf32>
      %eq3A_2633 = vector.broadcast %reduce_max3A_2632 : f32 to vector<16xf32>
      %eq3A_2634 = arith.cmpf oeq, %select_n3A_2618, %eq3A_2633 : vector<16xf32>
      %jit3A_2635 = arith.constant 1073741824 : i32
      %broadcast_in_dim3A_2636 = vector.broadcast %jit3A_2635 : i32 to vector<16xi32>
      %select_n3A_2637 = arith.select %eq3A_2634, %scan3A_2521#2, %broadcast_in_dim3A_2636 : vector<16xi1>, vector<16xi32>
      %reduce_min3A_2638 = arith.constant true
      %reduce_min3A_2639 = vector.broadcast %reduce_min3A_2638 : i1 to vector<16xi1>
      %reduce_min3A_2640 = arith.constant -2147483648 : i32
      %reduce_min3A_2641 = vector.broadcast %reduce_min3A_2640 : i32 to vector<16xi32>
      %reduce_min3A_2642 = arith.xori %select_n3A_2637, %reduce_min3A_2641 : vector<16xi32>
      %reduce_min3A_2643 = tpu.scan <min>, %reduce_min3A_2642 masked %reduce_min3A_2639 : vector<16xi32>, vector<16xi1> -> vector<16xi32>
      %reduce_min3A_2644 = arith.xori %reduce_min3A_2643, %reduce_min3A_2641 : vector<16xi32>
      %reduce_min3A_2645 = vector.extract %reduce_min3A_2644[15] : i32 from vector<16xi32>
      %eq3A_2646 = vector.broadcast %reduce_max3A_2632 : f32 to vector<16xf32>
      %eq3A_2647 = arith.cmpf oeq, %select_n3A_2618, %eq3A_2646 : vector<16xf32>
      %eq3A_2648 = vector.broadcast %reduce_min3A_2645 : i32 to vector<16xi32>
      %eq3A_2649 = arith.cmpi eq, %scan3A_2521#2, %eq3A_2648 : vector<16xi32>
      %and3A_2650 = arith.andi %eq3A_2647, %eq3A_2649 : vector<16xi1>
      %jit3A_2651 = arith.constant -3.000000e+38 : f32
      %broadcast_in_dim3A_2652 = vector.broadcast %jit3A_2651 : f32 to vector<16xf32>
      %select_n3A_2653 = arith.select %and3A_2650, %broadcast_in_dim3A_2652, %select_n3A_2618 : vector<16xi1>, vector<16xf32>
      %eq3A_2654 = arith.constant 1 : i32
      %eq3A_2655 = vector.broadcast %eq3A_2654 : i32 to vector<16xi32>
      %eq3A_2656 = arith.cmpi eq, %iota3A, %eq3A_2655 : vector<16xi32>
      %broadcast_in_dim3A_2657 = vector.broadcast %reduce_max3A_2632 : f32 to vector<16xf32>
      %select_n3A_2658 = arith.select %eq3A_2656, %broadcast_in_dim3A_2657, %select_n3A_2623 : vector<16xi1>, vector<16xf32>
      %eq3A_2659 = arith.constant 1 : i32
      %eq3A_2660 = vector.broadcast %eq3A_2659 : i32 to vector<16xi32>
      %eq3A_2661 = arith.cmpi eq, %iota3A, %eq3A_2660 : vector<16xi32>
      %broadcast_in_dim3A_2662 = vector.broadcast %reduce_min3A_2645 : i32 to vector<16xi32>
      %select_n3A_2663 = arith.select %eq3A_2661, %broadcast_in_dim3A_2662, %select_n3A_2628 : vector<16xi1>, vector<16xi32>
      %reduce_max3A_2664 = arith.constant true
      %reduce_max3A_2665 = vector.broadcast %reduce_max3A_2664 : i1 to vector<16xi1>
      %reduce_max3A_2666 = tpu.scan <max>, %select_n3A_2653 masked %reduce_max3A_2665 : vector<16xf32>, vector<16xi1> -> vector<16xf32>
      %reduce_max3A_2667 = vector.extract %reduce_max3A_2666[15] : f32 from vector<16xf32>
      %eq3A_2668 = vector.broadcast %reduce_max3A_2667 : f32 to vector<16xf32>
      %eq3A_2669 = arith.cmpf oeq, %select_n3A_2653, %eq3A_2668 : vector<16xf32>
      %jit3A_2670 = arith.constant 1073741824 : i32
      %broadcast_in_dim3A_2671 = vector.broadcast %jit3A_2670 : i32 to vector<16xi32>
      %select_n3A_2672 = arith.select %eq3A_2669, %scan3A_2521#2, %broadcast_in_dim3A_2671 : vector<16xi1>, vector<16xi32>
      %reduce_min3A_2673 = arith.constant true
      %reduce_min3A_2674 = vector.broadcast %reduce_min3A_2673 : i1 to vector<16xi1>
      %reduce_min3A_2675 = arith.constant -2147483648 : i32
      %reduce_min3A_2676 = vector.broadcast %reduce_min3A_2675 : i32 to vector<16xi32>
      %reduce_min3A_2677 = arith.xori %select_n3A_2672, %reduce_min3A_2676 : vector<16xi32>
      %reduce_min3A_2678 = tpu.scan <min>, %reduce_min3A_2677 masked %reduce_min3A_2674 : vector<16xi32>, vector<16xi1> -> vector<16xi32>
      %reduce_min3A_2679 = arith.xori %reduce_min3A_2678, %reduce_min3A_2676 : vector<16xi32>
      %reduce_min3A_2680 = vector.extract %reduce_min3A_2679[15] : i32 from vector<16xi32>
      %eq3A_2681 = vector.broadcast %reduce_max3A_2667 : f32 to vector<16xf32>
      %eq3A_2682 = arith.cmpf oeq, %select_n3A_2653, %eq3A_2681 : vector<16xf32>
      %eq3A_2683 = vector.broadcast %reduce_min3A_2680 : i32 to vector<16xi32>
      %eq3A_2684 = arith.cmpi eq, %scan3A_2521#2, %eq3A_2683 : vector<16xi32>
      %and3A_2685 = arith.andi %eq3A_2682, %eq3A_2684 : vector<16xi1>
      %jit3A_2686 = arith.constant -3.000000e+38 : f32
      %broadcast_in_dim3A_2687 = vector.broadcast %jit3A_2686 : f32 to vector<16xf32>
      %select_n3A_2688 = arith.select %and3A_2685, %broadcast_in_dim3A_2687, %select_n3A_2653 : vector<16xi1>, vector<16xf32>
      %eq3A_2689 = arith.constant 2 : i32
      %eq3A_2690 = vector.broadcast %eq3A_2689 : i32 to vector<16xi32>
      %eq3A_2691 = arith.cmpi eq, %iota3A, %eq3A_2690 : vector<16xi32>
      %broadcast_in_dim3A_2692 = vector.broadcast %reduce_max3A_2667 : f32 to vector<16xf32>
      %select_n3A_2693 = arith.select %eq3A_2691, %broadcast_in_dim3A_2692, %select_n3A_2658 : vector<16xi1>, vector<16xf32>
      %eq3A_2694 = arith.constant 2 : i32
      %eq3A_2695 = vector.broadcast %eq3A_2694 : i32 to vector<16xi32>
      %eq3A_2696 = arith.cmpi eq, %iota3A, %eq3A_2695 : vector<16xi32>
      %broadcast_in_dim3A_2697 = vector.broadcast %reduce_min3A_2680 : i32 to vector<16xi32>
      %select_n3A_2698 = arith.select %eq3A_2696, %broadcast_in_dim3A_2697, %select_n3A_2663 : vector<16xi1>, vector<16xi32>
      %reduce_max3A_2699 = arith.constant true
      %reduce_max3A_2700 = vector.broadcast %reduce_max3A_2699 : i1 to vector<16xi1>
      %reduce_max3A_2701 = tpu.scan <max>, %select_n3A_2688 masked %reduce_max3A_2700 : vector<16xf32>, vector<16xi1> -> vector<16xf32>
      %reduce_max3A_2702 = vector.extract %reduce_max3A_2701[15] : f32 from vector<16xf32>
      %eq3A_2703 = vector.broadcast %reduce_max3A_2702 : f32 to vector<16xf32>
      %eq3A_2704 = arith.cmpf oeq, %select_n3A_2688, %eq3A_2703 : vector<16xf32>
      %jit3A_2705 = arith.constant 1073741824 : i32
      %broadcast_in_dim3A_2706 = vector.broadcast %jit3A_2705 : i32 to vector<16xi32>
      %select_n3A_2707 = arith.select %eq3A_2704, %scan3A_2521#2, %broadcast_in_dim3A_2706 : vector<16xi1>, vector<16xi32>
      %reduce_min3A_2708 = arith.constant true
      %reduce_min3A_2709 = vector.broadcast %reduce_min3A_2708 : i1 to vector<16xi1>
      %reduce_min3A_2710 = arith.constant -2147483648 : i32
      %reduce_min3A_2711 = vector.broadcast %reduce_min3A_2710 : i32 to vector<16xi32>
      %reduce_min3A_2712 = arith.xori %select_n3A_2707, %reduce_min3A_2711 : vector<16xi32>
      %reduce_min3A_2713 = tpu.scan <min>, %reduce_min3A_2712 masked %reduce_min3A_2709 : vector<16xi32>, vector<16xi1> -> vector<16xi32>
      %reduce_min3A_2714 = arith.xori %reduce_min3A_2713, %reduce_min3A_2711 : vector<16xi32>
      %reduce_min3A_2715 = vector.extract %reduce_min3A_2714[15] : i32 from vector<16xi32>
      %eq3A_2716 = vector.broadcast %reduce_max3A_2702 : f32 to vector<16xf32>
      %eq3A_2717 = arith.cmpf oeq, %select_n3A_2688, %eq3A_2716 : vector<16xf32>
      %eq3A_2718 = vector.broadcast %reduce_min3A_2715 : i32 to vector<16xi32>
      %eq3A_2719 = arith.cmpi eq, %scan3A_2521#2, %eq3A_2718 : vector<16xi32>
      %and3A_2720 = arith.andi %eq3A_2717, %eq3A_2719 : vector<16xi1>
      %jit3A_2721 = arith.constant -3.000000e+38 : f32
      %broadcast_in_dim3A_2722 = vector.broadcast %jit3A_2721 : f32 to vector<16xf32>
      %select_n3A_2723 = arith.select %and3A_2720, %broadcast_in_dim3A_2722, %select_n3A_2688 : vector<16xi1>, vector<16xf32>
      %eq3A_2724 = arith.constant 3 : i32
      %eq3A_2725 = vector.broadcast %eq3A_2724 : i32 to vector<16xi32>
      %eq3A_2726 = arith.cmpi eq, %iota3A, %eq3A_2725 : vector<16xi32>
      %broadcast_in_dim3A_2727 = vector.broadcast %reduce_max3A_2702 : f32 to vector<16xf32>
      %select_n3A_2728 = arith.select %eq3A_2726, %broadcast_in_dim3A_2727, %select_n3A_2693 : vector<16xi1>, vector<16xf32>
      %eq3A_2729 = arith.constant 3 : i32
      %eq3A_2730 = vector.broadcast %eq3A_2729 : i32 to vector<16xi32>
      %eq3A_2731 = arith.cmpi eq, %iota3A, %eq3A_2730 : vector<16xi32>
      %broadcast_in_dim3A_2732 = vector.broadcast %reduce_min3A_2715 : i32 to vector<16xi32>
      %select_n3A_2733 = arith.select %eq3A_2731, %broadcast_in_dim3A_2732, %select_n3A_2698 : vector<16xi1>, vector<16xi32>
      %reduce_max3A_2734 = arith.constant true
      %reduce_max3A_2735 = vector.broadcast %reduce_max3A_2734 : i1 to vector<16xi1>
      %reduce_max3A_2736 = tpu.scan <max>, %select_n3A_2723 masked %reduce_max3A_2735 : vector<16xf32>, vector<16xi1> -> vector<16xf32>
      %reduce_max3A_2737 = vector.extract %reduce_max3A_2736[15] : f32 from vector<16xf32>
      %eq3A_2738 = vector.broadcast %reduce_max3A_2737 : f32 to vector<16xf32>
      %eq3A_2739 = arith.cmpf oeq, %select_n3A_2723, %eq3A_2738 : vector<16xf32>
      %jit3A_2740 = arith.constant 1073741824 : i32
      %broadcast_in_dim3A_2741 = vector.broadcast %jit3A_2740 : i32 to vector<16xi32>
      %select_n3A_2742 = arith.select %eq3A_2739, %scan3A_2521#2, %broadcast_in_dim3A_2741 : vector<16xi1>, vector<16xi32>
      %reduce_min3A_2743 = arith.constant true
      %reduce_min3A_2744 = vector.broadcast %reduce_min3A_2743 : i1 to vector<16xi1>
      %reduce_min3A_2745 = arith.constant -2147483648 : i32
      %reduce_min3A_2746 = vector.broadcast %reduce_min3A_2745 : i32 to vector<16xi32>
      %reduce_min3A_2747 = arith.xori %select_n3A_2742, %reduce_min3A_2746 : vector<16xi32>
      %reduce_min3A_2748 = tpu.scan <min>, %reduce_min3A_2747 masked %reduce_min3A_2744 : vector<16xi32>, vector<16xi1> -> vector<16xi32>
      %reduce_min3A_2749 = arith.xori %reduce_min3A_2748, %reduce_min3A_2746 : vector<16xi32>
      %reduce_min3A_2750 = vector.extract %reduce_min3A_2749[15] : i32 from vector<16xi32>
      %eq3A_2751 = vector.broadcast %reduce_max3A_2737 : f32 to vector<16xf32>
      %eq3A_2752 = arith.cmpf oeq, %select_n3A_2723, %eq3A_2751 : vector<16xf32>
      %eq3A_2753 = vector.broadcast %reduce_min3A_2750 : i32 to vector<16xi32>
      %eq3A_2754 = arith.cmpi eq, %scan3A_2521#2, %eq3A_2753 : vector<16xi32>
      %and3A_2755 = arith.andi %eq3A_2752, %eq3A_2754 : vector<16xi1>
      %jit3A_2756 = arith.constant -3.000000e+38 : f32
      %broadcast_in_dim3A_2757 = vector.broadcast %jit3A_2756 : f32 to vector<16xf32>
      %select_n3A_2758 = arith.select %and3A_2755, %broadcast_in_dim3A_2757, %select_n3A_2723 : vector<16xi1>, vector<16xf32>
      %eq3A_2759 = arith.constant 4 : i32
      %eq3A_2760 = vector.broadcast %eq3A_2759 : i32 to vector<16xi32>
      %eq3A_2761 = arith.cmpi eq, %iota3A, %eq3A_2760 : vector<16xi32>
      %broadcast_in_dim3A_2762 = vector.broadcast %reduce_max3A_2737 : f32 to vector<16xf32>
      %select_n3A_2763 = arith.select %eq3A_2761, %broadcast_in_dim3A_2762, %select_n3A_2728 : vector<16xi1>, vector<16xf32>
      %eq3A_2764 = arith.constant 4 : i32
      %eq3A_2765 = vector.broadcast %eq3A_2764 : i32 to vector<16xi32>
      %eq3A_2766 = arith.cmpi eq, %iota3A, %eq3A_2765 : vector<16xi32>
      %broadcast_in_dim3A_2767 = vector.broadcast %reduce_min3A_2750 : i32 to vector<16xi32>
      %select_n3A_2768 = arith.select %eq3A_2766, %broadcast_in_dim3A_2767, %select_n3A_2733 : vector<16xi1>, vector<16xi32>
      %sub3A_2769 = arith.subf %select_n3A_2763, %add3A_2591 : vector<16xf32>
      %swap3A_2770 = arith.index_cast %scan3A_2510 : i32 to index
      %swap3A_2771 = arith.constant 0 : index
      %swap3A_2772 = tpu.vector_load %arg8[%swap3A_2770, %swap3A_2771] {strides = array<i32>} : memref<20x16xf32, #tpu.memory_space<vmem>>, vector<16xf32>,
      tpu.vector_store %arg8[%swap3A_2770, %swap3A_2771], %sub3A_2769 {strides = array<i32>} : memref<20x16xf32, #tpu.memory_space<vmem>>, vector<16xf32>,
      %swap3A_2773 = arith.index_cast %scan3A_2510 : i32 to index
      %swap3A_2774 = arith.constant 0 : index
      %swap3A_2775 = tpu.vector_load %arg9[%swap3A_2773, %swap3A_2774] {strides = array<i32>} : memref<20x16xi32, #tpu.memory_space<vmem>>, vector<16xi32>,
      tpu.vector_store %arg9[%swap3A_2773, %swap3A_2774], %select_n3A_2768 {strides = array<i32>} : memref<20x16xi32, #tpu.memory_space<vmem>>, vector<16xi32>,
      %scan3A_2776 = arith.constant 0 : i32
      scf.yield %scan3A_2776 : i32
    }
    %scan3A_11 = arith.constant 20 : i32
    %mul3A_12 = arith.constant 4 : i32
    %mul3A_13 = arith.muli %add3A, %mul3A_12 : i32
    %add3A_14 = arith.constant 0 : i32
    %add3A_15 = arith.addi %mul3A_13, %add3A_14 : i32
    %jit3A = arith.constant 5 : i32
    %div3A = vector.broadcast %jit3A : i32 to vector<16xi32>
    %div3A_16 = arith.divsi %iota3A, %div3A : vector<16xi32>
    %sign3A = arith.constant 0 : i32
    %sign3A_17 = vector.broadcast %sign3A : i32 to vector<16xi32>
    %sign3A_18 = arith.cmpi sgt, %iota3A, %sign3A_17 : vector<16xi32>
    %sign3A_19 = arith.extui %sign3A_18 : vector<16xi1> to vector<16xi32>
    %sign3A_20 = arith.constant 0 : i32
    %sign3A_21 = vector.broadcast %sign3A_20 : i32 to vector<16xi32>
    %sign3A_22 = arith.cmpi slt, %iota3A, %sign3A_21 : vector<16xi32>
    %sign3A_23 = arith.extui %sign3A_22 : vector<16xi1> to vector<16xi32>
    %sign3A_24 = arith.subi %sign3A_19, %sign3A_23 : vector<16xi32>
    %sign3A_25 = arith.constant 0 : i32
    %sign3A_26 = arith.cmpi sgt, %jit3A, %sign3A_25 : i32
    %sign3A_27 = arith.extui %sign3A_26 : i1 to i32
    %sign3A_28 = arith.constant 0 : i32
    %sign3A_29 = arith.cmpi slt, %jit3A, %sign3A_28 : i32
    %sign3A_30 = arith.extui %sign3A_29 : i1 to i32
    %sign3A_31 = arith.subi %sign3A_27, %sign3A_30 : i32
    %ne3A = vector.broadcast %sign3A_31 : i32 to vector<16xi32>
    %ne3A_32 = arith.cmpi ne, %sign3A_24, %ne3A : vector<16xi32>
    %rem3A = vector.broadcast %jit3A : i32 to vector<16xi32>
    %rem3A_33 = arith.remsi %iota3A, %rem3A : vector<16xi32>
    %ne3A_34 = arith.constant 0 : i32
    %ne3A_35 = vector.broadcast %ne3A_34 : i32 to vector<16xi32>
    %ne3A_36 = arith.cmpi ne, %rem3A_33, %ne3A_35 : vector<16xi32>
    %and3A = arith.andi %ne3A_32, %ne3A_36 : vector<16xi1>
    %sub3A = arith.constant 1 : i32
    %sub3A_37 = vector.broadcast %sub3A : i32 to vector<16xi32>
    %sub3A_38 = arith.subi %div3A_16, %sub3A_37 : vector<16xi32>
    %select_n3A = arith.select %and3A, %sub3A_38, %div3A_16 : vector<16xi1>, vector<16xi32>
    %mul3A_39 = arith.constant 5 : i32
    %mul3A_40 = vector.broadcast %mul3A_39 : i32 to vector<16xi32>
    %mul3A_41 = arith.muli %select_n3A, %mul3A_40 : vector<16xi32>
    %sub3A_42 = arith.subi %iota3A, %mul3A_41 : vector<16xi32>
    %mul3A_43 = arith.constant 5 : i32
    %mul3A_44 = arith.muli %add3A_15, %mul3A_43 : i32
    %add3A_45 = vector.broadcast %mul3A_44 : i32 to vector<16xi32>
    %add3A_46 = arith.addi %add3A_45, %select_n3A : vector<16xi32>
    %gather3A = tpu.vector_load_idx %arg11[%add3A_46] : memref<640xf32, #tpu.memory_space<vmem>>[vector<16xi32>], vector<16xf32>,
    %add3A_47 = arith.constant 0 : i32
    %add3A_48 = vector.broadcast %add3A_47 : i32 to vector<16xi32>
    %add3A_49 = arith.addi %add3A_48, %select_n3A : vector<16xi32>
    %gather3A_50 = tpu.vector_load_idx %arg8[%add3A_49, %sub3A_42] : memref<20x16xf32, #tpu.memory_space<vmem>>[vector<16xi32>, vector<16xi32>], vector<16xf32>,
    %add3A_51 = arith.addf %gather3A, %gather3A_50 : vector<16xf32>
    %add3A_52 = arith.constant 16 : i32
    %add3A_53 = vector.broadcast %add3A_52 : i32 to vector<16xi32>
    %add3A_54 = arith.addi %iota3A, %add3A_53 : vector<16xi32>
    %jit3A_55 = arith.constant 5 : i32
    %div3A_56 = vector.broadcast %jit3A_55 : i32 to vector<16xi32>
    %div3A_57 = arith.divsi %add3A_54, %div3A_56 : vector<16xi32>
    %sign3A_58 = arith.constant 0 : i32
    %sign3A_59 = vector.broadcast %sign3A_58 : i32 to vector<16xi32>
    %sign3A_60 = arith.cmpi sgt, %add3A_54, %sign3A_59 : vector<16xi32>
    %sign3A_61 = arith.extui %sign3A_60 : vector<16xi1> to vector<16xi32>
    %sign3A_62 = arith.constant 0 : i32
    %sign3A_63 = vector.broadcast %sign3A_62 : i32 to vector<16xi32>
    %sign3A_64 = arith.cmpi slt, %add3A_54, %sign3A_63 : vector<16xi32>
    %sign3A_65 = arith.extui %sign3A_64 : vector<16xi1> to vector<16xi32>
    %sign3A_66 = arith.subi %sign3A_61, %sign3A_65 : vector<16xi32>
    %sign3A_67 = arith.constant 0 : i32
    %sign3A_68 = arith.cmpi sgt, %jit3A_55, %sign3A_67 : i32
    %sign3A_69 = arith.extui %sign3A_68 : i1 to i32
    %sign3A_70 = arith.constant 0 : i32
    %sign3A_71 = arith.cmpi slt, %jit3A_55, %sign3A_70 : i32
    %sign3A_72 = arith.extui %sign3A_71 : i1 to i32
    %sign3A_73 = arith.subi %sign3A_69, %sign3A_72 : i32
    %ne3A_74 = vector.broadcast %sign3A_73 : i32 to vector<16xi32>
    %ne3A_75 = arith.cmpi ne, %sign3A_66, %ne3A_74 : vector<16xi32>
    %rem3A_76 = vector.broadcast %jit3A_55 : i32 to vector<16xi32>
    %rem3A_77 = arith.remsi %add3A_54, %rem3A_76 : vector<16xi32>
    %ne3A_78 = arith.constant 0 : i32
    %ne3A_79 = vector.broadcast %ne3A_78 : i32 to vector<16xi32>
    %ne3A_80 = arith.cmpi ne, %rem3A_77, %ne3A_79 : vector<16xi32>
    %and3A_81 = arith.andi %ne3A_75, %ne3A_80 : vector<16xi1>
    %sub3A_82 = arith.constant 1 : i32
    %sub3A_83 = vector.broadcast %sub3A_82 : i32 to vector<16xi32>
    %sub3A_84 = arith.subi %div3A_57, %sub3A_83 : vector<16xi32>
    %select_n3A_85 = arith.select %and3A_81, %sub3A_84, %div3A_57 : vector<16xi1>, vector<16xi32>
    %min3A = arith.constant 4 : i32
    %min3A_86 = vector.broadcast %min3A : i32 to vector<16xi32>
    %min3A_87 = arith.minsi %select_n3A_85, %min3A_86 : vector<16xi32>
    %jit3A_88 = arith.constant 5 : i32
    %div3A_89 = vector.broadcast %jit3A_88 : i32 to vector<16xi32>
    %div3A_90 = arith.divsi %add3A_54, %div3A_89 : vector<16xi32>
    %sign3A_91 = arith.constant 0 : i32
    %sign3A_92 = vector.broadcast %sign3A_91 : i32 to vector<16xi32>
    %sign3A_93 = arith.cmpi sgt, %add3A_54, %sign3A_92 : vector<16xi32>
    %sign3A_94 = arith.extui %sign3A_93 : vector<16xi1> to vector<16xi32>
    %sign3A_95 = arith.constant 0 : i32
    %sign3A_96 = vector.broadcast %sign3A_95 : i32 to vector<16xi32>
    %sign3A_97 = arith.cmpi slt, %add3A_54, %sign3A_96 : vector<16xi32>
    %sign3A_98 = arith.extui %sign3A_97 : vector<16xi1> to vector<16xi32>
    %sign3A_99 = arith.subi %sign3A_94, %sign3A_98 : vector<16xi32>
    %sign3A_100 = arith.constant 0 : i32
    %sign3A_101 = arith.cmpi sgt, %jit3A_88, %sign3A_100 : i32
    %sign3A_102 = arith.extui %sign3A_101 : i1 to i32
    %sign3A_103 = arith.constant 0 : i32
    %sign3A_104 = arith.cmpi slt, %jit3A_88, %sign3A_103 : i32
    %sign3A_105 = arith.extui %sign3A_104 : i1 to i32
    %sign3A_106 = arith.subi %sign3A_102, %sign3A_105 : i32
    %ne3A_107 = vector.broadcast %sign3A_106 : i32 to vector<16xi32>
    %ne3A_108 = arith.cmpi ne, %sign3A_99, %ne3A_107 : vector<16xi32>
    %rem3A_109 = vector.broadcast %jit3A_88 : i32 to vector<16xi32>
    %rem3A_110 = arith.remsi %add3A_54, %rem3A_109 : vector<16xi32>
    %ne3A_111 = arith.constant 0 : i32
    %ne3A_112 = vector.broadcast %ne3A_111 : i32 to vector<16xi32>
    %ne3A_113 = arith.cmpi ne, %rem3A_110, %ne3A_112 : vector<16xi32>
    %and3A_114 = arith.andi %ne3A_108, %ne3A_113 : vector<16xi1>
    %sub3A_115 = arith.constant 1 : i32
    %sub3A_116 = vector.broadcast %sub3A_115 : i32 to vector<16xi32>
    %sub3A_117 = arith.subi %div3A_90, %sub3A_116 : vector<16xi32>
    %select_n3A_118 = arith.select %and3A_114, %sub3A_117, %div3A_90 : vector<16xi1>, vector<16xi32>
    %mul3A_119 = arith.constant 5 : i32
    %mul3A_120 = vector.broadcast %mul3A_119 : i32 to vector<16xi32>
    %mul3A_121 = arith.muli %select_n3A_118, %mul3A_120 : vector<16xi32>
    %sub3A_122 = arith.subi %add3A_54, %mul3A_121 : vector<16xi32>
    %lt3A = arith.constant 25 : i32
    %lt3A_123 = vector.broadcast %lt3A : i32 to vector<16xi32>
    %lt3A_124 = arith.cmpi slt, %add3A_54, %lt3A_123 : vector<16xi32>
    %mul3A_125 = arith.constant 5 : i32
    %mul3A_126 = arith.muli %add3A_15, %mul3A_125 : i32
    %add3A_127 = vector.broadcast %mul3A_126 : i32 to vector<16xi32>
    %add3A_128 = arith.addi %add3A_127, %min3A_87 : vector<16xi32>
    %gather3A_129 = tpu.vector_load_idx %arg11[%add3A_128] : memref<640xf32, #tpu.memory_space<vmem>>[vector<16xi32>], vector<16xf32>,
    %add3A_130 = arith.constant 0 : i32
    %add3A_131 = vector.broadcast %add3A_130 : i32 to vector<16xi32>
    %add3A_132 = arith.addi %add3A_131, %min3A_87 : vector<16xi32>
    %gather3A_133 = tpu.vector_load_idx %arg8[%add3A_132, %sub3A_122] : memref<20x16xf32, #tpu.memory_space<vmem>>[vector<16xi32>, vector<16xi32>], vector<16xf32>,
    %add3A_134 = arith.addf %gather3A_129, %gather3A_133 : vector<16xf32>
    %select_n3A_135 = arith.select %lt3A_124, %add3A_134, %broadcast_in_dim3A_5 : vector<16xi1>, vector<16xf32>
    %reduce_max3A = arith.constant true
    %reduce_max3A_136 = vector.broadcast %reduce_max3A : i1 to vector<16xi1>
    %reduce_max3A_137 = tpu.scan <max>, %add3A_51 masked %reduce_max3A_136 : vector<16xf32>, vector<16xi1> -> vector<16xf32>
    %reduce_max3A_138 = vector.extract %reduce_max3A_137[15] : f32 from vector<16xf32>
    %reduce_max3A_139 = arith.constant true
    %reduce_max3A_140 = vector.broadcast %reduce_max3A_139 : i1 to vector<16xi1>
    %reduce_max3A_141 = tpu.scan <max>, %select_n3A_135 masked %reduce_max3A_140 : vector<16xf32>, vector<16xi1> -> vector<16xf32>
    %reduce_max3A_142 = vector.extract %reduce_max3A_141[15] : f32 from vector<16xf32>
    %max3A = arith.maximumf %reduce_max3A_138, %reduce_max3A_142 : f32
    %eq3A = vector.broadcast %max3A : f32 to vector<16xf32>
    %eq3A_143 = arith.cmpf oeq, %add3A_51, %eq3A : vector<16xf32>
    %jit3A_144 = arith.constant 1073741824 : i32
    %broadcast_in_dim3A_145 = vector.broadcast %jit3A_144 : i32 to vector<16xi32>
    %select_n3A_146 = arith.select %eq3A_143, %iota3A, %broadcast_in_dim3A_145 : vector<16xi1>, vector<16xi32>
    %reduce_min3A = arith.constant true
    %reduce_min3A_147 = vector.broadcast %reduce_min3A : i1 to vector<16xi1>
    %reduce_min3A_148 = arith.constant -2147483648 : i32
    %reduce_min3A_149 = vector.broadcast %reduce_min3A_148 : i32 to vector<16xi32>
    %reduce_min3A_150 = arith.xori %select_n3A_146, %reduce_min3A_149 : vector<16xi32>
    %reduce_min3A_151 = tpu.scan <min>, %reduce_min3A_150 masked %reduce_min3A_147 : vector<16xi32>, vector<16xi1> -> vector<16xi32>
    %reduce_min3A_152 = arith.xori %reduce_min3A_151, %reduce_min3A_149 : vector<16xi32>
    %reduce_min3A_153 = vector.extract %reduce_min3A_152[15] : i32 from vector<16xi32>
    %eq3A_154 = vector.broadcast %max3A : f32 to vector<16xf32>
    %eq3A_155 = arith.cmpf oeq, %select_n3A_135, %eq3A_154 : vector<16xf32>
    %jit3A_156 = arith.constant 1073741824 : i32
    %broadcast_in_dim3A_157 = vector.broadcast %jit3A_156 : i32 to vector<16xi32>
    %select_n3A_158 = arith.select %eq3A_155, %add3A_54, %broadcast_in_dim3A_157 : vector<16xi1>, vector<16xi32>
    %reduce_min3A_159 = arith.constant true
    %reduce_min3A_160 = vector.broadcast %reduce_min3A_159 : i1 to vector<16xi1>
    %reduce_min3A_161 = arith.constant -2147483648 : i32
    %reduce_min3A_162 = vector.broadcast %reduce_min3A_161 : i32 to vector<16xi32>
    %reduce_min3A_163 = arith.xori %select_n3A_158, %reduce_min3A_162 : vector<16xi32>
    %reduce_min3A_164 = tpu.scan <min>, %reduce_min3A_163 masked %reduce_min3A_160 : vector<16xi32>, vector<16xi1> -> vector<16xi32>
    %reduce_min3A_165 = arith.xori %reduce_min3A_164, %reduce_min3A_162 : vector<16xi32>
    %reduce_min3A_166 = vector.extract %reduce_min3A_165[15] : i32 from vector<16xi32>
    %min3A_167 = arith.minsi %reduce_min3A_153, %reduce_min3A_166 : i32
    %eq3A_168 = vector.broadcast %max3A : f32 to vector<16xf32>
    %eq3A_169 = arith.cmpf oeq, %add3A_51, %eq3A_168 : vector<16xf32>
    %eq3A_170 = vector.broadcast %min3A_167 : i32 to vector<16xi32>
    %eq3A_171 = arith.cmpi eq, %iota3A, %eq3A_170 : vector<16xi32>
    %and3A_172 = arith.andi %eq3A_169, %eq3A_171 : vector<16xi1>
    %jit3A_173 = arith.constant -3.000000e+38 : f32
    %broadcast_in_dim3A_174 = vector.broadcast %jit3A_173 : f32 to vector<16xf32>
    %select_n3A_175 = arith.select %and3A_172, %broadcast_in_dim3A_174, %add3A_51 : vector<16xi1>, vector<16xf32>
    %eq3A_176 = vector.broadcast %max3A : f32 to vector<16xf32>
    %eq3A_177 = arith.cmpf oeq, %select_n3A_135, %eq3A_176 : vector<16xf32>
    %eq3A_178 = vector.broadcast %min3A_167 : i32 to vector<16xi32>
    %eq3A_179 = arith.cmpi eq, %add3A_54, %eq3A_178 : vector<16xi32>
    %and3A_180 = arith.andi %eq3A_177, %eq3A_179 : vector<16xi1>
    %jit3A_181 = arith.constant -3.000000e+38 : f32
    %broadcast_in_dim3A_182 = vector.broadcast %jit3A_181 : f32 to vector<16xf32>
    %select_n3A_183 = arith.select %and3A_180, %broadcast_in_dim3A_182, %select_n3A_135 : vector<16xi1>, vector<16xf32>
    %eq3A_184 = arith.constant 0 : i32
    %eq3A_185 = vector.broadcast %eq3A_184 : i32 to vector<16xi32>
    %eq3A_186 = arith.cmpi eq, %iota3A, %eq3A_185 : vector<16xi32>
    %broadcast_in_dim3A_187 = vector.broadcast %max3A : f32 to vector<16xf32>
    %select_n3A_188 = arith.select %eq3A_186, %broadcast_in_dim3A_187, %broadcast_in_dim3A_5 : vector<16xi1>, vector<16xf32>
    %jit3A_189 = arith.constant 5 : i32
    %div3A_190 = arith.divsi %min3A_167, %jit3A_189 : i32
    %sign3A_191 = arith.constant 0 : i32
    %sign3A_192 = arith.cmpi sgt, %min3A_167, %sign3A_191 : i32
    %sign3A_193 = arith.extui %sign3A_192 : i1 to i32
    %sign3A_194 = arith.constant 0 : i32
    %sign3A_195 = arith.cmpi slt, %min3A_167, %sign3A_194 : i32
    %sign3A_196 = arith.extui %sign3A_195 : i1 to i32
    %sign3A_197 = arith.subi %sign3A_193, %sign3A_196 : i32
    %sign3A_198 = arith.constant 0 : i32
    %sign3A_199 = arith.cmpi sgt, %jit3A_189, %sign3A_198 : i32
    %sign3A_200 = arith.extui %sign3A_199 : i1 to i32
    %sign3A_201 = arith.constant 0 : i32
    %sign3A_202 = arith.cmpi slt, %jit3A_189, %sign3A_201 : i32
    %sign3A_203 = arith.extui %sign3A_202 : i1 to i32
    %sign3A_204 = arith.subi %sign3A_200, %sign3A_203 : i32
    %ne3A_205 = arith.cmpi ne, %sign3A_197, %sign3A_204 : i32
    %rem3A_206 = arith.remsi %min3A_167, %jit3A_189 : i32
    %ne3A_207 = arith.constant 0 : i32
    %ne3A_208 = arith.cmpi ne, %rem3A_206, %ne3A_207 : i32
    %and3A_209 = arith.andi %ne3A_205, %ne3A_208 : i1
    %sub3A_210 = arith.constant 1 : i32
    %sub3A_211 = arith.subi %div3A_190, %sub3A_210 : i32
    %select_n3A_212 = arith.select %and3A_209, %sub3A_211, %div3A_190 : i32
    %mul3A_213 = arith.constant 5 : i32
    %mul3A_214 = arith.muli %select_n3A_212, %mul3A_213 : i32
    %sub3A_215 = arith.subi %min3A_167, %mul3A_214 : i32
    %add3A_216 = arith.constant 0 : i32
    %add3A_217 = arith.addi %add3A_216, %select_n3A_212 : i32
    %mul3A_218 = arith.constant 16 : i32
    %mul3A_219 = arith.muli %add3A_217, %mul3A_218 : i32
    %add3A_220 = vector.broadcast %mul3A_219 : i32 to vector<16xi32>
    %add3A_221 = arith.addi %add3A_220, %iota3A : vector<16xi32>
    %gather3A_222 = tpu.vector_load_idx %arg10[%add3A_221] : memref<320xi32, #tpu.memory_space<vmem>>[vector<16xi32>], vector<16xi32>,
    %swap3A = arith.constant 0 : index
    %swap3A_223 = tpu.vector_load %arg12[%swap3A] {strides = array<i32>} : memref<640xi32, #tpu.memory_space<vmem>>, vector<16xi32>,
    tpu.vector_store %arg12[%swap3A], %gather3A_222 {strides = array<i32>} : memref<640xi32, #tpu.memory_space<vmem>>, vector<16xi32>,
    %broadcast_in_dim3A_224 = vector.broadcast %add3A_217 : i32 to vector<16xi32>
    %broadcast_in_dim3A_225 = vector.broadcast %sub3A_215 : i32 to vector<16xi32>
    %gather3A_226 = tpu.vector_load_idx %arg9[%broadcast_in_dim3A_224, %broadcast_in_dim3A_225] : memref<20x16xi32, #tpu.memory_space<vmem>>[vector<16xi32>, vector<16xi32>], vector<16xi32>,
    %swap3A_227 = arith.constant 16 : index
    %swap3A_228 = tpu.vector_load %arg12[%swap3A_227] {strides = array<i32>} : memref<640xi32, #tpu.memory_space<vmem>>, vector<16xi32>,
    tpu.vector_store %arg12[%swap3A_227], %gather3A_226 {strides = array<i32>} : memref<640xi32, #tpu.memory_space<vmem>>, vector<16xi32>,
    %reduce_max3A_229 = arith.constant true
    %reduce_max3A_230 = vector.broadcast %reduce_max3A_229 : i1 to vector<16xi1>
    %reduce_max3A_231 = tpu.scan <max>, %select_n3A_175 masked %reduce_max3A_230 : vector<16xf32>, vector<16xi1> -> vector<16xf32>
    %reduce_max3A_232 = vector.extract %reduce_max3A_231[15] : f32 from vector<16xf32>
    %reduce_max3A_233 = arith.constant true
    %reduce_max3A_234 = vector.broadcast %reduce_max3A_233 : i1 to vector<16xi1>
    %reduce_max3A_235 = tpu.scan <max>, %select_n3A_183 masked %reduce_max3A_234 : vector<16xf32>, vector<16xi1> -> vector<16xf32>
    %reduce_max3A_236 = vector.extract %reduce_max3A_235[15] : f32 from vector<16xf32>
    %max3A_237 = arith.maximumf %reduce_max3A_232, %reduce_max3A_236 : f32
    %eq3A_238 = vector.broadcast %max3A_237 : f32 to vector<16xf32>
    %eq3A_239 = arith.cmpf oeq, %select_n3A_175, %eq3A_238 : vector<16xf32>
    %jit3A_240 = arith.constant 1073741824 : i32
    %broadcast_in_dim3A_241 = vector.broadcast %jit3A_240 : i32 to vector<16xi32>
    %select_n3A_242 = arith.select %eq3A_239, %iota3A, %broadcast_in_dim3A_241 : vector<16xi1>, vector<16xi32>
    %reduce_min3A_243 = arith.constant true
    %reduce_min3A_244 = vector.broadcast %reduce_min3A_243 : i1 to vector<16xi1>
    %reduce_min3A_245 = arith.constant -2147483648 : i32
    %reduce_min3A_246 = vector.broadcast %reduce_min3A_245 : i32 to vector<16xi32>
    %reduce_min3A_247 = arith.xori %select_n3A_242, %reduce_min3A_246 : vector<16xi32>
    %reduce_min3A_248 = tpu.scan <min>, %reduce_min3A_247 masked %reduce_min3A_244 : vector<16xi32>, vector<16xi1> -> vector<16xi32>
    %reduce_min3A_249 = arith.xori %reduce_min3A_248, %reduce_min3A_246 : vector<16xi32>
    %reduce_min3A_250 = vector.extract %reduce_min3A_249[15] : i32 from vector<16xi32>
    %eq3A_251 = vector.broadcast %max3A_237 : f32 to vector<16xf32>
    %eq3A_252 = arith.cmpf oeq, %select_n3A_183, %eq3A_251 : vector<16xf32>
    %jit3A_253 = arith.constant 1073741824 : i32
    %broadcast_in_dim3A_254 = vector.broadcast %jit3A_253 : i32 to vector<16xi32>
    %select_n3A_255 = arith.select %eq3A_252, %add3A_54, %broadcast_in_dim3A_254 : vector<16xi1>, vector<16xi32>
    %reduce_min3A_256 = arith.constant true
    %reduce_min3A_257 = vector.broadcast %reduce_min3A_256 : i1 to vector<16xi1>
    %reduce_min3A_258 = arith.constant -2147483648 : i32
    %reduce_min3A_259 = vector.broadcast %reduce_min3A_258 : i32 to vector<16xi32>
    %reduce_min3A_260 = arith.xori %select_n3A_255, %reduce_min3A_259 : vector<16xi32>
    %reduce_min3A_261 = tpu.scan <min>, %reduce_min3A_260 masked %reduce_min3A_257 : vector<16xi32>, vector<16xi1> -> vector<16xi32>
    %reduce_min3A_262 = arith.xori %reduce_min3A_261, %reduce_min3A_259 : vector<16xi32>
    %reduce_min3A_263 = vector.extract %reduce_min3A_262[15] : i32 from vector<16xi32>
    %min3A_264 = arith.minsi %reduce_min3A_250, %reduce_min3A_263 : i32
    %eq3A_265 = vector.broadcast %max3A_237 : f32 to vector<16xf32>
    %eq3A_266 = arith.cmpf oeq, %select_n3A_175, %eq3A_265 : vector<16xf32>
    %eq3A_267 = vector.broadcast %min3A_264 : i32 to vector<16xi32>
    %eq3A_268 = arith.cmpi eq, %iota3A, %eq3A_267 : vector<16xi32>
    %and3A_269 = arith.andi %eq3A_266, %eq3A_268 : vector<16xi1>
    %jit3A_270 = arith.constant -3.000000e+38 : f32
    %broadcast_in_dim3A_271 = vector.broadcast %jit3A_270 : f32 to vector<16xf32>
    %select_n3A_272 = arith.select %and3A_269, %broadcast_in_dim3A_271, %select_n3A_175 : vector<16xi1>, vector<16xf32>
    %eq3A_273 = vector.broadcast %max3A_237 : f32 to vector<16xf32>
    %eq3A_274 = arith.cmpf oeq, %select_n3A_183, %eq3A_273 : vector<16xf32>
    %eq3A_275 = vector.broadcast %min3A_264 : i32 to vector<16xi32>
    %eq3A_276 = arith.cmpi eq, %add3A_54, %eq3A_275 : vector<16xi32>
    %and3A_277 = arith.andi %eq3A_274, %eq3A_276 : vector<16xi1>
    %jit3A_278 = arith.constant -3.000000e+38 : f32
    %broadcast_in_dim3A_279 = vector.broadcast %jit3A_278 : f32 to vector<16xf32>
    %select_n3A_280 = arith.select %and3A_277, %broadcast_in_dim3A_279, %select_n3A_183 : vector<16xi1>, vector<16xf32>
    %eq3A_281 = arith.constant 1 : i32
    %eq3A_282 = vector.broadcast %eq3A_281 : i32 to vector<16xi32>
    %eq3A_283 = arith.cmpi eq, %iota3A, %eq3A_282 : vector<16xi32>
    %broadcast_in_dim3A_284 = vector.broadcast %max3A_237 : f32 to vector<16xf32>
    %select_n3A_285 = arith.select %eq3A_283, %broadcast_in_dim3A_284, %select_n3A_188 : vector<16xi1>, vector<16xf32>
    %jit3A_286 = arith.constant 5 : i32
    %div3A_287 = arith.divsi %min3A_264, %jit3A_286 : i32
    %sign3A_288 = arith.constant 0 : i32
    %sign3A_289 = arith.cmpi sgt, %min3A_264, %sign3A_288 : i32
    %sign3A_290 = arith.extui %sign3A_289 : i1 to i32
    %sign3A_291 = arith.constant 0 : i32
    %sign3A_292 = arith.cmpi slt, %min3A_264, %sign3A_291 : i32
    %sign3A_293 = arith.extui %sign3A_292 : i1 to i32
    %sign3A_294 = arith.subi %sign3A_290, %sign3A_293 : i32
    %sign3A_295 = arith.constant 0 : i32
    %sign3A_296 = arith.cmpi sgt, %jit3A_286, %sign3A_295 : i32
    %sign3A_297 = arith.extui %sign3A_296 : i1 to i32
    %sign3A_298 = arith.constant 0 : i32
    %sign3A_299 = arith.cmpi slt, %jit3A_286, %sign3A_298 : i32
    %sign3A_300 = arith.extui %sign3A_299 : i1 to i32
    %sign3A_301 = arith.subi %sign3A_297, %sign3A_300 : i32
    %ne3A_302 = arith.cmpi ne, %sign3A_294, %sign3A_301 : i32
    %rem3A_303 = arith.remsi %min3A_264, %jit3A_286 : i32
    %ne3A_304 = arith.constant 0 : i32
    %ne3A_305 = arith.cmpi ne, %rem3A_303, %ne3A_304 : i32
    %and3A_306 = arith.andi %ne3A_302, %ne3A_305 : i1
    %sub3A_307 = arith.constant 1 : i32
    %sub3A_308 = arith.subi %div3A_287, %sub3A_307 : i32
    %select_n3A_309 = arith.select %and3A_306, %sub3A_308, %div3A_287 : i32
    %mul3A_310 = arith.constant 5 : i32
    %mul3A_311 = arith.muli %select_n3A_309, %mul3A_310 : i32
    %sub3A_312 = arith.subi %min3A_264, %mul3A_311 : i32
    %add3A_313 = arith.constant 0 : i32
    %add3A_314 = arith.addi %add3A_313, %select_n3A_309 : i32
    %mul3A_315 = arith.constant 16 : i32
    %mul3A_316 = arith.muli %add3A_314, %mul3A_315 : i32
    %add3A_317 = vector.broadcast %mul3A_316 : i32 to vector<16xi32>
    %add3A_318 = arith.addi %add3A_317, %iota3A : vector<16xi32>
    %gather3A_319 = tpu.vector_load_idx %arg10[%add3A_318] : memref<320xi32, #tpu.memory_space<vmem>>[vector<16xi32>], vector<16xi32>,
    %swap3A_320 = arith.constant 32 : index
    %swap3A_321 = tpu.vector_load %arg12[%swap3A_320] {strides = array<i32>} : memref<640xi32, #tpu.memory_space<vmem>>, vector<16xi32>,
    tpu.vector_store %arg12[%swap3A_320], %gather3A_319 {strides = array<i32>} : memref<640xi32, #tpu.memory_space<vmem>>, vector<16xi32>,
    %broadcast_in_dim3A_322 = vector.broadcast %add3A_314 : i32 to vector<16xi32>
    %broadcast_in_dim3A_323 = vector.broadcast %sub3A_312 : i32 to vector<16xi32>
    %gather3A_324 = tpu.vector_load_idx %arg9[%broadcast_in_dim3A_322, %broadcast_in_dim3A_323] : memref<20x16xi32, #tpu.memory_space<vmem>>[vector<16xi32>, vector<16xi32>], vector<16xi32>,
    %swap3A_325 = arith.constant 48 : index
    %swap3A_326 = tpu.vector_load %arg12[%swap3A_325] {strides = array<i32>} : memref<640xi32, #tpu.memory_space<vmem>>, vector<16xi32>,
    tpu.vector_store %arg12[%swap3A_325], %gather3A_324 {strides = array<i32>} : memref<640xi32, #tpu.memory_space<vmem>>, vector<16xi32>,
    %reduce_max3A_327 = arith.constant true
    %reduce_max3A_328 = vector.broadcast %reduce_max3A_327 : i1 to vector<16xi1>
    %reduce_max3A_329 = tpu.scan <max>, %select_n3A_272 masked %reduce_max3A_328 : vector<16xf32>, vector<16xi1> -> vector<16xf32>
    %reduce_max3A_330 = vector.extract %reduce_max3A_329[15] : f32 from vector<16xf32>
    %reduce_max3A_331 = arith.constant true
    %reduce_max3A_332 = vector.broadcast %reduce_max3A_331 : i1 to vector<16xi1>
    %reduce_max3A_333 = tpu.scan <max>, %select_n3A_280 masked %reduce_max3A_332 : vector<16xf32>, vector<16xi1> -> vector<16xf32>
    %reduce_max3A_334 = vector.extract %reduce_max3A_333[15] : f32 from vector<16xf32>
    %max3A_335 = arith.maximumf %reduce_max3A_330, %reduce_max3A_334 : f32
    %eq3A_336 = vector.broadcast %max3A_335 : f32 to vector<16xf32>
    %eq3A_337 = arith.cmpf oeq, %select_n3A_272, %eq3A_336 : vector<16xf32>
    %jit3A_338 = arith.constant 1073741824 : i32
    %broadcast_in_dim3A_339 = vector.broadcast %jit3A_338 : i32 to vector<16xi32>
    %select_n3A_340 = arith.select %eq3A_337, %iota3A, %broadcast_in_dim3A_339 : vector<16xi1>, vector<16xi32>
    %reduce_min3A_341 = arith.constant true
    %reduce_min3A_342 = vector.broadcast %reduce_min3A_341 : i1 to vector<16xi1>
    %reduce_min3A_343 = arith.constant -2147483648 : i32
    %reduce_min3A_344 = vector.broadcast %reduce_min3A_343 : i32 to vector<16xi32>
    %reduce_min3A_345 = arith.xori %select_n3A_340, %reduce_min3A_344 : vector<16xi32>
    %reduce_min3A_346 = tpu.scan <min>, %reduce_min3A_345 masked %reduce_min3A_342 : vector<16xi32>, vector<16xi1> -> vector<16xi32>
    %reduce_min3A_347 = arith.xori %reduce_min3A_346, %reduce_min3A_344 : vector<16xi32>
    %reduce_min3A_348 = vector.extract %reduce_min3A_347[15] : i32 from vector<16xi32>
    %eq3A_349 = vector.broadcast %max3A_335 : f32 to vector<16xf32>
    %eq3A_350 = arith.cmpf oeq, %select_n3A_280, %eq3A_349 : vector<16xf32>
    %jit3A_351 = arith.constant 1073741824 : i32
    %broadcast_in_dim3A_352 = vector.broadcast %jit3A_351 : i32 to vector<16xi32>
    %select_n3A_353 = arith.select %eq3A_350, %add3A_54, %broadcast_in_dim3A_352 : vector<16xi1>, vector<16xi32>
    %reduce_min3A_354 = arith.constant true
    %reduce_min3A_355 = vector.broadcast %reduce_min3A_354 : i1 to vector<16xi1>
    %reduce_min3A_356 = arith.constant -2147483648 : i32
    %reduce_min3A_357 = vector.broadcast %reduce_min3A_356 : i32 to vector<16xi32>
    %reduce_min3A_358 = arith.xori %select_n3A_353, %reduce_min3A_357 : vector<16xi32>
    %reduce_min3A_359 = tpu.scan <min>, %reduce_min3A_358 masked %reduce_min3A_355 : vector<16xi32>, vector<16xi1> -> vector<16xi32>
    %reduce_min3A_360 = arith.xori %reduce_min3A_359, %reduce_min3A_357 : vector<16xi32>
    %reduce_min3A_361 = vector.extract %reduce_min3A_360[15] : i32 from vector<16xi32>
    %min3A_362 = arith.minsi %reduce_min3A_348, %reduce_min3A_361 : i32
    %eq3A_363 = vector.broadcast %max3A_335 : f32 to vector<16xf32>
    %eq3A_364 = arith.cmpf oeq, %select_n3A_272, %eq3A_363 : vector<16xf32>
    %eq3A_365 = vector.broadcast %min3A_362 : i32 to vector<16xi32>
    %eq3A_366 = arith.cmpi eq, %iota3A, %eq3A_365 : vector<16xi32>
    %and3A_367 = arith.andi %eq3A_364, %eq3A_366 : vector<16xi1>
    %jit3A_368 = arith.constant -3.000000e+38 : f32
    %broadcast_in_dim3A_369 = vector.broadcast %jit3A_368 : f32 to vector<16xf32>
    %select_n3A_370 = arith.select %and3A_367, %broadcast_in_dim3A_369, %select_n3A_272 : vector<16xi1>, vector<16xf32>
    %eq3A_371 = vector.broadcast %max3A_335 : f32 to vector<16xf32>
    %eq3A_372 = arith.cmpf oeq, %select_n3A_280, %eq3A_371 : vector<16xf32>
    %eq3A_373 = vector.broadcast %min3A_362 : i32 to vector<16xi32>
    %eq3A_374 = arith.cmpi eq, %add3A_54, %eq3A_373 : vector<16xi32>
    %and3A_375 = arith.andi %eq3A_372, %eq3A_374 : vector<16xi1>
    %jit3A_376 = arith.constant -3.000000e+38 : f32
    %broadcast_in_dim3A_377 = vector.broadcast %jit3A_376 : f32 to vector<16xf32>
    %select_n3A_378 = arith.select %and3A_375, %broadcast_in_dim3A_377, %select_n3A_280 : vector<16xi1>, vector<16xf32>
    %eq3A_379 = arith.constant 2 : i32
    %eq3A_380 = vector.broadcast %eq3A_379 : i32 to vector<16xi32>
    %eq3A_381 = arith.cmpi eq, %iota3A, %eq3A_380 : vector<16xi32>
    %broadcast_in_dim3A_382 = vector.broadcast %max3A_335 : f32 to vector<16xf32>
    %select_n3A_383 = arith.select %eq3A_381, %broadcast_in_dim3A_382, %select_n3A_285 : vector<16xi1>, vector<16xf32>
    %jit3A_384 = arith.constant 5 : i32
    %div3A_385 = arith.divsi %min3A_362, %jit3A_384 : i32
    %sign3A_386 = arith.constant 0 : i32
    %sign3A_387 = arith.cmpi sgt, %min3A_362, %sign3A_386 : i32
    %sign3A_388 = arith.extui %sign3A_387 : i1 to i32
    %sign3A_389 = arith.constant 0 : i32
    %sign3A_390 = arith.cmpi slt, %min3A_362, %sign3A_389 : i32
    %sign3A_391 = arith.extui %sign3A_390 : i1 to i32
    %sign3A_392 = arith.subi %sign3A_388, %sign3A_391 : i32
    %sign3A_393 = arith.constant 0 : i32
    %sign3A_394 = arith.cmpi sgt, %jit3A_384, %sign3A_393 : i32
    %sign3A_395 = arith.extui %sign3A_394 : i1 to i32
    %sign3A_396 = arith.constant 0 : i32
    %sign3A_397 = arith.cmpi slt, %jit3A_384, %sign3A_396 : i32
    %sign3A_398 = arith.extui %sign3A_397 : i1 to i32
    %sign3A_399 = arith.subi %sign3A_395, %sign3A_398 : i32
    %ne3A_400 = arith.cmpi ne, %sign3A_392, %sign3A_399 : i32
    %rem3A_401 = arith.remsi %min3A_362, %jit3A_384 : i32
    %ne3A_402 = arith.constant 0 : i32
    %ne3A_403 = arith.cmpi ne, %rem3A_401, %ne3A_402 : i32
    %and3A_404 = arith.andi %ne3A_400, %ne3A_403 : i1
    %sub3A_405 = arith.constant 1 : i32
    %sub3A_406 = arith.subi %div3A_385, %sub3A_405 : i32
    %select_n3A_407 = arith.select %and3A_404, %sub3A_406, %div3A_385 : i32
    %mul3A_408 = arith.constant 5 : i32
    %mul3A_409 = arith.muli %select_n3A_407, %mul3A_408 : i32
    %sub3A_410 = arith.subi %min3A_362, %mul3A_409 : i32
    %add3A_411 = arith.constant 0 : i32
    %add3A_412 = arith.addi %add3A_411, %select_n3A_407 : i32
    %mul3A_413 = arith.constant 16 : i32
    %mul3A_414 = arith.muli %add3A_412, %mul3A_413 : i32
    %add3A_415 = vector.broadcast %mul3A_414 : i32 to vector<16xi32>
    %add3A_416 = arith.addi %add3A_415, %iota3A : vector<16xi32>
    %gather3A_417 = tpu.vector_load_idx %arg10[%add3A_416] : memref<320xi32, #tpu.memory_space<vmem>>[vector<16xi32>], vector<16xi32>,
    %swap3A_418 = arith.constant 64 : index
    %swap3A_419 = tpu.vector_load %arg12[%swap3A_418] {strides = array<i32>} : memref<640xi32, #tpu.memory_space<vmem>>, vector<16xi32>,
    tpu.vector_store %arg12[%swap3A_418], %gather3A_417 {strides = array<i32>} : memref<640xi32, #tpu.memory_space<vmem>>, vector<16xi32>,
    %broadcast_in_dim3A_420 = vector.broadcast %add3A_412 : i32 to vector<16xi32>
    %broadcast_in_dim3A_421 = vector.broadcast %sub3A_410 : i32 to vector<16xi32>
    %gather3A_422 = tpu.vector_load_idx %arg9[%broadcast_in_dim3A_420, %broadcast_in_dim3A_421] : memref<20x16xi32, #tpu.memory_space<vmem>>[vector<16xi32>, vector<16xi32>], vector<16xi32>,
    %swap3A_423 = arith.constant 80 : index
    %swap3A_424 = tpu.vector_load %arg12[%swap3A_423] {strides = array<i32>} : memref<640xi32, #tpu.memory_space<vmem>>, vector<16xi32>,
    tpu.vector_store %arg12[%swap3A_423], %gather3A_422 {strides = array<i32>} : memref<640xi32, #tpu.memory_space<vmem>>, vector<16xi32>,
    %reduce_max3A_425 = arith.constant true
    %reduce_max3A_426 = vector.broadcast %reduce_max3A_425 : i1 to vector<16xi1>
    %reduce_max3A_427 = tpu.scan <max>, %select_n3A_370 masked %reduce_max3A_426 : vector<16xf32>, vector<16xi1> -> vector<16xf32>
    %reduce_max3A_428 = vector.extract %reduce_max3A_427[15] : f32 from vector<16xf32>
    %reduce_max3A_429 = arith.constant true
    %reduce_max3A_430 = vector.broadcast %reduce_max3A_429 : i1 to vector<16xi1>
    %reduce_max3A_431 = tpu.scan <max>, %select_n3A_378 masked %reduce_max3A_430 : vector<16xf32>, vector<16xi1> -> vector<16xf32>
    %reduce_max3A_432 = vector.extract %reduce_max3A_431[15] : f32 from vector<16xf32>
    %max3A_433 = arith.maximumf %reduce_max3A_428, %reduce_max3A_432 : f32
    %eq3A_434 = vector.broadcast %max3A_433 : f32 to vector<16xf32>
    %eq3A_435 = arith.cmpf oeq, %select_n3A_370, %eq3A_434 : vector<16xf32>
    %jit3A_436 = arith.constant 1073741824 : i32
    %broadcast_in_dim3A_437 = vector.broadcast %jit3A_436 : i32 to vector<16xi32>
    %select_n3A_438 = arith.select %eq3A_435, %iota3A, %broadcast_in_dim3A_437 : vector<16xi1>, vector<16xi32>
    %reduce_min3A_439 = arith.constant true
    %reduce_min3A_440 = vector.broadcast %reduce_min3A_439 : i1 to vector<16xi1>
    %reduce_min3A_441 = arith.constant -2147483648 : i32
    %reduce_min3A_442 = vector.broadcast %reduce_min3A_441 : i32 to vector<16xi32>
    %reduce_min3A_443 = arith.xori %select_n3A_438, %reduce_min3A_442 : vector<16xi32>
    %reduce_min3A_444 = tpu.scan <min>, %reduce_min3A_443 masked %reduce_min3A_440 : vector<16xi32>, vector<16xi1> -> vector<16xi32>
    %reduce_min3A_445 = arith.xori %reduce_min3A_444, %reduce_min3A_442 : vector<16xi32>
    %reduce_min3A_446 = vector.extract %reduce_min3A_445[15] : i32 from vector<16xi32>
    %eq3A_447 = vector.broadcast %max3A_433 : f32 to vector<16xf32>
    %eq3A_448 = arith.cmpf oeq, %select_n3A_378, %eq3A_447 : vector<16xf32>
    %jit3A_449 = arith.constant 1073741824 : i32
    %broadcast_in_dim3A_450 = vector.broadcast %jit3A_449 : i32 to vector<16xi32>
    %select_n3A_451 = arith.select %eq3A_448, %add3A_54, %broadcast_in_dim3A_450 : vector<16xi1>, vector<16xi32>
    %reduce_min3A_452 = arith.constant true
    %reduce_min3A_453 = vector.broadcast %reduce_min3A_452 : i1 to vector<16xi1>
    %reduce_min3A_454 = arith.constant -2147483648 : i32
    %reduce_min3A_455 = vector.broadcast %reduce_min3A_454 : i32 to vector<16xi32>
    %reduce_min3A_456 = arith.xori %select_n3A_451, %reduce_min3A_455 : vector<16xi32>
    %reduce_min3A_457 = tpu.scan <min>, %reduce_min3A_456 masked %reduce_min3A_453 : vector<16xi32>, vector<16xi1> -> vector<16xi32>
    %reduce_min3A_458 = arith.xori %reduce_min3A_457, %reduce_min3A_455 : vector<16xi32>
    %reduce_min3A_459 = vector.extract %reduce_min3A_458[15] : i32 from vector<16xi32>
    %min3A_460 = arith.minsi %reduce_min3A_446, %reduce_min3A_459 : i32
    %eq3A_461 = vector.broadcast %max3A_433 : f32 to vector<16xf32>
    %eq3A_462 = arith.cmpf oeq, %select_n3A_370, %eq3A_461 : vector<16xf32>
    %eq3A_463 = vector.broadcast %min3A_460 : i32 to vector<16xi32>
    %eq3A_464 = arith.cmpi eq, %iota3A, %eq3A_463 : vector<16xi32>
    %and3A_465 = arith.andi %eq3A_462, %eq3A_464 : vector<16xi1>
    %jit3A_466 = arith.constant -3.000000e+38 : f32
    %broadcast_in_dim3A_467 = vector.broadcast %jit3A_466 : f32 to vector<16xf32>
    %select_n3A_468 = arith.select %and3A_465, %broadcast_in_dim3A_467, %select_n3A_370 : vector<16xi1>, vector<16xf32>
    %eq3A_469 = vector.broadcast %max3A_433 : f32 to vector<16xf32>
    %eq3A_470 = arith.cmpf oeq, %select_n3A_378, %eq3A_469 : vector<16xf32>
    %eq3A_471 = vector.broadcast %min3A_460 : i32 to vector<16xi32>
    %eq3A_472 = arith.cmpi eq, %add3A_54, %eq3A_471 : vector<16xi32>
    %and3A_473 = arith.andi %eq3A_470, %eq3A_472 : vector<16xi1>
    %jit3A_474 = arith.constant -3.000000e+38 : f32
    %broadcast_in_dim3A_475 = vector.broadcast %jit3A_474 : f32 to vector<16xf32>
    %select_n3A_476 = arith.select %and3A_473, %broadcast_in_dim3A_475, %select_n3A_378 : vector<16xi1>, vector<16xf32>
    %eq3A_477 = arith.constant 3 : i32
    %eq3A_478 = vector.broadcast %eq3A_477 : i32 to vector<16xi32>
    %eq3A_479 = arith.cmpi eq, %iota3A, %eq3A_478 : vector<16xi32>
    %broadcast_in_dim3A_480 = vector.broadcast %max3A_433 : f32 to vector<16xf32>
    %select_n3A_481 = arith.select %eq3A_479, %broadcast_in_dim3A_480, %select_n3A_383 : vector<16xi1>, vector<16xf32>
    %jit3A_482 = arith.constant 5 : i32
    %div3A_483 = arith.divsi %min3A_460, %jit3A_482 : i32
    %sign3A_484 = arith.constant 0 : i32
    %sign3A_485 = arith.cmpi sgt, %min3A_460, %sign3A_484 : i32
    %sign3A_486 = arith.extui %sign3A_485 : i1 to i32
    %sign3A_487 = arith.constant 0 : i32
    %sign3A_488 = arith.cmpi slt, %min3A_460, %sign3A_487 : i32
    %sign3A_489 = arith.extui %sign3A_488 : i1 to i32
    %sign3A_490 = arith.subi %sign3A_486, %sign3A_489 : i32
    %sign3A_491 = arith.constant 0 : i32
    %sign3A_492 = arith.cmpi sgt, %jit3A_482, %sign3A_491 : i32
    %sign3A_493 = arith.extui %sign3A_492 : i1 to i32
    %sign3A_494 = arith.constant 0 : i32
    %sign3A_495 = arith.cmpi slt, %jit3A_482, %sign3A_494 : i32
    %sign3A_496 = arith.extui %sign3A_495 : i1 to i32
    %sign3A_497 = arith.subi %sign3A_493, %sign3A_496 : i32
    %ne3A_498 = arith.cmpi ne, %sign3A_490, %sign3A_497 : i32
    %rem3A_499 = arith.remsi %min3A_460, %jit3A_482 : i32
    %ne3A_500 = arith.constant 0 : i32
    %ne3A_501 = arith.cmpi ne, %rem3A_499, %ne3A_500 : i32
    %and3A_502 = arith.andi %ne3A_498, %ne3A_501 : i1
    %sub3A_503 = arith.constant 1 : i32
    %sub3A_504 = arith.subi %div3A_483, %sub3A_503 : i32
    %select_n3A_505 = arith.select %and3A_502, %sub3A_504, %div3A_483 : i32
    %mul3A_506 = arith.constant 5 : i32
    %mul3A_507 = arith.muli %select_n3A_505, %mul3A_506 : i32
    %sub3A_508 = arith.subi %min3A_460, %mul3A_507 : i32
    %add3A_509 = arith.constant 0 : i32
    %add3A_510 = arith.addi %add3A_509, %select_n3A_505 : i32
    %mul3A_511 = arith.constant 16 : i32
    %mul3A_512 = arith.muli %add3A_510, %mul3A_511 : i32
    %add3A_513 = vector.broadcast %mul3A_512 : i32 to vector<16xi32>
    %add3A_514 = arith.addi %add3A_513, %iota3A : vector<16xi32>
    %gather3A_515 = tpu.vector_load_idx %arg10[%add3A_514] : memref<320xi32, #tpu.memory_space<vmem>>[vector<16xi32>], vector<16xi32>,
    %swap3A_516 = arith.constant 96 : index
    %swap3A_517 = tpu.vector_load %arg12[%swap3A_516] {strides = array<i32>} : memref<640xi32, #tpu.memory_space<vmem>>, vector<16xi32>,
    tpu.vector_store %arg12[%swap3A_516], %gather3A_515 {strides = array<i32>} : memref<640xi32, #tpu.memory_space<vmem>>, vector<16xi32>,
    %broadcast_in_dim3A_518 = vector.broadcast %add3A_510 : i32 to vector<16xi32>
    %broadcast_in_dim3A_519 = vector.broadcast %sub3A_508 : i32 to vector<16xi32>
    %gather3A_520 = tpu.vector_load_idx %arg9[%broadcast_in_dim3A_518, %broadcast_in_dim3A_519] : memref<20x16xi32, #tpu.memory_space<vmem>>[vector<16xi32>, vector<16xi32>], vector<16xi32>,
    %swap3A_521 = arith.constant 112 : index
    %swap3A_522 = tpu.vector_load %arg12[%swap3A_521] {strides = array<i32>} : memref<640xi32, #tpu.memory_space<vmem>>, vector<16xi32>,
    tpu.vector_store %arg12[%swap3A_521], %gather3A_520 {strides = array<i32>} : memref<640xi32, #tpu.memory_space<vmem>>, vector<16xi32>,
    %reduce_max3A_523 = arith.constant true
    %reduce_max3A_524 = vector.broadcast %reduce_max3A_523 : i1 to vector<16xi1>
    %reduce_max3A_525 = tpu.scan <max>, %select_n3A_468 masked %reduce_max3A_524 : vector<16xf32>, vector<16xi1> -> vector<16xf32>
    %reduce_max3A_526 = vector.extract %reduce_max3A_525[15] : f32 from vector<16xf32>
    %reduce_max3A_527 = arith.constant true
    %reduce_max3A_528 = vector.broadcast %reduce_max3A_527 : i1 to vector<16xi1>
    %reduce_max3A_529 = tpu.scan <max>, %select_n3A_476 masked %reduce_max3A_528 : vector<16xf32>, vector<16xi1> -> vector<16xf32>
    %reduce_max3A_530 = vector.extract %reduce_max3A_529[15] : f32 from vector<16xf32>
    %max3A_531 = arith.maximumf %reduce_max3A_526, %reduce_max3A_530 : f32
    %eq3A_532 = vector.broadcast %max3A_531 : f32 to vector<16xf32>
    %eq3A_533 = arith.cmpf oeq, %select_n3A_468, %eq3A_532 : vector<16xf32>
    %jit3A_534 = arith.constant 1073741824 : i32
    %broadcast_in_dim3A_535 = vector.broadcast %jit3A_534 : i32 to vector<16xi32>
    %select_n3A_536 = arith.select %eq3A_533, %iota3A, %broadcast_in_dim3A_535 : vector<16xi1>, vector<16xi32>
    %reduce_min3A_537 = arith.constant true
    %reduce_min3A_538 = vector.broadcast %reduce_min3A_537 : i1 to vector<16xi1>
    %reduce_min3A_539 = arith.constant -2147483648 : i32
    %reduce_min3A_540 = vector.broadcast %reduce_min3A_539 : i32 to vector<16xi32>
    %reduce_min3A_541 = arith.xori %select_n3A_536, %reduce_min3A_540 : vector<16xi32>
    %reduce_min3A_542 = tpu.scan <min>, %reduce_min3A_541 masked %reduce_min3A_538 : vector<16xi32>, vector<16xi1> -> vector<16xi32>
    %reduce_min3A_543 = arith.xori %reduce_min3A_542, %reduce_min3A_540 : vector<16xi32>
    %reduce_min3A_544 = vector.extract %reduce_min3A_543[15] : i32 from vector<16xi32>
    %eq3A_545 = vector.broadcast %max3A_531 : f32 to vector<16xf32>
    %eq3A_546 = arith.cmpf oeq, %select_n3A_476, %eq3A_545 : vector<16xf32>
    %jit3A_547 = arith.constant 1073741824 : i32
    %broadcast_in_dim3A_548 = vector.broadcast %jit3A_547 : i32 to vector<16xi32>
    %select_n3A_549 = arith.select %eq3A_546, %add3A_54, %broadcast_in_dim3A_548 : vector<16xi1>, vector<16xi32>
    %reduce_min3A_550 = arith.constant true
    %reduce_min3A_551 = vector.broadcast %reduce_min3A_550 : i1 to vector<16xi1>
    %reduce_min3A_552 = arith.constant -2147483648 : i32
    %reduce_min3A_553 = vector.broadcast %reduce_min3A_552 : i32 to vector<16xi32>
    %reduce_min3A_554 = arith.xori %select_n3A_549, %reduce_min3A_553 : vector<16xi32>
    %reduce_min3A_555 = tpu.scan <min>, %reduce_min3A_554 masked %reduce_min3A_551 : vector<16xi32>, vector<16xi1> -> vector<16xi32>
    %reduce_min3A_556 = arith.xori %reduce_min3A_555, %reduce_min3A_553 : vector<16xi32>
    %reduce_min3A_557 = vector.extract %reduce_min3A_556[15] : i32 from vector<16xi32>
    %min3A_558 = arith.minsi %reduce_min3A_544, %reduce_min3A_557 : i32
    %eq3A_559 = vector.broadcast %max3A_531 : f32 to vector<16xf32>
    %eq3A_560 = arith.cmpf oeq, %select_n3A_468, %eq3A_559 : vector<16xf32>
    %eq3A_561 = vector.broadcast %min3A_558 : i32 to vector<16xi32>
    %eq3A_562 = arith.cmpi eq, %iota3A, %eq3A_561 : vector<16xi32>
    %and3A_563 = arith.andi %eq3A_560, %eq3A_562 : vector<16xi1>
    %jit3A_564 = arith.constant -3.000000e+38 : f32
    %broadcast_in_dim3A_565 = vector.broadcast %jit3A_564 : f32 to vector<16xf32>
    %select_n3A_566 = arith.select %and3A_563, %broadcast_in_dim3A_565, %select_n3A_468 : vector<16xi1>, vector<16xf32>
    %eq3A_567 = vector.broadcast %max3A_531 : f32 to vector<16xf32>
    %eq3A_568 = arith.cmpf oeq, %select_n3A_476, %eq3A_567 : vector<16xf32>
    %eq3A_569 = vector.broadcast %min3A_558 : i32 to vector<16xi32>
    %eq3A_570 = arith.cmpi eq, %add3A_54, %eq3A_569 : vector<16xi32>
    %and3A_571 = arith.andi %eq3A_568, %eq3A_570 : vector<16xi1>
    %jit3A_572 = arith.constant -3.000000e+38 : f32
    %broadcast_in_dim3A_573 = vector.broadcast %jit3A_572 : f32 to vector<16xf32>
    %select_n3A_574 = arith.select %and3A_571, %broadcast_in_dim3A_573, %select_n3A_476 : vector<16xi1>, vector<16xf32>
    %eq3A_575 = arith.constant 4 : i32
    %eq3A_576 = vector.broadcast %eq3A_575 : i32 to vector<16xi32>
    %eq3A_577 = arith.cmpi eq, %iota3A, %eq3A_576 : vector<16xi32>
    %broadcast_in_dim3A_578 = vector.broadcast %max3A_531 : f32 to vector<16xf32>
    %select_n3A_579 = arith.select %eq3A_577, %broadcast_in_dim3A_578, %select_n3A_481 : vector<16xi1>, vector<16xf32>
    %jit3A_580 = arith.constant 5 : i32
    %div3A_581 = arith.divsi %min3A_558, %jit3A_580 : i32
    %sign3A_582 = arith.constant 0 : i32
    %sign3A_583 = arith.cmpi sgt, %min3A_558, %sign3A_582 : i32
    %sign3A_584 = arith.extui %sign3A_583 : i1 to i32
    %sign3A_585 = arith.constant 0 : i32
    %sign3A_586 = arith.cmpi slt, %min3A_558, %sign3A_585 : i32
    %sign3A_587 = arith.extui %sign3A_586 : i1 to i32
    %sign3A_588 = arith.subi %sign3A_584, %sign3A_587 : i32
    %sign3A_589 = arith.constant 0 : i32
    %sign3A_590 = arith.cmpi sgt, %jit3A_580, %sign3A_589 : i32
    %sign3A_591 = arith.extui %sign3A_590 : i1 to i32
    %sign3A_592 = arith.constant 0 : i32
    %sign3A_593 = arith.cmpi slt, %jit3A_580, %sign3A_592 : i32
    %sign3A_594 = arith.extui %sign3A_593 : i1 to i32
    %sign3A_595 = arith.subi %sign3A_591, %sign3A_594 : i32
    %ne3A_596 = arith.cmpi ne, %sign3A_588, %sign3A_595 : i32
    %rem3A_597 = arith.remsi %min3A_558, %jit3A_580 : i32
    %ne3A_598 = arith.constant 0 : i32
    %ne3A_599 = arith.cmpi ne, %rem3A_597, %ne3A_598 : i32
    %and3A_600 = arith.andi %ne3A_596, %ne3A_599 : i1
    %sub3A_601 = arith.constant 1 : i32
    %sub3A_602 = arith.subi %div3A_581, %sub3A_601 : i32
    %select_n3A_603 = arith.select %and3A_600, %sub3A_602, %div3A_581 : i32
    %mul3A_604 = arith.constant 5 : i32
    %mul3A_605 = arith.muli %select_n3A_603, %mul3A_604 : i32
    %sub3A_606 = arith.subi %min3A_558, %mul3A_605 : i32
    %add3A_607 = arith.constant 0 : i32
    %add3A_608 = arith.addi %add3A_607, %select_n3A_603 : i32
    %mul3A_609 = arith.constant 16 : i32
    %mul3A_610 = arith.muli %add3A_608, %mul3A_609 : i32
    %add3A_611 = vector.broadcast %mul3A_610 : i32 to vector<16xi32>
    %add3A_612 = arith.addi %add3A_611, %iota3A : vector<16xi32>
    %gather3A_613 = tpu.vector_load_idx %arg10[%add3A_612] : memref<320xi32, #tpu.memory_space<vmem>>[vector<16xi32>], vector<16xi32>,
    %swap3A_614 = arith.constant 128 : index
    %swap3A_615 = tpu.vector_load %arg12[%swap3A_614] {strides = array<i32>} : memref<640xi32, #tpu.memory_space<vmem>>, vector<16xi32>,
    tpu.vector_store %arg12[%swap3A_614], %gather3A_613 {strides = array<i32>} : memref<640xi32, #tpu.memory_space<vmem>>, vector<16xi32>,
    %broadcast_in_dim3A_616 = vector.broadcast %add3A_608 : i32 to vector<16xi32>
    %broadcast_in_dim3A_617 = vector.broadcast %sub3A_606 : i32 to vector<16xi32>
    %gather3A_618 = tpu.vector_load_idx %arg9[%broadcast_in_dim3A_616, %broadcast_in_dim3A_617] : memref<20x16xi32, #tpu.memory_space<vmem>>[vector<16xi32>, vector<16xi32>], vector<16xi32>,
    %swap3A_619 = arith.constant 144 : index
    %swap3A_620 = tpu.vector_load %arg12[%swap3A_619] {strides = array<i32>} : memref<640xi32, #tpu.memory_space<vmem>>, vector<16xi32>,
    tpu.vector_store %arg12[%swap3A_619], %gather3A_618 {strides = array<i32>} : memref<640xi32, #tpu.memory_space<vmem>>, vector<16xi32>,
    %swap3A_621 = arith.constant 0 : index
    %swap3A_622 = tpu.vector_load %arg13[%swap3A_621] {strides = array<i32>} : memref<64xf32, #tpu.memory_space<vmem>>, vector<16xf32>,
    tpu.vector_store %arg13[%swap3A_621], %select_n3A_579 {strides = array<i32>} : memref<64xf32, #tpu.memory_space<vmem>>, vector<16xf32>,
    %mul3A_623 = arith.constant 4 : i32
    %mul3A_624 = arith.muli %add3A, %mul3A_623 : i32
    %add3A_625 = arith.constant 1 : i32
    %add3A_626 = arith.addi %mul3A_624, %add3A_625 : i32
    %jit3A_627 = arith.constant 5 : i32
    %div3A_628 = vector.broadcast %jit3A_627 : i32 to vector<16xi32>
    %div3A_629 = arith.divsi %iota3A, %div3A_628 : vector<16xi32>
    %sign3A_630 = arith.constant 0 : i32
    %sign3A_631 = vector.broadcast %sign3A_630 : i32 to vector<16xi32>
    %sign3A_632 = arith.cmpi sgt, %iota3A, %sign3A_631 : vector<16xi32>
    %sign3A_633 = arith.extui %sign3A_632 : vector<16xi1> to vector<16xi32>
    %sign3A_634 = arith.constant 0 : i32
    %sign3A_635 = vector.broadcast %sign3A_634 : i32 to vector<16xi32>
    %sign3A_636 = arith.cmpi slt, %iota3A, %sign3A_635 : vector<16xi32>
    %sign3A_637 = arith.extui %sign3A_636 : vector<16xi1> to vector<16xi32>
    %sign3A_638 = arith.subi %sign3A_633, %sign3A_637 : vector<16xi32>
    %sign3A_639 = arith.constant 0 : i32
    %sign3A_640 = arith.cmpi sgt, %jit3A_627, %sign3A_639 : i32
    %sign3A_641 = arith.extui %sign3A_640 : i1 to i32
    %sign3A_642 = arith.constant 0 : i32
    %sign3A_643 = arith.cmpi slt, %jit3A_627, %sign3A_642 : i32
    %sign3A_644 = arith.extui %sign3A_643 : i1 to i32
    %sign3A_645 = arith.subi %sign3A_641, %sign3A_644 : i32
    %ne3A_646 = vector.broadcast %sign3A_645 : i32 to vector<16xi32>
    %ne3A_647 = arith.cmpi ne, %sign3A_638, %ne3A_646 : vector<16xi32>
    %rem3A_648 = vector.broadcast %jit3A_627 : i32 to vector<16xi32>
    %rem3A_649 = arith.remsi %iota3A, %rem3A_648 : vector<16xi32>
    %ne3A_650 = arith.constant 0 : i32
    %ne3A_651 = vector.broadcast %ne3A_650 : i32 to vector<16xi32>
    %ne3A_652 = arith.cmpi ne, %rem3A_649, %ne3A_651 : vector<16xi32>
    %and3A_653 = arith.andi %ne3A_647, %ne3A_652 : vector<16xi1>
    %sub3A_654 = arith.constant 1 : i32
    %sub3A_655 = vector.broadcast %sub3A_654 : i32 to vector<16xi32>
    %sub3A_656 = arith.subi %div3A_629, %sub3A_655 : vector<16xi32>
    %select_n3A_657 = arith.select %and3A_653, %sub3A_656, %div3A_629 : vector<16xi1>, vector<16xi32>
    %mul3A_658 = arith.constant 5 : i32
    %mul3A_659 = vector.broadcast %mul3A_658 : i32 to vector<16xi32>
    %mul3A_660 = arith.muli %select_n3A_657, %mul3A_659 : vector<16xi32>
    %sub3A_661 = arith.subi %iota3A, %mul3A_660 : vector<16xi32>
    %mul3A_662 = arith.constant 5 : i32
    %mul3A_663 = arith.muli %add3A_626, %mul3A_662 : i32
    %add3A_664 = vector.broadcast %mul3A_663 : i32 to vector<16xi32>
    %add3A_665 = arith.addi %add3A_664, %select_n3A_657 : vector<16xi32>
    %gather3A_666 = tpu.vector_load_idx %arg11[%add3A_665] : memref<640xf32, #tpu.memory_space<vmem>>[vector<16xi32>], vector<16xf32>,
    %add3A_667 = arith.constant 5 : i32
    %add3A_668 = vector.broadcast %add3A_667 : i32 to vector<16xi32>
    %add3A_669 = arith.addi %add3A_668, %select_n3A_657 : vector<16xi32>
    %gather3A_670 = tpu.vector_load_idx %arg8[%add3A_669, %sub3A_661] : memref<20x16xf32, #tpu.memory_space<vmem>>[vector<16xi32>, vector<16xi32>], vector<16xf32>,
    %add3A_671 = arith.addf %gather3A_666, %gather3A_670 : vector<16xf32>
    %add3A_672 = arith.constant 16 : i32
    %add3A_673 = vector.broadcast %add3A_672 : i32 to vector<16xi32>
    %add3A_674 = arith.addi %iota3A, %add3A_673 : vector<16xi32>
    %jit3A_675 = arith.constant 5 : i32
    %div3A_676 = vector.broadcast %jit3A_675 : i32 to vector<16xi32>
    %div3A_677 = arith.divsi %add3A_674, %div3A_676 : vector<16xi32>
    %sign3A_678 = arith.constant 0 : i32
    %sign3A_679 = vector.broadcast %sign3A_678 : i32 to vector<16xi32>
    %sign3A_680 = arith.cmpi sgt, %add3A_674, %sign3A_679 : vector<16xi32>
    %sign3A_681 = arith.extui %sign3A_680 : vector<16xi1> to vector<16xi32>
    %sign3A_682 = arith.constant 0 : i32
    %sign3A_683 = vector.broadcast %sign3A_682 : i32 to vector<16xi32>
    %sign3A_684 = arith.cmpi slt, %add3A_674, %sign3A_683 : vector<16xi32>
    %sign3A_685 = arith.extui %sign3A_684 : vector<16xi1> to vector<16xi32>
    %sign3A_686 = arith.subi %sign3A_681, %sign3A_685 : vector<16xi32>
    %sign3A_687 = arith.constant 0 : i32
    %sign3A_688 = arith.cmpi sgt, %jit3A_675, %sign3A_687 : i32
    %sign3A_689 = arith.extui %sign3A_688 : i1 to i32
    %sign3A_690 = arith.constant 0 : i32
    %sign3A_691 = arith.cmpi slt, %jit3A_675, %sign3A_690 : i32
    %sign3A_692 = arith.extui %sign3A_691 : i1 to i32
    %sign3A_693 = arith.subi %sign3A_689, %sign3A_692 : i32
    %ne3A_694 = vector.broadcast %sign3A_693 : i32 to vector<16xi32>
    %ne3A_695 = arith.cmpi ne, %sign3A_686, %ne3A_694 : vector<16xi32>
    %rem3A_696 = vector.broadcast %jit3A_675 : i32 to vector<16xi32>
    %rem3A_697 = arith.remsi %add3A_674, %rem3A_696 : vector<16xi32>
    %ne3A_698 = arith.constant 0 : i32
    %ne3A_699 = vector.broadcast %ne3A_698 : i32 to vector<16xi32>
    %ne3A_700 = arith.cmpi ne, %rem3A_697, %ne3A_699 : vector<16xi32>
    %and3A_701 = arith.andi %ne3A_695, %ne3A_700 : vector<16xi1>
    %sub3A_702 = arith.constant 1 : i32
    %sub3A_703 = vector.broadcast %sub3A_702 : i32 to vector<16xi32>
    %sub3A_704 = arith.subi %div3A_677, %sub3A_703 : vector<16xi32>
    %select_n3A_705 = arith.select %and3A_701, %sub3A_704, %div3A_677 : vector<16xi1>, vector<16xi32>
    %min3A_706 = arith.constant 4 : i32
    %min3A_707 = vector.broadcast %min3A_706 : i32 to vector<16xi32>
    %min3A_708 = arith.minsi %select_n3A_705, %min3A_707 : vector<16xi32>
    %jit3A_709 = arith.constant 5 : i32
    %div3A_710 = vector.broadcast %jit3A_709 : i32 to vector<16xi32>
    %div3A_711 = arith.divsi %add3A_674, %div3A_710 : vector<16xi32>
    %sign3A_712 = arith.constant 0 : i32
    %sign3A_713 = vector.broadcast %sign3A_712 : i32 to vector<16xi32>
    %sign3A_714 = arith.cmpi sgt, %add3A_674, %sign3A_713 : vector<16xi32>
    %sign3A_715 = arith.extui %sign3A_714 : vector<16xi1> to vector<16xi32>
    %sign3A_716 = arith.constant 0 : i32
    %sign3A_717 = vector.broadcast %sign3A_716 : i32 to vector<16xi32>
    %sign3A_718 = arith.cmpi slt, %add3A_674, %sign3A_717 : vector<16xi32>
    %sign3A_719 = arith.extui %sign3A_718 : vector<16xi1> to vector<16xi32>
    %sign3A_720 = arith.subi %sign3A_715, %sign3A_719 : vector<16xi32>
    %sign3A_721 = arith.constant 0 : i32
    %sign3A_722 = arith.cmpi sgt, %jit3A_709, %sign3A_721 : i32
    %sign3A_723 = arith.extui %sign3A_722 : i1 to i32
    %sign3A_724 = arith.constant 0 : i32
    %sign3A_725 = arith.cmpi slt, %jit3A_709, %sign3A_724 : i32
    %sign3A_726 = arith.extui %sign3A_725 : i1 to i32
    %sign3A_727 = arith.subi %sign3A_723, %sign3A_726 : i32
    %ne3A_728 = vector.broadcast %sign3A_727 : i32 to vector<16xi32>
    %ne3A_729 = arith.cmpi ne, %sign3A_720, %ne3A_728 : vector<16xi32>
    %rem3A_730 = vector.broadcast %jit3A_709 : i32 to vector<16xi32>
    %rem3A_731 = arith.remsi %add3A_674, %rem3A_730 : vector<16xi32>
    %ne3A_732 = arith.constant 0 : i32
    %ne3A_733 = vector.broadcast %ne3A_732 : i32 to vector<16xi32>
    %ne3A_734 = arith.cmpi ne, %rem3A_731, %ne3A_733 : vector<16xi32>
    %and3A_735 = arith.andi %ne3A_729, %ne3A_734 : vector<16xi1>
    %sub3A_736 = arith.constant 1 : i32
    %sub3A_737 = vector.broadcast %sub3A_736 : i32 to vector<16xi32>
    %sub3A_738 = arith.subi %div3A_711, %sub3A_737 : vector<16xi32>
    %select_n3A_739 = arith.select %and3A_735, %sub3A_738, %div3A_711 : vector<16xi1>, vector<16xi32>
    %mul3A_740 = arith.constant 5 : i32
    %mul3A_741 = vector.broadcast %mul3A_740 : i32 to vector<16xi32>
    %mul3A_742 = arith.muli %select_n3A_739, %mul3A_741 : vector<16xi32>
    %sub3A_743 = arith.subi %add3A_674, %mul3A_742 : vector<16xi32>
    %lt3A_744 = arith.constant 25 : i32
    %lt3A_745 = vector.broadcast %lt3A_744 : i32 to vector<16xi32>
    %lt3A_746 = arith.cmpi slt, %add3A_674, %lt3A_745 : vector<16xi32>
    %mul3A_747 = arith.constant 5 : i32
    %mul3A_748 = arith.muli %add3A_626, %mul3A_747 : i32
    %add3A_749 = vector.broadcast %mul3A_748 : i32 to vector<16xi32>
    %add3A_750 = arith.addi %add3A_749, %min3A_708 : vector<16xi32>
    %gather3A_751 = tpu.vector_load_idx %arg11[%add3A_750] : memref<640xf32, #tpu.memory_space<vmem>>[vector<16xi32>], vector<16xf32>,
    %add3A_752 = arith.constant 5 : i32
    %add3A_753 = vector.broadcast %add3A_752 : i32 to vector<16xi32>
    %add3A_754 = arith.addi %add3A_753, %min3A_708 : vector<16xi32>
    %gather3A_755 = tpu.vector_load_idx %arg8[%add3A_754, %sub3A_743] : memref<20x16xf32, #tpu.memory_space<vmem>>[vector<16xi32>, vector<16xi32>], vector<16xf32>,
    %add3A_756 = arith.addf %gather3A_751, %gather3A_755 : vector<16xf32>
    %select_n3A_757 = arith.select %lt3A_746, %add3A_756, %broadcast_in_dim3A_5 : vector<16xi1>, vector<16xf32>
    %reduce_max3A_758 = arith.constant true
    %reduce_max3A_759 = vector.broadcast %reduce_max3A_758 : i1 to vector<16xi1>
    %reduce_max3A_760 = tpu.scan <max>, %add3A_671 masked %reduce_max3A_759 : vector<16xf32>, vector<16xi1> -> vector<16xf32>
    %reduce_max3A_761 = vector.extract %reduce_max3A_760[15] : f32 from vector<16xf32>
    %reduce_max3A_762 = arith.constant true
    %reduce_max3A_763 = vector.broadcast %reduce_max3A_762 : i1 to vector<16xi1>
    %reduce_max3A_764 = tpu.scan <max>, %select_n3A_757 masked %reduce_max3A_763 : vector<16xf32>, vector<16xi1> -> vector<16xf32>
    %reduce_max3A_765 = vector.extract %reduce_max3A_764[15] : f32 from vector<16xf32>
    %max3A_766 = arith.maximumf %reduce_max3A_761, %reduce_max3A_765 : f32
    %eq3A_767 = vector.broadcast %max3A_766 : f32 to vector<16xf32>
    %eq3A_768 = arith.cmpf oeq, %add3A_671, %eq3A_767 : vector<16xf32>
    %jit3A_769 = arith.constant 1073741824 : i32
    %broadcast_in_dim3A_770 = vector.broadcast %jit3A_769 : i32 to vector<16xi32>
    %select_n3A_771 = arith.select %eq3A_768, %iota3A, %broadcast_in_dim3A_770 : vector<16xi1>, vector<16xi32>
    %reduce_min3A_772 = arith.constant true
    %reduce_min3A_773 = vector.broadcast %reduce_min3A_772 : i1 to vector<16xi1>
    %reduce_min3A_774 = arith.constant -2147483648 : i32
    %reduce_min3A_775 = vector.broadcast %reduce_min3A_774 : i32 to vector<16xi32>
    %reduce_min3A_776 = arith.xori %select_n3A_771, %reduce_min3A_775 : vector<16xi32>
    %reduce_min3A_777 = tpu.scan <min>, %reduce_min3A_776 masked %reduce_min3A_773 : vector<16xi32>, vector<16xi1> -> vector<16xi32>
    %reduce_min3A_778 = arith.xori %reduce_min3A_777, %reduce_min3A_775 : vector<16xi32>
    %reduce_min3A_779 = vector.extract %reduce_min3A_778[15] : i32 from vector<16xi32>
    %eq3A_780 = vector.broadcast %max3A_766 : f32 to vector<16xf32>
    %eq3A_781 = arith.cmpf oeq, %select_n3A_757, %eq3A_780 : vector<16xf32>
    %jit3A_782 = arith.constant 1073741824 : i32
    %broadcast_in_dim3A_783 = vector.broadcast %jit3A_782 : i32 to vector<16xi32>
    %select_n3A_784 = arith.select %eq3A_781, %add3A_674, %broadcast_in_dim3A_783 : vector<16xi1>, vector<16xi32>
    %reduce_min3A_785 = arith.constant true
    %reduce_min3A_786 = vector.broadcast %reduce_min3A_785 : i1 to vector<16xi1>
    %reduce_min3A_787 = arith.constant -2147483648 : i32
    %reduce_min3A_788 = vector.broadcast %reduce_min3A_787 : i32 to vector<16xi32>
    %reduce_min3A_789 = arith.xori %select_n3A_784, %reduce_min3A_788 : vector<16xi32>
    %reduce_min3A_790 = tpu.scan <min>, %reduce_min3A_789 masked %reduce_min3A_786 : vector<16xi32>, vector<16xi1> -> vector<16xi32>
    %reduce_min3A_791 = arith.xori %reduce_min3A_790, %reduce_min3A_788 : vector<16xi32>
    %reduce_min3A_792 = vector.extract %reduce_min3A_791[15] : i32 from vector<16xi32>
    %min3A_793 = arith.minsi %reduce_min3A_779, %reduce_min3A_792 : i32
    %eq3A_794 = vector.broadcast %max3A_766 : f32 to vector<16xf32>
    %eq3A_795 = arith.cmpf oeq, %add3A_671, %eq3A_794 : vector<16xf32>
    %eq3A_796 = vector.broadcast %min3A_793 : i32 to vector<16xi32>
    %eq3A_797 = arith.cmpi eq, %iota3A, %eq3A_796 : vector<16xi32>
    %and3A_798 = arith.andi %eq3A_795, %eq3A_797 : vector<16xi1>
    %jit3A_799 = arith.constant -3.000000e+38 : f32
    %broadcast_in_dim3A_800 = vector.broadcast %jit3A_799 : f32 to vector<16xf32>
    %select_n3A_801 = arith.select %and3A_798, %broadcast_in_dim3A_800, %add3A_671 : vector<16xi1>, vector<16xf32>
    %eq3A_802 = vector.broadcast %max3A_766 : f32 to vector<16xf32>
    %eq3A_803 = arith.cmpf oeq, %select_n3A_757, %eq3A_802 : vector<16xf32>
    %eq3A_804 = vector.broadcast %min3A_793 : i32 to vector<16xi32>
    %eq3A_805 = arith.cmpi eq, %add3A_674, %eq3A_804 : vector<16xi32>
    %and3A_806 = arith.andi %eq3A_803, %eq3A_805 : vector<16xi1>
    %jit3A_807 = arith.constant -3.000000e+38 : f32
    %broadcast_in_dim3A_808 = vector.broadcast %jit3A_807 : f32 to vector<16xf32>
    %select_n3A_809 = arith.select %and3A_806, %broadcast_in_dim3A_808, %select_n3A_757 : vector<16xi1>, vector<16xf32>
    %eq3A_810 = arith.constant 0 : i32
    %eq3A_811 = vector.broadcast %eq3A_810 : i32 to vector<16xi32>
    %eq3A_812 = arith.cmpi eq, %iota3A, %eq3A_811 : vector<16xi32>
    %broadcast_in_dim3A_813 = vector.broadcast %max3A_766 : f32 to vector<16xf32>
    %select_n3A_814 = arith.select %eq3A_812, %broadcast_in_dim3A_813, %broadcast_in_dim3A_5 : vector<16xi1>, vector<16xf32>
    %jit3A_815 = arith.constant 5 : i32
    %div3A_816 = arith.divsi %min3A_793, %jit3A_815 : i32
    %sign3A_817 = arith.constant 0 : i32
    %sign3A_818 = arith.cmpi sgt, %min3A_793, %sign3A_817 : i32
    %sign3A_819 = arith.extui %sign3A_818 : i1 to i32
    %sign3A_820 = arith.constant 0 : i32
    %sign3A_821 = arith.cmpi slt, %min3A_793, %sign3A_820 : i32
    %sign3A_822 = arith.extui %sign3A_821 : i1 to i32
    %sign3A_823 = arith.subi %sign3A_819, %sign3A_822 : i32
    %sign3A_824 = arith.constant 0 : i32
    %sign3A_825 = arith.cmpi sgt, %jit3A_815, %sign3A_824 : i32
    %sign3A_826 = arith.extui %sign3A_825 : i1 to i32
    %sign3A_827 = arith.constant 0 : i32
    %sign3A_828 = arith.cmpi slt, %jit3A_815, %sign3A_827 : i32
    %sign3A_829 = arith.extui %sign3A_828 : i1 to i32
    %sign3A_830 = arith.subi %sign3A_826, %sign3A_829 : i32
    %ne3A_831 = arith.cmpi ne, %sign3A_823, %sign3A_830 : i32
    %rem3A_832 = arith.remsi %min3A_793, %jit3A_815 : i32
    %ne3A_833 = arith.constant 0 : i32
    %ne3A_834 = arith.cmpi ne, %rem3A_832, %ne3A_833 : i32
    %and3A_835 = arith.andi %ne3A_831, %ne3A_834 : i1
    %sub3A_836 = arith.constant 1 : i32
    %sub3A_837 = arith.subi %div3A_816, %sub3A_836 : i32
    %select_n3A_838 = arith.select %and3A_835, %sub3A_837, %div3A_816 : i32
    %mul3A_839 = arith.constant 5 : i32
    %mul3A_840 = arith.muli %select_n3A_838, %mul3A_839 : i32
    %sub3A_841 = arith.subi %min3A_793, %mul3A_840 : i32
    %add3A_842 = arith.constant 5 : i32
    %add3A_843 = arith.addi %add3A_842, %select_n3A_838 : i32
    %mul3A_844 = arith.constant 16 : i32
    %mul3A_845 = arith.muli %add3A_843, %mul3A_844 : i32
    %add3A_846 = vector.broadcast %mul3A_845 : i32 to vector<16xi32>
    %add3A_847 = arith.addi %add3A_846, %iota3A : vector<16xi32>
    %gather3A_848 = tpu.vector_load_idx %arg10[%add3A_847] : memref<320xi32, #tpu.memory_space<vmem>>[vector<16xi32>], vector<16xi32>,
    %swap3A_849 = arith.constant 160 : index
    %swap3A_850 = tpu.vector_load %arg12[%swap3A_849] {strides = array<i32>} : memref<640xi32, #tpu.memory_space<vmem>>, vector<16xi32>,
    tpu.vector_store %arg12[%swap3A_849], %gather3A_848 {strides = array<i32>} : memref<640xi32, #tpu.memory_space<vmem>>, vector<16xi32>,
    %broadcast_in_dim3A_851 = vector.broadcast %add3A_843 : i32 to vector<16xi32>
    %broadcast_in_dim3A_852 = vector.broadcast %sub3A_841 : i32 to vector<16xi32>
    %gather3A_853 = tpu.vector_load_idx %arg9[%broadcast_in_dim3A_851, %broadcast_in_dim3A_852] : memref<20x16xi32, #tpu.memory_space<vmem>>[vector<16xi32>, vector<16xi32>], vector<16xi32>,
    %swap3A_854 = arith.constant 176 : index
    %swap3A_855 = tpu.vector_load %arg12[%swap3A_854] {strides = array<i32>} : memref<640xi32, #tpu.memory_space<vmem>>, vector<16xi32>,
    tpu.vector_store %arg12[%swap3A_854], %gather3A_853 {strides = array<i32>} : memref<640xi32, #tpu.memory_space<vmem>>, vector<16xi32>,
    %reduce_max3A_856 = arith.constant true
    %reduce_max3A_857 = vector.broadcast %reduce_max3A_856 : i1 to vector<16xi1>
    %reduce_max3A_858 = tpu.scan <max>, %select_n3A_801 masked %reduce_max3A_857 : vector<16xf32>, vector<16xi1> -> vector<16xf32>
    %reduce_max3A_859 = vector.extract %reduce_max3A_858[15] : f32 from vector<16xf32>
    %reduce_max3A_860 = arith.constant true
    %reduce_max3A_861 = vector.broadcast %reduce_max3A_860 : i1 to vector<16xi1>
    %reduce_max3A_862 = tpu.scan <max>, %select_n3A_809 masked %reduce_max3A_861 : vector<16xf32>, vector<16xi1> -> vector<16xf32>
    %reduce_max3A_863 = vector.extract %reduce_max3A_862[15] : f32 from vector<16xf32>
    %max3A_864 = arith.maximumf %reduce_max3A_859, %reduce_max3A_863 : f32
    %eq3A_865 = vector.broadcast %max3A_864 : f32 to vector<16xf32>
    %eq3A_866 = arith.cmpf oeq, %select_n3A_801, %eq3A_865 : vector<16xf32>
    %jit3A_867 = arith.constant 1073741824 : i32
    %broadcast_in_dim3A_868 = vector.broadcast %jit3A_867 : i32 to vector<16xi32>
    %select_n3A_869 = arith.select %eq3A_866, %iota3A, %broadcast_in_dim3A_868 : vector<16xi1>, vector<16xi32>
    %reduce_min3A_870 = arith.constant true
    %reduce_min3A_871 = vector.broadcast %reduce_min3A_870 : i1 to vector<16xi1>
    %reduce_min3A_872 = arith.constant -2147483648 : i32
    %reduce_min3A_873 = vector.broadcast %reduce_min3A_872 : i32 to vector<16xi32>
    %reduce_min3A_874 = arith.xori %select_n3A_869, %reduce_min3A_873 : vector<16xi32>
    %reduce_min3A_875 = tpu.scan <min>, %reduce_min3A_874 masked %reduce_min3A_871 : vector<16xi32>, vector<16xi1> -> vector<16xi32>
    %reduce_min3A_876 = arith.xori %reduce_min3A_875, %reduce_min3A_873 : vector<16xi32>
    %reduce_min3A_877 = vector.extract %reduce_min3A_876[15] : i32 from vector<16xi32>
    %eq3A_878 = vector.broadcast %max3A_864 : f32 to vector<16xf32>
    %eq3A_879 = arith.cmpf oeq, %select_n3A_809, %eq3A_878 : vector<16xf32>
    %jit3A_880 = arith.constant 1073741824 : i32
    %broadcast_in_dim3A_881 = vector.broadcast %jit3A_880 : i32 to vector<16xi32>
    %select_n3A_882 = arith.select %eq3A_879, %add3A_674, %broadcast_in_dim3A_881 : vector<16xi1>, vector<16xi32>
    %reduce_min3A_883 = arith.constant true
    %reduce_min3A_884 = vector.broadcast %reduce_min3A_883 : i1 to vector<16xi1>
    %reduce_min3A_885 = arith.constant -2147483648 : i32
    %reduce_min3A_886 = vector.broadcast %reduce_min3A_885 : i32 to vector<16xi32>
    %reduce_min3A_887 = arith.xori %select_n3A_882, %reduce_min3A_886 : vector<16xi32>
    %reduce_min3A_888 = tpu.scan <min>, %reduce_min3A_887 masked %reduce_min3A_884 : vector<16xi32>, vector<16xi1> -> vector<16xi32>
    %reduce_min3A_889 = arith.xori %reduce_min3A_888, %reduce_min3A_886 : vector<16xi32>
    %reduce_min3A_890 = vector.extract %reduce_min3A_889[15] : i32 from vector<16xi32>
    %min3A_891 = arith.minsi %reduce_min3A_877, %reduce_min3A_890 : i32
    %eq3A_892 = vector.broadcast %max3A_864 : f32 to vector<16xf32>
    %eq3A_893 = arith.cmpf oeq, %select_n3A_801, %eq3A_892 : vector<16xf32>
    %eq3A_894 = vector.broadcast %min3A_891 : i32 to vector<16xi32>
    %eq3A_895 = arith.cmpi eq, %iota3A, %eq3A_894 : vector<16xi32>
    %and3A_896 = arith.andi %eq3A_893, %eq3A_895 : vector<16xi1>
    %jit3A_897 = arith.constant -3.000000e+38 : f32
    %broadcast_in_dim3A_898 = vector.broadcast %jit3A_897 : f32 to vector<16xf32>
    %select_n3A_899 = arith.select %and3A_896, %broadcast_in_dim3A_898, %select_n3A_801 : vector<16xi1>, vector<16xf32>
    %eq3A_900 = vector.broadcast %max3A_864 : f32 to vector<16xf32>
    %eq3A_901 = arith.cmpf oeq, %select_n3A_809, %eq3A_900 : vector<16xf32>
    %eq3A_902 = vector.broadcast %min3A_891 : i32 to vector<16xi32>
    %eq3A_903 = arith.cmpi eq, %add3A_674, %eq3A_902 : vector<16xi32>
    %and3A_904 = arith.andi %eq3A_901, %eq3A_903 : vector<16xi1>
    %jit3A_905 = arith.constant -3.000000e+38 : f32
    %broadcast_in_dim3A_906 = vector.broadcast %jit3A_905 : f32 to vector<16xf32>
    %select_n3A_907 = arith.select %and3A_904, %broadcast_in_dim3A_906, %select_n3A_809 : vector<16xi1>, vector<16xf32>
    %eq3A_908 = arith.constant 1 : i32
    %eq3A_909 = vector.broadcast %eq3A_908 : i32 to vector<16xi32>
    %eq3A_910 = arith.cmpi eq, %iota3A, %eq3A_909 : vector<16xi32>
    %broadcast_in_dim3A_911 = vector.broadcast %max3A_864 : f32 to vector<16xf32>
    %select_n3A_912 = arith.select %eq3A_910, %broadcast_in_dim3A_911, %select_n3A_814 : vector<16xi1>, vector<16xf32>
    %jit3A_913 = arith.constant 5 : i32
    %div3A_914 = arith.divsi %min3A_891, %jit3A_913 : i32
    %sign3A_915 = arith.constant 0 : i32
    %sign3A_916 = arith.cmpi sgt, %min3A_891, %sign3A_915 : i32
    %sign3A_917 = arith.extui %sign3A_916 : i1 to i32
    %sign3A_918 = arith.constant 0 : i32
    %sign3A_919 = arith.cmpi slt, %min3A_891, %sign3A_918 : i32
    %sign3A_920 = arith.extui %sign3A_919 : i1 to i32
    %sign3A_921 = arith.subi %sign3A_917, %sign3A_920 : i32
    %sign3A_922 = arith.constant 0 : i32
    %sign3A_923 = arith.cmpi sgt, %jit3A_913, %sign3A_922 : i32
    %sign3A_924 = arith.extui %sign3A_923 : i1 to i32
    %sign3A_925 = arith.constant 0 : i32
    %sign3A_926 = arith.cmpi slt, %jit3A_913, %sign3A_925 : i32
    %sign3A_927 = arith.extui %sign3A_926 : i1 to i32
    %sign3A_928 = arith.subi %sign3A_924, %sign3A_927 : i32
    %ne3A_929 = arith.cmpi ne, %sign3A_921, %sign3A_928 : i32
    %rem3A_930 = arith.remsi %min3A_891, %jit3A_913 : i32
    %ne3A_931 = arith.constant 0 : i32
    %ne3A_932 = arith.cmpi ne, %rem3A_930, %ne3A_931 : i32
    %and3A_933 = arith.andi %ne3A_929, %ne3A_932 : i1
    %sub3A_934 = arith.constant 1 : i32
    %sub3A_935 = arith.subi %div3A_914, %sub3A_934 : i32
    %select_n3A_936 = arith.select %and3A_933, %sub3A_935, %div3A_914 : i32
    %mul3A_937 = arith.constant 5 : i32
    %mul3A_938 = arith.muli %select_n3A_936, %mul3A_937 : i32
    %sub3A_939 = arith.subi %min3A_891, %mul3A_938 : i32
    %add3A_940 = arith.constant 5 : i32
    %add3A_941 = arith.addi %add3A_940, %select_n3A_936 : i32
    %mul3A_942 = arith.constant 16 : i32
    %mul3A_943 = arith.muli %add3A_941, %mul3A_942 : i32
    %add3A_944 = vector.broadcast %mul3A_943 : i32 to vector<16xi32>
    %add3A_945 = arith.addi %add3A_944, %iota3A : vector<16xi32>
    %gather3A_946 = tpu.vector_load_idx %arg10[%add3A_945] : memref<320xi32, #tpu.memory_space<vmem>>[vector<16xi32>], vector<16xi32>,
    %swap3A_947 = arith.constant 192 : index
    %swap3A_948 = tpu.vector_load %arg12[%swap3A_947] {strides = array<i32>} : memref<640xi32, #tpu.memory_space<vmem>>, vector<16xi32>,
    tpu.vector_store %arg12[%swap3A_947], %gather3A_946 {strides = array<i32>} : memref<640xi32, #tpu.memory_space<vmem>>, vector<16xi32>,
    %broadcast_in_dim3A_949 = vector.broadcast %add3A_941 : i32 to vector<16xi32>
    %broadcast_in_dim3A_950 = vector.broadcast %sub3A_939 : i32 to vector<16xi32>
    %gather3A_951 = tpu.vector_load_idx %arg9[%broadcast_in_dim3A_949, %broadcast_in_dim3A_950] : memref<20x16xi32, #tpu.memory_space<vmem>>[vector<16xi32>, vector<16xi32>], vector<16xi32>,
    %swap3A_952 = arith.constant 208 : index
    %swap3A_953 = tpu.vector_load %arg12[%swap3A_952] {strides = array<i32>} : memref<640xi32, #tpu.memory_space<vmem>>, vector<16xi32>,
    tpu.vector_store %arg12[%swap3A_952], %gather3A_951 {strides = array<i32>} : memref<640xi32, #tpu.memory_space<vmem>>, vector<16xi32>,
    %reduce_max3A_954 = arith.constant true
    %reduce_max3A_955 = vector.broadcast %reduce_max3A_954 : i1 to vector<16xi1>
    %reduce_max3A_956 = tpu.scan <max>, %select_n3A_899 masked %reduce_max3A_955 : vector<16xf32>, vector<16xi1> -> vector<16xf32>
    %reduce_max3A_957 = vector.extract %reduce_max3A_956[15] : f32 from vector<16xf32>
    %reduce_max3A_958 = arith.constant true
    %reduce_max3A_959 = vector.broadcast %reduce_max3A_958 : i1 to vector<16xi1>
    %reduce_max3A_960 = tpu.scan <max>, %select_n3A_907 masked %reduce_max3A_959 : vector<16xf32>, vector<16xi1> -> vector<16xf32>
    %reduce_max3A_961 = vector.extract %reduce_max3A_960[15] : f32 from vector<16xf32>
    %max3A_962 = arith.maximumf %reduce_max3A_957, %reduce_max3A_961 : f32
    %eq3A_963 = vector.broadcast %max3A_962 : f32 to vector<16xf32>
    %eq3A_964 = arith.cmpf oeq, %select_n3A_899, %eq3A_963 : vector<16xf32>
    %jit3A_965 = arith.constant 1073741824 : i32
    %broadcast_in_dim3A_966 = vector.broadcast %jit3A_965 : i32 to vector<16xi32>
    %select_n3A_967 = arith.select %eq3A_964, %iota3A, %broadcast_in_dim3A_966 : vector<16xi1>, vector<16xi32>
    %reduce_min3A_968 = arith.constant true
    %reduce_min3A_969 = vector.broadcast %reduce_min3A_968 : i1 to vector<16xi1>
    %reduce_min3A_970 = arith.constant -2147483648 : i32
    %reduce_min3A_971 = vector.broadcast %reduce_min3A_970 : i32 to vector<16xi32>
    %reduce_min3A_972 = arith.xori %select_n3A_967, %reduce_min3A_971 : vector<16xi32>
    %reduce_min3A_973 = tpu.scan <min>, %reduce_min3A_972 masked %reduce_min3A_969 : vector<16xi32>, vector<16xi1> -> vector<16xi32>
    %reduce_min3A_974 = arith.xori %reduce_min3A_973, %reduce_min3A_971 : vector<16xi32>
    %reduce_min3A_975 = vector.extract %reduce_min3A_974[15] : i32 from vector<16xi32>
    %eq3A_976 = vector.broadcast %max3A_962 : f32 to vector<16xf32>
    %eq3A_977 = arith.cmpf oeq, %select_n3A_907, %eq3A_976 : vector<16xf32>
    %jit3A_978 = arith.constant 1073741824 : i32
    %broadcast_in_dim3A_979 = vector.broadcast %jit3A_978 : i32 to vector<16xi32>
    %select_n3A_980 = arith.select %eq3A_977, %add3A_674, %broadcast_in_dim3A_979 : vector<16xi1>, vector<16xi32>
    %reduce_min3A_981 = arith.constant true
    %reduce_min3A_982 = vector.broadcast %reduce_min3A_981 : i1 to vector<16xi1>
    %reduce_min3A_983 = arith.constant -2147483648 : i32
    %reduce_min3A_984 = vector.broadcast %reduce_min3A_983 : i32 to vector<16xi32>
    %reduce_min3A_985 = arith.xori %select_n3A_980, %reduce_min3A_984 : vector<16xi32>
    %reduce_min3A_986 = tpu.scan <min>, %reduce_min3A_985 masked %reduce_min3A_982 : vector<16xi32>, vector<16xi1> -> vector<16xi32>
    %reduce_min3A_987 = arith.xori %reduce_min3A_986, %reduce_min3A_984 : vector<16xi32>
    %reduce_min3A_988 = vector.extract %reduce_min3A_987[15] : i32 from vector<16xi32>
    %min3A_989 = arith.minsi %reduce_min3A_975, %reduce_min3A_988 : i32
    %eq3A_990 = vector.broadcast %max3A_962 : f32 to vector<16xf32>
    %eq3A_991 = arith.cmpf oeq, %select_n3A_899, %eq3A_990 : vector<16xf32>
    %eq3A_992 = vector.broadcast %min3A_989 : i32 to vector<16xi32>
    %eq3A_993 = arith.cmpi eq, %iota3A, %eq3A_992 : vector<16xi32>
    %and3A_994 = arith.andi %eq3A_991, %eq3A_993 : vector<16xi1>
    %jit3A_995 = arith.constant -3.000000e+38 : f32
    %broadcast_in_dim3A_996 = vector.broadcast %jit3A_995 : f32 to vector<16xf32>
    %select_n3A_997 = arith.select %and3A_994, %broadcast_in_dim3A_996, %select_n3A_899 : vector<16xi1>, vector<16xf32>
    %eq3A_998 = vector.broadcast %max3A_962 : f32 to vector<16xf32>
    %eq3A_999 = arith.cmpf oeq, %select_n3A_907, %eq3A_998 : vector<16xf32>
    %eq3A_1000 = vector.broadcast %min3A_989 : i32 to vector<16xi32>
    %eq3A_1001 = arith.cmpi eq, %add3A_674, %eq3A_1000 : vector<16xi32>
    %and3A_1002 = arith.andi %eq3A_999, %eq3A_1001 : vector<16xi1>
    %jit3A_1003 = arith.constant -3.000000e+38 : f32
    %broadcast_in_dim3A_1004 = vector.broadcast %jit3A_1003 : f32 to vector<16xf32>
    %select_n3A_1005 = arith.select %and3A_1002, %broadcast_in_dim3A_1004, %select_n3A_907 : vector<16xi1>, vector<16xf32>
    %eq3A_1006 = arith.constant 2 : i32
    %eq3A_1007 = vector.broadcast %eq3A_1006 : i32 to vector<16xi32>
    %eq3A_1008 = arith.cmpi eq, %iota3A, %eq3A_1007 : vector<16xi32>
    %broadcast_in_dim3A_1009 = vector.broadcast %max3A_962 : f32 to vector<16xf32>
    %select_n3A_1010 = arith.select %eq3A_1008, %broadcast_in_dim3A_1009, %select_n3A_912 : vector<16xi1>, vector<16xf32>
    %jit3A_1011 = arith.constant 5 : i32
    %div3A_1012 = arith.divsi %min3A_989, %jit3A_1011 : i32
    %sign3A_1013 = arith.constant 0 : i32
    %sign3A_1014 = arith.cmpi sgt, %min3A_989, %sign3A_1013 : i32
    %sign3A_1015 = arith.extui %sign3A_1014 : i1 to i32
    %sign3A_1016 = arith.constant 0 : i32
    %sign3A_1017 = arith.cmpi slt, %min3A_989, %sign3A_1016 : i32
    %sign3A_1018 = arith.extui %sign3A_1017 : i1 to i32
    %sign3A_1019 = arith.subi %sign3A_1015, %sign3A_1018 : i32
    %sign3A_1020 = arith.constant 0 : i32
    %sign3A_1021 = arith.cmpi sgt, %jit3A_1011, %sign3A_1020 : i32
    %sign3A_1022 = arith.extui %sign3A_1021 : i1 to i32
    %sign3A_1023 = arith.constant 0 : i32
    %sign3A_1024 = arith.cmpi slt, %jit3A_1011, %sign3A_1023 : i32
    %sign3A_1025 = arith.extui %sign3A_1024 : i1 to i32
    %sign3A_1026 = arith.subi %sign3A_1022, %sign3A_1025 : i32
    %ne3A_1027 = arith.cmpi ne, %sign3A_1019, %sign3A_1026 : i32
    %rem3A_1028 = arith.remsi %min3A_989, %jit3A_1011 : i32
    %ne3A_1029 = arith.constant 0 : i32
    %ne3A_1030 = arith.cmpi ne, %rem3A_1028, %ne3A_1029 : i32
    %and3A_1031 = arith.andi %ne3A_1027, %ne3A_1030 : i1
    %sub3A_1032 = arith.constant 1 : i32
    %sub3A_1033 = arith.subi %div3A_1012, %sub3A_1032 : i32
    %select_n3A_1034 = arith.select %and3A_1031, %sub3A_1033, %div3A_1012 : i32
    %mul3A_1035 = arith.constant 5 : i32
    %mul3A_1036 = arith.muli %select_n3A_1034, %mul3A_1035 : i32
    %sub3A_1037 = arith.subi %min3A_989, %mul3A_1036 : i32
    %add3A_1038 = arith.constant 5 : i32
    %add3A_1039 = arith.addi %add3A_1038, %select_n3A_1034 : i32
    %mul3A_1040 = arith.constant 16 : i32
    %mul3A_1041 = arith.muli %add3A_1039, %mul3A_1040 : i32
    %add3A_1042 = vector.broadcast %mul3A_1041 : i32 to vector<16xi32>
    %add3A_1043 = arith.addi %add3A_1042, %iota3A : vector<16xi32>
    %gather3A_1044 = tpu.vector_load_idx %arg10[%add3A_1043] : memref<320xi32, #tpu.memory_space<vmem>>[vector<16xi32>], vector<16xi32>,
    %swap3A_1045 = arith.constant 224 : index
    %swap3A_1046 = tpu.vector_load %arg12[%swap3A_1045] {strides = array<i32>} : memref<640xi32, #tpu.memory_space<vmem>>, vector<16xi32>,
    tpu.vector_store %arg12[%swap3A_1045], %gather3A_1044 {strides = array<i32>} : memref<640xi32, #tpu.memory_space<vmem>>, vector<16xi32>,
    %broadcast_in_dim3A_1047 = vector.broadcast %add3A_1039 : i32 to vector<16xi32>
    %broadcast_in_dim3A_1048 = vector.broadcast %sub3A_1037 : i32 to vector<16xi32>
    %gather3A_1049 = tpu.vector_load_idx %arg9[%broadcast_in_dim3A_1047, %broadcast_in_dim3A_1048] : memref<20x16xi32, #tpu.memory_space<vmem>>[vector<16xi32>, vector<16xi32>], vector<16xi32>,
    %swap3A_1050 = arith.constant 240 : index
    %swap3A_1051 = tpu.vector_load %arg12[%swap3A_1050] {strides = array<i32>} : memref<640xi32, #tpu.memory_space<vmem>>, vector<16xi32>,
    tpu.vector_store %arg12[%swap3A_1050], %gather3A_1049 {strides = array<i32>} : memref<640xi32, #tpu.memory_space<vmem>>, vector<16xi32>,
    %reduce_max3A_1052 = arith.constant true
    %reduce_max3A_1053 = vector.broadcast %reduce_max3A_1052 : i1 to vector<16xi1>
    %reduce_max3A_1054 = tpu.scan <max>, %select_n3A_997 masked %reduce_max3A_1053 : vector<16xf32>, vector<16xi1> -> vector<16xf32>
    %reduce_max3A_1055 = vector.extract %reduce_max3A_1054[15] : f32 from vector<16xf32>
    %reduce_max3A_1056 = arith.constant true
    %reduce_max3A_1057 = vector.broadcast %reduce_max3A_1056 : i1 to vector<16xi1>
    %reduce_max3A_1058 = tpu.scan <max>, %select_n3A_1005 masked %reduce_max3A_1057 : vector<16xf32>, vector<16xi1> -> vector<16xf32>
    %reduce_max3A_1059 = vector.extract %reduce_max3A_1058[15] : f32 from vector<16xf32>
    %max3A_1060 = arith.maximumf %reduce_max3A_1055, %reduce_max3A_1059 : f32
    %eq3A_1061 = vector.broadcast %max3A_1060 : f32 to vector<16xf32>
    %eq3A_1062 = arith.cmpf oeq, %select_n3A_997, %eq3A_1061 : vector<16xf32>
    %jit3A_1063 = arith.constant 1073741824 : i32
    %broadcast_in_dim3A_1064 = vector.broadcast %jit3A_1063 : i32 to vector<16xi32>
    %select_n3A_1065 = arith.select %eq3A_1062, %iota3A, %broadcast_in_dim3A_1064 : vector<16xi1>, vector<16xi32>
    %reduce_min3A_1066 = arith.constant true
    %reduce_min3A_1067 = vector.broadcast %reduce_min3A_1066 : i1 to vector<16xi1>
    %reduce_min3A_1068 = arith.constant -2147483648 : i32
    %reduce_min3A_1069 = vector.broadcast %reduce_min3A_1068 : i32 to vector<16xi32>
    %reduce_min3A_1070 = arith.xori %select_n3A_1065, %reduce_min3A_1069 : vector<16xi32>
    %reduce_min3A_1071 = tpu.scan <min>, %reduce_min3A_1070 masked %reduce_min3A_1067 : vector<16xi32>, vector<16xi1> -> vector<16xi32>
    %reduce_min3A_1072 = arith.xori %reduce_min3A_1071, %reduce_min3A_1069 : vector<16xi32>
    %reduce_min3A_1073 = vector.extract %reduce_min3A_1072[15] : i32 from vector<16xi32>
    %eq3A_1074 = vector.broadcast %max3A_1060 : f32 to vector<16xf32>
    %eq3A_1075 = arith.cmpf oeq, %select_n3A_1005, %eq3A_1074 : vector<16xf32>
    %jit3A_1076 = arith.constant 1073741824 : i32
    %broadcast_in_dim3A_1077 = vector.broadcast %jit3A_1076 : i32 to vector<16xi32>
    %select_n3A_1078 = arith.select %eq3A_1075, %add3A_674, %broadcast_in_dim3A_1077 : vector<16xi1>, vector<16xi32>
    %reduce_min3A_1079 = arith.constant true
    %reduce_min3A_1080 = vector.broadcast %reduce_min3A_1079 : i1 to vector<16xi1>
    %reduce_min3A_1081 = arith.constant -2147483648 : i32
    %reduce_min3A_1082 = vector.broadcast %reduce_min3A_1081 : i32 to vector<16xi32>
    %reduce_min3A_1083 = arith.xori %select_n3A_1078, %reduce_min3A_1082 : vector<16xi32>
    %reduce_min3A_1084 = tpu.scan <min>, %reduce_min3A_1083 masked %reduce_min3A_1080 : vector<16xi32>, vector<16xi1> -> vector<16xi32>
    %reduce_min3A_1085 = arith.xori %reduce_min3A_1084, %reduce_min3A_1082 : vector<16xi32>
    %reduce_min3A_1086 = vector.extract %reduce_min3A_1085[15] : i32 from vector<16xi32>
    %min3A_1087 = arith.minsi %reduce_min3A_1073, %reduce_min3A_1086 : i32
    %eq3A_1088 = vector.broadcast %max3A_1060 : f32 to vector<16xf32>
    %eq3A_1089 = arith.cmpf oeq, %select_n3A_997, %eq3A_1088 : vector<16xf32>
    %eq3A_1090 = vector.broadcast %min3A_1087 : i32 to vector<16xi32>
    %eq3A_1091 = arith.cmpi eq, %iota3A, %eq3A_1090 : vector<16xi32>
    %and3A_1092 = arith.andi %eq3A_1089, %eq3A_1091 : vector<16xi1>
    %jit3A_1093 = arith.constant -3.000000e+38 : f32
    %broadcast_in_dim3A_1094 = vector.broadcast %jit3A_1093 : f32 to vector<16xf32>
    %select_n3A_1095 = arith.select %and3A_1092, %broadcast_in_dim3A_1094, %select_n3A_997 : vector<16xi1>, vector<16xf32>
    %eq3A_1096 = vector.broadcast %max3A_1060 : f32 to vector<16xf32>
    %eq3A_1097 = arith.cmpf oeq, %select_n3A_1005, %eq3A_1096 : vector<16xf32>
    %eq3A_1098 = vector.broadcast %min3A_1087 : i32 to vector<16xi32>
    %eq3A_1099 = arith.cmpi eq, %add3A_674, %eq3A_1098 : vector<16xi32>
    %and3A_1100 = arith.andi %eq3A_1097, %eq3A_1099 : vector<16xi1>
    %jit3A_1101 = arith.constant -3.000000e+38 : f32
    %broadcast_in_dim3A_1102 = vector.broadcast %jit3A_1101 : f32 to vector<16xf32>
    %select_n3A_1103 = arith.select %and3A_1100, %broadcast_in_dim3A_1102, %select_n3A_1005 : vector<16xi1>, vector<16xf32>
    %eq3A_1104 = arith.constant 3 : i32
    %eq3A_1105 = vector.broadcast %eq3A_1104 : i32 to vector<16xi32>
    %eq3A_1106 = arith.cmpi eq, %iota3A, %eq3A_1105 : vector<16xi32>
    %broadcast_in_dim3A_1107 = vector.broadcast %max3A_1060 : f32 to vector<16xf32>
    %select_n3A_1108 = arith.select %eq3A_1106, %broadcast_in_dim3A_1107, %select_n3A_1010 : vector<16xi1>, vector<16xf32>
    %jit3A_1109 = arith.constant 5 : i32
    %div3A_1110 = arith.divsi %min3A_1087, %jit3A_1109 : i32
    %sign3A_1111 = arith.constant 0 : i32
    %sign3A_1112 = arith.cmpi sgt, %min3A_1087, %sign3A_1111 : i32
    %sign3A_1113 = arith.extui %sign3A_1112 : i1 to i32
    %sign3A_1114 = arith.constant 0 : i32
    %sign3A_1115 = arith.cmpi slt, %min3A_1087, %sign3A_1114 : i32
    %sign3A_1116 = arith.extui %sign3A_1115 : i1 to i32
    %sign3A_1117 = arith.subi %sign3A_1113, %sign3A_1116 : i32
    %sign3A_1118 = arith.constant 0 : i32
    %sign3A_1119 = arith.cmpi sgt, %jit3A_1109, %sign3A_1118 : i32
    %sign3A_1120 = arith.extui %sign3A_1119 : i1 to i32
    %sign3A_1121 = arith.constant 0 : i32
    %sign3A_1122 = arith.cmpi slt, %jit3A_1109, %sign3A_1121 : i32
    %sign3A_1123 = arith.extui %sign3A_1122 : i1 to i32
    %sign3A_1124 = arith.subi %sign3A_1120, %sign3A_1123 : i32
    %ne3A_1125 = arith.cmpi ne, %sign3A_1117, %sign3A_1124 : i32
    %rem3A_1126 = arith.remsi %min3A_1087, %jit3A_1109 : i32
    %ne3A_1127 = arith.constant 0 : i32
    %ne3A_1128 = arith.cmpi ne, %rem3A_1126, %ne3A_1127 : i32
    %and3A_1129 = arith.andi %ne3A_1125, %ne3A_1128 : i1
    %sub3A_1130 = arith.constant 1 : i32
    %sub3A_1131 = arith.subi %div3A_1110, %sub3A_1130 : i32
    %select_n3A_1132 = arith.select %and3A_1129, %sub3A_1131, %div3A_1110 : i32
    %mul3A_1133 = arith.constant 5 : i32
    %mul3A_1134 = arith.muli %select_n3A_1132, %mul3A_1133 : i32
    %sub3A_1135 = arith.subi %min3A_1087, %mul3A_1134 : i32
    %add3A_1136 = arith.constant 5 : i32
    %add3A_1137 = arith.addi %add3A_1136, %select_n3A_1132 : i32
    %mul3A_1138 = arith.constant 16 : i32
    %mul3A_1139 = arith.muli %add3A_1137, %mul3A_1138 : i32
    %add3A_1140 = vector.broadcast %mul3A_1139 : i32 to vector<16xi32>
    %add3A_1141 = arith.addi %add3A_1140, %iota3A : vector<16xi32>
    %gather3A_1142 = tpu.vector_load_idx %arg10[%add3A_1141] : memref<320xi32, #tpu.memory_space<vmem>>[vector<16xi32>], vector<16xi32>,
    %swap3A_1143 = arith.constant 256 : index
    %swap3A_1144 = tpu.vector_load %arg12[%swap3A_1143] {strides = array<i32>} : memref<640xi32, #tpu.memory_space<vmem>>, vector<16xi32>,
    tpu.vector_store %arg12[%swap3A_1143], %gather3A_1142 {strides = array<i32>} : memref<640xi32, #tpu.memory_space<vmem>>, vector<16xi32>,
    %broadcast_in_dim3A_1145 = vector.broadcast %add3A_1137 : i32 to vector<16xi32>
    %broadcast_in_dim3A_1146 = vector.broadcast %sub3A_1135 : i32 to vector<16xi32>
    %gather3A_1147 = tpu.vector_load_idx %arg9[%broadcast_in_dim3A_1145, %broadcast_in_dim3A_1146] : memref<20x16xi32, #tpu.memory_space<vmem>>[vector<16xi32>, vector<16xi32>], vector<16xi32>,
    %swap3A_1148 = arith.constant 272 : index
    %swap3A_1149 = tpu.vector_load %arg12[%swap3A_1148] {strides = array<i32>} : memref<640xi32, #tpu.memory_space<vmem>>, vector<16xi32>,
    tpu.vector_store %arg12[%swap3A_1148], %gather3A_1147 {strides = array<i32>} : memref<640xi32, #tpu.memory_space<vmem>>, vector<16xi32>,
    %reduce_max3A_1150 = arith.constant true
    %reduce_max3A_1151 = vector.broadcast %reduce_max3A_1150 : i1 to vector<16xi1>
    %reduce_max3A_1152 = tpu.scan <max>, %select_n3A_1095 masked %reduce_max3A_1151 : vector<16xf32>, vector<16xi1> -> vector<16xf32>
    %reduce_max3A_1153 = vector.extract %reduce_max3A_1152[15] : f32 from vector<16xf32>
    %reduce_max3A_1154 = arith.constant true
    %reduce_max3A_1155 = vector.broadcast %reduce_max3A_1154 : i1 to vector<16xi1>
    %reduce_max3A_1156 = tpu.scan <max>, %select_n3A_1103 masked %reduce_max3A_1155 : vector<16xf32>, vector<16xi1> -> vector<16xf32>
    %reduce_max3A_1157 = vector.extract %reduce_max3A_1156[15] : f32 from vector<16xf32>
    %max3A_1158 = arith.maximumf %reduce_max3A_1153, %reduce_max3A_1157 : f32
    %eq3A_1159 = vector.broadcast %max3A_1158 : f32 to vector<16xf32>
    %eq3A_1160 = arith.cmpf oeq, %select_n3A_1095, %eq3A_1159 : vector<16xf32>
    %jit3A_1161 = arith.constant 1073741824 : i32
    %broadcast_in_dim3A_1162 = vector.broadcast %jit3A_1161 : i32 to vector<16xi32>
    %select_n3A_1163 = arith.select %eq3A_1160, %iota3A, %broadcast_in_dim3A_1162 : vector<16xi1>, vector<16xi32>
    %reduce_min3A_1164 = arith.constant true
    %reduce_min3A_1165 = vector.broadcast %reduce_min3A_1164 : i1 to vector<16xi1>
    %reduce_min3A_1166 = arith.constant -2147483648 : i32
    %reduce_min3A_1167 = vector.broadcast %reduce_min3A_1166 : i32 to vector<16xi32>
    %reduce_min3A_1168 = arith.xori %select_n3A_1163, %reduce_min3A_1167 : vector<16xi32>
    %reduce_min3A_1169 = tpu.scan <min>, %reduce_min3A_1168 masked %reduce_min3A_1165 : vector<16xi32>, vector<16xi1> -> vector<16xi32>
    %reduce_min3A_1170 = arith.xori %reduce_min3A_1169, %reduce_min3A_1167 : vector<16xi32>
    %reduce_min3A_1171 = vector.extract %reduce_min3A_1170[15] : i32 from vector<16xi32>
    %eq3A_1172 = vector.broadcast %max3A_1158 : f32 to vector<16xf32>
    %eq3A_1173 = arith.cmpf oeq, %select_n3A_1103, %eq3A_1172 : vector<16xf32>
    %jit3A_1174 = arith.constant 1073741824 : i32
    %broadcast_in_dim3A_1175 = vector.broadcast %jit3A_1174 : i32 to vector<16xi32>
    %select_n3A_1176 = arith.select %eq3A_1173, %add3A_674, %broadcast_in_dim3A_1175 : vector<16xi1>, vector<16xi32>
    %reduce_min3A_1177 = arith.constant true
    %reduce_min3A_1178 = vector.broadcast %reduce_min3A_1177 : i1 to vector<16xi1>
    %reduce_min3A_1179 = arith.constant -2147483648 : i32
    %reduce_min3A_1180 = vector.broadcast %reduce_min3A_1179 : i32 to vector<16xi32>
    %reduce_min3A_1181 = arith.xori %select_n3A_1176, %reduce_min3A_1180 : vector<16xi32>
    %reduce_min3A_1182 = tpu.scan <min>, %reduce_min3A_1181 masked %reduce_min3A_1178 : vector<16xi32>, vector<16xi1> -> vector<16xi32>
    %reduce_min3A_1183 = arith.xori %reduce_min3A_1182, %reduce_min3A_1180 : vector<16xi32>
    %reduce_min3A_1184 = vector.extract %reduce_min3A_1183[15] : i32 from vector<16xi32>
    %min3A_1185 = arith.minsi %reduce_min3A_1171, %reduce_min3A_1184 : i32
    %eq3A_1186 = vector.broadcast %max3A_1158 : f32 to vector<16xf32>
    %eq3A_1187 = arith.cmpf oeq, %select_n3A_1095, %eq3A_1186 : vector<16xf32>
    %eq3A_1188 = vector.broadcast %min3A_1185 : i32 to vector<16xi32>
    %eq3A_1189 = arith.cmpi eq, %iota3A, %eq3A_1188 : vector<16xi32>
    %and3A_1190 = arith.andi %eq3A_1187, %eq3A_1189 : vector<16xi1>
    %jit3A_1191 = arith.constant -3.000000e+38 : f32
    %broadcast_in_dim3A_1192 = vector.broadcast %jit3A_1191 : f32 to vector<16xf32>
    %select_n3A_1193 = arith.select %and3A_1190, %broadcast_in_dim3A_1192, %select_n3A_1095 : vector<16xi1>, vector<16xf32>
    %eq3A_1194 = vector.broadcast %max3A_1158 : f32 to vector<16xf32>
    %eq3A_1195 = arith.cmpf oeq, %select_n3A_1103, %eq3A_1194 : vector<16xf32>
    %eq3A_1196 = vector.broadcast %min3A_1185 : i32 to vector<16xi32>
    %eq3A_1197 = arith.cmpi eq, %add3A_674, %eq3A_1196 : vector<16xi32>
    %and3A_1198 = arith.andi %eq3A_1195, %eq3A_1197 : vector<16xi1>
    %jit3A_1199 = arith.constant -3.000000e+38 : f32
    %broadcast_in_dim3A_1200 = vector.broadcast %jit3A_1199 : f32 to vector<16xf32>
    %select_n3A_1201 = arith.select %and3A_1198, %broadcast_in_dim3A_1200, %select_n3A_1103 : vector<16xi1>, vector<16xf32>
    %eq3A_1202 = arith.constant 4 : i32
    %eq3A_1203 = vector.broadcast %eq3A_1202 : i32 to vector<16xi32>
    %eq3A_1204 = arith.cmpi eq, %iota3A, %eq3A_1203 : vector<16xi32>
    %broadcast_in_dim3A_1205 = vector.broadcast %max3A_1158 : f32 to vector<16xf32>
    %select_n3A_1206 = arith.select %eq3A_1204, %broadcast_in_dim3A_1205, %select_n3A_1108 : vector<16xi1>, vector<16xf32>
    %jit3A_1207 = arith.constant 5 : i32
    %div3A_1208 = arith.divsi %min3A_1185, %jit3A_1207 : i32
    %sign3A_1209 = arith.constant 0 : i32
    %sign3A_1210 = arith.cmpi sgt, %min3A_1185, %sign3A_1209 : i32
    %sign3A_1211 = arith.extui %sign3A_1210 : i1 to i32
    %sign3A_1212 = arith.constant 0 : i32
    %sign3A_1213 = arith.cmpi slt, %min3A_1185, %sign3A_1212 : i32
    %sign3A_1214 = arith.extui %sign3A_1213 : i1 to i32
    %sign3A_1215 = arith.subi %sign3A_1211, %sign3A_1214 : i32
    %sign3A_1216 = arith.constant 0 : i32
    %sign3A_1217 = arith.cmpi sgt, %jit3A_1207, %sign3A_1216 : i32
    %sign3A_1218 = arith.extui %sign3A_1217 : i1 to i32
    %sign3A_1219 = arith.constant 0 : i32
    %sign3A_1220 = arith.cmpi slt, %jit3A_1207, %sign3A_1219 : i32
    %sign3A_1221 = arith.extui %sign3A_1220 : i1 to i32
    %sign3A_1222 = arith.subi %sign3A_1218, %sign3A_1221 : i32
    %ne3A_1223 = arith.cmpi ne, %sign3A_1215, %sign3A_1222 : i32
    %rem3A_1224 = arith.remsi %min3A_1185, %jit3A_1207 : i32
    %ne3A_1225 = arith.constant 0 : i32
    %ne3A_1226 = arith.cmpi ne, %rem3A_1224, %ne3A_1225 : i32
    %and3A_1227 = arith.andi %ne3A_1223, %ne3A_1226 : i1
    %sub3A_1228 = arith.constant 1 : i32
    %sub3A_1229 = arith.subi %div3A_1208, %sub3A_1228 : i32
    %select_n3A_1230 = arith.select %and3A_1227, %sub3A_1229, %div3A_1208 : i32
    %mul3A_1231 = arith.constant 5 : i32
    %mul3A_1232 = arith.muli %select_n3A_1230, %mul3A_1231 : i32
    %sub3A_1233 = arith.subi %min3A_1185, %mul3A_1232 : i32
    %add3A_1234 = arith.constant 5 : i32
    %add3A_1235 = arith.addi %add3A_1234, %select_n3A_1230 : i32
    %mul3A_1236 = arith.constant 16 : i32
    %mul3A_1237 = arith.muli %add3A_1235, %mul3A_1236 : i32
    %add3A_1238 = vector.broadcast %mul3A_1237 : i32 to vector<16xi32>
    %add3A_1239 = arith.addi %add3A_1238, %iota3A : vector<16xi32>
    %gather3A_1240 = tpu.vector_load_idx %arg10[%add3A_1239] : memref<320xi32, #tpu.memory_space<vmem>>[vector<16xi32>], vector<16xi32>,
    %swap3A_1241 = arith.constant 288 : index
    %swap3A_1242 = tpu.vector_load %arg12[%swap3A_1241] {strides = array<i32>} : memref<640xi32, #tpu.memory_space<vmem>>, vector<16xi32>,
    tpu.vector_store %arg12[%swap3A_1241], %gather3A_1240 {strides = array<i32>} : memref<640xi32, #tpu.memory_space<vmem>>, vector<16xi32>,
    %broadcast_in_dim3A_1243 = vector.broadcast %add3A_1235 : i32 to vector<16xi32>
    %broadcast_in_dim3A_1244 = vector.broadcast %sub3A_1233 : i32 to vector<16xi32>
    %gather3A_1245 = tpu.vector_load_idx %arg9[%broadcast_in_dim3A_1243, %broadcast_in_dim3A_1244] : memref<20x16xi32, #tpu.memory_space<vmem>>[vector<16xi32>, vector<16xi32>], vector<16xi32>,
    %swap3A_1246 = arith.constant 304 : index
    %swap3A_1247 = tpu.vector_load %arg12[%swap3A_1246] {strides = array<i32>} : memref<640xi32, #tpu.memory_space<vmem>>, vector<16xi32>,
    tpu.vector_store %arg12[%swap3A_1246], %gather3A_1245 {strides = array<i32>} : memref<640xi32, #tpu.memory_space<vmem>>, vector<16xi32>,
    %swap3A_1248 = arith.constant 16 : index
    %swap3A_1249 = tpu.vector_load %arg13[%swap3A_1248] {strides = array<i32>} : memref<64xf32, #tpu.memory_space<vmem>>, vector<16xf32>,
    tpu.vector_store %arg13[%swap3A_1248], %select_n3A_1206 {strides = array<i32>} : memref<64xf32, #tpu.memory_space<vmem>>, vector<16xf32>,
    %mul3A_1250 = arith.constant 4 : i32
    %mul3A_1251 = arith.muli %add3A, %mul3A_1250 : i32
    %add3A_1252 = arith.constant 2 : i32
    %add3A_1253 = arith.addi %mul3A_1251, %add3A_1252 : i32
    %jit3A_1254 = arith.constant 5 : i32
    %div3A_1255 = vector.broadcast %jit3A_1254 : i32 to vector<16xi32>
    %div3A_1256 = arith.divsi %iota3A, %div3A_1255 : vector<16xi32>
    %sign3A_1257 = arith.constant 0 : i32
    %sign3A_1258 = vector.broadcast %sign3A_1257 : i32 to vector<16xi32>
    %sign3A_1259 = arith.cmpi sgt, %iota3A, %sign3A_1258 : vector<16xi32>
    %sign3A_1260 = arith.extui %sign3A_1259 : vector<16xi1> to vector<16xi32>
    %sign3A_1261 = arith.constant 0 : i32
    %sign3A_1262 = vector.broadcast %sign3A_1261 : i32 to vector<16xi32>
    %sign3A_1263 = arith.cmpi slt, %iota3A, %sign3A_1262 : vector<16xi32>
    %sign3A_1264 = arith.extui %sign3A_1263 : vector<16xi1> to vector<16xi32>
    %sign3A_1265 = arith.subi %sign3A_1260, %sign3A_1264 : vector<16xi32>
    %sign3A_1266 = arith.constant 0 : i32
    %sign3A_1267 = arith.cmpi sgt, %jit3A_1254, %sign3A_1266 : i32
    %sign3A_1268 = arith.extui %sign3A_1267 : i1 to i32
    %sign3A_1269 = arith.constant 0 : i32
    %sign3A_1270 = arith.cmpi slt, %jit3A_1254, %sign3A_1269 : i32
    %sign3A_1271 = arith.extui %sign3A_1270 : i1 to i32
    %sign3A_1272 = arith.subi %sign3A_1268, %sign3A_1271 : i32
    %ne3A_1273 = vector.broadcast %sign3A_1272 : i32 to vector<16xi32>
    %ne3A_1274 = arith.cmpi ne, %sign3A_1265, %ne3A_1273 : vector<16xi32>
    %rem3A_1275 = vector.broadcast %jit3A_1254 : i32 to vector<16xi32>
    %rem3A_1276 = arith.remsi %iota3A, %rem3A_1275 : vector<16xi32>
    %ne3A_1277 = arith.constant 0 : i32
    %ne3A_1278 = vector.broadcast %ne3A_1277 : i32 to vector<16xi32>
    %ne3A_1279 = arith.cmpi ne, %rem3A_1276, %ne3A_1278 : vector<16xi32>
    %and3A_1280 = arith.andi %ne3A_1274, %ne3A_1279 : vector<16xi1>
    %sub3A_1281 = arith.constant 1 : i32
    %sub3A_1282 = vector.broadcast %sub3A_1281 : i32 to vector<16xi32>
    %sub3A_1283 = arith.subi %div3A_1256, %sub3A_1282 : vector<16xi32>
    %select_n3A_1284 = arith.select %and3A_1280, %sub3A_1283, %div3A_1256 : vector<16xi1>, vector<16xi32>
    %mul3A_1285 = arith.constant 5 : i32
    %mul3A_1286 = vector.broadcast %mul3A_1285 : i32 to vector<16xi32>
    %mul3A_1287 = arith.muli %select_n3A_1284, %mul3A_1286 : vector<16xi32>
    %sub3A_1288 = arith.subi %iota3A, %mul3A_1287 : vector<16xi32>
    %mul3A_1289 = arith.constant 5 : i32
    %mul3A_1290 = arith.muli %add3A_1253, %mul3A_1289 : i32
    %add3A_1291 = vector.broadcast %mul3A_1290 : i32 to vector<16xi32>
    %add3A_1292 = arith.addi %add3A_1291, %select_n3A_1284 : vector<16xi32>
    %gather3A_1293 = tpu.vector_load_idx %arg11[%add3A_1292] : memref<640xf32, #tpu.memory_space<vmem>>[vector<16xi32>], vector<16xf32>,
    %add3A_1294 = arith.constant 10 : i32
    %add3A_1295 = vector.broadcast %add3A_1294 : i32 to vector<16xi32>
    %add3A_1296 = arith.addi %add3A_1295, %select_n3A_1284 : vector<16xi32>
    %gather3A_1297 = tpu.vector_load_idx %arg8[%add3A_1296, %sub3A_1288] : memref<20x16xf32, #tpu.memory_space<vmem>>[vector<16xi32>, vector<16xi32>], vector<16xf32>,
    %add3A_1298 = arith.addf %gather3A_1293, %gather3A_1297 : vector<16xf32>
    %add3A_1299 = arith.constant 16 : i32
    %add3A_1300 = vector.broadcast %add3A_1299 : i32 to vector<16xi32>
    %add3A_1301 = arith.addi %iota3A, %add3A_1300 : vector<16xi32>
    %jit3A_1302 = arith.constant 5 : i32
    %div3A_1303 = vector.broadcast %jit3A_1302 : i32 to vector<16xi32>
    %div3A_1304 = arith.divsi %add3A_1301, %div3A_1303 : vector<16xi32>
    %sign3A_1305 = arith.constant 0 : i32
    %sign3A_1306 = vector.broadcast %sign3A_1305 : i32 to vector<16xi32>
    %sign3A_1307 = arith.cmpi sgt, %add3A_1301, %sign3A_1306 : vector<16xi32>
    %sign3A_1308 = arith.extui %sign3A_1307 : vector<16xi1> to vector<16xi32>
    %sign3A_1309 = arith.constant 0 : i32
    %sign3A_1310 = vector.broadcast %sign3A_1309 : i32 to vector<16xi32>
    %sign3A_1311 = arith.cmpi slt, %add3A_1301, %sign3A_1310 : vector<16xi32>
    %sign3A_1312 = arith.extui %sign3A_1311 : vector<16xi1> to vector<16xi32>
    %sign3A_1313 = arith.subi %sign3A_1308, %sign3A_1312 : vector<16xi32>
    %sign3A_1314 = arith.constant 0 : i32
    %sign3A_1315 = arith.cmpi sgt, %jit3A_1302, %sign3A_1314 : i32
    %sign3A_1316 = arith.extui %sign3A_1315 : i1 to i32
    %sign3A_1317 = arith.constant 0 : i32
    %sign3A_1318 = arith.cmpi slt, %jit3A_1302, %sign3A_1317 : i32
    %sign3A_1319 = arith.extui %sign3A_1318 : i1 to i32
    %sign3A_1320 = arith.subi %sign3A_1316, %sign3A_1319 : i32
    %ne3A_1321 = vector.broadcast %sign3A_1320 : i32 to vector<16xi32>
    %ne3A_1322 = arith.cmpi ne, %sign3A_1313, %ne3A_1321 : vector<16xi32>
    %rem3A_1323 = vector.broadcast %jit3A_1302 : i32 to vector<16xi32>
    %rem3A_1324 = arith.remsi %add3A_1301, %rem3A_1323 : vector<16xi32>
    %ne3A_1325 = arith.constant 0 : i32
    %ne3A_1326 = vector.broadcast %ne3A_1325 : i32 to vector<16xi32>
    %ne3A_1327 = arith.cmpi ne, %rem3A_1324, %ne3A_1326 : vector<16xi32>
    %and3A_1328 = arith.andi %ne3A_1322, %ne3A_1327 : vector<16xi1>
    %sub3A_1329 = arith.constant 1 : i32
    %sub3A_1330 = vector.broadcast %sub3A_1329 : i32 to vector<16xi32>
    %sub3A_1331 = arith.subi %div3A_1304, %sub3A_1330 : vector<16xi32>
    %select_n3A_1332 = arith.select %and3A_1328, %sub3A_1331, %div3A_1304 : vector<16xi1>, vector<16xi32>
    %min3A_1333 = arith.constant 4 : i32
    %min3A_1334 = vector.broadcast %min3A_1333 : i32 to vector<16xi32>
    %min3A_1335 = arith.minsi %select_n3A_1332, %min3A_1334 : vector<16xi32>
    %jit3A_1336 = arith.constant 5 : i32
    %div3A_1337 = vector.broadcast %jit3A_1336 : i32 to vector<16xi32>
    %div3A_1338 = arith.divsi %add3A_1301, %div3A_1337 : vector<16xi32>
    %sign3A_1339 = arith.constant 0 : i32
    %sign3A_1340 = vector.broadcast %sign3A_1339 : i32 to vector<16xi32>
    %sign3A_1341 = arith.cmpi sgt, %add3A_1301, %sign3A_1340 : vector<16xi32>
    %sign3A_1342 = arith.extui %sign3A_1341 : vector<16xi1> to vector<16xi32>
    %sign3A_1343 = arith.constant 0 : i32
    %sign3A_1344 = vector.broadcast %sign3A_1343 : i32 to vector<16xi32>
    %sign3A_1345 = arith.cmpi slt, %add3A_1301, %sign3A_1344 : vector<16xi32>
    %sign3A_1346 = arith.extui %sign3A_1345 : vector<16xi1> to vector<16xi32>
    %sign3A_1347 = arith.subi %sign3A_1342, %sign3A_1346 : vector<16xi32>
    %sign3A_1348 = arith.constant 0 : i32
    %sign3A_1349 = arith.cmpi sgt, %jit3A_1336, %sign3A_1348 : i32
    %sign3A_1350 = arith.extui %sign3A_1349 : i1 to i32
    %sign3A_1351 = arith.constant 0 : i32
    %sign3A_1352 = arith.cmpi slt, %jit3A_1336, %sign3A_1351 : i32
    %sign3A_1353 = arith.extui %sign3A_1352 : i1 to i32
    %sign3A_1354 = arith.subi %sign3A_1350, %sign3A_1353 : i32
    %ne3A_1355 = vector.broadcast %sign3A_1354 : i32 to vector<16xi32>
    %ne3A_1356 = arith.cmpi ne, %sign3A_1347, %ne3A_1355 : vector<16xi32>
    %rem3A_1357 = vector.broadcast %jit3A_1336 : i32 to vector<16xi32>
    %rem3A_1358 = arith.remsi %add3A_1301, %rem3A_1357 : vector<16xi32>
    %ne3A_1359 = arith.constant 0 : i32
    %ne3A_1360 = vector.broadcast %ne3A_1359 : i32 to vector<16xi32>
    %ne3A_1361 = arith.cmpi ne, %rem3A_1358, %ne3A_1360 : vector<16xi32>
    %and3A_1362 = arith.andi %ne3A_1356, %ne3A_1361 : vector<16xi1>
    %sub3A_1363 = arith.constant 1 : i32
    %sub3A_1364 = vector.broadcast %sub3A_1363 : i32 to vector<16xi32>
    %sub3A_1365 = arith.subi %div3A_1338, %sub3A_1364 : vector<16xi32>
    %select_n3A_1366 = arith.select %and3A_1362, %sub3A_1365, %div3A_1338 : vector<16xi1>, vector<16xi32>
    %mul3A_1367 = arith.constant 5 : i32
    %mul3A_1368 = vector.broadcast %mul3A_1367 : i32 to vector<16xi32>
    %mul3A_1369 = arith.muli %select_n3A_1366, %mul3A_1368 : vector<16xi32>
    %sub3A_1370 = arith.subi %add3A_1301, %mul3A_1369 : vector<16xi32>
    %lt3A_1371 = arith.constant 25 : i32
    %lt3A_1372 = vector.broadcast %lt3A_1371 : i32 to vector<16xi32>
    %lt3A_1373 = arith.cmpi slt, %add3A_1301, %lt3A_1372 : vector<16xi32>
    %mul3A_1374 = arith.constant 5 : i32
    %mul3A_1375 = arith.muli %add3A_1253, %mul3A_1374 : i32
    %add3A_1376 = vector.broadcast %mul3A_1375 : i32 to vector<16xi32>
    %add3A_1377 = arith.addi %add3A_1376, %min3A_1335 : vector<16xi32>
    %gather3A_1378 = tpu.vector_load_idx %arg11[%add3A_1377] : memref<640xf32, #tpu.memory_space<vmem>>[vector<16xi32>], vector<16xf32>,
    %add3A_1379 = arith.constant 10 : i32
    %add3A_1380 = vector.broadcast %add3A_1379 : i32 to vector<16xi32>
    %add3A_1381 = arith.addi %add3A_1380, %min3A_1335 : vector<16xi32>
    %gather3A_1382 = tpu.vector_load_idx %arg8[%add3A_1381, %sub3A_1370] : memref<20x16xf32, #tpu.memory_space<vmem>>[vector<16xi32>, vector<16xi32>], vector<16xf32>,
    %add3A_1383 = arith.addf %gather3A_1378, %gather3A_1382 : vector<16xf32>
    %select_n3A_1384 = arith.select %lt3A_1373, %add3A_1383, %broadcast_in_dim3A_5 : vector<16xi1>, vector<16xf32>
    %reduce_max3A_1385 = arith.constant true
    %reduce_max3A_1386 = vector.broadcast %reduce_max3A_1385 : i1 to vector<16xi1>
    %reduce_max3A_1387 = tpu.scan <max>, %add3A_1298 masked %reduce_max3A_1386 : vector<16xf32>, vector<16xi1> -> vector<16xf32>
    %reduce_max3A_1388 = vector.extract %reduce_max3A_1387[15] : f32 from vector<16xf32>
    %reduce_max3A_1389 = arith.constant true
    %reduce_max3A_1390 = vector.broadcast %reduce_max3A_1389 : i1 to vector<16xi1>
    %reduce_max3A_1391 = tpu.scan <max>, %select_n3A_1384 masked %reduce_max3A_1390 : vector<16xf32>, vector<16xi1> -> vector<16xf32>
    %reduce_max3A_1392 = vector.extract %reduce_max3A_1391[15] : f32 from vector<16xf32>
    %max3A_1393 = arith.maximumf %reduce_max3A_1388, %reduce_max3A_1392 : f32
    %eq3A_1394 = vector.broadcast %max3A_1393 : f32 to vector<16xf32>
    %eq3A_1395 = arith.cmpf oeq, %add3A_1298, %eq3A_1394 : vector<16xf32>
    %jit3A_1396 = arith.constant 1073741824 : i32
    %broadcast_in_dim3A_1397 = vector.broadcast %jit3A_1396 : i32 to vector<16xi32>
    %select_n3A_1398 = arith.select %eq3A_1395, %iota3A, %broadcast_in_dim3A_1397 : vector<16xi1>, vector<16xi32>
    %reduce_min3A_1399 = arith.constant true
    %reduce_min3A_1400 = vector.broadcast %reduce_min3A_1399 : i1 to vector<16xi1>
    %reduce_min3A_1401 = arith.constant -2147483648 : i32
    %reduce_min3A_1402 = vector.broadcast %reduce_min3A_1401 : i32 to vector<16xi32>
    %reduce_min3A_1403 = arith.xori %select_n3A_1398, %reduce_min3A_1402 : vector<16xi32>
    %reduce_min3A_1404 = tpu.scan <min>, %reduce_min3A_1403 masked %reduce_min3A_1400 : vector<16xi32>, vector<16xi1> -> vector<16xi32>
    %reduce_min3A_1405 = arith.xori %reduce_min3A_1404, %reduce_min3A_1402 : vector<16xi32>
    %reduce_min3A_1406 = vector.extract %reduce_min3A_1405[15] : i32 from vector<16xi32>
    %eq3A_1407 = vector.broadcast %max3A_1393 : f32 to vector<16xf32>
    %eq3A_1408 = arith.cmpf oeq, %select_n3A_1384, %eq3A_1407 : vector<16xf32>
    %jit3A_1409 = arith.constant 1073741824 : i32
    %broadcast_in_dim3A_1410 = vector.broadcast %jit3A_1409 : i32 to vector<16xi32>
    %select_n3A_1411 = arith.select %eq3A_1408, %add3A_1301, %broadcast_in_dim3A_1410 : vector<16xi1>, vector<16xi32>
    %reduce_min3A_1412 = arith.constant true
    %reduce_min3A_1413 = vector.broadcast %reduce_min3A_1412 : i1 to vector<16xi1>
    %reduce_min3A_1414 = arith.constant -2147483648 : i32
    %reduce_min3A_1415 = vector.broadcast %reduce_min3A_1414 : i32 to vector<16xi32>
    %reduce_min3A_1416 = arith.xori %select_n3A_1411, %reduce_min3A_1415 : vector<16xi32>
    %reduce_min3A_1417 = tpu.scan <min>, %reduce_min3A_1416 masked %reduce_min3A_1413 : vector<16xi32>, vector<16xi1> -> vector<16xi32>
    %reduce_min3A_1418 = arith.xori %reduce_min3A_1417, %reduce_min3A_1415 : vector<16xi32>
    %reduce_min3A_1419 = vector.extract %reduce_min3A_1418[15] : i32 from vector<16xi32>
    %min3A_1420 = arith.minsi %reduce_min3A_1406, %reduce_min3A_1419 : i32
    %eq3A_1421 = vector.broadcast %max3A_1393 : f32 to vector<16xf32>
    %eq3A_1422 = arith.cmpf oeq, %add3A_1298, %eq3A_1421 : vector<16xf32>
    %eq3A_1423 = vector.broadcast %min3A_1420 : i32 to vector<16xi32>
    %eq3A_1424 = arith.cmpi eq, %iota3A, %eq3A_1423 : vector<16xi32>
    %and3A_1425 = arith.andi %eq3A_1422, %eq3A_1424 : vector<16xi1>
    %jit3A_1426 = arith.constant -3.000000e+38 : f32
    %broadcast_in_dim3A_1427 = vector.broadcast %jit3A_1426 : f32 to vector<16xf32>
    %select_n3A_1428 = arith.select %and3A_1425, %broadcast_in_dim3A_1427, %add3A_1298 : vector<16xi1>, vector<16xf32>
    %eq3A_1429 = vector.broadcast %max3A_1393 : f32 to vector<16xf32>
    %eq3A_1430 = arith.cmpf oeq, %select_n3A_1384, %eq3A_1429 : vector<16xf32>
    %eq3A_1431 = vector.broadcast %min3A_1420 : i32 to vector<16xi32>
    %eq3A_1432 = arith.cmpi eq, %add3A_1301, %eq3A_1431 : vector<16xi32>
    %and3A_1433 = arith.andi %eq3A_1430, %eq3A_1432 : vector<16xi1>
    %jit3A_1434 = arith.constant -3.000000e+38 : f32
    %broadcast_in_dim3A_1435 = vector.broadcast %jit3A_1434 : f32 to vector<16xf32>
    %select_n3A_1436 = arith.select %and3A_1433, %broadcast_in_dim3A_1435, %select_n3A_1384 : vector<16xi1>, vector<16xf32>
    %eq3A_1437 = arith.constant 0 : i32
    %eq3A_1438 = vector.broadcast %eq3A_1437 : i32 to vector<16xi32>
    %eq3A_1439 = arith.cmpi eq, %iota3A, %eq3A_1438 : vector<16xi32>
    %broadcast_in_dim3A_1440 = vector.broadcast %max3A_1393 : f32 to vector<16xf32>
    %select_n3A_1441 = arith.select %eq3A_1439, %broadcast_in_dim3A_1440, %broadcast_in_dim3A_5 : vector<16xi1>, vector<16xf32>
    %jit3A_1442 = arith.constant 5 : i32
    %div3A_1443 = arith.divsi %min3A_1420, %jit3A_1442 : i32
    %sign3A_1444 = arith.constant 0 : i32
    %sign3A_1445 = arith.cmpi sgt, %min3A_1420, %sign3A_1444 : i32
    %sign3A_1446 = arith.extui %sign3A_1445 : i1 to i32
    %sign3A_1447 = arith.constant 0 : i32
    %sign3A_1448 = arith.cmpi slt, %min3A_1420, %sign3A_1447 : i32
    %sign3A_1449 = arith.extui %sign3A_1448 : i1 to i32
    %sign3A_1450 = arith.subi %sign3A_1446, %sign3A_1449 : i32
    %sign3A_1451 = arith.constant 0 : i32
    %sign3A_1452 = arith.cmpi sgt, %jit3A_1442, %sign3A_1451 : i32
    %sign3A_1453 = arith.extui %sign3A_1452 : i1 to i32
    %sign3A_1454 = arith.constant 0 : i32
    %sign3A_1455 = arith.cmpi slt, %jit3A_1442, %sign3A_1454 : i32
    %sign3A_1456 = arith.extui %sign3A_1455 : i1 to i32
    %sign3A_1457 = arith.subi %sign3A_1453, %sign3A_1456 : i32
    %ne3A_1458 = arith.cmpi ne, %sign3A_1450, %sign3A_1457 : i32
    %rem3A_1459 = arith.remsi %min3A_1420, %jit3A_1442 : i32
    %ne3A_1460 = arith.constant 0 : i32
    %ne3A_1461 = arith.cmpi ne, %rem3A_1459, %ne3A_1460 : i32
    %and3A_1462 = arith.andi %ne3A_1458, %ne3A_1461 : i1
    %sub3A_1463 = arith.constant 1 : i32
    %sub3A_1464 = arith.subi %div3A_1443, %sub3A_1463 : i32
    %select_n3A_1465 = arith.select %and3A_1462, %sub3A_1464, %div3A_1443 : i32
    %mul3A_1466 = arith.constant 5 : i32
    %mul3A_1467 = arith.muli %select_n3A_1465, %mul3A_1466 : i32
    %sub3A_1468 = arith.subi %min3A_1420, %mul3A_1467 : i32
    %add3A_1469 = arith.constant 10 : i32
    %add3A_1470 = arith.addi %add3A_1469, %select_n3A_1465 : i32
    %mul3A_1471 = arith.constant 16 : i32
    %mul3A_1472 = arith.muli %add3A_1470, %mul3A_1471 : i32
    %add3A_1473 = vector.broadcast %mul3A_1472 : i32 to vector<16xi32>
    %add3A_1474 = arith.addi %add3A_1473, %iota3A : vector<16xi32>
    %gather3A_1475 = tpu.vector_load_idx %arg10[%add3A_1474] : memref<320xi32, #tpu.memory_space<vmem>>[vector<16xi32>], vector<16xi32>,
    %swap3A_1476 = arith.constant 320 : index
    %swap3A_1477 = tpu.vector_load %arg12[%swap3A_1476] {strides = array<i32>} : memref<640xi32, #tpu.memory_space<vmem>>, vector<16xi32>,
    tpu.vector_store %arg12[%swap3A_1476], %gather3A_1475 {strides = array<i32>} : memref<640xi32, #tpu.memory_space<vmem>>, vector<16xi32>,
    %broadcast_in_dim3A_1478 = vector.broadcast %add3A_1470 : i32 to vector<16xi32>
    %broadcast_in_dim3A_1479 = vector.broadcast %sub3A_1468 : i32 to vector<16xi32>
    %gather3A_1480 = tpu.vector_load_idx %arg9[%broadcast_in_dim3A_1478, %broadcast_in_dim3A_1479] : memref<20x16xi32, #tpu.memory_space<vmem>>[vector<16xi32>, vector<16xi32>], vector<16xi32>,
    %swap3A_1481 = arith.constant 336 : index
    %swap3A_1482 = tpu.vector_load %arg12[%swap3A_1481] {strides = array<i32>} : memref<640xi32, #tpu.memory_space<vmem>>, vector<16xi32>,
    tpu.vector_store %arg12[%swap3A_1481], %gather3A_1480 {strides = array<i32>} : memref<640xi32, #tpu.memory_space<vmem>>, vector<16xi32>,
    %reduce_max3A_1483 = arith.constant true
    %reduce_max3A_1484 = vector.broadcast %reduce_max3A_1483 : i1 to vector<16xi1>
    %reduce_max3A_1485 = tpu.scan <max>, %select_n3A_1428 masked %reduce_max3A_1484 : vector<16xf32>, vector<16xi1> -> vector<16xf32>
    %reduce_max3A_1486 = vector.extract %reduce_max3A_1485[15] : f32 from vector<16xf32>
    %reduce_max3A_1487 = arith.constant true
    %reduce_max3A_1488 = vector.broadcast %reduce_max3A_1487 : i1 to vector<16xi1>
    %reduce_max3A_1489 = tpu.scan <max>, %select_n3A_1436 masked %reduce_max3A_1488 : vector<16xf32>, vector<16xi1> -> vector<16xf32>
    %reduce_max3A_1490 = vector.extract %reduce_max3A_1489[15] : f32 from vector<16xf32>
    %max3A_1491 = arith.maximumf %reduce_max3A_1486, %reduce_max3A_1490 : f32
    %eq3A_1492 = vector.broadcast %max3A_1491 : f32 to vector<16xf32>
    %eq3A_1493 = arith.cmpf oeq, %select_n3A_1428, %eq3A_1492 : vector<16xf32>
    %jit3A_1494 = arith.constant 1073741824 : i32
    %broadcast_in_dim3A_1495 = vector.broadcast %jit3A_1494 : i32 to vector<16xi32>
    %select_n3A_1496 = arith.select %eq3A_1493, %iota3A, %broadcast_in_dim3A_1495 : vector<16xi1>, vector<16xi32>
    %reduce_min3A_1497 = arith.constant true
    %reduce_min3A_1498 = vector.broadcast %reduce_min3A_1497 : i1 to vector<16xi1>
    %reduce_min3A_1499 = arith.constant -2147483648 : i32
    %reduce_min3A_1500 = vector.broadcast %reduce_min3A_1499 : i32 to vector<16xi32>
    %reduce_min3A_1501 = arith.xori %select_n3A_1496, %reduce_min3A_1500 : vector<16xi32>
    %reduce_min3A_1502 = tpu.scan <min>, %reduce_min3A_1501 masked %reduce_min3A_1498 : vector<16xi32>, vector<16xi1> -> vector<16xi32>
    %reduce_min3A_1503 = arith.xori %reduce_min3A_1502, %reduce_min3A_1500 : vector<16xi32>
    %reduce_min3A_1504 = vector.extract %reduce_min3A_1503[15] : i32 from vector<16xi32>
    %eq3A_1505 = vector.broadcast %max3A_1491 : f32 to vector<16xf32>
    %eq3A_1506 = arith.cmpf oeq, %select_n3A_1436, %eq3A_1505 : vector<16xf32>
    %jit3A_1507 = arith.constant 1073741824 : i32
    %broadcast_in_dim3A_1508 = vector.broadcast %jit3A_1507 : i32 to vector<16xi32>
    %select_n3A_1509 = arith.select %eq3A_1506, %add3A_1301, %broadcast_in_dim3A_1508 : vector<16xi1>, vector<16xi32>
    %reduce_min3A_1510 = arith.constant true
    %reduce_min3A_1511 = vector.broadcast %reduce_min3A_1510 : i1 to vector<16xi1>
    %reduce_min3A_1512 = arith.constant -2147483648 : i32
    %reduce_min3A_1513 = vector.broadcast %reduce_min3A_1512 : i32 to vector<16xi32>
    %reduce_min3A_1514 = arith.xori %select_n3A_1509, %reduce_min3A_1513 : vector<16xi32>
    %reduce_min3A_1515 = tpu.scan <min>, %reduce_min3A_1514 masked %reduce_min3A_1511 : vector<16xi32>, vector<16xi1> -> vector<16xi32>
    %reduce_min3A_1516 = arith.xori %reduce_min3A_1515, %reduce_min3A_1513 : vector<16xi32>
    %reduce_min3A_1517 = vector.extract %reduce_min3A_1516[15] : i32 from vector<16xi32>
    %min3A_1518 = arith.minsi %reduce_min3A_1504, %reduce_min3A_1517 : i32
    %eq3A_1519 = vector.broadcast %max3A_1491 : f32 to vector<16xf32>
    %eq3A_1520 = arith.cmpf oeq, %select_n3A_1428, %eq3A_1519 : vector<16xf32>
    %eq3A_1521 = vector.broadcast %min3A_1518 : i32 to vector<16xi32>
    %eq3A_1522 = arith.cmpi eq, %iota3A, %eq3A_1521 : vector<16xi32>
    %and3A_1523 = arith.andi %eq3A_1520, %eq3A_1522 : vector<16xi1>
    %jit3A_1524 = arith.constant -3.000000e+38 : f32
    %broadcast_in_dim3A_1525 = vector.broadcast %jit3A_1524 : f32 to vector<16xf32>
    %select_n3A_1526 = arith.select %and3A_1523, %broadcast_in_dim3A_1525, %select_n3A_1428 : vector<16xi1>, vector<16xf32>
    %eq3A_1527 = vector.broadcast %max3A_1491 : f32 to vector<16xf32>
    %eq3A_1528 = arith.cmpf oeq, %select_n3A_1436, %eq3A_1527 : vector<16xf32>
    %eq3A_1529 = vector.broadcast %min3A_1518 : i32 to vector<16xi32>
    %eq3A_1530 = arith.cmpi eq, %add3A_1301, %eq3A_1529 : vector<16xi32>
    %and3A_1531 = arith.andi %eq3A_1528, %eq3A_1530 : vector<16xi1>
    %jit3A_1532 = arith.constant -3.000000e+38 : f32
    %broadcast_in_dim3A_1533 = vector.broadcast %jit3A_1532 : f32 to vector<16xf32>
    %select_n3A_1534 = arith.select %and3A_1531, %broadcast_in_dim3A_1533, %select_n3A_1436 : vector<16xi1>, vector<16xf32>
    %eq3A_1535 = arith.constant 1 : i32
    %eq3A_1536 = vector.broadcast %eq3A_1535 : i32 to vector<16xi32>
    %eq3A_1537 = arith.cmpi eq, %iota3A, %eq3A_1536 : vector<16xi32>
    %broadcast_in_dim3A_1538 = vector.broadcast %max3A_1491 : f32 to vector<16xf32>
    %select_n3A_1539 = arith.select %eq3A_1537, %broadcast_in_dim3A_1538, %select_n3A_1441 : vector<16xi1>, vector<16xf32>
    %jit3A_1540 = arith.constant 5 : i32
    %div3A_1541 = arith.divsi %min3A_1518, %jit3A_1540 : i32
    %sign3A_1542 = arith.constant 0 : i32
    %sign3A_1543 = arith.cmpi sgt, %min3A_1518, %sign3A_1542 : i32
    %sign3A_1544 = arith.extui %sign3A_1543 : i1 to i32
    %sign3A_1545 = arith.constant 0 : i32
    %sign3A_1546 = arith.cmpi slt, %min3A_1518, %sign3A_1545 : i32
    %sign3A_1547 = arith.extui %sign3A_1546 : i1 to i32
    %sign3A_1548 = arith.subi %sign3A_1544, %sign3A_1547 : i32
    %sign3A_1549 = arith.constant 0 : i32
    %sign3A_1550 = arith.cmpi sgt, %jit3A_1540, %sign3A_1549 : i32
    %sign3A_1551 = arith.extui %sign3A_1550 : i1 to i32
    %sign3A_1552 = arith.constant 0 : i32
    %sign3A_1553 = arith.cmpi slt, %jit3A_1540, %sign3A_1552 : i32
    %sign3A_1554 = arith.extui %sign3A_1553 : i1 to i32
    %sign3A_1555 = arith.subi %sign3A_1551, %sign3A_1554 : i32
    %ne3A_1556 = arith.cmpi ne, %sign3A_1548, %sign3A_1555 : i32
    %rem3A_1557 = arith.remsi %min3A_1518, %jit3A_1540 : i32
    %ne3A_1558 = arith.constant 0 : i32
    %ne3A_1559 = arith.cmpi ne, %rem3A_1557, %ne3A_1558 : i32
    %and3A_1560 = arith.andi %ne3A_1556, %ne3A_1559 : i1
    %sub3A_1561 = arith.constant 1 : i32
    %sub3A_1562 = arith.subi %div3A_1541, %sub3A_1561 : i32
    %select_n3A_1563 = arith.select %and3A_1560, %sub3A_1562, %div3A_1541 : i32
    %mul3A_1564 = arith.constant 5 : i32
    %mul3A_1565 = arith.muli %select_n3A_1563, %mul3A_1564 : i32
    %sub3A_1566 = arith.subi %min3A_1518, %mul3A_1565 : i32
    %add3A_1567 = arith.constant 10 : i32
    %add3A_1568 = arith.addi %add3A_1567, %select_n3A_1563 : i32
    %mul3A_1569 = arith.constant 16 : i32
    %mul3A_1570 = arith.muli %add3A_1568, %mul3A_1569 : i32
    %add3A_1571 = vector.broadcast %mul3A_1570 : i32 to vector<16xi32>
    %add3A_1572 = arith.addi %add3A_1571, %iota3A : vector<16xi32>
    %gather3A_1573 = tpu.vector_load_idx %arg10[%add3A_1572] : memref<320xi32, #tpu.memory_space<vmem>>[vector<16xi32>], vector<16xi32>,
    %swap3A_1574 = arith.constant 352 : index
    %swap3A_1575 = tpu.vector_load %arg12[%swap3A_1574] {strides = array<i32>} : memref<640xi32, #tpu.memory_space<vmem>>, vector<16xi32>,
    tpu.vector_store %arg12[%swap3A_1574], %gather3A_1573 {strides = array<i32>} : memref<640xi32, #tpu.memory_space<vmem>>, vector<16xi32>,
    %broadcast_in_dim3A_1576 = vector.broadcast %add3A_1568 : i32 to vector<16xi32>
    %broadcast_in_dim3A_1577 = vector.broadcast %sub3A_1566 : i32 to vector<16xi32>
    %gather3A_1578 = tpu.vector_load_idx %arg9[%broadcast_in_dim3A_1576, %broadcast_in_dim3A_1577] : memref<20x16xi32, #tpu.memory_space<vmem>>[vector<16xi32>, vector<16xi32>], vector<16xi32>,
    %swap3A_1579 = arith.constant 368 : index
    %swap3A_1580 = tpu.vector_load %arg12[%swap3A_1579] {strides = array<i32>} : memref<640xi32, #tpu.memory_space<vmem>>, vector<16xi32>,
    tpu.vector_store %arg12[%swap3A_1579], %gather3A_1578 {strides = array<i32>} : memref<640xi32, #tpu.memory_space<vmem>>, vector<16xi32>,
    %reduce_max3A_1581 = arith.constant true
    %reduce_max3A_1582 = vector.broadcast %reduce_max3A_1581 : i1 to vector<16xi1>
    %reduce_max3A_1583 = tpu.scan <max>, %select_n3A_1526 masked %reduce_max3A_1582 : vector<16xf32>, vector<16xi1> -> vector<16xf32>
    %reduce_max3A_1584 = vector.extract %reduce_max3A_1583[15] : f32 from vector<16xf32>
    %reduce_max3A_1585 = arith.constant true
    %reduce_max3A_1586 = vector.broadcast %reduce_max3A_1585 : i1 to vector<16xi1>
    %reduce_max3A_1587 = tpu.scan <max>, %select_n3A_1534 masked %reduce_max3A_1586 : vector<16xf32>, vector<16xi1> -> vector<16xf32>
    %reduce_max3A_1588 = vector.extract %reduce_max3A_1587[15] : f32 from vector<16xf32>
    %max3A_1589 = arith.maximumf %reduce_max3A_1584, %reduce_max3A_1588 : f32
    %eq3A_1590 = vector.broadcast %max3A_1589 : f32 to vector<16xf32>
    %eq3A_1591 = arith.cmpf oeq, %select_n3A_1526, %eq3A_1590 : vector<16xf32>
    %jit3A_1592 = arith.constant 1073741824 : i32
    %broadcast_in_dim3A_1593 = vector.broadcast %jit3A_1592 : i32 to vector<16xi32>
    %select_n3A_1594 = arith.select %eq3A_1591, %iota3A, %broadcast_in_dim3A_1593 : vector<16xi1>, vector<16xi32>
    %reduce_min3A_1595 = arith.constant true
    %reduce_min3A_1596 = vector.broadcast %reduce_min3A_1595 : i1 to vector<16xi1>
    %reduce_min3A_1597 = arith.constant -2147483648 : i32
    %reduce_min3A_1598 = vector.broadcast %reduce_min3A_1597 : i32 to vector<16xi32>
    %reduce_min3A_1599 = arith.xori %select_n3A_1594, %reduce_min3A_1598 : vector<16xi32>
    %reduce_min3A_1600 = tpu.scan <min>, %reduce_min3A_1599 masked %reduce_min3A_1596 : vector<16xi32>, vector<16xi1> -> vector<16xi32>
    %reduce_min3A_1601 = arith.xori %reduce_min3A_1600, %reduce_min3A_1598 : vector<16xi32>
    %reduce_min3A_1602 = vector.extract %reduce_min3A_1601[15] : i32 from vector<16xi32>
    %eq3A_1603 = vector.broadcast %max3A_1589 : f32 to vector<16xf32>
    %eq3A_1604 = arith.cmpf oeq, %select_n3A_1534, %eq3A_1603 : vector<16xf32>
    %jit3A_1605 = arith.constant 1073741824 : i32
    %broadcast_in_dim3A_1606 = vector.broadcast %jit3A_1605 : i32 to vector<16xi32>
    %select_n3A_1607 = arith.select %eq3A_1604, %add3A_1301, %broadcast_in_dim3A_1606 : vector<16xi1>, vector<16xi32>
    %reduce_min3A_1608 = arith.constant true
    %reduce_min3A_1609 = vector.broadcast %reduce_min3A_1608 : i1 to vector<16xi1>
    %reduce_min3A_1610 = arith.constant -2147483648 : i32
    %reduce_min3A_1611 = vector.broadcast %reduce_min3A_1610 : i32 to vector<16xi32>
    %reduce_min3A_1612 = arith.xori %select_n3A_1607, %reduce_min3A_1611 : vector<16xi32>
    %reduce_min3A_1613 = tpu.scan <min>, %reduce_min3A_1612 masked %reduce_min3A_1609 : vector<16xi32>, vector<16xi1> -> vector<16xi32>
    %reduce_min3A_1614 = arith.xori %reduce_min3A_1613, %reduce_min3A_1611 : vector<16xi32>
    %reduce_min3A_1615 = vector.extract %reduce_min3A_1614[15] : i32 from vector<16xi32>
    %min3A_1616 = arith.minsi %reduce_min3A_1602, %reduce_min3A_1615 : i32
    %eq3A_1617 = vector.broadcast %max3A_1589 : f32 to vector<16xf32>
    %eq3A_1618 = arith.cmpf oeq, %select_n3A_1526, %eq3A_1617 : vector<16xf32>
    %eq3A_1619 = vector.broadcast %min3A_1616 : i32 to vector<16xi32>
    %eq3A_1620 = arith.cmpi eq, %iota3A, %eq3A_1619 : vector<16xi32>
    %and3A_1621 = arith.andi %eq3A_1618, %eq3A_1620 : vector<16xi1>
    %jit3A_1622 = arith.constant -3.000000e+38 : f32
    %broadcast_in_dim3A_1623 = vector.broadcast %jit3A_1622 : f32 to vector<16xf32>
    %select_n3A_1624 = arith.select %and3A_1621, %broadcast_in_dim3A_1623, %select_n3A_1526 : vector<16xi1>, vector<16xf32>
    %eq3A_1625 = vector.broadcast %max3A_1589 : f32 to vector<16xf32>
    %eq3A_1626 = arith.cmpf oeq, %select_n3A_1534, %eq3A_1625 : vector<16xf32>
    %eq3A_1627 = vector.broadcast %min3A_1616 : i32 to vector<16xi32>
    %eq3A_1628 = arith.cmpi eq, %add3A_1301, %eq3A_1627 : vector<16xi32>
    %and3A_1629 = arith.andi %eq3A_1626, %eq3A_1628 : vector<16xi1>
    %jit3A_1630 = arith.constant -3.000000e+38 : f32
    %broadcast_in_dim3A_1631 = vector.broadcast %jit3A_1630 : f32 to vector<16xf32>
    %select_n3A_1632 = arith.select %and3A_1629, %broadcast_in_dim3A_1631, %select_n3A_1534 : vector<16xi1>, vector<16xf32>
    %eq3A_1633 = arith.constant 2 : i32
    %eq3A_1634 = vector.broadcast %eq3A_1633 : i32 to vector<16xi32>
    %eq3A_1635 = arith.cmpi eq, %iota3A, %eq3A_1634 : vector<16xi32>
    %broadcast_in_dim3A_1636 = vector.broadcast %max3A_1589 : f32 to vector<16xf32>
    %select_n3A_1637 = arith.select %eq3A_1635, %broadcast_in_dim3A_1636, %select_n3A_1539 : vector<16xi1>, vector<16xf32>
    %jit3A_1638 = arith.constant 5 : i32
    %div3A_1639 = arith.divsi %min3A_1616, %jit3A_1638 : i32
    %sign3A_1640 = arith.constant 0 : i32
    %sign3A_1641 = arith.cmpi sgt, %min3A_1616, %sign3A_1640 : i32
    %sign3A_1642 = arith.extui %sign3A_1641 : i1 to i32
    %sign3A_1643 = arith.constant 0 : i32
    %sign3A_1644 = arith.cmpi slt, %min3A_1616, %sign3A_1643 : i32
    %sign3A_1645 = arith.extui %sign3A_1644 : i1 to i32
    %sign3A_1646 = arith.subi %sign3A_1642, %sign3A_1645 : i32
    %sign3A_1647 = arith.constant 0 : i32
    %sign3A_1648 = arith.cmpi sgt, %jit3A_1638, %sign3A_1647 : i32
    %sign3A_1649 = arith.extui %sign3A_1648 : i1 to i32
    %sign3A_1650 = arith.constant 0 : i32
    %sign3A_1651 = arith.cmpi slt, %jit3A_1638, %sign3A_1650 : i32
    %sign3A_1652 = arith.extui %sign3A_1651 : i1 to i32
    %sign3A_1653 = arith.subi %sign3A_1649, %sign3A_1652 : i32
    %ne3A_1654 = arith.cmpi ne, %sign3A_1646, %sign3A_1653 : i32
    %rem3A_1655 = arith.remsi %min3A_1616, %jit3A_1638 : i32
    %ne3A_1656 = arith.constant 0 : i32
    %ne3A_1657 = arith.cmpi ne, %rem3A_1655, %ne3A_1656 : i32
    %and3A_1658 = arith.andi %ne3A_1654, %ne3A_1657 : i1
    %sub3A_1659 = arith.constant 1 : i32
    %sub3A_1660 = arith.subi %div3A_1639, %sub3A_1659 : i32
    %select_n3A_1661 = arith.select %and3A_1658, %sub3A_1660, %div3A_1639 : i32
    %mul3A_1662 = arith.constant 5 : i32
    %mul3A_1663 = arith.muli %select_n3A_1661, %mul3A_1662 : i32
    %sub3A_1664 = arith.subi %min3A_1616, %mul3A_1663 : i32
    %add3A_1665 = arith.constant 10 : i32
    %add3A_1666 = arith.addi %add3A_1665, %select_n3A_1661 : i32
    %mul3A_1667 = arith.constant 16 : i32
    %mul3A_1668 = arith.muli %add3A_1666, %mul3A_1667 : i32
    %add3A_1669 = vector.broadcast %mul3A_1668 : i32 to vector<16xi32>
    %add3A_1670 = arith.addi %add3A_1669, %iota3A : vector<16xi32>
    %gather3A_1671 = tpu.vector_load_idx %arg10[%add3A_1670] : memref<320xi32, #tpu.memory_space<vmem>>[vector<16xi32>], vector<16xi32>,
    %swap3A_1672 = arith.constant 384 : index
    %swap3A_1673 = tpu.vector_load %arg12[%swap3A_1672] {strides = array<i32>} : memref<640xi32, #tpu.memory_space<vmem>>, vector<16xi32>,
    tpu.vector_store %arg12[%swap3A_1672], %gather3A_1671 {strides = array<i32>} : memref<640xi32, #tpu.memory_space<vmem>>, vector<16xi32>,
    %broadcast_in_dim3A_1674 = vector.broadcast %add3A_1666 : i32 to vector<16xi32>
    %broadcast_in_dim3A_1675 = vector.broadcast %sub3A_1664 : i32 to vector<16xi32>
    %gather3A_1676 = tpu.vector_load_idx %arg9[%broadcast_in_dim3A_1674, %broadcast_in_dim3A_1675] : memref<20x16xi32, #tpu.memory_space<vmem>>[vector<16xi32>, vector<16xi32>], vector<16xi32>,
    %swap3A_1677 = arith.constant 400 : index
    %swap3A_1678 = tpu.vector_load %arg12[%swap3A_1677] {strides = array<i32>} : memref<640xi32, #tpu.memory_space<vmem>>, vector<16xi32>,
    tpu.vector_store %arg12[%swap3A_1677], %gather3A_1676 {strides = array<i32>} : memref<640xi32, #tpu.memory_space<vmem>>, vector<16xi32>,
    %reduce_max3A_1679 = arith.constant true
    %reduce_max3A_1680 = vector.broadcast %reduce_max3A_1679 : i1 to vector<16xi1>
    %reduce_max3A_1681 = tpu.scan <max>, %select_n3A_1624 masked %reduce_max3A_1680 : vector<16xf32>, vector<16xi1> -> vector<16xf32>
    %reduce_max3A_1682 = vector.extract %reduce_max3A_1681[15] : f32 from vector<16xf32>
    %reduce_max3A_1683 = arith.constant true
    %reduce_max3A_1684 = vector.broadcast %reduce_max3A_1683 : i1 to vector<16xi1>
    %reduce_max3A_1685 = tpu.scan <max>, %select_n3A_1632 masked %reduce_max3A_1684 : vector<16xf32>, vector<16xi1> -> vector<16xf32>
    %reduce_max3A_1686 = vector.extract %reduce_max3A_1685[15] : f32 from vector<16xf32>
    %max3A_1687 = arith.maximumf %reduce_max3A_1682, %reduce_max3A_1686 : f32
    %eq3A_1688 = vector.broadcast %max3A_1687 : f32 to vector<16xf32>
    %eq3A_1689 = arith.cmpf oeq, %select_n3A_1624, %eq3A_1688 : vector<16xf32>
    %jit3A_1690 = arith.constant 1073741824 : i32
    %broadcast_in_dim3A_1691 = vector.broadcast %jit3A_1690 : i32 to vector<16xi32>
    %select_n3A_1692 = arith.select %eq3A_1689, %iota3A, %broadcast_in_dim3A_1691 : vector<16xi1>, vector<16xi32>
    %reduce_min3A_1693 = arith.constant true
    %reduce_min3A_1694 = vector.broadcast %reduce_min3A_1693 : i1 to vector<16xi1>
    %reduce_min3A_1695 = arith.constant -2147483648 : i32
    %reduce_min3A_1696 = vector.broadcast %reduce_min3A_1695 : i32 to vector<16xi32>
    %reduce_min3A_1697 = arith.xori %select_n3A_1692, %reduce_min3A_1696 : vector<16xi32>
    %reduce_min3A_1698 = tpu.scan <min>, %reduce_min3A_1697 masked %reduce_min3A_1694 : vector<16xi32>, vector<16xi1> -> vector<16xi32>
    %reduce_min3A_1699 = arith.xori %reduce_min3A_1698, %reduce_min3A_1696 : vector<16xi32>
    %reduce_min3A_1700 = vector.extract %reduce_min3A_1699[15] : i32 from vector<16xi32>
    %eq3A_1701 = vector.broadcast %max3A_1687 : f32 to vector<16xf32>
    %eq3A_1702 = arith.cmpf oeq, %select_n3A_1632, %eq3A_1701 : vector<16xf32>
    %jit3A_1703 = arith.constant 1073741824 : i32
    %broadcast_in_dim3A_1704 = vector.broadcast %jit3A_1703 : i32 to vector<16xi32>
    %select_n3A_1705 = arith.select %eq3A_1702, %add3A_1301, %broadcast_in_dim3A_1704 : vector<16xi1>, vector<16xi32>
    %reduce_min3A_1706 = arith.constant true
    %reduce_min3A_1707 = vector.broadcast %reduce_min3A_1706 : i1 to vector<16xi1>
    %reduce_min3A_1708 = arith.constant -2147483648 : i32
    %reduce_min3A_1709 = vector.broadcast %reduce_min3A_1708 : i32 to vector<16xi32>
    %reduce_min3A_1710 = arith.xori %select_n3A_1705, %reduce_min3A_1709 : vector<16xi32>
    %reduce_min3A_1711 = tpu.scan <min>, %reduce_min3A_1710 masked %reduce_min3A_1707 : vector<16xi32>, vector<16xi1> -> vector<16xi32>
    %reduce_min3A_1712 = arith.xori %reduce_min3A_1711, %reduce_min3A_1709 : vector<16xi32>
    %reduce_min3A_1713 = vector.extract %reduce_min3A_1712[15] : i32 from vector<16xi32>
    %min3A_1714 = arith.minsi %reduce_min3A_1700, %reduce_min3A_1713 : i32
    %eq3A_1715 = vector.broadcast %max3A_1687 : f32 to vector<16xf32>
    %eq3A_1716 = arith.cmpf oeq, %select_n3A_1624, %eq3A_1715 : vector<16xf32>
    %eq3A_1717 = vector.broadcast %min3A_1714 : i32 to vector<16xi32>
    %eq3A_1718 = arith.cmpi eq, %iota3A, %eq3A_1717 : vector<16xi32>
    %and3A_1719 = arith.andi %eq3A_1716, %eq3A_1718 : vector<16xi1>
    %jit3A_1720 = arith.constant -3.000000e+38 : f32
    %broadcast_in_dim3A_1721 = vector.broadcast %jit3A_1720 : f32 to vector<16xf32>
    %select_n3A_1722 = arith.select %and3A_1719, %broadcast_in_dim3A_1721, %select_n3A_1624 : vector<16xi1>, vector<16xf32>
    %eq3A_1723 = vector.broadcast %max3A_1687 : f32 to vector<16xf32>
    %eq3A_1724 = arith.cmpf oeq, %select_n3A_1632, %eq3A_1723 : vector<16xf32>
    %eq3A_1725 = vector.broadcast %min3A_1714 : i32 to vector<16xi32>
    %eq3A_1726 = arith.cmpi eq, %add3A_1301, %eq3A_1725 : vector<16xi32>
    %and3A_1727 = arith.andi %eq3A_1724, %eq3A_1726 : vector<16xi1>
    %jit3A_1728 = arith.constant -3.000000e+38 : f32
    %broadcast_in_dim3A_1729 = vector.broadcast %jit3A_1728 : f32 to vector<16xf32>
    %select_n3A_1730 = arith.select %and3A_1727, %broadcast_in_dim3A_1729, %select_n3A_1632 : vector<16xi1>, vector<16xf32>
    %eq3A_1731 = arith.constant 3 : i32
    %eq3A_1732 = vector.broadcast %eq3A_1731 : i32 to vector<16xi32>
    %eq3A_1733 = arith.cmpi eq, %iota3A, %eq3A_1732 : vector<16xi32>
    %broadcast_in_dim3A_1734 = vector.broadcast %max3A_1687 : f32 to vector<16xf32>
    %select_n3A_1735 = arith.select %eq3A_1733, %broadcast_in_dim3A_1734, %select_n3A_1637 : vector<16xi1>, vector<16xf32>
    %jit3A_1736 = arith.constant 5 : i32
    %div3A_1737 = arith.divsi %min3A_1714, %jit3A_1736 : i32
    %sign3A_1738 = arith.constant 0 : i32
    %sign3A_1739 = arith.cmpi sgt, %min3A_1714, %sign3A_1738 : i32
    %sign3A_1740 = arith.extui %sign3A_1739 : i1 to i32
    %sign3A_1741 = arith.constant 0 : i32
    %sign3A_1742 = arith.cmpi slt, %min3A_1714, %sign3A_1741 : i32
    %sign3A_1743 = arith.extui %sign3A_1742 : i1 to i32
    %sign3A_1744 = arith.subi %sign3A_1740, %sign3A_1743 : i32
    %sign3A_1745 = arith.constant 0 : i32
    %sign3A_1746 = arith.cmpi sgt, %jit3A_1736, %sign3A_1745 : i32
    %sign3A_1747 = arith.extui %sign3A_1746 : i1 to i32
    %sign3A_1748 = arith.constant 0 : i32
    %sign3A_1749 = arith.cmpi slt, %jit3A_1736, %sign3A_1748 : i32
    %sign3A_1750 = arith.extui %sign3A_1749 : i1 to i32
    %sign3A_1751 = arith.subi %sign3A_1747, %sign3A_1750 : i32
    %ne3A_1752 = arith.cmpi ne, %sign3A_1744, %sign3A_1751 : i32
    %rem3A_1753 = arith.remsi %min3A_1714, %jit3A_1736 : i32
    %ne3A_1754 = arith.constant 0 : i32
    %ne3A_1755 = arith.cmpi ne, %rem3A_1753, %ne3A_1754 : i32
    %and3A_1756 = arith.andi %ne3A_1752, %ne3A_1755 : i1
    %sub3A_1757 = arith.constant 1 : i32
    %sub3A_1758 = arith.subi %div3A_1737, %sub3A_1757 : i32
    %select_n3A_1759 = arith.select %and3A_1756, %sub3A_1758, %div3A_1737 : i32
    %mul3A_1760 = arith.constant 5 : i32
    %mul3A_1761 = arith.muli %select_n3A_1759, %mul3A_1760 : i32
    %sub3A_1762 = arith.subi %min3A_1714, %mul3A_1761 : i32
    %add3A_1763 = arith.constant 10 : i32
    %add3A_1764 = arith.addi %add3A_1763, %select_n3A_1759 : i32
    %mul3A_1765 = arith.constant 16 : i32
    %mul3A_1766 = arith.muli %add3A_1764, %mul3A_1765 : i32
    %add3A_1767 = vector.broadcast %mul3A_1766 : i32 to vector<16xi32>
    %add3A_1768 = arith.addi %add3A_1767, %iota3A : vector<16xi32>
    %gather3A_1769 = tpu.vector_load_idx %arg10[%add3A_1768] : memref<320xi32, #tpu.memory_space<vmem>>[vector<16xi32>], vector<16xi32>,
    %swap3A_1770 = arith.constant 416 : index
    %swap3A_1771 = tpu.vector_load %arg12[%swap3A_1770] {strides = array<i32>} : memref<640xi32, #tpu.memory_space<vmem>>, vector<16xi32>,
    tpu.vector_store %arg12[%swap3A_1770], %gather3A_1769 {strides = array<i32>} : memref<640xi32, #tpu.memory_space<vmem>>, vector<16xi32>,
    %broadcast_in_dim3A_1772 = vector.broadcast %add3A_1764 : i32 to vector<16xi32>
    %broadcast_in_dim3A_1773 = vector.broadcast %sub3A_1762 : i32 to vector<16xi32>
    %gather3A_1774 = tpu.vector_load_idx %arg9[%broadcast_in_dim3A_1772, %broadcast_in_dim3A_1773] : memref<20x16xi32, #tpu.memory_space<vmem>>[vector<16xi32>, vector<16xi32>], vector<16xi32>,
    %swap3A_1775 = arith.constant 432 : index
    %swap3A_1776 = tpu.vector_load %arg12[%swap3A_1775] {strides = array<i32>} : memref<640xi32, #tpu.memory_space<vmem>>, vector<16xi32>,
    tpu.vector_store %arg12[%swap3A_1775], %gather3A_1774 {strides = array<i32>} : memref<640xi32, #tpu.memory_space<vmem>>, vector<16xi32>,
    %reduce_max3A_1777 = arith.constant true
    %reduce_max3A_1778 = vector.broadcast %reduce_max3A_1777 : i1 to vector<16xi1>
    %reduce_max3A_1779 = tpu.scan <max>, %select_n3A_1722 masked %reduce_max3A_1778 : vector<16xf32>, vector<16xi1> -> vector<16xf32>
    %reduce_max3A_1780 = vector.extract %reduce_max3A_1779[15] : f32 from vector<16xf32>
    %reduce_max3A_1781 = arith.constant true
    %reduce_max3A_1782 = vector.broadcast %reduce_max3A_1781 : i1 to vector<16xi1>
    %reduce_max3A_1783 = tpu.scan <max>, %select_n3A_1730 masked %reduce_max3A_1782 : vector<16xf32>, vector<16xi1> -> vector<16xf32>
    %reduce_max3A_1784 = vector.extract %reduce_max3A_1783[15] : f32 from vector<16xf32>
    %max3A_1785 = arith.maximumf %reduce_max3A_1780, %reduce_max3A_1784 : f32
    %eq3A_1786 = vector.broadcast %max3A_1785 : f32 to vector<16xf32>
    %eq3A_1787 = arith.cmpf oeq, %select_n3A_1722, %eq3A_1786 : vector<16xf32>
    %jit3A_1788 = arith.constant 1073741824 : i32
    %broadcast_in_dim3A_1789 = vector.broadcast %jit3A_1788 : i32 to vector<16xi32>
    %select_n3A_1790 = arith.select %eq3A_1787, %iota3A, %broadcast_in_dim3A_1789 : vector<16xi1>, vector<16xi32>
    %reduce_min3A_1791 = arith.constant true
    %reduce_min3A_1792 = vector.broadcast %reduce_min3A_1791 : i1 to vector<16xi1>
    %reduce_min3A_1793 = arith.constant -2147483648 : i32
    %reduce_min3A_1794 = vector.broadcast %reduce_min3A_1793 : i32 to vector<16xi32>
    %reduce_min3A_1795 = arith.xori %select_n3A_1790, %reduce_min3A_1794 : vector<16xi32>
    %reduce_min3A_1796 = tpu.scan <min>, %reduce_min3A_1795 masked %reduce_min3A_1792 : vector<16xi32>, vector<16xi1> -> vector<16xi32>
    %reduce_min3A_1797 = arith.xori %reduce_min3A_1796, %reduce_min3A_1794 : vector<16xi32>
    %reduce_min3A_1798 = vector.extract %reduce_min3A_1797[15] : i32 from vector<16xi32>
    %eq3A_1799 = vector.broadcast %max3A_1785 : f32 to vector<16xf32>
    %eq3A_1800 = arith.cmpf oeq, %select_n3A_1730, %eq3A_1799 : vector<16xf32>
    %jit3A_1801 = arith.constant 1073741824 : i32
    %broadcast_in_dim3A_1802 = vector.broadcast %jit3A_1801 : i32 to vector<16xi32>
    %select_n3A_1803 = arith.select %eq3A_1800, %add3A_1301, %broadcast_in_dim3A_1802 : vector<16xi1>, vector<16xi32>
    %reduce_min3A_1804 = arith.constant true
    %reduce_min3A_1805 = vector.broadcast %reduce_min3A_1804 : i1 to vector<16xi1>
    %reduce_min3A_1806 = arith.constant -2147483648 : i32
    %reduce_min3A_1807 = vector.broadcast %reduce_min3A_1806 : i32 to vector<16xi32>
    %reduce_min3A_1808 = arith.xori %select_n3A_1803, %reduce_min3A_1807 : vector<16xi32>
    %reduce_min3A_1809 = tpu.scan <min>, %reduce_min3A_1808 masked %reduce_min3A_1805 : vector<16xi32>, vector<16xi1> -> vector<16xi32>
    %reduce_min3A_1810 = arith.xori %reduce_min3A_1809, %reduce_min3A_1807 : vector<16xi32>
    %reduce_min3A_1811 = vector.extract %reduce_min3A_1810[15] : i32 from vector<16xi32>
    %min3A_1812 = arith.minsi %reduce_min3A_1798, %reduce_min3A_1811 : i32
    %eq3A_1813 = vector.broadcast %max3A_1785 : f32 to vector<16xf32>
    %eq3A_1814 = arith.cmpf oeq, %select_n3A_1722, %eq3A_1813 : vector<16xf32>
    %eq3A_1815 = vector.broadcast %min3A_1812 : i32 to vector<16xi32>
    %eq3A_1816 = arith.cmpi eq, %iota3A, %eq3A_1815 : vector<16xi32>
    %and3A_1817 = arith.andi %eq3A_1814, %eq3A_1816 : vector<16xi1>
    %jit3A_1818 = arith.constant -3.000000e+38 : f32
    %broadcast_in_dim3A_1819 = vector.broadcast %jit3A_1818 : f32 to vector<16xf32>
    %select_n3A_1820 = arith.select %and3A_1817, %broadcast_in_dim3A_1819, %select_n3A_1722 : vector<16xi1>, vector<16xf32>
    %eq3A_1821 = vector.broadcast %max3A_1785 : f32 to vector<16xf32>
    %eq3A_1822 = arith.cmpf oeq, %select_n3A_1730, %eq3A_1821 : vector<16xf32>
    %eq3A_1823 = vector.broadcast %min3A_1812 : i32 to vector<16xi32>
    %eq3A_1824 = arith.cmpi eq, %add3A_1301, %eq3A_1823 : vector<16xi32>
    %and3A_1825 = arith.andi %eq3A_1822, %eq3A_1824 : vector<16xi1>
    %jit3A_1826 = arith.constant -3.000000e+38 : f32
    %broadcast_in_dim3A_1827 = vector.broadcast %jit3A_1826 : f32 to vector<16xf32>
    %select_n3A_1828 = arith.select %and3A_1825, %broadcast_in_dim3A_1827, %select_n3A_1730 : vector<16xi1>, vector<16xf32>
    %eq3A_1829 = arith.constant 4 : i32
    %eq3A_1830 = vector.broadcast %eq3A_1829 : i32 to vector<16xi32>
    %eq3A_1831 = arith.cmpi eq, %iota3A, %eq3A_1830 : vector<16xi32>
    %broadcast_in_dim3A_1832 = vector.broadcast %max3A_1785 : f32 to vector<16xf32>
    %select_n3A_1833 = arith.select %eq3A_1831, %broadcast_in_dim3A_1832, %select_n3A_1735 : vector<16xi1>, vector<16xf32>
    %jit3A_1834 = arith.constant 5 : i32
    %div3A_1835 = arith.divsi %min3A_1812, %jit3A_1834 : i32
    %sign3A_1836 = arith.constant 0 : i32
    %sign3A_1837 = arith.cmpi sgt, %min3A_1812, %sign3A_1836 : i32
    %sign3A_1838 = arith.extui %sign3A_1837 : i1 to i32
    %sign3A_1839 = arith.constant 0 : i32
    %sign3A_1840 = arith.cmpi slt, %min3A_1812, %sign3A_1839 : i32
    %sign3A_1841 = arith.extui %sign3A_1840 : i1 to i32
    %sign3A_1842 = arith.subi %sign3A_1838, %sign3A_1841 : i32
    %sign3A_1843 = arith.constant 0 : i32
    %sign3A_1844 = arith.cmpi sgt, %jit3A_1834, %sign3A_1843 : i32
    %sign3A_1845 = arith.extui %sign3A_1844 : i1 to i32
    %sign3A_1846 = arith.constant 0 : i32
    %sign3A_1847 = arith.cmpi slt, %jit3A_1834, %sign3A_1846 : i32
    %sign3A_1848 = arith.extui %sign3A_1847 : i1 to i32
    %sign3A_1849 = arith.subi %sign3A_1845, %sign3A_1848 : i32
    %ne3A_1850 = arith.cmpi ne, %sign3A_1842, %sign3A_1849 : i32
    %rem3A_1851 = arith.remsi %min3A_1812, %jit3A_1834 : i32
    %ne3A_1852 = arith.constant 0 : i32
    %ne3A_1853 = arith.cmpi ne, %rem3A_1851, %ne3A_1852 : i32
    %and3A_1854 = arith.andi %ne3A_1850, %ne3A_1853 : i1
    %sub3A_1855 = arith.constant 1 : i32
    %sub3A_1856 = arith.subi %div3A_1835, %sub3A_1855 : i32
    %select_n3A_1857 = arith.select %and3A_1854, %sub3A_1856, %div3A_1835 : i32
    %mul3A_1858 = arith.constant 5 : i32
    %mul3A_1859 = arith.muli %select_n3A_1857, %mul3A_1858 : i32
    %sub3A_1860 = arith.subi %min3A_1812, %mul3A_1859 : i32
    %add3A_1861 = arith.constant 10 : i32
    %add3A_1862 = arith.addi %add3A_1861, %select_n3A_1857 : i32
    %mul3A_1863 = arith.constant 16 : i32
    %mul3A_1864 = arith.muli %add3A_1862, %mul3A_1863 : i32
    %add3A_1865 = vector.broadcast %mul3A_1864 : i32 to vector<16xi32>
    %add3A_1866 = arith.addi %add3A_1865, %iota3A : vector<16xi32>
    %gather3A_1867 = tpu.vector_load_idx %arg10[%add3A_1866] : memref<320xi32, #tpu.memory_space<vmem>>[vector<16xi32>], vector<16xi32>,
    %swap3A_1868 = arith.constant 448 : index
    %swap3A_1869 = tpu.vector_load %arg12[%swap3A_1868] {strides = array<i32>} : memref<640xi32, #tpu.memory_space<vmem>>, vector<16xi32>,
    tpu.vector_store %arg12[%swap3A_1868], %gather3A_1867 {strides = array<i32>} : memref<640xi32, #tpu.memory_space<vmem>>, vector<16xi32>,
    %broadcast_in_dim3A_1870 = vector.broadcast %add3A_1862 : i32 to vector<16xi32>
    %broadcast_in_dim3A_1871 = vector.broadcast %sub3A_1860 : i32 to vector<16xi32>
    %gather3A_1872 = tpu.vector_load_idx %arg9[%broadcast_in_dim3A_1870, %broadcast_in_dim3A_1871] : memref<20x16xi32, #tpu.memory_space<vmem>>[vector<16xi32>, vector<16xi32>], vector<16xi32>,
    %swap3A_1873 = arith.constant 464 : index
    %swap3A_1874 = tpu.vector_load %arg12[%swap3A_1873] {strides = array<i32>} : memref<640xi32, #tpu.memory_space<vmem>>, vector<16xi32>,
    tpu.vector_store %arg12[%swap3A_1873], %gather3A_1872 {strides = array<i32>} : memref<640xi32, #tpu.memory_space<vmem>>, vector<16xi32>,
    %swap3A_1875 = arith.constant 32 : index
    %swap3A_1876 = tpu.vector_load %arg13[%swap3A_1875] {strides = array<i32>} : memref<64xf32, #tpu.memory_space<vmem>>, vector<16xf32>,
    tpu.vector_store %arg13[%swap3A_1875], %select_n3A_1833 {strides = array<i32>} : memref<64xf32, #tpu.memory_space<vmem>>, vector<16xf32>,
    %mul3A_1877 = arith.constant 4 : i32
    %mul3A_1878 = arith.muli %add3A, %mul3A_1877 : i32
    %add3A_1879 = arith.constant 3 : i32
    %add3A_1880 = arith.addi %mul3A_1878, %add3A_1879 : i32
    %jit3A_1881 = arith.constant 5 : i32
    %div3A_1882 = vector.broadcast %jit3A_1881 : i32 to vector<16xi32>
    %div3A_1883 = arith.divsi %iota3A, %div3A_1882 : vector<16xi32>
    %sign3A_1884 = arith.constant 0 : i32
    %sign3A_1885 = vector.broadcast %sign3A_1884 : i32 to vector<16xi32>
    %sign3A_1886 = arith.cmpi sgt, %iota3A, %sign3A_1885 : vector<16xi32>
    %sign3A_1887 = arith.extui %sign3A_1886 : vector<16xi1> to vector<16xi32>
    %sign3A_1888 = arith.constant 0 : i32
    %sign3A_1889 = vector.broadcast %sign3A_1888 : i32 to vector<16xi32>
    %sign3A_1890 = arith.cmpi slt, %iota3A, %sign3A_1889 : vector<16xi32>
    %sign3A_1891 = arith.extui %sign3A_1890 : vector<16xi1> to vector<16xi32>
    %sign3A_1892 = arith.subi %sign3A_1887, %sign3A_1891 : vector<16xi32>
    %sign3A_1893 = arith.constant 0 : i32
    %sign3A_1894 = arith.cmpi sgt, %jit3A_1881, %sign3A_1893 : i32
    %sign3A_1895 = arith.extui %sign3A_1894 : i1 to i32
    %sign3A_1896 = arith.constant 0 : i32
    %sign3A_1897 = arith.cmpi slt, %jit3A_1881, %sign3A_1896 : i32
    %sign3A_1898 = arith.extui %sign3A_1897 : i1 to i32
    %sign3A_1899 = arith.subi %sign3A_1895, %sign3A_1898 : i32
    %ne3A_1900 = vector.broadcast %sign3A_1899 : i32 to vector<16xi32>
    %ne3A_1901 = arith.cmpi ne, %sign3A_1892, %ne3A_1900 : vector<16xi32>
    %rem3A_1902 = vector.broadcast %jit3A_1881 : i32 to vector<16xi32>
    %rem3A_1903 = arith.remsi %iota3A, %rem3A_1902 : vector<16xi32>
    %ne3A_1904 = arith.constant 0 : i32
    %ne3A_1905 = vector.broadcast %ne3A_1904 : i32 to vector<16xi32>
    %ne3A_1906 = arith.cmpi ne, %rem3A_1903, %ne3A_1905 : vector<16xi32>
    %and3A_1907 = arith.andi %ne3A_1901, %ne3A_1906 : vector<16xi1>
    %sub3A_1908 = arith.constant 1 : i32
    %sub3A_1909 = vector.broadcast %sub3A_1908 : i32 to vector<16xi32>
    %sub3A_1910 = arith.subi %div3A_1883, %sub3A_1909 : vector<16xi32>
    %select_n3A_1911 = arith.select %and3A_1907, %sub3A_1910, %div3A_1883 : vector<16xi1>, vector<16xi32>
    %mul3A_1912 = arith.constant 5 : i32
    %mul3A_1913 = vector.broadcast %mul3A_1912 : i32 to vector<16xi32>
    %mul3A_1914 = arith.muli %select_n3A_1911, %mul3A_1913 : vector<16xi32>
    %sub3A_1915 = arith.subi %iota3A, %mul3A_1914 : vector<16xi32>
    %mul3A_1916 = arith.constant 5 : i32
    %mul3A_1917 = arith.muli %add3A_1880, %mul3A_1916 : i32
    %add3A_1918 = vector.broadcast %mul3A_1917 : i32 to vector<16xi32>
    %add3A_1919 = arith.addi %add3A_1918, %select_n3A_1911 : vector<16xi32>
    %gather3A_1920 = tpu.vector_load_idx %arg11[%add3A_1919] : memref<640xf32, #tpu.memory_space<vmem>>[vector<16xi32>], vector<16xf32>,
    %add3A_1921 = arith.constant 15 : i32
    %add3A_1922 = vector.broadcast %add3A_1921 : i32 to vector<16xi32>
    %add3A_1923 = arith.addi %add3A_1922, %select_n3A_1911 : vector<16xi32>
    %gather3A_1924 = tpu.vector_load_idx %arg8[%add3A_1923, %sub3A_1915] : memref<20x16xf32, #tpu.memory_space<vmem>>[vector<16xi32>, vector<16xi32>], vector<16xf32>,
    %add3A_1925 = arith.addf %gather3A_1920, %gather3A_1924 : vector<16xf32>
    %add3A_1926 = arith.constant 16 : i32
    %add3A_1927 = vector.broadcast %add3A_1926 : i32 to vector<16xi32>
    %add3A_1928 = arith.addi %iota3A, %add3A_1927 : vector<16xi32>
    %jit3A_1929 = arith.constant 5 : i32
    %div3A_1930 = vector.broadcast %jit3A_1929 : i32 to vector<16xi32>
    %div3A_1931 = arith.divsi %add3A_1928, %div3A_1930 : vector<16xi32>
    %sign3A_1932 = arith.constant 0 : i32
    %sign3A_1933 = vector.broadcast %sign3A_1932 : i32 to vector<16xi32>
    %sign3A_1934 = arith.cmpi sgt, %add3A_1928, %sign3A_1933 : vector<16xi32>
    %sign3A_1935 = arith.extui %sign3A_1934 : vector<16xi1> to vector<16xi32>
    %sign3A_1936 = arith.constant 0 : i32
    %sign3A_1937 = vector.broadcast %sign3A_1936 : i32 to vector<16xi32>
    %sign3A_1938 = arith.cmpi slt, %add3A_1928, %sign3A_1937 : vector<16xi32>
    %sign3A_1939 = arith.extui %sign3A_1938 : vector<16xi1> to vector<16xi32>
    %sign3A_1940 = arith.subi %sign3A_1935, %sign3A_1939 : vector<16xi32>
    %sign3A_1941 = arith.constant 0 : i32
    %sign3A_1942 = arith.cmpi sgt, %jit3A_1929, %sign3A_1941 : i32
    %sign3A_1943 = arith.extui %sign3A_1942 : i1 to i32
    %sign3A_1944 = arith.constant 0 : i32
    %sign3A_1945 = arith.cmpi slt, %jit3A_1929, %sign3A_1944 : i32
    %sign3A_1946 = arith.extui %sign3A_1945 : i1 to i32
    %sign3A_1947 = arith.subi %sign3A_1943, %sign3A_1946 : i32
    %ne3A_1948 = vector.broadcast %sign3A_1947 : i32 to vector<16xi32>
    %ne3A_1949 = arith.cmpi ne, %sign3A_1940, %ne3A_1948 : vector<16xi32>
    %rem3A_1950 = vector.broadcast %jit3A_1929 : i32 to vector<16xi32>
    %rem3A_1951 = arith.remsi %add3A_1928, %rem3A_1950 : vector<16xi32>
    %ne3A_1952 = arith.constant 0 : i32
    %ne3A_1953 = vector.broadcast %ne3A_1952 : i32 to vector<16xi32>
    %ne3A_1954 = arith.cmpi ne, %rem3A_1951, %ne3A_1953 : vector<16xi32>
    %and3A_1955 = arith.andi %ne3A_1949, %ne3A_1954 : vector<16xi1>
    %sub3A_1956 = arith.constant 1 : i32
    %sub3A_1957 = vector.broadcast %sub3A_1956 : i32 to vector<16xi32>
    %sub3A_1958 = arith.subi %div3A_1931, %sub3A_1957 : vector<16xi32>
    %select_n3A_1959 = arith.select %and3A_1955, %sub3A_1958, %div3A_1931 : vector<16xi1>, vector<16xi32>
    %min3A_1960 = arith.constant 4 : i32
    %min3A_1961 = vector.broadcast %min3A_1960 : i32 to vector<16xi32>
    %min3A_1962 = arith.minsi %select_n3A_1959, %min3A_1961 : vector<16xi32>
    %jit3A_1963 = arith.constant 5 : i32
    %div3A_1964 = vector.broadcast %jit3A_1963 : i32 to vector<16xi32>
    %div3A_1965 = arith.divsi %add3A_1928, %div3A_1964 : vector<16xi32>
    %sign3A_1966 = arith.constant 0 : i32
    %sign3A_1967 = vector.broadcast %sign3A_1966 : i32 to vector<16xi32>
    %sign3A_1968 = arith.cmpi sgt, %add3A_1928, %sign3A_1967 : vector<16xi32>
    %sign3A_1969 = arith.extui %sign3A_1968 : vector<16xi1> to vector<16xi32>
    %sign3A_1970 = arith.constant 0 : i32
    %sign3A_1971 = vector.broadcast %sign3A_1970 : i32 to vector<16xi32>
    %sign3A_1972 = arith.cmpi slt, %add3A_1928, %sign3A_1971 : vector<16xi32>
    %sign3A_1973 = arith.extui %sign3A_1972 : vector<16xi1> to vector<16xi32>
    %sign3A_1974 = arith.subi %sign3A_1969, %sign3A_1973 : vector<16xi32>
    %sign3A_1975 = arith.constant 0 : i32
    %sign3A_1976 = arith.cmpi sgt, %jit3A_1963, %sign3A_1975 : i32
    %sign3A_1977 = arith.extui %sign3A_1976 : i1 to i32
    %sign3A_1978 = arith.constant 0 : i32
    %sign3A_1979 = arith.cmpi slt, %jit3A_1963, %sign3A_1978 : i32
    %sign3A_1980 = arith.extui %sign3A_1979 : i1 to i32
    %sign3A_1981 = arith.subi %sign3A_1977, %sign3A_1980 : i32
    %ne3A_1982 = vector.broadcast %sign3A_1981 : i32 to vector<16xi32>
    %ne3A_1983 = arith.cmpi ne, %sign3A_1974, %ne3A_1982 : vector<16xi32>
    %rem3A_1984 = vector.broadcast %jit3A_1963 : i32 to vector<16xi32>
    %rem3A_1985 = arith.remsi %add3A_1928, %rem3A_1984 : vector<16xi32>
    %ne3A_1986 = arith.constant 0 : i32
    %ne3A_1987 = vector.broadcast %ne3A_1986 : i32 to vector<16xi32>
    %ne3A_1988 = arith.cmpi ne, %rem3A_1985, %ne3A_1987 : vector<16xi32>
    %and3A_1989 = arith.andi %ne3A_1983, %ne3A_1988 : vector<16xi1>
    %sub3A_1990 = arith.constant 1 : i32
    %sub3A_1991 = vector.broadcast %sub3A_1990 : i32 to vector<16xi32>
    %sub3A_1992 = arith.subi %div3A_1965, %sub3A_1991 : vector<16xi32>
    %select_n3A_1993 = arith.select %and3A_1989, %sub3A_1992, %div3A_1965 : vector<16xi1>, vector<16xi32>
    %mul3A_1994 = arith.constant 5 : i32
    %mul3A_1995 = vector.broadcast %mul3A_1994 : i32 to vector<16xi32>
    %mul3A_1996 = arith.muli %select_n3A_1993, %mul3A_1995 : vector<16xi32>
    %sub3A_1997 = arith.subi %add3A_1928, %mul3A_1996 : vector<16xi32>
    %lt3A_1998 = arith.constant 25 : i32
    %lt3A_1999 = vector.broadcast %lt3A_1998 : i32 to vector<16xi32>
    %lt3A_2000 = arith.cmpi slt, %add3A_1928, %lt3A_1999 : vector<16xi32>
    %mul3A_2001 = arith.constant 5 : i32
    %mul3A_2002 = arith.muli %add3A_1880, %mul3A_2001 : i32
    %add3A_2003 = vector.broadcast %mul3A_2002 : i32 to vector<16xi32>
    %add3A_2004 = arith.addi %add3A_2003, %min3A_1962 : vector<16xi32>
    %gather3A_2005 = tpu.vector_load_idx %arg11[%add3A_2004] : memref<640xf32, #tpu.memory_space<vmem>>[vector<16xi32>], vector<16xf32>,
    %add3A_2006 = arith.constant 15 : i32
    %add3A_2007 = vector.broadcast %add3A_2006 : i32 to vector<16xi32>
    %add3A_2008 = arith.addi %add3A_2007, %min3A_1962 : vector<16xi32>
    %gather3A_2009 = tpu.vector_load_idx %arg8[%add3A_2008, %sub3A_1997] : memref<20x16xf32, #tpu.memory_space<vmem>>[vector<16xi32>, vector<16xi32>], vector<16xf32>,
    %add3A_2010 = arith.addf %gather3A_2005, %gather3A_2009 : vector<16xf32>
    %select_n3A_2011 = arith.select %lt3A_2000, %add3A_2010, %broadcast_in_dim3A_5 : vector<16xi1>, vector<16xf32>
    %reduce_max3A_2012 = arith.constant true
    %reduce_max3A_2013 = vector.broadcast %reduce_max3A_2012 : i1 to vector<16xi1>
    %reduce_max3A_2014 = tpu.scan <max>, %add3A_1925 masked %reduce_max3A_2013 : vector<16xf32>, vector<16xi1> -> vector<16xf32>
    %reduce_max3A_2015 = vector.extract %reduce_max3A_2014[15] : f32 from vector<16xf32>
    %reduce_max3A_2016 = arith.constant true
    %reduce_max3A_2017 = vector.broadcast %reduce_max3A_2016 : i1 to vector<16xi1>
    %reduce_max3A_2018 = tpu.scan <max>, %select_n3A_2011 masked %reduce_max3A_2017 : vector<16xf32>, vector<16xi1> -> vector<16xf32>
    %reduce_max3A_2019 = vector.extract %reduce_max3A_2018[15] : f32 from vector<16xf32>
    %max3A_2020 = arith.maximumf %reduce_max3A_2015, %reduce_max3A_2019 : f32
    %eq3A_2021 = vector.broadcast %max3A_2020 : f32 to vector<16xf32>
    %eq3A_2022 = arith.cmpf oeq, %add3A_1925, %eq3A_2021 : vector<16xf32>
    %jit3A_2023 = arith.constant 1073741824 : i32
    %broadcast_in_dim3A_2024 = vector.broadcast %jit3A_2023 : i32 to vector<16xi32>
    %select_n3A_2025 = arith.select %eq3A_2022, %iota3A, %broadcast_in_dim3A_2024 : vector<16xi1>, vector<16xi32>
    %reduce_min3A_2026 = arith.constant true
    %reduce_min3A_2027 = vector.broadcast %reduce_min3A_2026 : i1 to vector<16xi1>
    %reduce_min3A_2028 = arith.constant -2147483648 : i32
    %reduce_min3A_2029 = vector.broadcast %reduce_min3A_2028 : i32 to vector<16xi32>
    %reduce_min3A_2030 = arith.xori %select_n3A_2025, %reduce_min3A_2029 : vector<16xi32>
    %reduce_min3A_2031 = tpu.scan <min>, %reduce_min3A_2030 masked %reduce_min3A_2027 : vector<16xi32>, vector<16xi1> -> vector<16xi32>
    %reduce_min3A_2032 = arith.xori %reduce_min3A_2031, %reduce_min3A_2029 : vector<16xi32>
    %reduce_min3A_2033 = vector.extract %reduce_min3A_2032[15] : i32 from vector<16xi32>
    %eq3A_2034 = vector.broadcast %max3A_2020 : f32 to vector<16xf32>
    %eq3A_2035 = arith.cmpf oeq, %select_n3A_2011, %eq3A_2034 : vector<16xf32>
    %jit3A_2036 = arith.constant 1073741824 : i32
    %broadcast_in_dim3A_2037 = vector.broadcast %jit3A_2036 : i32 to vector<16xi32>
    %select_n3A_2038 = arith.select %eq3A_2035, %add3A_1928, %broadcast_in_dim3A_2037 : vector<16xi1>, vector<16xi32>
    %reduce_min3A_2039 = arith.constant true
    %reduce_min3A_2040 = vector.broadcast %reduce_min3A_2039 : i1 to vector<16xi1>
    %reduce_min3A_2041 = arith.constant -2147483648 : i32
    %reduce_min3A_2042 = vector.broadcast %reduce_min3A_2041 : i32 to vector<16xi32>
    %reduce_min3A_2043 = arith.xori %select_n3A_2038, %reduce_min3A_2042 : vector<16xi32>
    %reduce_min3A_2044 = tpu.scan <min>, %reduce_min3A_2043 masked %reduce_min3A_2040 : vector<16xi32>, vector<16xi1> -> vector<16xi32>
    %reduce_min3A_2045 = arith.xori %reduce_min3A_2044, %reduce_min3A_2042 : vector<16xi32>
    %reduce_min3A_2046 = vector.extract %reduce_min3A_2045[15] : i32 from vector<16xi32>
    %min3A_2047 = arith.minsi %reduce_min3A_2033, %reduce_min3A_2046 : i32
    %eq3A_2048 = vector.broadcast %max3A_2020 : f32 to vector<16xf32>
    %eq3A_2049 = arith.cmpf oeq, %add3A_1925, %eq3A_2048 : vector<16xf32>
    %eq3A_2050 = vector.broadcast %min3A_2047 : i32 to vector<16xi32>
    %eq3A_2051 = arith.cmpi eq, %iota3A, %eq3A_2050 : vector<16xi32>
    %and3A_2052 = arith.andi %eq3A_2049, %eq3A_2051 : vector<16xi1>
    %jit3A_2053 = arith.constant -3.000000e+38 : f32
    %broadcast_in_dim3A_2054 = vector.broadcast %jit3A_2053 : f32 to vector<16xf32>
    %select_n3A_2055 = arith.select %and3A_2052, %broadcast_in_dim3A_2054, %add3A_1925 : vector<16xi1>, vector<16xf32>
    %eq3A_2056 = vector.broadcast %max3A_2020 : f32 to vector<16xf32>
    %eq3A_2057 = arith.cmpf oeq, %select_n3A_2011, %eq3A_2056 : vector<16xf32>
    %eq3A_2058 = vector.broadcast %min3A_2047 : i32 to vector<16xi32>
    %eq3A_2059 = arith.cmpi eq, %add3A_1928, %eq3A_2058 : vector<16xi32>
    %and3A_2060 = arith.andi %eq3A_2057, %eq3A_2059 : vector<16xi1>
    %jit3A_2061 = arith.constant -3.000000e+38 : f32
    %broadcast_in_dim3A_2062 = vector.broadcast %jit3A_2061 : f32 to vector<16xf32>
    %select_n3A_2063 = arith.select %and3A_2060, %broadcast_in_dim3A_2062, %select_n3A_2011 : vector<16xi1>, vector<16xf32>
    %eq3A_2064 = arith.constant 0 : i32
    %eq3A_2065 = vector.broadcast %eq3A_2064 : i32 to vector<16xi32>
    %eq3A_2066 = arith.cmpi eq, %iota3A, %eq3A_2065 : vector<16xi32>
    %broadcast_in_dim3A_2067 = vector.broadcast %max3A_2020 : f32 to vector<16xf32>
    %select_n3A_2068 = arith.select %eq3A_2066, %broadcast_in_dim3A_2067, %broadcast_in_dim3A_5 : vector<16xi1>, vector<16xf32>
    %jit3A_2069 = arith.constant 5 : i32
    %div3A_2070 = arith.divsi %min3A_2047, %jit3A_2069 : i32
    %sign3A_2071 = arith.constant 0 : i32
    %sign3A_2072 = arith.cmpi sgt, %min3A_2047, %sign3A_2071 : i32
    %sign3A_2073 = arith.extui %sign3A_2072 : i1 to i32
    %sign3A_2074 = arith.constant 0 : i32
    %sign3A_2075 = arith.cmpi slt, %min3A_2047, %sign3A_2074 : i32
    %sign3A_2076 = arith.extui %sign3A_2075 : i1 to i32
    %sign3A_2077 = arith.subi %sign3A_2073, %sign3A_2076 : i32
    %sign3A_2078 = arith.constant 0 : i32
    %sign3A_2079 = arith.cmpi sgt, %jit3A_2069, %sign3A_2078 : i32
    %sign3A_2080 = arith.extui %sign3A_2079 : i1 to i32
    %sign3A_2081 = arith.constant 0 : i32
    %sign3A_2082 = arith.cmpi slt, %jit3A_2069, %sign3A_2081 : i32
    %sign3A_2083 = arith.extui %sign3A_2082 : i1 to i32
    %sign3A_2084 = arith.subi %sign3A_2080, %sign3A_2083 : i32
    %ne3A_2085 = arith.cmpi ne, %sign3A_2077, %sign3A_2084 : i32
    %rem3A_2086 = arith.remsi %min3A_2047, %jit3A_2069 : i32
    %ne3A_2087 = arith.constant 0 : i32
    %ne3A_2088 = arith.cmpi ne, %rem3A_2086, %ne3A_2087 : i32
    %and3A_2089 = arith.andi %ne3A_2085, %ne3A_2088 : i1
    %sub3A_2090 = arith.constant 1 : i32
    %sub3A_2091 = arith.subi %div3A_2070, %sub3A_2090 : i32
    %select_n3A_2092 = arith.select %and3A_2089, %sub3A_2091, %div3A_2070 : i32
    %mul3A_2093 = arith.constant 5 : i32
    %mul3A_2094 = arith.muli %select_n3A_2092, %mul3A_2093 : i32
    %sub3A_2095 = arith.subi %min3A_2047, %mul3A_2094 : i32
    %add3A_2096 = arith.constant 15 : i32
    %add3A_2097 = arith.addi %add3A_2096, %select_n3A_2092 : i32
    %mul3A_2098 = arith.constant 16 : i32
    %mul3A_2099 = arith.muli %add3A_2097, %mul3A_2098 : i32
    %add3A_2100 = vector.broadcast %mul3A_2099 : i32 to vector<16xi32>
    %add3A_2101 = arith.addi %add3A_2100, %iota3A : vector<16xi32>
    %gather3A_2102 = tpu.vector_load_idx %arg10[%add3A_2101] : memref<320xi32, #tpu.memory_space<vmem>>[vector<16xi32>], vector<16xi32>,
    %swap3A_2103 = arith.constant 480 : index
    %swap3A_2104 = tpu.vector_load %arg12[%swap3A_2103] {strides = array<i32>} : memref<640xi32, #tpu.memory_space<vmem>>, vector<16xi32>,
    tpu.vector_store %arg12[%swap3A_2103], %gather3A_2102 {strides = array<i32>} : memref<640xi32, #tpu.memory_space<vmem>>, vector<16xi32>,
    %broadcast_in_dim3A_2105 = vector.broadcast %add3A_2097 : i32 to vector<16xi32>
    %broadcast_in_dim3A_2106 = vector.broadcast %sub3A_2095 : i32 to vector<16xi32>
    %gather3A_2107 = tpu.vector_load_idx %arg9[%broadcast_in_dim3A_2105, %broadcast_in_dim3A_2106] : memref<20x16xi32, #tpu.memory_space<vmem>>[vector<16xi32>, vector<16xi32>], vector<16xi32>,
    %swap3A_2108 = arith.constant 496 : index
    %swap3A_2109 = tpu.vector_load %arg12[%swap3A_2108] {strides = array<i32>} : memref<640xi32, #tpu.memory_space<vmem>>, vector<16xi32>,
    tpu.vector_store %arg12[%swap3A_2108], %gather3A_2107 {strides = array<i32>} : memref<640xi32, #tpu.memory_space<vmem>>, vector<16xi32>,
    %reduce_max3A_2110 = arith.constant true
    %reduce_max3A_2111 = vector.broadcast %reduce_max3A_2110 : i1 to vector<16xi1>
    %reduce_max3A_2112 = tpu.scan <max>, %select_n3A_2055 masked %reduce_max3A_2111 : vector<16xf32>, vector<16xi1> -> vector<16xf32>
    %reduce_max3A_2113 = vector.extract %reduce_max3A_2112[15] : f32 from vector<16xf32>
    %reduce_max3A_2114 = arith.constant true
    %reduce_max3A_2115 = vector.broadcast %reduce_max3A_2114 : i1 to vector<16xi1>
    %reduce_max3A_2116 = tpu.scan <max>, %select_n3A_2063 masked %reduce_max3A_2115 : vector<16xf32>, vector<16xi1> -> vector<16xf32>
    %reduce_max3A_2117 = vector.extract %reduce_max3A_2116[15] : f32 from vector<16xf32>
    %max3A_2118 = arith.maximumf %reduce_max3A_2113, %reduce_max3A_2117 : f32
    %eq3A_2119 = vector.broadcast %max3A_2118 : f32 to vector<16xf32>
    %eq3A_2120 = arith.cmpf oeq, %select_n3A_2055, %eq3A_2119 : vector<16xf32>
    %jit3A_2121 = arith.constant 1073741824 : i32
    %broadcast_in_dim3A_2122 = vector.broadcast %jit3A_2121 : i32 to vector<16xi32>
    %select_n3A_2123 = arith.select %eq3A_2120, %iota3A, %broadcast_in_dim3A_2122 : vector<16xi1>, vector<16xi32>
    %reduce_min3A_2124 = arith.constant true
    %reduce_min3A_2125 = vector.broadcast %reduce_min3A_2124 : i1 to vector<16xi1>
    %reduce_min3A_2126 = arith.constant -2147483648 : i32
    %reduce_min3A_2127 = vector.broadcast %reduce_min3A_2126 : i32 to vector<16xi32>
    %reduce_min3A_2128 = arith.xori %select_n3A_2123, %reduce_min3A_2127 : vector<16xi32>
    %reduce_min3A_2129 = tpu.scan <min>, %reduce_min3A_2128 masked %reduce_min3A_2125 : vector<16xi32>, vector<16xi1> -> vector<16xi32>
    %reduce_min3A_2130 = arith.xori %reduce_min3A_2129, %reduce_min3A_2127 : vector<16xi32>
    %reduce_min3A_2131 = vector.extract %reduce_min3A_2130[15] : i32 from vector<16xi32>
    %eq3A_2132 = vector.broadcast %max3A_2118 : f32 to vector<16xf32>
    %eq3A_2133 = arith.cmpf oeq, %select_n3A_2063, %eq3A_2132 : vector<16xf32>
    %jit3A_2134 = arith.constant 1073741824 : i32
    %broadcast_in_dim3A_2135 = vector.broadcast %jit3A_2134 : i32 to vector<16xi32>
    %select_n3A_2136 = arith.select %eq3A_2133, %add3A_1928, %broadcast_in_dim3A_2135 : vector<16xi1>, vector<16xi32>
    %reduce_min3A_2137 = arith.constant true
    %reduce_min3A_2138 = vector.broadcast %reduce_min3A_2137 : i1 to vector<16xi1>
    %reduce_min3A_2139 = arith.constant -2147483648 : i32
    %reduce_min3A_2140 = vector.broadcast %reduce_min3A_2139 : i32 to vector<16xi32>
    %reduce_min3A_2141 = arith.xori %select_n3A_2136, %reduce_min3A_2140 : vector<16xi32>
    %reduce_min3A_2142 = tpu.scan <min>, %reduce_min3A_2141 masked %reduce_min3A_2138 : vector<16xi32>, vector<16xi1> -> vector<16xi32>
    %reduce_min3A_2143 = arith.xori %reduce_min3A_2142, %reduce_min3A_2140 : vector<16xi32>
    %reduce_min3A_2144 = vector.extract %reduce_min3A_2143[15] : i32 from vector<16xi32>
    %min3A_2145 = arith.minsi %reduce_min3A_2131, %reduce_min3A_2144 : i32
    %eq3A_2146 = vector.broadcast %max3A_2118 : f32 to vector<16xf32>
    %eq3A_2147 = arith.cmpf oeq, %select_n3A_2055, %eq3A_2146 : vector<16xf32>
    %eq3A_2148 = vector.broadcast %min3A_2145 : i32 to vector<16xi32>
    %eq3A_2149 = arith.cmpi eq, %iota3A, %eq3A_2148 : vector<16xi32>
    %and3A_2150 = arith.andi %eq3A_2147, %eq3A_2149 : vector<16xi1>
    %jit3A_2151 = arith.constant -3.000000e+38 : f32
    %broadcast_in_dim3A_2152 = vector.broadcast %jit3A_2151 : f32 to vector<16xf32>
    %select_n3A_2153 = arith.select %and3A_2150, %broadcast_in_dim3A_2152, %select_n3A_2055 : vector<16xi1>, vector<16xf32>
    %eq3A_2154 = vector.broadcast %max3A_2118 : f32 to vector<16xf32>
    %eq3A_2155 = arith.cmpf oeq, %select_n3A_2063, %eq3A_2154 : vector<16xf32>
    %eq3A_2156 = vector.broadcast %min3A_2145 : i32 to vector<16xi32>
    %eq3A_2157 = arith.cmpi eq, %add3A_1928, %eq3A_2156 : vector<16xi32>
    %and3A_2158 = arith.andi %eq3A_2155, %eq3A_2157 : vector<16xi1>
    %jit3A_2159 = arith.constant -3.000000e+38 : f32
    %broadcast_in_dim3A_2160 = vector.broadcast %jit3A_2159 : f32 to vector<16xf32>
    %select_n3A_2161 = arith.select %and3A_2158, %broadcast_in_dim3A_2160, %select_n3A_2063 : vector<16xi1>, vector<16xf32>
    %eq3A_2162 = arith.constant 1 : i32
    %eq3A_2163 = vector.broadcast %eq3A_2162 : i32 to vector<16xi32>
    %eq3A_2164 = arith.cmpi eq, %iota3A, %eq3A_2163 : vector<16xi32>
    %broadcast_in_dim3A_2165 = vector.broadcast %max3A_2118 : f32 to vector<16xf32>
    %select_n3A_2166 = arith.select %eq3A_2164, %broadcast_in_dim3A_2165, %select_n3A_2068 : vector<16xi1>, vector<16xf32>
    %jit3A_2167 = arith.constant 5 : i32
    %div3A_2168 = arith.divsi %min3A_2145, %jit3A_2167 : i32
    %sign3A_2169 = arith.constant 0 : i32
    %sign3A_2170 = arith.cmpi sgt, %min3A_2145, %sign3A_2169 : i32
    %sign3A_2171 = arith.extui %sign3A_2170 : i1 to i32
    %sign3A_2172 = arith.constant 0 : i32
    %sign3A_2173 = arith.cmpi slt, %min3A_2145, %sign3A_2172 : i32
    %sign3A_2174 = arith.extui %sign3A_2173 : i1 to i32
    %sign3A_2175 = arith.subi %sign3A_2171, %sign3A_2174 : i32
    %sign3A_2176 = arith.constant 0 : i32
    %sign3A_2177 = arith.cmpi sgt, %jit3A_2167, %sign3A_2176 : i32
    %sign3A_2178 = arith.extui %sign3A_2177 : i1 to i32
    %sign3A_2179 = arith.constant 0 : i32
    %sign3A_2180 = arith.cmpi slt, %jit3A_2167, %sign3A_2179 : i32
    %sign3A_2181 = arith.extui %sign3A_2180 : i1 to i32
    %sign3A_2182 = arith.subi %sign3A_2178, %sign3A_2181 : i32
    %ne3A_2183 = arith.cmpi ne, %sign3A_2175, %sign3A_2182 : i32
    %rem3A_2184 = arith.remsi %min3A_2145, %jit3A_2167 : i32
    %ne3A_2185 = arith.constant 0 : i32
    %ne3A_2186 = arith.cmpi ne, %rem3A_2184, %ne3A_2185 : i32
    %and3A_2187 = arith.andi %ne3A_2183, %ne3A_2186 : i1
    %sub3A_2188 = arith.constant 1 : i32
    %sub3A_2189 = arith.subi %div3A_2168, %sub3A_2188 : i32
    %select_n3A_2190 = arith.select %and3A_2187, %sub3A_2189, %div3A_2168 : i32
    %mul3A_2191 = arith.constant 5 : i32
    %mul3A_2192 = arith.muli %select_n3A_2190, %mul3A_2191 : i32
    %sub3A_2193 = arith.subi %min3A_2145, %mul3A_2192 : i32
    %add3A_2194 = arith.constant 15 : i32
    %add3A_2195 = arith.addi %add3A_2194, %select_n3A_2190 : i32
    %mul3A_2196 = arith.constant 16 : i32
    %mul3A_2197 = arith.muli %add3A_2195, %mul3A_2196 : i32
    %add3A_2198 = vector.broadcast %mul3A_2197 : i32 to vector<16xi32>
    %add3A_2199 = arith.addi %add3A_2198, %iota3A : vector<16xi32>
    %gather3A_2200 = tpu.vector_load_idx %arg10[%add3A_2199] : memref<320xi32, #tpu.memory_space<vmem>>[vector<16xi32>], vector<16xi32>,
    %swap3A_2201 = arith.constant 512 : index
    %swap3A_2202 = tpu.vector_load %arg12[%swap3A_2201] {strides = array<i32>} : memref<640xi32, #tpu.memory_space<vmem>>, vector<16xi32>,
    tpu.vector_store %arg12[%swap3A_2201], %gather3A_2200 {strides = array<i32>} : memref<640xi32, #tpu.memory_space<vmem>>, vector<16xi32>,
    %broadcast_in_dim3A_2203 = vector.broadcast %add3A_2195 : i32 to vector<16xi32>
    %broadcast_in_dim3A_2204 = vector.broadcast %sub3A_2193 : i32 to vector<16xi32>
    %gather3A_2205 = tpu.vector_load_idx %arg9[%broadcast_in_dim3A_2203, %broadcast_in_dim3A_2204] : memref<20x16xi32, #tpu.memory_space<vmem>>[vector<16xi32>, vector<16xi32>], vector<16xi32>,
    %swap3A_2206 = arith.constant 528 : index
    %swap3A_2207 = tpu.vector_load %arg12[%swap3A_2206] {strides = array<i32>} : memref<640xi32, #tpu.memory_space<vmem>>, vector<16xi32>,
    tpu.vector_store %arg12[%swap3A_2206], %gather3A_2205 {strides = array<i32>} : memref<640xi32, #tpu.memory_space<vmem>>, vector<16xi32>,
    %reduce_max3A_2208 = arith.constant true
    %reduce_max3A_2209 = vector.broadcast %reduce_max3A_2208 : i1 to vector<16xi1>
    %reduce_max3A_2210 = tpu.scan <max>, %select_n3A_2153 masked %reduce_max3A_2209 : vector<16xf32>, vector<16xi1> -> vector<16xf32>
    %reduce_max3A_2211 = vector.extract %reduce_max3A_2210[15] : f32 from vector<16xf32>
    %reduce_max3A_2212 = arith.constant true
    %reduce_max3A_2213 = vector.broadcast %reduce_max3A_2212 : i1 to vector<16xi1>
    %reduce_max3A_2214 = tpu.scan <max>, %select_n3A_2161 masked %reduce_max3A_2213 : vector<16xf32>, vector<16xi1> -> vector<16xf32>
    %reduce_max3A_2215 = vector.extract %reduce_max3A_2214[15] : f32 from vector<16xf32>
    %max3A_2216 = arith.maximumf %reduce_max3A_2211, %reduce_max3A_2215 : f32
    %eq3A_2217 = vector.broadcast %max3A_2216 : f32 to vector<16xf32>
    %eq3A_2218 = arith.cmpf oeq, %select_n3A_2153, %eq3A_2217 : vector<16xf32>
    %jit3A_2219 = arith.constant 1073741824 : i32
    %broadcast_in_dim3A_2220 = vector.broadcast %jit3A_2219 : i32 to vector<16xi32>
    %select_n3A_2221 = arith.select %eq3A_2218, %iota3A, %broadcast_in_dim3A_2220 : vector<16xi1>, vector<16xi32>
    %reduce_min3A_2222 = arith.constant true
    %reduce_min3A_2223 = vector.broadcast %reduce_min3A_2222 : i1 to vector<16xi1>
    %reduce_min3A_2224 = arith.constant -2147483648 : i32
    %reduce_min3A_2225 = vector.broadcast %reduce_min3A_2224 : i32 to vector<16xi32>
    %reduce_min3A_2226 = arith.xori %select_n3A_2221, %reduce_min3A_2225 : vector<16xi32>
    %reduce_min3A_2227 = tpu.scan <min>, %reduce_min3A_2226 masked %reduce_min3A_2223 : vector<16xi32>, vector<16xi1> -> vector<16xi32>
    %reduce_min3A_2228 = arith.xori %reduce_min3A_2227, %reduce_min3A_2225 : vector<16xi32>
    %reduce_min3A_2229 = vector.extract %reduce_min3A_2228[15] : i32 from vector<16xi32>
    %eq3A_2230 = vector.broadcast %max3A_2216 : f32 to vector<16xf32>
    %eq3A_2231 = arith.cmpf oeq, %select_n3A_2161, %eq3A_2230 : vector<16xf32>
    %jit3A_2232 = arith.constant 1073741824 : i32
    %broadcast_in_dim3A_2233 = vector.broadcast %jit3A_2232 : i32 to vector<16xi32>
    %select_n3A_2234 = arith.select %eq3A_2231, %add3A_1928, %broadcast_in_dim3A_2233 : vector<16xi1>, vector<16xi32>
    %reduce_min3A_2235 = arith.constant true
    %reduce_min3A_2236 = vector.broadcast %reduce_min3A_2235 : i1 to vector<16xi1>
    %reduce_min3A_2237 = arith.constant -2147483648 : i32
    %reduce_min3A_2238 = vector.broadcast %reduce_min3A_2237 : i32 to vector<16xi32>
    %reduce_min3A_2239 = arith.xori %select_n3A_2234, %reduce_min3A_2238 : vector<16xi32>
    %reduce_min3A_2240 = tpu.scan <min>, %reduce_min3A_2239 masked %reduce_min3A_2236 : vector<16xi32>, vector<16xi1> -> vector<16xi32>
    %reduce_min3A_2241 = arith.xori %reduce_min3A_2240, %reduce_min3A_2238 : vector<16xi32>
    %reduce_min3A_2242 = vector.extract %reduce_min3A_2241[15] : i32 from vector<16xi32>
    %min3A_2243 = arith.minsi %reduce_min3A_2229, %reduce_min3A_2242 : i32
    %eq3A_2244 = vector.broadcast %max3A_2216 : f32 to vector<16xf32>
    %eq3A_2245 = arith.cmpf oeq, %select_n3A_2153, %eq3A_2244 : vector<16xf32>
    %eq3A_2246 = vector.broadcast %min3A_2243 : i32 to vector<16xi32>
    %eq3A_2247 = arith.cmpi eq, %iota3A, %eq3A_2246 : vector<16xi32>
    %and3A_2248 = arith.andi %eq3A_2245, %eq3A_2247 : vector<16xi1>
    %jit3A_2249 = arith.constant -3.000000e+38 : f32
    %broadcast_in_dim3A_2250 = vector.broadcast %jit3A_2249 : f32 to vector<16xf32>
    %select_n3A_2251 = arith.select %and3A_2248, %broadcast_in_dim3A_2250, %select_n3A_2153 : vector<16xi1>, vector<16xf32>
    %eq3A_2252 = vector.broadcast %max3A_2216 : f32 to vector<16xf32>
    %eq3A_2253 = arith.cmpf oeq, %select_n3A_2161, %eq3A_2252 : vector<16xf32>
    %eq3A_2254 = vector.broadcast %min3A_2243 : i32 to vector<16xi32>
    %eq3A_2255 = arith.cmpi eq, %add3A_1928, %eq3A_2254 : vector<16xi32>
    %and3A_2256 = arith.andi %eq3A_2253, %eq3A_2255 : vector<16xi1>
    %jit3A_2257 = arith.constant -3.000000e+38 : f32
    %broadcast_in_dim3A_2258 = vector.broadcast %jit3A_2257 : f32 to vector<16xf32>
    %select_n3A_2259 = arith.select %and3A_2256, %broadcast_in_dim3A_2258, %select_n3A_2161 : vector<16xi1>, vector<16xf32>
    %eq3A_2260 = arith.constant 2 : i32
    %eq3A_2261 = vector.broadcast %eq3A_2260 : i32 to vector<16xi32>
    %eq3A_2262 = arith.cmpi eq, %iota3A, %eq3A_2261 : vector<16xi32>
    %broadcast_in_dim3A_2263 = vector.broadcast %max3A_2216 : f32 to vector<16xf32>
    %select_n3A_2264 = arith.select %eq3A_2262, %broadcast_in_dim3A_2263, %select_n3A_2166 : vector<16xi1>, vector<16xf32>
    %jit3A_2265 = arith.constant 5 : i32
    %div3A_2266 = arith.divsi %min3A_2243, %jit3A_2265 : i32
    %sign3A_2267 = arith.constant 0 : i32
    %sign3A_2268 = arith.cmpi sgt, %min3A_2243, %sign3A_2267 : i32
    %sign3A_2269 = arith.extui %sign3A_2268 : i1 to i32
    %sign3A_2270 = arith.constant 0 : i32
    %sign3A_2271 = arith.cmpi slt, %min3A_2243, %sign3A_2270 : i32
    %sign3A_2272 = arith.extui %sign3A_2271 : i1 to i32
    %sign3A_2273 = arith.subi %sign3A_2269, %sign3A_2272 : i32
    %sign3A_2274 = arith.constant 0 : i32
    %sign3A_2275 = arith.cmpi sgt, %jit3A_2265, %sign3A_2274 : i32
    %sign3A_2276 = arith.extui %sign3A_2275 : i1 to i32
    %sign3A_2277 = arith.constant 0 : i32
    %sign3A_2278 = arith.cmpi slt, %jit3A_2265, %sign3A_2277 : i32
    %sign3A_2279 = arith.extui %sign3A_2278 : i1 to i32
    %sign3A_2280 = arith.subi %sign3A_2276, %sign3A_2279 : i32
    %ne3A_2281 = arith.cmpi ne, %sign3A_2273, %sign3A_2280 : i32
    %rem3A_2282 = arith.remsi %min3A_2243, %jit3A_2265 : i32
    %ne3A_2283 = arith.constant 0 : i32
    %ne3A_2284 = arith.cmpi ne, %rem3A_2282, %ne3A_2283 : i32
    %and3A_2285 = arith.andi %ne3A_2281, %ne3A_2284 : i1
    %sub3A_2286 = arith.constant 1 : i32
    %sub3A_2287 = arith.subi %div3A_2266, %sub3A_2286 : i32
    %select_n3A_2288 = arith.select %and3A_2285, %sub3A_2287, %div3A_2266 : i32
    %mul3A_2289 = arith.constant 5 : i32
    %mul3A_2290 = arith.muli %select_n3A_2288, %mul3A_2289 : i32
    %sub3A_2291 = arith.subi %min3A_2243, %mul3A_2290 : i32
    %add3A_2292 = arith.constant 15 : i32
    %add3A_2293 = arith.addi %add3A_2292, %select_n3A_2288 : i32
    %mul3A_2294 = arith.constant 16 : i32
    %mul3A_2295 = arith.muli %add3A_2293, %mul3A_2294 : i32
    %add3A_2296 = vector.broadcast %mul3A_2295 : i32 to vector<16xi32>
    %add3A_2297 = arith.addi %add3A_2296, %iota3A : vector<16xi32>
    %gather3A_2298 = tpu.vector_load_idx %arg10[%add3A_2297] : memref<320xi32, #tpu.memory_space<vmem>>[vector<16xi32>], vector<16xi32>,
    %swap3A_2299 = arith.constant 544 : index
    %swap3A_2300 = tpu.vector_load %arg12[%swap3A_2299] {strides = array<i32>} : memref<640xi32, #tpu.memory_space<vmem>>, vector<16xi32>,
    tpu.vector_store %arg12[%swap3A_2299], %gather3A_2298 {strides = array<i32>} : memref<640xi32, #tpu.memory_space<vmem>>, vector<16xi32>,
    %broadcast_in_dim3A_2301 = vector.broadcast %add3A_2293 : i32 to vector<16xi32>
    %broadcast_in_dim3A_2302 = vector.broadcast %sub3A_2291 : i32 to vector<16xi32>
    %gather3A_2303 = tpu.vector_load_idx %arg9[%broadcast_in_dim3A_2301, %broadcast_in_dim3A_2302] : memref<20x16xi32, #tpu.memory_space<vmem>>[vector<16xi32>, vector<16xi32>], vector<16xi32>,
    %swap3A_2304 = arith.constant 560 : index
    %swap3A_2305 = tpu.vector_load %arg12[%swap3A_2304] {strides = array<i32>} : memref<640xi32, #tpu.memory_space<vmem>>, vector<16xi32>,
    tpu.vector_store %arg12[%swap3A_2304], %gather3A_2303 {strides = array<i32>} : memref<640xi32, #tpu.memory_space<vmem>>, vector<16xi32>,
    %reduce_max3A_2306 = arith.constant true
    %reduce_max3A_2307 = vector.broadcast %reduce_max3A_2306 : i1 to vector<16xi1>
    %reduce_max3A_2308 = tpu.scan <max>, %select_n3A_2251 masked %reduce_max3A_2307 : vector<16xf32>, vector<16xi1> -> vector<16xf32>
    %reduce_max3A_2309 = vector.extract %reduce_max3A_2308[15] : f32 from vector<16xf32>
    %reduce_max3A_2310 = arith.constant true
    %reduce_max3A_2311 = vector.broadcast %reduce_max3A_2310 : i1 to vector<16xi1>
    %reduce_max3A_2312 = tpu.scan <max>, %select_n3A_2259 masked %reduce_max3A_2311 : vector<16xf32>, vector<16xi1> -> vector<16xf32>
    %reduce_max3A_2313 = vector.extract %reduce_max3A_2312[15] : f32 from vector<16xf32>
    %max3A_2314 = arith.maximumf %reduce_max3A_2309, %reduce_max3A_2313 : f32
    %eq3A_2315 = vector.broadcast %max3A_2314 : f32 to vector<16xf32>
    %eq3A_2316 = arith.cmpf oeq, %select_n3A_2251, %eq3A_2315 : vector<16xf32>
    %jit3A_2317 = arith.constant 1073741824 : i32
    %broadcast_in_dim3A_2318 = vector.broadcast %jit3A_2317 : i32 to vector<16xi32>
    %select_n3A_2319 = arith.select %eq3A_2316, %iota3A, %broadcast_in_dim3A_2318 : vector<16xi1>, vector<16xi32>
    %reduce_min3A_2320 = arith.constant true
    %reduce_min3A_2321 = vector.broadcast %reduce_min3A_2320 : i1 to vector<16xi1>
    %reduce_min3A_2322 = arith.constant -2147483648 : i32
    %reduce_min3A_2323 = vector.broadcast %reduce_min3A_2322 : i32 to vector<16xi32>
    %reduce_min3A_2324 = arith.xori %select_n3A_2319, %reduce_min3A_2323 : vector<16xi32>
    %reduce_min3A_2325 = tpu.scan <min>, %reduce_min3A_2324 masked %reduce_min3A_2321 : vector<16xi32>, vector<16xi1> -> vector<16xi32>
    %reduce_min3A_2326 = arith.xori %reduce_min3A_2325, %reduce_min3A_2323 : vector<16xi32>
    %reduce_min3A_2327 = vector.extract %reduce_min3A_2326[15] : i32 from vector<16xi32>
    %eq3A_2328 = vector.broadcast %max3A_2314 : f32 to vector<16xf32>
    %eq3A_2329 = arith.cmpf oeq, %select_n3A_2259, %eq3A_2328 : vector<16xf32>
    %jit3A_2330 = arith.constant 1073741824 : i32
    %broadcast_in_dim3A_2331 = vector.broadcast %jit3A_2330 : i32 to vector<16xi32>
    %select_n3A_2332 = arith.select %eq3A_2329, %add3A_1928, %broadcast_in_dim3A_2331 : vector<16xi1>, vector<16xi32>
    %reduce_min3A_2333 = arith.constant true
    %reduce_min3A_2334 = vector.broadcast %reduce_min3A_2333 : i1 to vector<16xi1>
    %reduce_min3A_2335 = arith.constant -2147483648 : i32
    %reduce_min3A_2336 = vector.broadcast %reduce_min3A_2335 : i32 to vector<16xi32>
    %reduce_min3A_2337 = arith.xori %select_n3A_2332, %reduce_min3A_2336 : vector<16xi32>
    %reduce_min3A_2338 = tpu.scan <min>, %reduce_min3A_2337 masked %reduce_min3A_2334 : vector<16xi32>, vector<16xi1> -> vector<16xi32>
    %reduce_min3A_2339 = arith.xori %reduce_min3A_2338, %reduce_min3A_2336 : vector<16xi32>
    %reduce_min3A_2340 = vector.extract %reduce_min3A_2339[15] : i32 from vector<16xi32>
    %min3A_2341 = arith.minsi %reduce_min3A_2327, %reduce_min3A_2340 : i32
    %eq3A_2342 = vector.broadcast %max3A_2314 : f32 to vector<16xf32>
    %eq3A_2343 = arith.cmpf oeq, %select_n3A_2251, %eq3A_2342 : vector<16xf32>
    %eq3A_2344 = vector.broadcast %min3A_2341 : i32 to vector<16xi32>
    %eq3A_2345 = arith.cmpi eq, %iota3A, %eq3A_2344 : vector<16xi32>
    %and3A_2346 = arith.andi %eq3A_2343, %eq3A_2345 : vector<16xi1>
    %jit3A_2347 = arith.constant -3.000000e+38 : f32
    %broadcast_in_dim3A_2348 = vector.broadcast %jit3A_2347 : f32 to vector<16xf32>
    %select_n3A_2349 = arith.select %and3A_2346, %broadcast_in_dim3A_2348, %select_n3A_2251 : vector<16xi1>, vector<16xf32>
    %eq3A_2350 = vector.broadcast %max3A_2314 : f32 to vector<16xf32>
    %eq3A_2351 = arith.cmpf oeq, %select_n3A_2259, %eq3A_2350 : vector<16xf32>
    %eq3A_2352 = vector.broadcast %min3A_2341 : i32 to vector<16xi32>
    %eq3A_2353 = arith.cmpi eq, %add3A_1928, %eq3A_2352 : vector<16xi32>
    %and3A_2354 = arith.andi %eq3A_2351, %eq3A_2353 : vector<16xi1>
    %jit3A_2355 = arith.constant -3.000000e+38 : f32
    %broadcast_in_dim3A_2356 = vector.broadcast %jit3A_2355 : f32 to vector<16xf32>
    %select_n3A_2357 = arith.select %and3A_2354, %broadcast_in_dim3A_2356, %select_n3A_2259 : vector<16xi1>, vector<16xf32>
    %eq3A_2358 = arith.constant 3 : i32
    %eq3A_2359 = vector.broadcast %eq3A_2358 : i32 to vector<16xi32>
    %eq3A_2360 = arith.cmpi eq, %iota3A, %eq3A_2359 : vector<16xi32>
    %broadcast_in_dim3A_2361 = vector.broadcast %max3A_2314 : f32 to vector<16xf32>
    %select_n3A_2362 = arith.select %eq3A_2360, %broadcast_in_dim3A_2361, %select_n3A_2264 : vector<16xi1>, vector<16xf32>
    %jit3A_2363 = arith.constant 5 : i32
    %div3A_2364 = arith.divsi %min3A_2341, %jit3A_2363 : i32
    %sign3A_2365 = arith.constant 0 : i32
    %sign3A_2366 = arith.cmpi sgt, %min3A_2341, %sign3A_2365 : i32
    %sign3A_2367 = arith.extui %sign3A_2366 : i1 to i32
    %sign3A_2368 = arith.constant 0 : i32
    %sign3A_2369 = arith.cmpi slt, %min3A_2341, %sign3A_2368 : i32
    %sign3A_2370 = arith.extui %sign3A_2369 : i1 to i32
    %sign3A_2371 = arith.subi %sign3A_2367, %sign3A_2370 : i32
    %sign3A_2372 = arith.constant 0 : i32
    %sign3A_2373 = arith.cmpi sgt, %jit3A_2363, %sign3A_2372 : i32
    %sign3A_2374 = arith.extui %sign3A_2373 : i1 to i32
    %sign3A_2375 = arith.constant 0 : i32
    %sign3A_2376 = arith.cmpi slt, %jit3A_2363, %sign3A_2375 : i32
    %sign3A_2377 = arith.extui %sign3A_2376 : i1 to i32
    %sign3A_2378 = arith.subi %sign3A_2374, %sign3A_2377 : i32
    %ne3A_2379 = arith.cmpi ne, %sign3A_2371, %sign3A_2378 : i32
    %rem3A_2380 = arith.remsi %min3A_2341, %jit3A_2363 : i32
    %ne3A_2381 = arith.constant 0 : i32
    %ne3A_2382 = arith.cmpi ne, %rem3A_2380, %ne3A_2381 : i32
    %and3A_2383 = arith.andi %ne3A_2379, %ne3A_2382 : i1
    %sub3A_2384 = arith.constant 1 : i32
    %sub3A_2385 = arith.subi %div3A_2364, %sub3A_2384 : i32
    %select_n3A_2386 = arith.select %and3A_2383, %sub3A_2385, %div3A_2364 : i32
    %mul3A_2387 = arith.constant 5 : i32
    %mul3A_2388 = arith.muli %select_n3A_2386, %mul3A_2387 : i32
    %sub3A_2389 = arith.subi %min3A_2341, %mul3A_2388 : i32
    %add3A_2390 = arith.constant 15 : i32
    %add3A_2391 = arith.addi %add3A_2390, %select_n3A_2386 : i32
    %mul3A_2392 = arith.constant 16 : i32
    %mul3A_2393 = arith.muli %add3A_2391, %mul3A_2392 : i32
    %add3A_2394 = vector.broadcast %mul3A_2393 : i32 to vector<16xi32>
    %add3A_2395 = arith.addi %add3A_2394, %iota3A : vector<16xi32>
    %gather3A_2396 = tpu.vector_load_idx %arg10[%add3A_2395] : memref<320xi32, #tpu.memory_space<vmem>>[vector<16xi32>], vector<16xi32>,
    %swap3A_2397 = arith.constant 576 : index
    %swap3A_2398 = tpu.vector_load %arg12[%swap3A_2397] {strides = array<i32>} : memref<640xi32, #tpu.memory_space<vmem>>, vector<16xi32>,
    tpu.vector_store %arg12[%swap3A_2397], %gather3A_2396 {strides = array<i32>} : memref<640xi32, #tpu.memory_space<vmem>>, vector<16xi32>,
    %broadcast_in_dim3A_2399 = vector.broadcast %add3A_2391 : i32 to vector<16xi32>
    %broadcast_in_dim3A_2400 = vector.broadcast %sub3A_2389 : i32 to vector<16xi32>
    %gather3A_2401 = tpu.vector_load_idx %arg9[%broadcast_in_dim3A_2399, %broadcast_in_dim3A_2400] : memref<20x16xi32, #tpu.memory_space<vmem>>[vector<16xi32>, vector<16xi32>], vector<16xi32>,
    %swap3A_2402 = arith.constant 592 : index
    %swap3A_2403 = tpu.vector_load %arg12[%swap3A_2402] {strides = array<i32>} : memref<640xi32, #tpu.memory_space<vmem>>, vector<16xi32>,
    tpu.vector_store %arg12[%swap3A_2402], %gather3A_2401 {strides = array<i32>} : memref<640xi32, #tpu.memory_space<vmem>>, vector<16xi32>,
    %reduce_max3A_2404 = arith.constant true
    %reduce_max3A_2405 = vector.broadcast %reduce_max3A_2404 : i1 to vector<16xi1>
    %reduce_max3A_2406 = tpu.scan <max>, %select_n3A_2349 masked %reduce_max3A_2405 : vector<16xf32>, vector<16xi1> -> vector<16xf32>
    %reduce_max3A_2407 = vector.extract %reduce_max3A_2406[15] : f32 from vector<16xf32>
    %reduce_max3A_2408 = arith.constant true
    %reduce_max3A_2409 = vector.broadcast %reduce_max3A_2408 : i1 to vector<16xi1>
    %reduce_max3A_2410 = tpu.scan <max>, %select_n3A_2357 masked %reduce_max3A_2409 : vector<16xf32>, vector<16xi1> -> vector<16xf32>
    %reduce_max3A_2411 = vector.extract %reduce_max3A_2410[15] : f32 from vector<16xf32>
    %max3A_2412 = arith.maximumf %reduce_max3A_2407, %reduce_max3A_2411 : f32
    %eq3A_2413 = vector.broadcast %max3A_2412 : f32 to vector<16xf32>
    %eq3A_2414 = arith.cmpf oeq, %select_n3A_2349, %eq3A_2413 : vector<16xf32>
    %jit3A_2415 = arith.constant 1073741824 : i32
    %broadcast_in_dim3A_2416 = vector.broadcast %jit3A_2415 : i32 to vector<16xi32>
    %select_n3A_2417 = arith.select %eq3A_2414, %iota3A, %broadcast_in_dim3A_2416 : vector<16xi1>, vector<16xi32>
    %reduce_min3A_2418 = arith.constant true
    %reduce_min3A_2419 = vector.broadcast %reduce_min3A_2418 : i1 to vector<16xi1>
    %reduce_min3A_2420 = arith.constant -2147483648 : i32
    %reduce_min3A_2421 = vector.broadcast %reduce_min3A_2420 : i32 to vector<16xi32>
    %reduce_min3A_2422 = arith.xori %select_n3A_2417, %reduce_min3A_2421 : vector<16xi32>
    %reduce_min3A_2423 = tpu.scan <min>, %reduce_min3A_2422 masked %reduce_min3A_2419 : vector<16xi32>, vector<16xi1> -> vector<16xi32>
    %reduce_min3A_2424 = arith.xori %reduce_min3A_2423, %reduce_min3A_2421 : vector<16xi32>
    %reduce_min3A_2425 = vector.extract %reduce_min3A_2424[15] : i32 from vector<16xi32>
    %eq3A_2426 = vector.broadcast %max3A_2412 : f32 to vector<16xf32>
    %eq3A_2427 = arith.cmpf oeq, %select_n3A_2357, %eq3A_2426 : vector<16xf32>
    %jit3A_2428 = arith.constant 1073741824 : i32
    %broadcast_in_dim3A_2429 = vector.broadcast %jit3A_2428 : i32 to vector<16xi32>
    %select_n3A_2430 = arith.select %eq3A_2427, %add3A_1928, %broadcast_in_dim3A_2429 : vector<16xi1>, vector<16xi32>
    %reduce_min3A_2431 = arith.constant true
    %reduce_min3A_2432 = vector.broadcast %reduce_min3A_2431 : i1 to vector<16xi1>
    %reduce_min3A_2433 = arith.constant -2147483648 : i32
    %reduce_min3A_2434 = vector.broadcast %reduce_min3A_2433 : i32 to vector<16xi32>
    %reduce_min3A_2435 = arith.xori %select_n3A_2430, %reduce_min3A_2434 : vector<16xi32>
    %reduce_min3A_2436 = tpu.scan <min>, %reduce_min3A_2435 masked %reduce_min3A_2432 : vector<16xi32>, vector<16xi1> -> vector<16xi32>
    %reduce_min3A_2437 = arith.xori %reduce_min3A_2436, %reduce_min3A_2434 : vector<16xi32>
    %reduce_min3A_2438 = vector.extract %reduce_min3A_2437[15] : i32 from vector<16xi32>
    %min3A_2439 = arith.minsi %reduce_min3A_2425, %reduce_min3A_2438 : i32
    %eq3A_2440 = vector.broadcast %max3A_2412 : f32 to vector<16xf32>
    %eq3A_2441 = arith.cmpf oeq, %select_n3A_2349, %eq3A_2440 : vector<16xf32>
    %eq3A_2442 = vector.broadcast %min3A_2439 : i32 to vector<16xi32>
    %eq3A_2443 = arith.cmpi eq, %iota3A, %eq3A_2442 : vector<16xi32>
    %and3A_2444 = arith.andi %eq3A_2441, %eq3A_2443 : vector<16xi1>
    %jit3A_2445 = arith.constant -3.000000e+38 : f32
    %broadcast_in_dim3A_2446 = vector.broadcast %jit3A_2445 : f32 to vector<16xf32>
    %select_n3A_2447 = arith.select %and3A_2444, %broadcast_in_dim3A_2446, %select_n3A_2349 : vector<16xi1>, vector<16xf32>
    %eq3A_2448 = vector.broadcast %max3A_2412 : f32 to vector<16xf32>
    %eq3A_2449 = arith.cmpf oeq, %select_n3A_2357, %eq3A_2448 : vector<16xf32>
    %eq3A_2450 = vector.broadcast %min3A_2439 : i32 to vector<16xi32>
    %eq3A_2451 = arith.cmpi eq, %add3A_1928, %eq3A_2450 : vector<16xi32>
    %and3A_2452 = arith.andi %eq3A_2449, %eq3A_2451 : vector<16xi1>
    %jit3A_2453 = arith.constant -3.000000e+38 : f32
    %broadcast_in_dim3A_2454 = vector.broadcast %jit3A_2453 : f32 to vector<16xf32>
    %select_n3A_2455 = arith.select %and3A_2452, %broadcast_in_dim3A_2454, %select_n3A_2357 : vector<16xi1>, vector<16xf32>
    %eq3A_2456 = arith.constant 4 : i32
    %eq3A_2457 = vector.broadcast %eq3A_2456 : i32 to vector<16xi32>
    %eq3A_2458 = arith.cmpi eq, %iota3A, %eq3A_2457 : vector<16xi32>
    %broadcast_in_dim3A_2459 = vector.broadcast %max3A_2412 : f32 to vector<16xf32>
    %select_n3A_2460 = arith.select %eq3A_2458, %broadcast_in_dim3A_2459, %select_n3A_2362 : vector<16xi1>, vector<16xf32>
    %jit3A_2461 = arith.constant 5 : i32
    %div3A_2462 = arith.divsi %min3A_2439, %jit3A_2461 : i32
    %sign3A_2463 = arith.constant 0 : i32
    %sign3A_2464 = arith.cmpi sgt, %min3A_2439, %sign3A_2463 : i32
    %sign3A_2465 = arith.extui %sign3A_2464 : i1 to i32
    %sign3A_2466 = arith.constant 0 : i32
    %sign3A_2467 = arith.cmpi slt, %min3A_2439, %sign3A_2466 : i32
    %sign3A_2468 = arith.extui %sign3A_2467 : i1 to i32
    %sign3A_2469 = arith.subi %sign3A_2465, %sign3A_2468 : i32
    %sign3A_2470 = arith.constant 0 : i32
    %sign3A_2471 = arith.cmpi sgt, %jit3A_2461, %sign3A_2470 : i32
    %sign3A_2472 = arith.extui %sign3A_2471 : i1 to i32
    %sign3A_2473 = arith.constant 0 : i32
    %sign3A_2474 = arith.cmpi slt, %jit3A_2461, %sign3A_2473 : i32
    %sign3A_2475 = arith.extui %sign3A_2474 : i1 to i32
    %sign3A_2476 = arith.subi %sign3A_2472, %sign3A_2475 : i32
    %ne3A_2477 = arith.cmpi ne, %sign3A_2469, %sign3A_2476 : i32
    %rem3A_2478 = arith.remsi %min3A_2439, %jit3A_2461 : i32
    %ne3A_2479 = arith.constant 0 : i32
    %ne3A_2480 = arith.cmpi ne, %rem3A_2478, %ne3A_2479 : i32
    %and3A_2481 = arith.andi %ne3A_2477, %ne3A_2480 : i1
    %sub3A_2482 = arith.constant 1 : i32
    %sub3A_2483 = arith.subi %div3A_2462, %sub3A_2482 : i32
    %select_n3A_2484 = arith.select %and3A_2481, %sub3A_2483, %div3A_2462 : i32
    %mul3A_2485 = arith.constant 5 : i32
    %mul3A_2486 = arith.muli %select_n3A_2484, %mul3A_2485 : i32
    %sub3A_2487 = arith.subi %min3A_2439, %mul3A_2486 : i32
    %add3A_2488 = arith.constant 15 : i32
    %add3A_2489 = arith.addi %add3A_2488, %select_n3A_2484 : i32
    %mul3A_2490 = arith.constant 16 : i32
    %mul3A_2491 = arith.muli %add3A_2489, %mul3A_2490 : i32
    %add3A_2492 = vector.broadcast %mul3A_2491 : i32 to vector<16xi32>
    %add3A_2493 = arith.addi %add3A_2492, %iota3A : vector<16xi32>
    %gather3A_2494 = tpu.vector_load_idx %arg10[%add3A_2493] : memref<320xi32, #tpu.memory_space<vmem>>[vector<16xi32>], vector<16xi32>,
    %swap3A_2495 = arith.constant 608 : index
    %swap3A_2496 = tpu.vector_load %arg12[%swap3A_2495] {strides = array<i32>} : memref<640xi32, #tpu.memory_space<vmem>>, vector<16xi32>,
    tpu.vector_store %arg12[%swap3A_2495], %gather3A_2494 {strides = array<i32>} : memref<640xi32, #tpu.memory_space<vmem>>, vector<16xi32>,
    %broadcast_in_dim3A_2497 = vector.broadcast %add3A_2489 : i32 to vector<16xi32>
    %broadcast_in_dim3A_2498 = vector.broadcast %sub3A_2487 : i32 to vector<16xi32>
    %gather3A_2499 = tpu.vector_load_idx %arg9[%broadcast_in_dim3A_2497, %broadcast_in_dim3A_2498] : memref<20x16xi32, #tpu.memory_space<vmem>>[vector<16xi32>, vector<16xi32>], vector<16xi32>,
    %swap3A_2500 = arith.constant 624 : index
    %swap3A_2501 = tpu.vector_load %arg12[%swap3A_2500] {strides = array<i32>} : memref<640xi32, #tpu.memory_space<vmem>>, vector<16xi32>,
    tpu.vector_store %arg12[%swap3A_2500], %gather3A_2499 {strides = array<i32>} : memref<640xi32, #tpu.memory_space<vmem>>, vector<16xi32>,
    %swap3A_2502 = arith.constant 48 : index
    %swap3A_2503 = tpu.vector_load %arg13[%swap3A_2502] {strides = array<i32>} : memref<64xf32, #tpu.memory_space<vmem>>, vector<16xf32>,
    tpu.vector_store %arg13[%swap3A_2502], %select_n3A_2460 {strides = array<i32>} : memref<64xf32, #tpu.memory_space<vmem>>, vector<16xf32>,
    %mul3A_2504 = arith.constant 32 : i32
    %mul3A_2505 = arith.muli %mul3A_2, %mul3A_2504 : i32
    "tpu.region"() ({
      %run_scoped3A = tpu.sem_alloc : memref<!tpu.dma_semaphore, #tpu.memory_space<semaphore_mem>>
      %dma_start3A = tpu.memref_slice %arg5[%mul3A_2505] : memref<20480xi32, #tpu.memory_space<hbm>> -> memref<640xi32, #tpu.memory_space<hbm>>
      %dma_start3A_2510 = tpu.memref_slice %arg5[%mul3A_2505] : memref<20480xi32, #tpu.memory_space<hbm>> -> memref<640xi32, #tpu.memory_space<hbm>>
      tpu.enqueue_dma source(%arg12 : memref<640xi32, #tpu.memory_space<vmem>>) target(%dma_start3A_2510 : memref<640xi32, #tpu.memory_space<hbm>>) target_semaphore(%run_scoped3A : memref<!tpu.dma_semaphore, #tpu.memory_space<semaphore_mem>>)
      %dma_wait3A = tpu.memref_slice %arg5[%mul3A_2505] : memref<20480xi32, #tpu.memory_space<hbm>> -> memref<640xi32, #tpu.memory_space<hbm>>
      %dma_wait3A_2511 = tpu.memref_slice %arg5[%mul3A_2505] : memref<20480xi32, #tpu.memory_space<hbm>> -> memref<640xi32, #tpu.memory_space<hbm>>
      tpu.wait_dma2 semaphore(%run_scoped3A : memref<!tpu.dma_semaphore, #tpu.memory_space<semaphore_mem>>) src(%arg12 : memref<640xi32, #tpu.memory_space<vmem>>) dst(%dma_wait3A_2511 : memref<640xi32, #tpu.memory_space<hbm>>)
      tpu.yield
    }) : () -> ()
    %mul3A_2506 = arith.constant 4 : i32
    %mul3A_2507 = arith.muli %add3A, %mul3A_2506 : i32
    %mul3A_2508 = arith.constant 16 : i32
    %mul3A_2509 = arith.muli %mul3A_2507, %mul3A_2508 : i32
    "tpu.region"() ({
      %run_scoped3A = tpu.sem_alloc : memref<!tpu.dma_semaphore, #tpu.memory_space<semaphore_mem>>
      %dma_start3A = tpu.memref_slice %arg6[%mul3A_2509] : memref<2048xf32, #tpu.memory_space<hbm>> -> memref<64xf32, #tpu.memory_space<hbm>>
      %dma_start3A_2510 = tpu.memref_slice %arg6[%mul3A_2509] : memref<2048xf32, #tpu.memory_space<hbm>> -> memref<64xf32, #tpu.memory_space<hbm>>
      tpu.enqueue_dma source(%arg13 : memref<64xf32, #tpu.memory_space<vmem>>) target(%dma_start3A_2510 : memref<64xf32, #tpu.memory_space<hbm>>) target_semaphore(%run_scoped3A : memref<!tpu.dma_semaphore, #tpu.memory_space<semaphore_mem>>)
      %dma_wait3A = tpu.memref_slice %arg6[%mul3A_2509] : memref<2048xf32, #tpu.memory_space<hbm>> -> memref<64xf32, #tpu.memory_space<hbm>>
      %dma_wait3A_2511 = tpu.memref_slice %arg6[%mul3A_2509] : memref<2048xf32, #tpu.memory_space<hbm>> -> memref<64xf32, #tpu.memory_space<hbm>>
      tpu.wait_dma2 semaphore(%run_scoped3A : memref<!tpu.dma_semaphore, #tpu.memory_space<semaphore_mem>>) src(%arg13 : memref<64xf32, #tpu.memory_space<vmem>>) dst(%dma_wait3A_2511 : memref<64xf32, #tpu.memory_space<hbm>>)
      tpu.yield
    }) : () -> ()
    return
  }
}

</mosaic_0001>

<sc_bundles>
// kernel: kernel.3.cloned.1.call-start
scs
__scs_entry_jumppad:
0x0: {  	(pc) =	sbr.rel $0x88, $3  }
0x1: {  	(tag) =	ssettag $0x0;
	lr =	simm.s32 $0x1  }
0x2: {  	[smem:$0x3F9E] =	sst lr;
	_ =	strace $0xD0000000  }
0x3: {  	_ = 	snop  }
0x4: {  	_ = 	snop  }
0x5: {  	_ = 	snop  }
0x6: {  	_ = 	snop  }
0x7: {  	_ = 	snop  }
__scs_overlays_trampoline_lowered:
0x8: {  	[smem:$0x3FAD] =	sst s0  }
0x9: {  	[smem:$0x3FAE] =	sst s1  }
0xa: {  	[smem:$0x3FAF] =	sst s2  }
0xb: {  	[smem:$0x3FB0] =	sst s3  }
0xc: {  	[smem:$0x3FB1] =	sst s4  }
0xd: {  	[smem:$0x3FB2] =	sst s5  }
0xe: {  	[smem:$0x3FB3] =	sst s6  }
0xf: {  	[smem:$0x3FB4] =	sst s7  }
0x10: {  	[smem:$0x3FB5] =	sst s8  }
0x11: {  	[smem:$0x3FB6] =	sst s9;
	s0 =	simm.s32 @!p0 $0x0  }
0x12: {  	s1 =	sld [smem:$0x3F9C];
	s0 =	simm.s32 @p0 $0x1  }
0x13: {  	[smem:$0x3FB7] =	sst s0;
	s0 =	simm.s32 @!p1 $0x0  }
0x14: {  	s2 =	sld [smem:$0x3F9B];
	s0 =	simm.s32 @p1 $0x1  }
0x15: {  	[smem:$0x3FB8] =	sst s0;
	s0 =	simm.s32 @!p2 $0x0  }
0x16: {  	s3 =	sld [smem:$0x3FDB];
	s0 =	simm.s32 @p2 $0x1  }
0x17: {  	s4 =	simm.s32 $0x1BF5;
	[smem:$0x3FBA] =	sst s0  }
0x18: {  	s0 =	sld [smem:$0x3F9D];
	_ =	swait.ge [sflag:s4], $0x0  }
0x19: {  	s7 =	sld [smem:$0x3F9E]  }
0x1a: {  	s8 =	sadd.s32 $0xFFFFE003, lr  }
0x1b: {  	s9 =	sadd.s32 $0xFFFFFEF7, lr;
	s5 =	simm.s32 $0xFFFFFFFF;
	p2 =	slt.u32 s8, $0xFFFFF086  }
0x1c: {  	p1 =	slt.u32 s9, $0xF7A;
	s5 =	simm.s32 @!p2 $0x0  }
0x1d: {  	s5 =	simm.s32 @p1 $0x1;
	p0 =	seq.s32 s7, s2  }
0x1e: {  	s7 =	smul.u32 @!p0 $0xF7A, s2;
	p2 =	seq.s32 @!p0 s5, $0x0  }
0x1f: {  	s9 =	smul.u32 $0xF7A, s1;
	s8 =	simm.s32 @!p0 $0x1BF5;
	p2 =	por !p2, p0  }
0x20: {  	[sflag:s8] =	ssyncset.s32 @!p0 $0xFFFFF086;
	s6 =	sadd.s32 @!p0 s3, s7;
	s7 =	simm.s32 @!p0 $0x108  }
0x21: {  	s3 =	sadd.s32 s3, s9;
	s6 =	sadd.s32 @!p0 $0x88, s6;
	s7 =	simm.s32 @p2 $0x1082  }
0x22: {  	[simem:s7], [sflag:s8] =	dma.local @!p0 [hbm:s6], $0xF7A  }
0x23: {  	s9 =	sor.u32 $0xD0000000, s2;
	s6 =	simm.s32 $0x108;
	_ =	swait.ge @!p0 [sflag:s8], $0x0  }
0x24: {  	s3 =	sadd.s32 $0x88, s3;
	s6 =	simm.s32 @!p1 $0x1082;
	[sflag:s4] =	ssyncset.s32 $0xFFFFF086  }
0x25: {  	[simem:s6], [sflag:s4] =	dma.local [hbm:s3], $0xF7A  }
0x26: {  	[smem:$0x3F9E] =	sst s1;
	(tag) =	ssettag s2;
	_ =	strace s9  }
0x27: {  	s1 =	sld [smem:$0x3FAE]  }
0x28: {  	s2 =	sld [smem:$0x3FAF]  }
0x29: {  	s4 =	sld [smem:$0x3FB1]  }
0x2a: {  	p0 =	seq.s32 s5, $0x0;
	s5 =	sld [smem:$0x3FB2]  }
0x2b: {  	s6 =	sld [smem:$0x3FB3]  }
0x2c: {  	s7 =	sld [smem:$0x3FB4]  }
0x2d: {  	s3 =	simm.s32 $0x108;
	s8 =	sld [smem:$0x3FB5]  }
0x2e: {  	s3 =	simm.s32 @!p0 $0x1082;
	s9 =	sld [smem:$0x3FB6]  }
0x2f: {  	lr =	sadd.s32 s0, s3;
	s0 =	sld [smem:$0x3FAD]  }
0x30: {  	s3 =	sld [smem:$0x3FB0]  }
0x31: {  	[smem:$0x3FB9] =	sst s10  }
0x32: {  	s10 =	sld [smem:$0x3FB7];
	_ =	sdelay $0x3  }
0x33: {  	p0 =	seq.s32 s10, $0x1;
	s10 =	sld [smem:$0x3FB9];
	_ =	sdelay $0x3  }
0x34: {  	[smem:$0x3FB9] =	sst s10  }
0x35: {  	s10 =	sld [smem:$0x3FB8];
	_ =	sdelay $0x3  }
0x36: {  	p1 =	seq.s32 s10, $0x1;
	s10 =	sld [smem:$0x3FB9];
	_ =	sdelay $0x3  }
0x37: {  	[smem:$0x3FB9] =	sst s10  }
0x38: {  	s10 =	sld [smem:$0x3FBA]  }
0x39: {  	_ = 	snop;
	(pc) =	sbr.ind lr, $3  }
0x3a: {  	_ = 	snop  }
0x3b: {  	_ = 	snop  }
0x3c: {  	p2 =	seq.s32 s10, $0x1;
	s10 =	sld [smem:$0x3FB9]  }
0x3d: {  	_ =	shalt  }
0x3e: {  	_ =	shalt  }
0x3f: {  	_ =	shalt  }
0x40: {  	_ =	shalt  }
0x41: {  	_ =	shalt  }
0x42: {  	_ =	shalt  }
0x43: {  	_ =	shalt  }
0x44: {  	_ =	shalt  }
0x45: {  	_ =	shalt  }
0x46: {  	_ =	shalt  }
0x47: {  	_ =	shalt  }
0x48: {  	_ =	shalt  }
0x49: {  	_ =	shalt  }
0x4a: {  	_ =	shalt  }
0x4b: {  	_ =	shalt  }
0x4c: {  	_ =	shalt  }
0x4d: {  	_ =	shalt  }
0x4e: {  	_ =	shalt  }
0x4f: {  	_ =	shalt  }
0x50: {  	_ =	shalt  }
0x51: {  	_ =	shalt  }
0x52: {  	_ =	shalt  }
0x53: {  	_ =	shalt  }
0x54: {  	_ =	shalt  }
0x55: {  	_ =	shalt  }
0x56: {  	_ =	shalt  }
0x57: {  	_ =	shalt  }
0x58: {  	_ =	shalt  }
0x59: {  	_ =	shalt  }
0x5a: {  	_ =	shalt  }
0x5b: {  	_ =	shalt  }
0x5c: {  	_ =	shalt  }
0x5d: {  	_ =	shalt  }
0x5e: {  	_ =	shalt  }
0x5f: {  	_ =	shalt  }
0x60: {  	_ =	shalt  }
0x61: {  	_ =	shalt  }
0x62: {  	_ =	shalt  }
0x63: {  	_ =	shalt  }
0x64: {  	_ =	shalt  }
0x65: {  	_ =	shalt  }
0x66: {  	_ =	shalt  }
0x67: {  	_ =	shalt  }
0x68: {  	_ =	shalt  }
0x69: {  	_ =	shalt  }
0x6a: {  	_ =	shalt  }
0x6b: {  	_ =	shalt  }
0x6c: {  	_ =	shalt  }
0x6d: {  	_ =	shalt  }
0x6e: {  	_ =	shalt  }
0x6f: {  	_ =	shalt  }
0x70: {  	_ =	shalt  }
0x71: {  	_ =	shalt  }
0x72: {  	_ =	shalt  }
0x73: {  	_ =	shalt  }
0x74: {  	_ =	shalt  }
0x75: {  	_ =	shalt  }
0x76: {  	_ =	shalt  }
0x77: {  	_ =	shalt  }
0x78: {  	_ =	shalt  }
0x79: {  	_ =	shalt  }
0x7a: {  	_ =	shalt  }
0x7b: {  	_ =	shalt  }
0x7c: {  	_ =	shalt  }
0x7d: {  	_ =	shalt  }
0x7e: {  	_ =	shalt  }
0x7f: {  	_ =	shalt  }
0x80: {  	_ =	shalt  }
0x81: {  	_ =	shalt  }
0x82: {  	_ =	shalt  }
0x83: {  	_ =	shalt  }
0x84: {  	_ =	shalt  }
0x85: {  	_ =	shalt  }
0x86: {  	_ =	shalt  }
0x87: {  	_ =	shalt  }
.Lfunc_end0:
.L_simem_size_0:
called_computation_lowered:
.L_overlay_start_0:
0x88: {  	s2 =	sld [smem:$0x3FD9]  }
0x89: {  	s3 =	sld [smem:$0x3FFE];
	_ =	sdelay $0x1  }
0x8a: {  	s1 =	srdreg.scid  }
0x8b: {  	s0 =	sand.u32 $0x1, s1  }
0x8c: {  	s14 =	sshll.u32 s0, $0xA;
	s2 =	sadd.s32 s3, s2  }
0x8d: {  	s2 =	sadd.s32 s2, s14  }
0x8e: {  	[smem:$0x3FC5] =	sst s2  }
0x8f: {  	_ = 	snop  }
0x90: {  	s2 =	sld [smem:$0x3FD0];
	_ =	sdelay $0x2  }
0x91: {  	s15 =	simm.s32 $0xA;
	s4 =	simm.s32 $0x10  }
0x92: {  	[smem:s4], [sflag:s15] =	dma.local [hbm:s2], $0x1  }
0x93: {  	_ =	swait.eq [sflag:s15], $0x1  }
0x94: {  	[sflag:s15] =	ssyncset.done $0x0  }
0x95: {  	s16 =	sld [smem:$0x10];
	[sflag:s15] =	ssyncadd.s32 $0xFFFFFFFF  }
0x96: {  	s17 =	sld [smem:$0x11];
	(tm) =	ssettm $0x1  }
0x97: {  	s18 =	sld [smem:$0x3FFB];
	_ =	sdelay $0x3  }
0x98: {  	_ =	strace s18  }
0x99: {  	s4 =	sld [smem:$0x3FFC];
	_ =	sdelay $0x3  }
0x9a: {  	_ =	strace s4  }
0x9b: {  	s4 =	sld [smem:$0x3FFD];
	_ =	sdelay $0x3  }
0x9c: {  	_ =	strace s4  }
0x9d: {  	_ =	strace $0x8FFFFFFF  }
0x9e: {  	s19 =	sld [smem:$0x3FDB];
	_ =	sdelay $0x1  }
0x9f: {  	s5 =	simm.s32 $_scs_section_size  }
0xa0: {  	s6 =	simm.s32 $_size__tile_overlayer_lowered;
	s7 =	simm.s32 $_tile_overlayer_lowered  }
0xa1: {  	s22 =	simm.s32 $0x1BFF;
	s21 =	sshll.u32 s7, $0x1;
	s4 =	sadd.s32 s5, s19  }
0xa2: {  	s8 =	simm.s32 $0x0;
	s20 =	sshll.u32 s6, $0x1;
	s6 =	sadd.s32 s21, s4  }
0xa3: {  	[timem:s8], [sflag:s22] =	dma.local [hbm:s6], s20  }
0xa4: {  	_ =	swait.ge [sflag:s22], s20  }
0xa5: {  	s5 =	ssub.s32 $0x0, s20;
	[sflag:s22] =	ssyncset.done $0x0  }
0xa6: {  	[sflag:s22] =	ssyncadd.s32 s5;
	_ =	sdelay $0x1  }
0xa7: {  	s23 =	simm.s32 $0x1B8B  }
0xa8: {  	_ =	swait.ge [sflag:s23], $0x1  }
0xa9: {  	[sflag:s23] =	ssyncset.done $0x0  }
0xaa: {  	s25 =	simm.s32 $0x1B8E;
	s24 =	sld [smem:$0x3FFE];
	[sflag:s23] =	ssyncadd.s32 $0xFFFFFFFF  }
0xab: {  	s26 =	simm.s32 $execute0_lowered;
	[smem:$0x3FD2] =	sst s25  }
0xac: {  	s6 =	sshll.u32 s26, $0x1;
	_ =	strace $0x80000046;
	[dreg:$0x1] =	wrdreg $0xFFFFFFFF  }
0xad: {  	s28 =	simm.s32 $_size_execute0_lowered;
	s4 =	sadd.s32 s4, s6;
	[dreg:$0x0] =	wrdreg $0x0  }
0xae: {  	s6 =	sshll.u32 s28, $0x1;
	[dreg:$0x2] =	wrdreg s4  }
0xaf: {  	[dreg:$0x3] =	wrdreg s6  }
0xb0: {  	[dreg:$0x4] =	wrdreg $0xC0  }
0xb1: {  	_ =	task [dreg:s8], $0x5FFFF  }
0xb2: {  	[dreg:$0x1] =	wrdreg $0xFFFFFFFF  }
0xb3: {  	[dreg:$0x0] =	wrdreg $0x60  }
0xb4: {  	[dreg:$0x2] =	wrdreg s24  }
0xb5: {  	[dreg:$0x3] =	wrdreg s17  }
0xb6: {  	[dreg:$0x4] =	wrdreg s16  }
0xb7: {  	[dreg:$0x5] =	wrdreg $0x9  }
0xb8: {  	_ =	task.clear_ibuf [dreg:s8], $0x6FFFF;
	_ =	strace $0x90000046  }
0xb9: {  	s29 =	simm.s32 $0x9;
	_ =	strace $0x80000048  }
0xba: {  	_ =	swait.ge [sflag:s29], $0x1  }
0xbb: {  	[sflag:s29] =	ssyncadd.s32 $0xFFFFFFFF  }
0xbc: {  	_ =	strace $0x90000048  }
0xbd: {  	_ =	sfence  }
0xbe: {  	s30 =	sld [smem:$0x0];
	_ =	sdelay $0x2  }
0xbf: {  	s31 =	sshll.u32 s1, $0xD;
	s1 =	sshrl.u32 s1, $0x2  }
0xc0: {  	s3 =	sand.u32 $0x4000, s31;
	s1 =	sadd.s32 s1, s30  }
0xc1: {  	s0 =	sor.u32 s3, s0;
	s1 =	sshll.u32 s1, $0x11  }
0xc2: {  	s0 =	sor.u32 s1, s0  }
0xc3: {  	s0 =	sadd.s32 $0x8F2B, s0  }
0xc4: {  	[sflag:s0] =	ssyncadd.remote.s32 $0x1  }
0xc5: {  	_ =	sfence.sel $0xFFFF  }
0xc6: {  	[dreg:$0x0] =	wrdreg $0xFFFFFFFF;
	(pc) =	sbr.abs _section_cstart, $3  }
0xc7: {  	[dreg:$0x1] =	wrdreg $0xFFFFFFFF  }
0xc8: {  	_ =	task.clear_ibuf [dreg:s8], $0x2FFFF;
	_ =	strace $0x9FFFFFFF  }
0xc9: {  	(tm) =	ssettm $0x7FFFFFFF  }
tec
execute0_lowered:
.L_overlay_start_1:
0x0: {  	(tag) =	ssettag $0x1  }
0x1: {  	v0 =	vimm.s32 $0xEAA55400;
	v1 =	vimm.s32 $0x43210  }
0x2: {  	v2 =	vimm.s32 $0x82818083;
	v3 =	vimm.s32 $0x4;
	vm0 =	vcmask $0xF00  }
0x3: {  	vm1 =	vcmask $0x1300;
	vm6 =	vcmask $0x2724;
	vm9 =	vcmask $0x2B28  }
0x4: {  	vm8 =	vcmask $0xB08;
	vm7 =	vcmask $0xF0C;
	vm2 =	vcmask $0x1310  }
0x5: {  	vm3 =	vcmask $0x1B18;
	vm4 =	vcmask $0x1F1C;
	v4 =	vimm.s32 $0x900  }
0x6: {  	vm5 =	vcmask $0x1714;
	s1 =	srdreg.scid;
	s0 =	stileid.u32;
	v9 =	vimm.f32 $0.0e+00;
	v1 =	vunpack.c.l.s4.s8 v1  }
0x7: {  	v0 =	vunpack.c.l.s2.s4 v0;
	v2 =	vunpack.c.0.s8.s32 v2;
	v8 =	vsel vm0, $0x3, v3;
	s7 =	sand.u32 $0x1, s1;
	s28 =	sshll.u32 s0, $0x1  }
0x8: {  	vm0 =	vcmask $0x300;
	v3 =	vimm.s32 $0x680;
	s6 =	sor.u32 s7, s28;
	v1 =	vunpack.c.0.s8.s32 v1  }
0x9: {  	v11 =	vimm.s32 $0xFFFFFF81;
	v3 =	vsel vm0, $0x500, v3;
	v0 =	vunpack.c.l.s4.s8 v0;
	s1 =	smul.u32 $0x14, s6  }
0xa: {  	v2 =	vand.u32 $0xFF, v2;
	v1 =	vnsel vm1, $0x180, v1;
	vm1 =	vcmask $0x2314  }
0xb: {  	v4 =	vsel vm0, $0x780, v4;
	v0 =	vunpack.c.0.s8.s32 v0;
	s29 =	sadd.s32 $0xA, s1;
	v1 =	vsel vm1, v2, v1  }
0xc: {  	vm1 =	vcmask $0x704;
	v2 =	vimm.s32 $0x400;
	v6 =	vadd.s32 s29, v8  }
0xd: {  	v1 =	vsel vm6, $0x84, v1;
	v2 =	vsel vm0, $0x280, v2;
	v3 =	vsel vm1, $0x501, v3  }
0xe: {  	v4 =	vsel vm1, $0x781, v4;
	v7 =	vand.u32 $0x3, v0;
	v12 =	vsel vm9, $0x100, v1  }
0xf: {  	v1 =	vimm.s32 $0x201;
	v2 =	vsel vm1, $0x281, v2;
	v3 =	vsel vm8, $0x502, v3  }
0x10: {  	v4 =	vsel vm8, $0x782, v4;
	v0 =	vor.u32 s1, v7;
	v5 =	vadd.s32 s29, v7  }
0x11: {  	v1 =	vsel vm0, $0x181, v1;
	v2 =	vsel vm8, $0x282, v2;
	v3 =	vsel vm7, $0x503, v3  }
0x12: {  	v4 =	vsel vm7, $0x783, v4;
	v2 =	vsel vm7, $0x283, v2;
	v3 =	vsel vm2, $0x504, v3  }
0x13: {  	v4 =	vsel vm2, $0x784, v4;
	v1 =	vsel vm1, $0x182, v1;
	v2 =	vsel vm2, $0x284, v2  }
0x14: {  	v3 =	vsel vm5, $0x580, v3;
	v4 =	vsel vm5, $0x800, v4;
	v1 =	vsel vm8, $0x183, v1  }
0x15: {  	v2 =	vsel vm5, $0x300, v2;
	vm5 =	vcmask $0x2320;
	v3 =	vsel vm3, $0x581, v3  }
0x16: {  	v4 =	vsel vm3, $0x801, v4;
	v16 =	vsel vm7, $0x184, v1;
	v1 =	vadd.s32 s1, v8  }
0x17: {  	v2 =	vsel vm3, $0x301, v2;
	v3 =	vsel vm4, $0x582, v3;
	v16 =	vsel vm2, $0x200, v16  }
0x18: {  	v4 =	vsel vm4, $0x802, v4;
	v2 =	vsel vm4, $0x302, v2;
	v16 =	vsel vm3, $0x202, v16  }
0x19: {  	v3 =	vsel vm5, $0x583, v3;
	v2 =	vsel vm5, $0x303, v2;
	v16 =	vsel vm4, $0x203, v16  }
0x1a: {  	v4 =	vsel vm5, $0x803, v4;
	v2 =	vsel vm6, $0x304, v2;
	v16 =	vsel vm5, $0x204, v16  }
0x1b: {  	v13 =	vsel vm9, $0x380, v2;
	v2 =	vsel vm6, $0x584, v3;
	v3 =	vsel vm6, $0x804, v4  }
0x1c: {  	v4 =	vimm.s32 $0x981;
	v16 =	vsel vm6, $0x200, v16;
	v14 =	vsel vm9, $0x600, v2  }
0x1d: {  	v15 =	vsel vm9, $0x880, v3;
	v2 =	vimm.s32 $0x481;
	v3 =	vimm.s32 $0x701  }
0x1e: {  	v4 =	vsel vm0, $0x901, v4;
	v2 =	vsel vm0, $0x401, v2;
	v3 =	vsel vm0, $0x681, v3  }
0x1f: {  	v4 =	vsel vm1, $0x902, v4;
	v2 =	vsel vm1, $0x402, v2;
	v3 =	vsel vm1, $0x682, v3  }
0x20: {  	v4 =	vsel vm8, $0x903, v4;
	v2 =	vsel vm8, $0x403, v2;
	v3 =	vsel vm8, $0x683, v3  }
0x21: {  	s2 =	sadd.s32 $0x5, s1;
	v19 =	vsel vm7, $0x904, v4;
	v4 =	vlaneseq.u32;
	v17 =	vsel vm7, $0x404, v2  }
0x22: {  	s30 =	sadd.s32 $0xF, s1;
	v18 =	vsel vm7, $0x684, v3;
	v2 =	vadd.s32 s2, v7;
	v3 =	vadd.s32 s2, v8  }
0x23: {  	v10 =	vmul.u32 $0xFFFFFFFF, v4;
	v7 =	vadd.s32 s30, v7;
	v8 =	vadd.s32 s30, v8  }
0x24: {  	v19 =	vsel vm2, $0x980, v19;
	v17 =	vsel vm2, $0x480, v17;
	v18 =	vsel vm2, $0x700, v18  }
0x25: {  	vm2 =	vmmov $0x1;
	v19 =	vsel vm3, $0x982, v19;
	v10 =	vadd.s32 $0xF, v10  }
0x26: {  	v17 =	vsel vm3, $0x482, v17;
	v18 =	vsel vm3, $0x702, v18;
	vm3 =	vcmask $0x314  }
0x27: {  	v19 =	vsel vm4, $0x983, v19;
	v17 =	vsel vm4, $0x483, v17;
	v18 =	vsel vm4, $0x703, v18  }
0x28: {  	vm4 =	vcmask $0x714;
	v19 =	vsel vm5, $0x984, v19;
	v17 =	vsel vm5, $0x484, v17  }
0x29: {  	v18 =	vsel vm5, $0x704, v18;
	vm5 =	vcmask $0xB14;
	v19 =	vsel vm6, $0x980, v19  }
0x2a: {  	v17 =	vsel vm6, $0x480, v17;
	v18 =	vsel vm6, $0x700, v18;
	vm6 =	vcmask $0x2F2C  }
0x2b: {  	v12 =	vsel vm6, $0x101, v12;
	v16 =	vsel vm6, $0x202, v16;
	v13 =	vsel vm6, $0x381, v13  }
0x2c: {  	s8 =	rddreg [dreg:$0x0];
	v17 =	vsel vm6, $0x482, v17;
	v14 =	vsel vm6, $0x601, v14;
	v18 =	vsel vm6, $0x702, v18  }
0x2d: {  	s9 =	rddreg [dreg:$0x2];
	v15 =	vsel vm6, $0x881, v15;
	v19 =	vsel vm6, $0x982, v19;
	vm6 =	vcmask $0x3330  }
0x2e: {  	s3 =	rddreg [dreg:$0x3];
	s4 =	simm.s32 $0x0;
	v12 =	vsel vm6, $0x102, v12;
	v16 =	vsel vm6, $0x203, v16;
	v13 =	vsel vm6, $0x382, v13  }
0x2f: {  	s13 =	simm.s32 $0x18700;
	s14 =	simm.s32 $0x19300;
	s15 =	simm.s32 $0x1A300;
	v17 =	vsel vm6, $0x483, v17;
	v14 =	vsel vm6, $0x602, v14;
	v18 =	vsel vm6, $0x703, v18  }
0x30: {  	s16 =	simm.s32 $0x1A580;
	s17 =	simm.s32 $0x0;
	[smem:$0x7FF] =	sst s4;
	v15 =	vsel vm6, $0x882, v15;
	v19 =	vsel vm6, $0x983, v19;
	vm6 =	vcmask $0x3734  }
0x31: {  	s5 =	sadd.s32 $0x7A3C00, s8;
	s7 =	ssub.s32 $0x2, s7;
	s10 =	smul.u32 $0x50, s6;
	v12 =	vsel vm6, $0x103, v12;
	v16 =	vsel vm6, $0x204, v16;
	v20 =	vsel vm6, $0x383, v13  }
0x32: {  	s11 =	sshll.u32 s6, $0x3;
	s12 =	sshrl.u32 s7, $0x1;
	s6 =	smul.u32 $0x28, s6;
	v17 =	vsel vm6, $0x484, v17;
	v21 =	vsel vm6, $0x603, v14;
	v18 =	vsel vm6, $0x704, v18  }
0x33: {  	s31 =	ssub.s32 s7, s12;
	s12 =	simm.s32 $0x19F00;
	s10 =	sadd.s32 s10, s8;
	v22 =	vsel vm6, $0x883, v15;
	v19 =	vsel vm6, $0x984, v19;
	vm6 =	vcmask $0x3B38  }
0x34: {  	s8 =	sadd.s32 s11, s8;
	s6 =	sadd.s32 s9, s6;
	s9 =	smax.u32 s31, $0x1;
	v12 =	vsel vm6, $0x104, v12;
	v13 =	vsel vm6, $0x200, v16;
	v14 =	vsel vm6, $0x384, v20  }
0x35: {  	s11 =	simm.s32 $0x1;
	s7 =	sadd.s32 $0xC00, s10;
	s8 =	sadd.s32 $0x1600, s8;
	v15 =	vsel vm6, $0x480, v17;
	v16 =	vsel vm6, $0x604, v21;
	v17 =	vsel vm6, $0x700, v18  }
0x36: {  	s10 =	simm.s32 $0x1A080;
	s2 =	rddreg [dreg:$0x1];
	_ =	strace $0x80000047;
	v18 =	vsel vm6, $0x884, v22;
	v19 =	vsel vm6, $0x980, v19;
	vm6 =	vcmask $0xF14  }
.LBB2_1:
0x37: {  	[tilespmem:s10], [sflag:$0x1] =	stream.linear.gather [hbm4b:s2+s4], $0x280, $0x38;
	[tilespmem:$0x1A600] =	vst v63  }
0x38: {  	_ =	swait.ge [sflag:s11], $0x280  }
0x39: {  	[sflag:s11] =	ssyncset.done $0x0  }
0x3a: {  	[sflag:s11] =	ssyncadd.s32 $0xFFFFFD80  }
0x3b: {  	[tilespmem:s12], [sflag:$0x1] =	stream.linear.gather [hbm4b:s6+s4], $0x140, $0x38;
	[tilespmem:$0x1A600] =	vst v63  }
0x3c: {  	_ =	swait.ge [sflag:s11], $0x140  }
0x3d: {  	[sflag:s11] =	ssyncset.done $0x0  }
0x3e: {  	s18 =	simm.s32 $0x0;
	[sflag:s11] =	ssyncadd.s32 $0xFFFFFEC0  }
.LBB2_2:
0x3f: {  	s19 =	sadd.s32 s1, s18  }
0x40: {  	s19 =	smul.u32 $0x30D4, s19;
	_ =	sdelay $0x1  }
.Ltmp0:
0x41: {  	s19 =	sadd.s32 s5, s19;
	(pc) =	sbr.rel .LBB2_3-.Ltmp0, $4  }
0x42: {  	[tilespmem:s4], [sflag:$0x1] =	stream.linear.gather [hbm4b:s19+s4], $0x186A0, $0x38;
	[tilespmem:$0x1A600] =	vst v63  }
0x43: {  	_ =	swait.ge [sflag:s11], $0x186A0  }
0x44: {  	v20 =	vimm.s32 $0x0;
	[sflag:s11] =	ssyncset.done $0x0  }
0x45: {  	v28 =	vimm.f32 $-3.000000010e+38;
	s20 =	simm.s32 $0x20;
	v22 =	vimm.f32 $-3.000000010e+38;
	v21 =	vimm.f32 $-3.000000010e+38;
	s19 =	simm.s32 $0x40;
	[sflag:s11] =	ssyncadd.s32 $0xFFFE7960  }
.LBB2_5:
0x46: {  	s19 =	sadd.s32 $0x50, s19  }
0x47: {  	p0 =	sne.s32 s19, $0x186E0  }
.Ltmp1:
0x48: {  	_ = 	snop;
	(pc) =	sbr.rel @!p0 .LBB2_6-.Ltmp1, $2  }
0x49: {  	_ =	sdelay $0x2  }
0x4a: {  	v21 =	vmax.f32 v21, v23;
	s20 =	sadd.s32 $0x50, s20  }
.LBB2_3:
0x4b: {  	v29 =	vld [tilespmem:s20+$0xFFFFFFE0]  }
0x4c: {  	v27 =	vld [tilespmem:s20+$0xFFFFFFF0]  }
0x4d: {  	v26 =	vld [tilespmem:s20+$0x0]  }
0x4e: {  	v25 =	vld [tilespmem:s20+$0x10]  }
0x4f: {  	v24 =	vld [tilespmem:s20+$0x20];
	_ =	sdelay $0x1  }
0x50: {  	v23 =	vmax.f32 v29, v27  }
0x51: {  	v23 =	vmax.f32 v23, v26  }
0x52: {  	v23 =	vmax.f32 v23, v25  }
0x53: {  	v23 =	vmax.f32 v23, v24  }
0x54: {  	vm7 =	vgt.f32 v23, v28  }
0x55: {  	v30 =	vsel vm7, $0x3F800000, v9  }
0x56: {  	(xrf0) =	vmax.scan.msk.f32 $0xffff, v30;
	_ =	sdelay $0x5  }
0x57: {  	v30, _, _ =	vpop (xrf0)  }
0x58: {  	(v2sf) =	vpush v30, $0xF;
	_ =	sdelay $0xe  }
0x59: {  	s21 =	spop (v2sf)  }
0x5a: {  	p0 =	sgt.f32 s21, $0.0e+00  }
.Ltmp2:
0x5b: {  	_ = 	snop;
	(pc) =	sbr.rel @!p0 .LBB2_5-.Ltmp2, $1  }
0x5c: {  	_ =	sdelay $0x3  }
0x5d: {  	s21 =	sadd.s32 $0xFFFFFFC0, s19  }
0x5e: {  	v28 =	vor.u32 s21, v4  }
0x5f: {  	(xrf1) =	vsort.dscd.msk.f32 $0xffff, v29, v28;
	_ =	sdelay $0xd  }
0x60: {  	v28, v29, _ =	vpop (xrf1)  }
0x61: {  	v28 =	vperm.xlane v28, v10;
	v29 =	vperm.xlane v29, v10;
	_ =	sdelay $0x1  }
0x62: {  	vm7 =	veq.f32 v22, v28;
	vm8 =	vle.s32 v20, v29  }
0x63: {  	vm9 =	vgt.f32 v22, v28;
	vm7 =	vmand vm7, vm8  }
0x64: {  	vm7 =	vmor vm9, vm7  }
0x65: {  	s29 =	sadd.s32 $0xFFFFFFD0, s19;
	v22 =	vsel vm7, v22, v28;
	v20 =	vsel vm7, v20, v29  }
0x66: {  	(xrf1) =	vsort.dscd.msk.f32 $0xffff, v22, v20;
	v20 =	vor.u32 s29, v4  }
0x67: {  	(xrf1) =	vsort.dscd.msk.f32 $0xffff, v27, v20;
	_ =	sdelay $0xc  }
0x68: {  	v20, v22, _ =	vpop (xrf1)  }
0x69: {  	v27, v28, _ =	vpop (xrf1)  }
0x6a: {  	v27 =	vperm.xlane v27, v10;
	v28 =	vperm.xlane v28, v10;
	_ =	sdelay $0x1  }
0x6b: {  	vm7 =	veq.f32 v20, v27;
	vm8 =	vle.s32 v22, v28  }
0x6c: {  	vm12 =	vgt.f32 v20, v27;
	vm7 =	vmand vm7, vm8  }
0x6d: {  	vm7 =	vmor vm12, vm7  }
0x6e: {  	s30 =	sadd.s32 $0xFFFFFFE0, s19;
	v20 =	vsel vm7, v20, v27;
	v22 =	vsel vm7, v22, v28  }
0x6f: {  	(xrf1) =	vsort.dscd.msk.f32 $0xffff, v20, v22;
	v20 =	vor.u32 s30, v4  }
0x70: {  	(xrf1) =	vsort.dscd.msk.f32 $0xffff, v26, v20;
	_ =	sdelay $0xc  }
0x71: {  	v20, v22, _ =	vpop (xrf1)  }
0x72: {  	v26, v27, _ =	vpop (xrf1)  }
0x73: {  	v26 =	vperm.xlane v26, v10;
	v27 =	vperm.xlane v27, v10;
	_ =	sdelay $0x1  }
0x74: {  	vm7 =	veq.f32 v20, v26;
	vm8 =	vle.s32 v22, v27  }
0x75: {  	vm13 =	vgt.f32 v20, v26;
	vm7 =	vmand vm7, vm8  }
0x76: {  	vm7 =	vmor vm13, vm7  }
0x77: {  	s31 =	sadd.s32 $0xFFFFFFF0, s19;
	v20 =	vsel vm7, v20, v26;
	v22 =	vsel vm7, v22, v27  }
0x78: {  	(xrf1) =	vsort.dscd.msk.f32 $0xffff, v20, v22;
	v20 =	vor.u32 s31, v4  }
0x79: {  	(xrf1) =	vsort.dscd.msk.f32 $0xffff, v25, v20;
	_ =	sdelay $0xc  }
0x7a: {  	v20, v22, _ =	vpop (xrf1)  }
0x7b: {  	v25, v61, _ =	vpop (xrf1)  }
0x7c: {  	v25 =	vperm.xlane v25, v10;
	v26 =	vperm.xlane v61, v10;
	_ =	sdelay $0x1  }
0x7d: {  	vm7 =	veq.f32 v20, v25;
	vm8 =	vle.s32 v22, v26  }
0x7e: {  	vm14 =	vgt.f32 v20, v25;
	vm7 =	vmand vm7, vm8  }
0x7f: {  	vm7 =	vmor vm14, vm7  }
0x80: {  	v20 =	vsel vm7, v20, v25;
	v22 =	vsel vm7, v22, v26  }
0x81: {  	(xrf1) =	vsort.dscd.msk.f32 $0xffff, v20, v22;
	v20 =	vor.u32 s19, v4  }
0x82: {  	(xrf1) =	vsort.dscd.msk.f32 $0xffff, v24, v20;
	_ =	sdelay $0xc  }
0x83: {  	v20, v22, _ =	vpop (xrf1)  }
0x84: {  	v24, v62, _ =	vpop (xrf1)  }
0x85: {  	v24 =	vperm.xlane v24, v10;
	v25 =	vperm.xlane v62, v10;
	_ =	sdelay $0x1  }
0x86: {  	vm7 =	veq.f32 v20, v24;
	vm8 =	vle.s32 v22, v25  }
0x87: {  	vm15 =	vgt.f32 v20, v24;
	vm7 =	vmand vm7, vm8  }
0x88: {  	vm7 =	vmor vm15, vm7  }
0x89: {  	v20 =	vsel vm7, v20, v24;
	v22 =	vsel vm7, v22, v25  }
0x8a: {  	(xrf1) =	vsort.dscd.msk.f32 $0xffff, v20, v22;
	_ =	sdelay $0xd  }
0x8b: {  	v22, v20, _ =	vpop (xrf1)  }
0x8c: {  	(xrf0) =	vmin.scan.msk.f32 $0xffff, v22;
	_ =	sdelay $0x2  }
.Ltmp3:
0x8d: {  	_ = 	snop;
	(pc) =	sbr.rel .LBB2_5-.Ltmp3, $3  }
0x8e: {  	_ =	sdelay $0x1  }
0x8f: {  	v63, _, _ =	vpop (xrf0)  }
0x90: {  	v28 =	vbroadcast v63, $0xF  }
.LBB2_6:
0x91: {  	(xrf0) =	vmax.scan.msk.f32 $0xffff, v21;
	_ =	sdelay $0x2  }
0x92: {  	s19 =	simm.s32 $0x0  }
0x93: {  	v23 =	vld [tilespmem:s19+$0x0];
	_ =	sdelay $0x1  }
0x94: {  	v24 =	vld [tilespmem:s19+$0x10];
	v21, _, _ =	vpop (xrf0)  }
0x95: {  	v21 =	vbroadcast v21, $0xF  }
0x96: {  	v25 =	vld [tilespmem:s19+$0x20]  }
0x97: {  	v23 =	vsub.f32 v23, v21  }
0x98: {  	v26 =	vld [tilespmem:s19+$0x30]  }
0x99: {  	v24 =	vsub.f32 v24, v21;
	v23 =	vmul.f32 $1.442695020e+00, v23  }
0x9a: {  	v27 =	vld [tilespmem:s19+$0x40]  }
0x9b: {  	s31 =	simm.s32 $0x50;
	v25 =	vsub.f32 v25, v21;
	v24 =	vmul.f32 $1.442695020e+00, v24;
	(erf) = vpow2.f32 v23  }
0x9c: {  	v23 =	vld [tilespmem:s31+$0x0]  }
0x9d: {  	v26 =	vsub.f32 v26, v21;
	v25 =	vmul.f32 $1.442695020e+00, v25;
	(erf) = vpow2.f32 v24  }
0x9e: {  	v28 =	vld [tilespmem:s31+$0x10]  }
0x9f: {  	v29 =	vld [tilespmem:s31+$0x20];
	v27 =	vsub.f32 v27, v21;
	v24 =	vmul.f32 $1.442695020e+00, v26;
	(erf) = vpow2.f32 v25;
	_ =	sdelay $0x1  }
0xa0: {  	v27 =	vmul.f32 $1.442695020e+00, v27;
	v25 =	vld [tilespmem:s31+$0x30];
	(erf) = vpow2.f32 v24;
	v23 =	vsub.f32 v23, v21;
	_ =	sdelay $0x1  }
0xa1: {  	v28 =	vsub.f32 v28, v21;
	v26 =	vld [tilespmem:s31+$0x40];
	(erf) = vpow2.f32 v27;
	v23 =	vmul.f32 $1.442695020e+00, v23  }
0xa2: {  	v30 =	vimm.f32 $0.0e+00;
	s21 =	simm.s32 $0xA0;
	v27 =	vsub.f32 v29, v21;
	v29 =	vpop (erf)  }
0xa3: {  	s19 =	simm.s32 $0x3C0;
	v28 =	vmul.f32 $1.442695020e+00, v28;
	v24 =	vld [tilespmem:s21+$0x0];
	(erf) = vpow2.f32 v23;
	v29 =	vadd.f32 v29, v30  }
.LBB2_7:
0xa4: {  	p0 =	sne.s32 s19, $0x61940;
	v23 =	vsub.f32 v25, v21;
	v25 =	vpop (erf)  }
0xa5: {  	v27 =	vmul.f32 $1.442695020e+00, v27;
	v30 =	vld [tilespmem:s21+$0x10];
	(erf) = vpow2.f32 v28;
	v25 =	vadd.f32 v25, v29  }
0xa6: {  	v26 =	vsub.f32 v26, v21;
	v28 =	vpop (erf)  }
0xa7: {  	v23 =	vmul.f32 $1.442695020e+00, v23;
	v29 =	vld [tilespmem:s21+$0x20];
	(erf) = vpow2.f32 v27;
	v32 =	vadd.f32 v28, v25  }
0xa8: {  	v24 =	vsub.f32 v24, v21;
	v28 =	vpop (erf)  }
.Ltmp4:
0xa9: {  	v31 =	vmul.f32 $1.442695020e+00, v26;
	v25 =	vld [tilespmem:s21+$0x30];
	(erf) = vpow2.f32 v23;
	v23 =	vadd.f32 v28, v32;
	(pc) =	sbr.rel @p0 .LBB2_7-.Ltmp4, $4  }
0xaa: {  	v28 =	vsub.f32 v30, v21;
	v27 =	vpop (erf)  }
0xab: {  	v30 =	vmul.f32 $1.442695020e+00, v24;
	v26 =	vld [tilespmem:s21+$0x40];
	(erf) = vpow2.f32 v31;
	v23 =	vadd.f32 v27, v23  }
0xac: {  	s21 =	sshra.s32 s19, $0x2;
	v27 =	vsub.f32 v29, v21;
	v29 =	vpop (erf)  }
0xad: {  	s19 =	sadd.s32 $0x140, s19;
	v28 =	vmul.f32 $1.442695020e+00, v28;
	v24 =	vld [tilespmem:s21+$0x0];
	(erf) = vpow2.f32 v30;
	v29 =	vadd.f32 v29, v23  }
0xae: {  	(xrf0) =	vmax.scan.msk.f32 $0xffff, v22;
	_ =	sdelay $0x5  }
0xaf: {  	v23, _, _ =	vpop (xrf0)  }
0xb0: {  	v23 =	vbroadcast v23, $0xF;
	_ =	sdelay $0x1  }
0xb1: {  	v30 =	vxor.u32 $0x80000000, v20;
	vm7 =	veq.f32 v22, v23  }
0xb2: {  	v31 =	vnsel vm7, $0xC0000000, v30  }
0xb3: {  	(xrf0) =	vmin.scan.msk.u32 $0xffff, v31;
	_ =	sdelay $0x5  }
0xb4: {  	v31, _, _ =	vpop (xrf0)  }
0xb5: {  	(v2sf) =	vpush v31, $0xF;
	_ =	sdelay $0xe  }
0xb6: {  	s19 =	spop (v2sf)  }
0xb7: {  	s19 =	sxor.u32 $0x80000000, s19  }
0xb8: {  	vm8 =	veq.s32 v20, s19  }
0xb9: {  	vm7 =	vmand vm7, vm8  }
0xba: {  	v54 =	vsel vm7, $0xFF61B1E6, v22  }
0xbb: {  	(xrf0) =	vmax.scan.msk.f32 $0xffff, v54;
	_ =	sdelay $0x5  }
0xbc: {  	v55, _, _ =	vpop (xrf0)  }
0xbd: {  	v22 =	vbroadcast v55, $0xF;
	_ =	sdelay $0x1  }
0xbe: {  	vm7 =	veq.f32 v54, v22  }
0xbf: {  	v32 =	vnsel vm7, $0xC0000000, v30  }
0xc0: {  	(xrf0) =	vmin.scan.msk.u32 $0xffff, v32;
	_ =	sdelay $0x5  }
0xc1: {  	v32, _, _ =	vpop (xrf0)  }
0xc2: {  	(v2sf) =	vpush v32, $0xF;
	_ =	sdelay $0xe  }
0xc3: {  	s20 =	spop (v2sf)  }
0xc4: {  	s20 =	sxor.u32 $0x80000000, s20  }
0xc5: {  	vm8 =	veq.s32 v20, s20  }
0xc6: {  	vm7 =	vmand vm7, vm8  }
0xc7: {  	v31 =	vsel vm7, $0xFF61B1E6, v54  }
0xc8: {  	(xrf0) =	vmax.scan.msk.f32 $0xffff, v31;
	_ =	sdelay $0x5  }
0xc9: {  	v56, _, _ =	vpop (xrf0)  }
0xca: {  	v32 =	vbroadcast v56, $0xF;
	_ =	sdelay $0x1  }
0xcb: {  	vm7 =	veq.f32 v31, v32  }
0xcc: {  	v33 =	vnsel vm7, $0xC0000000, v30  }
0xcd: {  	(xrf0) =	vmin.scan.msk.u32 $0xffff, v33;
	_ =	sdelay $0x5  }
0xce: {  	v33, _, _ =	vpop (xrf0)  }
0xcf: {  	(v2sf) =	vpush v33, $0xF;
	_ =	sdelay $0x9  }
0xd0: {  	v25 =	vsub.f32 v25, v21;
	v57 =	vpop (erf)  }
0xd1: {  	v27 =	vmul.f32 $1.442695020e+00, v27;
	v59 =	vld [tilespmem:s21+$0x10];
	(erf) = vpow2.f32 v28;
	v58 =	vadd.f32 v57, v29  }
0xd2: {  	v26 =	vsub.f32 v26, v21;
	v60 =	vpop (erf)  }
0xd3: {  	v61 =	vld [tilespmem:s21+$0x20];
	(erf) = vpow2.f32 v27;
	v25 =	vmul.f32 $1.442695020e+00, v25;
	v28 =	vadd.f32 v60, v58  }
0xd4: {  	v62 =	vpop (erf);
	v26 =	vmul.f32 $1.442695020e+00, v26  }
0xd5: {  	v24 =	vsub.f32 v24, v21;
	(erf) = vpow2.f32 v25;
	v63 =	vadd.f32 v62, v28;
	s22 =	spop (v2sf)  }
0xd6: {  	v34 =	vld [tilespmem:s21+$0x30];
	v29 =	vsub.f32 v59, v21;
	v33 =	vpop (erf);
	(erf) = vpow2.f32 v26;
	s22 =	sxor.u32 $0x80000000, s22  }
0xd7: {  	v36 =	vld [tilespmem:s21+$0x40];
	v24 =	vmul.f32 $1.442695020e+00, v24;
	v25 =	vadd.f32 v33, v63;
	vm8 =	veq.s32 v20, s22  }
0xd8: {  	v27 =	vsub.f32 v61, v21;
	v37 =	vmul.f32 $1.442695020e+00, v29;
	v35 =	vpop (erf);
	vm7 =	vmand vm7, vm8  }
0xd9: {  	(erf) = vpow2.f32 v24;
	v25 =	vadd.f32 v35, v25;
	v38 =	vsel vm7, $0xFF61B1E6, v31  }
0xda: {  	v27 =	vmul.f32 $1.442695020e+00, v27;
	v39 =	vpop (erf);
	(xrf0) =	vmax.scan.msk.f32 $0xffff, v38  }
0xdb: {  	v26 =	vsub.f32 v34, v21;
	(erf) = vpow2.f32 v37;
	v25 =	vadd.f32 v39, v25  }
0xdc: {  	v24 =	vsub.f32 v36, v21;
	v40 =	vpop (erf)  }
0xdd: {  	v26 =	vmul.f32 $1.442695020e+00, v26;
	(erf) = vpow2.f32 v27;
	v25 =	vadd.f32 v40, v25  }
0xde: {  	v41 =	vpop (erf)  }
0xdf: {  	v24 =	vmul.f32 $1.442695020e+00, v24;
	(erf) = vpow2.f32 v26;
	v25 =	vadd.f32 v41, v25;
	v42 =	vpop (erf)  }
0xe0: {  	v43, _, _ =	vpop (xrf0)  }
0xe1: {  	(erf) = vpow2.f32 v24;
	v44 =	vadd.f32 v42, v25;
	v45 =	vbroadcast v43, $0xF  }
0xe2: {  	v46 =	vpop (erf)  }
0xe3: {  	v24 =	vadd.f32 v46, v44;
	vm7 =	veq.f32 v38, v45  }
0xe4: {  	v47 =	vpop (erf);
	v48 =	vnsel vm7, $0xC0000000, v30  }
0xe5: {  	v24 =	vadd.f32 v47, v24;
	(xrf0) =	vmin.scan.msk.u32 $0xffff, v48  }
0xe6: {  	v49 =	vpop (erf)  }
0xe7: {  	v24 =	vadd.f32 v49, v24  }
0xe8: {  	v50 =	vpop (erf)  }
0xe9: {  	v24 =	vadd.f32 v50, v24  }
0xea: {  	v51 =	vpop (erf)  }
0xeb: {  	v24 =	vadd.f32 v51, v24;
	v52, _, _ =	vpop (xrf0)  }
0xec: {  	(v2sf) =	vpush v52, $0xF  }
0xed: {  	(xrf2) =	vadd.scan.msk.f32 $0xffff, v24;
	_ =	sdelay $0x9  }
0xee: {  	v24, _, _ =	vpop (xrf2)  }
0xef: {  	v24 =	vbroadcast v24, $0xF;
	_ =	sdelay $0x1  }
0xf0: {  	v53 =	vand.u32 $0x7FFFFF, v24  }
0xf1: {  	v26 =	vor.u32 $0x3F800000, v53;
	s29 =	spop (v2sf)  }
0xf2: {  	v54 =	vmul.f32 $5.000000000e-01, v26;
	s21 =	sxor.u32 $0x80000000, s29  }
0xf3: {  	vm8 =	vgt.f32 v26, $1.414213540e+00;
	vm9 =	veq.s32 v20, s21  }
0xf4: {  	v20 =	vsel vm8, v54, v26;
	vm7 =	vmand vm7, vm9  }
0xf5: {  	v26 =	vadd.f32 $1.000000000e+00, v20;
	v55 =	vsel vm7, $0xFF61B1E6, v38  }
0xf6: {  	(xrf0) =	vmax.scan.msk.f32 $0xffff, v55  }
0xf7: {  	(erf) = vrcp.f32 v26;
	_ =	sdelay $0x4  }
0xf8: {  	v56, _, _ =	vpop (xrf0)  }
0xf9: {  	v26 =	vbroadcast v56, $0xF;
	_ =	sdelay $0x1  }
0xfa: {  	v20 =	vadd.f32 $-1.000000000e+00, v20;
	vm7 =	veq.f32 v55, v26  }
0xfb: {  	v57 =	vpop (erf);
	v58 =	vnsel vm7, $0xC0000000, v30  }
0xfc: {  	v20 =	vmul.f32 v57, v20;
	(xrf0) =	vmin.scan.msk.u32 $0xffff, v58;
	_ =	sdelay $0x1  }
0xfd: {  	v27 =	vmul.f32 v20, v20;
	_ =	sdelay $0x1  }
0xfe: {  	v59 =	vmul.f32 $2.857142980e-01, v27;
	_ =	sdelay $0x1  }
0xff: {  	v28 =	vadd.f32 $4.000000060e-01, v59;
	v60, _, _ =	vpop (xrf0)  }
0x100: {  	(v2sf) =	vpush v60, $0xF  }
0x101: {  	v28 =	vmul.f32 v28, v27;
	_ =	sdelay $0x1  }
0x102: {  	v28 =	vadd.f32 $6.666666860e-01, v28  }
0x103: {  	v24 =	vshrl.u32 v24, $0x17  }
0x104: {  	v24 =	vand.u32 $0xFF, v24;
	v61 =	vsel vm8, $0xFFFFFF82, v11;
	v27 =	vmul.f32 v28, v27  }
0x105: {  	v24 =	vadd.s32 v24, v61  }
0x106: {  	v24 =	vcvt.s32.f32 v24;
	v27 =	vadd.f32 $2.000000000e+00, v27;
	_ =	sdelay $0x1  }
0x107: {  	v24 =	vmul.f32 $6.931471820e-01, v24;
	v20 =	vmul.f32 v27, v20  }
0x108: {  	v23 =	vnsel vm2, $0xFF61B1E6, v23  }
0x109: {  	v22 =	vsel vm3, v23, v22;
	v20 =	vadd.f32 v20, v24  }
0x10a: {  	s31 =	sshll.u32 s18, $0x7;
	s18 =	sadd.s32 $0x1, s18;
	v62 =	vmov s19;
	v22 =	vsel vm4, v22, v32  }
0x10b: {  	p0 =	sne.s32 s18, $0x14;
	v63 =	vnsel vm0, $0x0, v62;
	v22 =	vsel vm5, v22, v45;
	v20 =	vadd.f32 v20, v21  }
.Ltmp5:
0x10c: {  	v22 =	vsel vm6, v22, v26;
	v21 =	vsel vm1, s20, v63;
	(pc) =	sbr.rel @p0 .LBB2_2-.Ltmp5, $4  }
0x10d: {  	v21 =	vnsel vm4, s22, v21;
	v20 =	vsub.f32 v22, v20;
	s30 =	spop (v2sf)  }
0x10e: {  	vm7 =	veq.s32 v4, $0x4;
	v21 =	vnsel vm5, s21, v21;
	s19 =	sxor.u32 $0x80000000, s30  }
0x10f: {  	[tilespmem:s31+$0x18700] =	vst v20;
	v21 =	vsel vm7, s19, v21  }
0x110: {  	[tilespmem:s31+$0x19300] =	vst v21  }
0x111: {  	_ =	sdelay $0x3  }
0x112: {  	v20 =	vld.idx.msk [tilespmem:v0+s10+$0x0], $0xffff  }
0x113: {  	v21 =	vld.idx.msk [tilespmem:v12+s13+$0x0], $0xffff  }
0x114: {  	v22 =	vld.idx.msk [tilespmem:v1+s10+$0x0], $0xffff  }
0x115: {  	v23 =	vld.idx.msk [tilespmem:v13+s13+$0x0], $0xffff;
	_ =	sdelay $0x4  }
0x116: {  	v24 =	vadd.f32 v21, v20;
	v20 =	vadd.f32 v23, v22  }
0x117: {  	vm8 =	vmmov $0x1ff  }
0x118: {  	v23 =	vnsel vm8, $0xFF61B1E6, v20;
	(xrf0) =	vmax.scan.msk.f32 $0xffff, v24  }
0x119: {  	(xrf0) =	vmax.scan.msk.f32 $0xffff, v23;
	_ =	sdelay $0x4  }
0x11a: {  	v20, _, _ =	vpop (xrf0)  }
0x11b: {  	(v2sf) =	vpush v20, $0xF;
	v20, _, _ =	vpop (xrf0)  }
0x11c: {  	(v2sf) =	vpush v20, $0xF;
	_ =	sdelay $0xd  }
0x11d: {  	s18 =	spop (v2sf)  }
0x11e: {  	s19 =	spop (v2sf)  }
0x11f: {  	s18 =	smax.f32 s18, s19  }
0x120: {  	v21 =	vor.u32 $0x80000000, v4;
	vm7 =	veq.f32 v24, s18  }
0x121: {  	v20 =	vor.u32 $0x80000010, v4;
	vm9 =	veq.f32 v23, s18;
	v32 =	vnsel vm7, $0xC0000000, v21  }
0x122: {  	v33 =	vnsel vm9, $0xC0000000, v20;
	(xrf0) =	vmin.scan.msk.u32 $0xffff, v32  }
0x123: {  	(xrf0) =	vmin.scan.msk.u32 $0xffff, v33;
	_ =	sdelay $0x4  }
0x124: {  	v34, _, _ =	vpop (xrf0)  }
0x125: {  	(v2sf) =	vpush v34, $0xF;
	v35, _, _ =	vpop (xrf0)  }
0x126: {  	(v2sf) =	vpush v35, $0xF;
	_ =	sdelay $0xd  }
0x127: {  	s28 =	spop (v2sf)  }
0x128: {  	s20 =	spop (v2sf)  }
0x129: {  	s19 =	sxor.u32 $0x80000000, s28;
	s25 =	sxor.u32 $0x80000000, s20  }
0x12a: {  	p0 =	slt.s32 s19, s25  }
0x12b: {  	s25 =	smov.u32 @p0 s19  }
0x12c: {  	v25 =	vmov s25  }
0x12d: {  	v22 =	vor.u32 $0x10, v4;
	vm10 =	veq.s32 v25, v4  }
0x12e: {  	vm15 =	veq.s32 v25, v22;
	vm7 =	vmand vm7, vm10  }
0x12f: {  	v24 =	vsel vm7, $0xFF61B1E6, v24;
	vm7 =	vmand vm9, vm15  }
0x130: {  	v23 =	vsel vm7, $0xFF61B1E6, v23;
	(xrf0) =	vmax.scan.msk.f32 $0xffff, v24  }
0x131: {  	(xrf0) =	vmax.scan.msk.f32 $0xffff, v23;
	_ =	sdelay $0x4  }
0x132: {  	v36, _, _ =	vpop (xrf0)  }
0x133: {  	(v2sf) =	vpush v36, $0xF;
	v37, _, _ =	vpop (xrf0)  }
0x134: {  	(v2sf) =	vpush v37, $0xF;
	_ =	sdelay $0xd  }
0x135: {  	s29 =	spop (v2sf)  }
0x136: {  	s30 =	spop (v2sf)  }
0x137: {  	s19 =	smax.f32 s29, s30  }
0x138: {  	vm7 =	veq.f32 v24, s19  }
0x139: {  	vm12 =	veq.f32 v23, s19;
	v38 =	vnsel vm7, $0xC0000000, v21  }
0x13a: {  	v39 =	vnsel vm12, $0xC0000000, v20;
	(xrf0) =	vmin.scan.msk.u32 $0xffff, v38  }
0x13b: {  	(xrf0) =	vmin.scan.msk.u32 $0xffff, v39;
	_ =	sdelay $0x4  }
0x13c: {  	v40, _, _ =	vpop (xrf0)  }
0x13d: {  	(v2sf) =	vpush v40, $0xF;
	v41, _, _ =	vpop (xrf0)  }
0x13e: {  	(v2sf) =	vpush v41, $0xF;
	_ =	sdelay $0xd  }
0x13f: {  	s31 =	spop (v2sf)  }
0x140: {  	s21 =	spop (v2sf)  }
0x141: {  	s20 =	sxor.u32 $0x80000000, s31;
	s24 =	sxor.u32 $0x80000000, s21  }
0x142: {  	p0 =	slt.s32 s20, s24  }
0x143: {  	s24 =	smov.u32 @p0 s20  }
0x144: {  	v42 =	vmov s24  }
0x145: {  	vm13 =	veq.s32 v42, v4  }
0x146: {  	vm14 =	veq.s32 v42, v22;
	vm7 =	vmand vm7, vm13  }
0x147: {  	v24 =	vsel vm7, $0xFF61B1E6, v24;
	vm7 =	vmand vm12, vm14  }
0x148: {  	v23 =	vsel vm7, $0xFF61B1E6, v23;
	(xrf0) =	vmax.scan.msk.f32 $0xffff, v24  }
0x149: {  	(xrf0) =	vmax.scan.msk.f32 $0xffff, v23;
	_ =	sdelay $0x4  }
0x14a: {  	v43, _, _ =	vpop (xrf0)  }
0x14b: {  	(v2sf) =	vpush v43, $0xF;
	v44, _, _ =	vpop (xrf0)  }
0x14c: {  	(v2sf) =	vpush v44, $0xF;
	_ =	sdelay $0xd  }
0x14d: {  	s22 =	spop (v2sf)  }
0x14e: {  	s23 =	spop (v2sf)  }
0x14f: {  	s20 =	smax.f32 s22, s23  }
0x150: {  	vm7 =	veq.f32 v24, s20  }
0x151: {  	vm15 =	veq.f32 v23, s20;
	v45 =	vnsel vm7, $0xC0000000, v21  }
0x152: {  	v46 =	vnsel vm15, $0xC0000000, v20;
	(xrf0) =	vmin.scan.msk.u32 $0xffff, v45  }
0x153: {  	(xrf0) =	vmin.scan.msk.u32 $0xffff, v46;
	_ =	sdelay $0x4  }
0x154: {  	v47, _, _ =	vpop (xrf0)  }
0x155: {  	(v2sf) =	vpush v47, $0xF;
	v48, _, _ =	vpop (xrf0)  }
0x156: {  	(v2sf) =	vpush v48, $0xF;
	_ =	sdelay $0xd  }
0x157: {  	s26 =	spop (v2sf)  }
0x158: {  	s22 =	spop (v2sf)  }
0x159: {  	s21 =	sxor.u32 $0x80000000, s26;
	s23 =	sxor.u32 $0x80000000, s22  }
0x15a: {  	p0 =	slt.s32 s21, s23  }
0x15b: {  	s23 =	smov.u32 @p0 s21  }
0x15c: {  	v49 =	vmov s23  }
0x15d: {  	vm12 =	veq.s32 v49, v4  }
0x15e: {  	vm13 =	veq.s32 v49, v22;
	vm7 =	vmand vm7, vm12  }
0x15f: {  	v24 =	vsel vm7, $0xFF61B1E6, v24;
	vm7 =	vmand vm15, vm13  }
0x160: {  	v23 =	vsel vm7, $0xFF61B1E6, v23;
	(xrf0) =	vmax.scan.msk.f32 $0xffff, v24  }
0x161: {  	(xrf0) =	vmax.scan.msk.f32 $0xffff, v23;
	_ =	sdelay $0x4  }
0x162: {  	v50, _, _ =	vpop (xrf0)  }
0x163: {  	(v2sf) =	vpush v50, $0xF;
	v51, _, _ =	vpop (xrf0)  }
0x164: {  	(v2sf) =	vpush v51, $0xF;
	_ =	sdelay $0xd  }
0x165: {  	s28 =	spop (v2sf)  }
0x166: {  	s29 =	spop (v2sf)  }
0x167: {  	s21 =	smax.f32 s28, s29  }
0x168: {  	vm7 =	veq.f32 v24, s21  }
0x169: {  	vm14 =	veq.f32 v23, s21;
	v52 =	vnsel vm7, $0xC0000000, v21  }
0x16a: {  	v53 =	vnsel vm14, $0xC0000000, v20;
	(xrf0) =	vmin.scan.msk.u32 $0xffff, v52  }
0x16b: {  	(xrf0) =	vmin.scan.msk.u32 $0xffff, v53;
	_ =	sdelay $0x4  }
0x16c: {  	v54, _, _ =	vpop (xrf0)  }
0x16d: {  	(v2sf) =	vpush v54, $0xF;
	v55, _, _ =	vpop (xrf0)  }
0x16e: {  	(v2sf) =	vpush v55, $0xF;
	_ =	sdelay $0xd  }
0x16f: {  	s30 =	spop (v2sf)  }
0x170: {  	s26 =	spop (v2sf)  }
0x171: {  	s28 =	sxor.u32 $0x80000000, s30;
	s22 =	sxor.u32 $0x80000000, s26  }
0x172: {  	p0 =	slt.s32 s28, s22  }
0x173: {  	s22 =	smov.u32 @p0 s28  }
0x174: {  	v56 =	vmov s22  }
0x175: {  	vm15 =	veq.s32 v56, v4  }
0x176: {  	vm12 =	veq.s32 v56, v22;
	vm7 =	vmand vm7, vm15  }
0x177: {  	v24 =	vsel vm7, $0xFF61B1E6, v24;
	vm7 =	vmand vm14, vm12  }
0x178: {  	v23 =	vsel vm7, $0xFF61B1E6, v23;
	(xrf0) =	vmax.scan.msk.f32 $0xffff, v24  }
0x179: {  	(xrf0) =	vmax.scan.msk.f32 $0xffff, v23;
	_ =	sdelay $0x4  }
0x17a: {  	s31 =	smulhi.u32 $0x66666667, s25;
	s29 =	sshra.s32 s25, $0x1F;
	v57, _, _ =	vpop (xrf0)  }
0x17b: {  	s28 =	smul.u32 $0x66666667, s29;
	(v2sf) =	vpush v57, $0xF;
	v58, _, _ =	vpop (xrf0)  }
0x17c: {  	(v2sf) =	vpush v58, $0xF  }
0x17d: {  	s26 =	sadd.s32 s28, s31  }
0x17e: {  	s28 =	sshrl.u32 s26, $0x1F;
	s26 =	sshra.s32 s26, $0x1  }
0x17f: {  	s26 =	sadd.s32 s28, s26  }
0x180: {  	s28 =	smul.u32 $0xFFFFFFFB, s26  }
0x181: {  	s29 =	ssub.s32 $0x0, s25  }
0x182: {  	p4 =	slt.s32 s25, $0x1;
	p1 =	sne.s32 s28, s29  }
0x183: {  	p0 =	por !p4, !p1  }
0x184: {  	s30 =	sshra.s32 s24, $0x1F;
	s28 =	simm.s32 $0x1;
	p0 =	por !p0, !p0  }
0x185: {  	s30 =	smul.u32 $0x66666667, s30;
	s28 =	simm.s32 @!p0 $0x0  }
0x186: {  	s29 =	smulhi.u32 $0x66666667, s24;
	s26 =	ssub.s32 s26, s28  }
0x187: {  	s31 =	sshll.u32 s26, $0x4  }
0x188: {  	s30 =	sadd.s32 s30, s29;
	s28 =	smul.u32 $0xFFFFFFFB, s26;
	v59 =	vor.u32 s31, v4  }
0x189: {  	s29 =	sshrl.u32 s30, $0x1F  }
0x18a: {  	s25 =	sadd.s32 s25, s28;
	s28 =	sshra.s32 s30, $0x1;
	s30 =	spop (v2sf)  }
0x18b: {  	v26 =	vmov s25;
	s28 =	sadd.s32 s29, s28;
	s31 =	spop (v2sf)  }
0x18c: {  	s26 =	sshll.u32 s26, $0x7;
	v27 =	vand.u32 $0xFFFFFF80, v26;
	s29 =	smul.u32 $0xFFFFFFFB, s28;
	s25 =	smax.f32 s30, s31  }
0x18d: {  	v26 =	vand.u32 $0x7F, v26;
	v27 =	vadd.s32 s26, v27;
	v25 =	vld.idx.msk [tilespmem:v59+s12+$0x0], $0xffff;
	s30 =	ssub.s32 $0x0, s24;
	vm7 =	veq.f32 v24, s25  }
0x18e: {  	p5 =	slt.s32 s24, $0x1;
	v60 =	vor.u32 v26, v27;
	p6 =	sne.s32 s29, s30;
	v61 =	vnsel vm7, $0xC0000000, v21;
	vm7 =	veq.f32 v23, s25  }
0x18f: {  	p0 =	por !p5, !p6;
	(xrf0) =	vmin.scan.msk.u32 $0xffff, v61;
	v23 =	vnsel vm7, $0xC0000000, v20  }
0x190: {  	s26 =	simm.s32 $0x1;
	p0 =	por !p0, !p0;
	(xrf0) =	vmin.scan.msk.u32 $0xffff, v23  }
0x191: {  	s31 =	sshra.s32 s23, $0x1F;
	s26 =	simm.s32 @!p0 $0x0  }
0x192: {  	[tilespmem:$0x1A300] =	vst v25;
	s29 =	smul.u32 $0x66666667, s31;
	s26 =	ssub.s32 s28, s26  }
0x193: {  	v62 =	vld.idx.msk [tilespmem:v60+s14+$0x0], $0xffff;
	s28 =	smulhi.u32 $0x66666667, s23;
	s30 =	sshll.u32 s26, $0x4  }
0x194: {  	s31 =	smul.u32 $0xFFFFFFFB, s26;
	v63 =	vor.u32 s30, v4  }
0x195: {  	s28 =	sadd.s32 s29, s28;
	v28, _, _ =	vpop (xrf0)  }
0x196: {  	s24 =	sadd.s32 s24, s31;
	s29 =	sshrl.u32 s28, $0x1F;
	s28 =	sshra.s32 s28, $0x1;
	(v2sf) =	vpush v28, $0xF;
	v29, _, _ =	vpop (xrf0)  }
0x197: {  	v30 =	vmov s24;
	s31 =	sadd.s32 s29, s28;
	(v2sf) =	vpush v29, $0xF  }
0x198: {  	[tilespmem:$0x1A310] =	vst v62;
	s26 =	sshll.u32 s26, $0x7;
	v31 =	vand.u32 $0xFFFFFF80, v30;
	s28 =	smul.u32 $0xFFFFFFFB, s31  }
0x199: {  	s29 =	ssub.s32 $0x0, s23;
	v32 =	vand.u32 $0x7F, v30;
	v23 =	vadd.s32 s26, v31;
	v24 =	vld.idx.msk [tilespmem:v63+s12+$0x0], $0xffff  }
0x19a: {  	p1 =	slt.s32 s23, $0x1;
	v23 =	vor.u32 v32, v23;
	p2 =	sne.s32 s28, s29  }
0x19b: {  	p0 =	por !p1, !p2  }
0x19c: {  	s26 =	simm.s32 $0x1;
	p0 =	por !p0, !p0  }
0x19d: {  	s30 =	sshra.s32 s22, $0x1F;
	s26 =	simm.s32 @!p0 $0x0  }
0x19e: {  	s28 =	smul.u32 $0x66666667, s30;
	s24 =	ssub.s32 s31, s26;
	[tilespmem:$0x1A320] =	vst v24  }
0x19f: {  	s26 =	smulhi.u32 $0x66666667, s22;
	s29 =	sshll.u32 s24, $0x4;
	v23 =	vld.idx.msk [tilespmem:v23+s14+$0x0], $0xffff  }
0x1a0: {  	s31 =	smul.u32 $0xFFFFFFFB, s24;
	v33 =	vor.u32 s29, v4  }
0x1a1: {  	s26 =	sadd.s32 s28, s26  }
0x1a2: {  	s23 =	sadd.s32 s23, s31;
	s28 =	sshrl.u32 s26, $0x1F;
	s26 =	sshra.s32 s26, $0x1  }
0x1a3: {  	v34 =	vmov s23;
	s23 =	sadd.s32 s28, s26  }
0x1a4: {  	s24 =	sshll.u32 s24, $0x7;
	v35 =	vand.u32 $0xFFFFFF80, v34;
	s26 =	smul.u32 $0xFFFFFFFB, s23;
	[tilespmem:$0x1A330] =	vst v23  }
0x1a5: {  	s30 =	ssub.s32 $0x0, s22;
	v25 =	vand.u32 $0x7F, v34;
	v23 =	vadd.s32 s24, v35;
	v24 =	vld.idx.msk [tilespmem:v33+s12+$0x0], $0xffff;
	s31 =	spop (v2sf)  }
0x1a6: {  	p3 =	slt.s32 s22, $0x1;
	p4 =	sne.s32 s26, s30;
	v23 =	vor.u32 v25, v23;
	s29 =	spop (v2sf)  }
0x1a7: {  	p0 =	por !p3, !p4;
	s26 =	sxor.u32 $0x80000000, s31;
	s24 =	sxor.u32 $0x80000000, s29  }
0x1a8: {  	s28 =	simm.s32 $0x1;
	p0 =	por !p0, !p0;
	p1 =	slt.s32 s26, s24  }
0x1a9: {  	s28 =	simm.s32 @!p0 $0x0;
	s24 =	smov.u32 @p1 s26  }
0x1aa: {  	s23 =	ssub.s32 s23, s28;
	[tilespmem:$0x1A340] =	vst v24;
	s26 =	smulhi.u32 $0x66666667, s24;
	s30 =	sshra.s32 s24, $0x1F  }
0x1ab: {  	s29 =	sshll.u32 s23, $0x4;
	v23 =	vld.idx.msk [tilespmem:v23+s14+$0x0], $0xffff;
	s28 =	smul.u32 $0x66666667, s30  }
0x1ac: {  	s31 =	smul.u32 $0xFFFFFFFB, s23;
	v36 =	vor.u32 s29, v4  }
0x1ad: {  	s26 =	sadd.s32 s28, s26  }
0x1ae: {  	s22 =	sadd.s32 s22, s31;
	s28 =	sshrl.u32 s26, $0x1F;
	s26 =	sshra.s32 s26, $0x1  }
0x1af: {  	v37 =	vmov s22;
	s28 =	sadd.s32 s28, s26  }
0x1b0: {  	s23 =	sshll.u32 s23, $0x7;
	v38 =	vand.u32 $0xFFFFFF80, v37;
	[tilespmem:$0x1A350] =	vst v23;
	s26 =	smul.u32 $0xFFFFFFFB, s28  }
0x1b1: {  	s29 =	ssub.s32 $0x0, s24;
	v25 =	vand.u32 $0x7F, v37;
	v23 =	vadd.s32 s23, v38;
	v24 =	vld.idx.msk [tilespmem:v36+s12+$0x0], $0xffff  }
0x1b2: {  	p5 =	slt.s32 s24, $0x1;
	v23 =	vor.u32 v25, v23;
	p6 =	sne.s32 s26, s29  }
0x1b3: {  	p0 =	por !p5, !p6  }
0x1b4: {  	s23 =	simm.s32 $0x1;
	p0 =	por !p0, !p0  }
0x1b5: {  	s23 =	simm.s32 @!p0 $0x0  }
0x1b6: {  	[tilespmem:$0x1A360] =	vst v24;
	s22 =	ssub.s32 s28, s23  }
0x1b7: {  	v23 =	vld.idx.msk [tilespmem:v23+s14+$0x0], $0xffff;
	s23 =	sshll.u32 s22, $0x4  }
0x1b8: {  	s30 =	smul.u32 $0xFFFFFFFB, s22;
	v39 =	vor.u32 s23, v4;
	_ =	sdelay $0x1  }
0x1b9: {  	s31 =	sadd.s32 s24, s30  }
0x1ba: {  	v40 =	vmov s31  }
0x1bb: {  	s22 =	sshll.u32 s22, $0x7;
	[tilespmem:$0x1A370] =	vst v23;
	v41 =	vand.u32 $0xFFFFFF80, v40  }
0x1bc: {  	v25 =	vand.u32 $0x7F, v40;
	v23 =	vadd.s32 s22, v41;
	v24 =	vld.idx.msk [tilespmem:v39+s12+$0x0], $0xffff  }
0x1bd: {  	v23 =	vor.u32 v25, v23;
	_ =	sdelay $0x2  }
0x1be: {  	v42 =	vmov s18;
	vm7 =	veq.s32 v4, $0x0  }
0x1bf: {  	[tilespmem:$0x1A380] =	vst v24;
	v24 =	vnsel vm7, $0xFF61B1E6, v42  }
0x1c0: {  	v23 =	vld.idx.msk [tilespmem:v23+s14+$0x0], $0xffff;
	v24 =	vsel vm1, s19, v24  }
0x1c1: {  	v24 =	vnsel vm4, s20, v24  }
0x1c2: {  	v24 =	vnsel vm5, s21, v24  }
0x1c3: {  	v24 =	vnsel vm6, s25, v24  }
0x1c4: {  	[tilespmem:$0x1A580] =	vst v24  }
0x1c5: {  	[tilespmem:$0x1A390] =	vst v23  }
0x1c6: {  	v23 =	vld.idx.msk [tilespmem:v2+s10+$0x0], $0xffff  }
0x1c7: {  	v24 =	vld.idx.msk [tilespmem:v14+s13+$0x0], $0xffff  }
0x1c8: {  	v43 =	vld.idx.msk [tilespmem:v3+s10+$0x0], $0xffff  }
0x1c9: {  	v44 =	vld.idx.msk [tilespmem:v15+s13+$0x0], $0xffff;
	_ =	sdelay $0x4  }
0x1ca: {  	v23 =	vadd.f32 v24, v23;
	v45 =	vadd.f32 v44, v43;
	_ =	sdelay $0x1  }
0x1cb: {  	v24 =	vnsel vm8, $0xFF61B1E6, v45;
	(xrf0) =	vmax.scan.msk.f32 $0xffff, v23  }
0x1cc: {  	(xrf0) =	vmax.scan.msk.f32 $0xffff, v24;
	_ =	sdelay $0x4  }
0x1cd: {  	v46, _, _ =	vpop (xrf0)  }
0x1ce: {  	(v2sf) =	vpush v46, $0xF;
	v47, _, _ =	vpop (xrf0)  }
0x1cf: {  	(v2sf) =	vpush v47, $0xF;
	_ =	sdelay $0xd  }
0x1d0: {  	s20 =	spop (v2sf)  }
0x1d1: {  	s21 =	spop (v2sf)  }
0x1d2: {  	s18 =	smax.f32 s20, s21  }
0x1d3: {  	vm13 =	veq.f32 v23, s18  }
0x1d4: {  	vm14 =	veq.f32 v24, s18;
	v48 =	vnsel vm13, $0xC0000000, v21  }
0x1d5: {  	v49 =	vnsel vm14, $0xC0000000, v20;
	(xrf0) =	vmin.scan.msk.u32 $0xffff, v48  }
0x1d6: {  	(xrf0) =	vmin.scan.msk.u32 $0xffff, v49;
	_ =	sdelay $0x4  }
0x1d7: {  	v50, _, _ =	vpop (xrf0)  }
0x1d8: {  	(v2sf) =	vpush v50, $0xF;
	v51, _, _ =	vpop (xrf0)  }
0x1d9: {  	(v2sf) =	vpush v51, $0xF;
	_ =	sdelay $0xd  }
0x1da: {  	s22 =	spop (v2sf)  }
0x1db: {  	s23 =	spop (v2sf)  }
0x1dc: {  	s19 =	sxor.u32 $0x80000000, s22;
	s25 =	sxor.u32 $0x80000000, s23  }
0x1dd: {  	p0 =	slt.s32 s19, s25  }
0x1de: {  	s25 =	smov.u32 @p0 s19  }
0x1df: {  	v52 =	vmov s25  }
0x1e0: {  	vm11 =	veq.s32 v52, v4  }
0x1e1: {  	vm15 =	veq.s32 v52, v22;
	vm9 =	vmand vm13, vm11  }
0x1e2: {  	vm12 =	vmand vm14, vm15;
	v23 =	vsel vm9, $0xFF61B1E6, v23  }
0x1e3: {  	v24 =	vsel vm12, $0xFF61B1E6, v24;
	(xrf0) =	vmax.scan.msk.f32 $0xffff, v23  }
0x1e4: {  	(xrf0) =	vmax.scan.msk.f32 $0xffff, v24;
	_ =	sdelay $0x4  }
0x1e5: {  	v53, _, _ =	vpop (xrf0)  }
0x1e6: {  	(v2sf) =	vpush v53, $0xF;
	v54, _, _ =	vpop (xrf0)  }
0x1e7: {  	(v2sf) =	vpush v54, $0xF;
	_ =	sdelay $0xd  }
0x1e8: {  	s24 =	spop (v2sf)  }
0x1e9: {  	s26 =	spop (v2sf)  }
0x1ea: {  	s19 =	smax.f32 s24, s26  }
0x1eb: {  	vm13 =	veq.f32 v23, s19  }
0x1ec: {  	vm14 =	veq.f32 v24, s19;
	v55 =	vnsel vm13, $0xC0000000, v21  }
0x1ed: {  	v56 =	vnsel vm14, $0xC0000000, v20;
	(xrf0) =	vmin.scan.msk.u32 $0xffff, v55  }
0x1ee: {  	(xrf0) =	vmin.scan.msk.u32 $0xffff, v56;
	_ =	sdelay $0x4  }
0x1ef: {  	v57, _, _ =	vpop (xrf0)  }
0x1f0: {  	(v2sf) =	vpush v57, $0xF;
	v58, _, _ =	vpop (xrf0)  }
0x1f1: {  	(v2sf) =	vpush v58, $0xF;
	_ =	sdelay $0xd  }
0x1f2: {  	s28 =	spop (v2sf)  }
0x1f3: {  	s29 =	spop (v2sf)  }
0x1f4: {  	s20 =	sxor.u32 $0x80000000, s28;
	s23 =	sxor.u32 $0x80000000, s29  }
0x1f5: {  	p0 =	slt.s32 s20, s23  }
0x1f6: {  	s23 =	smov.u32 @p0 s20  }
0x1f7: {  	v59 =	vmov s23  }
0x1f8: {  	vm15 =	veq.s32 v59, v4  }
0x1f9: {  	vm12 =	veq.s32 v59, v22;
	vm9 =	vmand vm13, vm15  }
0x1fa: {  	vm13 =	vmand vm14, vm12;
	v23 =	vsel vm9, $0xFF61B1E6, v23  }
0x1fb: {  	v24 =	vsel vm13, $0xFF61B1E6, v24;
	(xrf0) =	vmax.scan.msk.f32 $0xffff, v23  }
0x1fc: {  	(xrf0) =	vmax.scan.msk.f32 $0xffff, v24;
	_ =	sdelay $0x4  }
0x1fd: {  	v60, _, _ =	vpop (xrf0)  }
0x1fe: {  	(v2sf) =	vpush v60, $0xF;
	v61, _, _ =	vpop (xrf0)  }
0x1ff: {  	(v2sf) =	vpush v61, $0xF;
	_ =	sdelay $0xd  }
0x200: {  	s30 =	spop (v2sf)  }
0x201: {  	s31 =	spop (v2sf)  }
0x202: {  	s20 =	smax.f32 s30, s31  }
0x203: {  	vm14 =	veq.f32 v23, s20  }
0x204: {  	vm15 =	veq.f32 v24, s20;
	v62 =	vnsel vm14, $0xC0000000, v21  }
0x205: {  	v63 =	vnsel vm15, $0xC0000000, v20;
	(xrf0) =	vmin.scan.msk.u32 $0xffff, v62  }
0x206: {  	(xrf0) =	vmin.scan.msk.u32 $0xffff, v63;
	_ =	sdelay $0x4  }
0x207: {  	v28, _, _ =	vpop (xrf0)  }
0x208: {  	(v2sf) =	vpush v28, $0xF;
	v29, _, _ =	vpop (xrf0)  }
0x209: {  	(v2sf) =	vpush v29, $0xF;
	_ =	sdelay $0xd  }
0x20a: {  	s22 =	spop (v2sf)  }
0x20b: {  	s24 =	spop (v2sf)  }
0x20c: {  	s21 =	sxor.u32 $0x80000000, s22;
	s24 =	sxor.u32 $0x80000000, s24  }
0x20d: {  	p0 =	slt.s32 s21, s24  }
0x20e: {  	s24 =	smov.u32 @p0 s21  }
0x20f: {  	v30 =	vmov s24  }
0x210: {  	vm12 =	veq.s32 v30, v4  }
0x211: {  	vm13 =	veq.s32 v30, v22;
	vm9 =	vmand vm14, vm12  }
0x212: {  	vm14 =	vmand vm15, vm13;
	v23 =	vsel vm9, $0xFF61B1E6, v23  }
0x213: {  	v24 =	vsel vm14, $0xFF61B1E6, v24;
	(xrf0) =	vmax.scan.msk.f32 $0xffff, v23  }
0x214: {  	(xrf0) =	vmax.scan.msk.f32 $0xffff, v24;
	_ =	sdelay $0x4  }
0x215: {  	v31, _, _ =	vpop (xrf0)  }
0x216: {  	(v2sf) =	vpush v31, $0xF;
	v32, _, _ =	vpop (xrf0)  }
0x217: {  	(v2sf) =	vpush v32, $0xF;
	_ =	sdelay $0xd  }
0x218: {  	s26 =	spop (v2sf)  }
0x219: {  	s28 =	spop (v2sf)  }
0x21a: {  	s21 =	smax.f32 s26, s28  }
0x21b: {  	vm15 =	veq.f32 v23, s21  }
0x21c: {  	vm12 =	veq.f32 v24, s21;
	v33 =	vnsel vm15, $0xC0000000, v21  }
0x21d: {  	v34 =	vnsel vm12, $0xC0000000, v20;
	(xrf0) =	vmin.scan.msk.u32 $0xffff, v33  }
0x21e: {  	(xrf0) =	vmin.scan.msk.u32 $0xffff, v34;
	_ =	sdelay $0x4  }
0x21f: {  	v35, _, _ =	vpop (xrf0)  }
0x220: {  	(v2sf) =	vpush v35, $0xF;
	v36, _, _ =	vpop (xrf0)  }
0x221: {  	(v2sf) =	vpush v36, $0xF;
	_ =	sdelay $0xd  }
0x222: {  	s29 =	spop (v2sf)  }
0x223: {  	s30 =	spop (v2sf)  }
0x224: {  	s28 =	sxor.u32 $0x80000000, s29;
	s22 =	sxor.u32 $0x80000000, s30  }
0x225: {  	p0 =	slt.s32 s28, s22  }
0x226: {  	s22 =	smov.u32 @p0 s28  }
0x227: {  	v37 =	vmov s22  }
0x228: {  	vm13 =	veq.s32 v37, v4  }
0x229: {  	vm14 =	veq.s32 v37, v22;
	vm9 =	vmand vm15, vm13  }
0x22a: {  	vm15 =	vmand vm12, vm14;
	v23 =	vsel vm9, $0xFF61B1E6, v23  }
0x22b: {  	v24 =	vsel vm15, $0xFF61B1E6, v24;
	(xrf0) =	vmax.scan.msk.f32 $0xffff, v23  }
0x22c: {  	(xrf0) =	vmax.scan.msk.f32 $0xffff, v24;
	_ =	sdelay $0x4  }
0x22d: {  	s31 =	smulhi.u32 $0x66666667, s25;
	s29 =	sshra.s32 s25, $0x1F;
	v38, _, _ =	vpop (xrf0)  }
0x22e: {  	s28 =	smul.u32 $0x66666667, s29;
	(v2sf) =	vpush v38, $0xF;
	v39, _, _ =	vpop (xrf0)  }
0x22f: {  	(v2sf) =	vpush v39, $0xF  }
0x230: {  	s26 =	sadd.s32 s28, s31  }
0x231: {  	s28 =	sshrl.u32 s26, $0x1F;
	s26 =	sshra.s32 s26, $0x1  }
0x232: {  	s26 =	sadd.s32 s28, s26  }
0x233: {  	s28 =	smul.u32 $0xFFFFFFFB, s26  }
0x234: {  	s30 =	ssub.s32 $0x0, s25  }
0x235: {  	p1 =	slt.s32 s25, $0x1;
	p2 =	sne.s32 s28, s30  }
0x236: {  	p0 =	por !p1, !p2  }
0x237: {  	s28 =	simm.s32 $0x1;
	p0 =	por !p0, !p0  }
0x238: {  	s31 =	sshra.s32 s23, $0x1F;
	s28 =	simm.s32 @!p0 $0x0  }
0x239: {  	s29 =	smul.u32 $0x66666667, s31;
	s26 =	ssub.s32 s26, s28  }
0x23a: {  	s28 =	smulhi.u32 $0x66666667, s23;
	s30 =	sadd.s32 $0x5, s26  }
0x23b: {  	s31 =	sshll.u32 s30, $0x4  }
0x23c: {  	s26 =	smul.u32 $0xFFFFFFFB, s26;
	s28 =	sadd.s32 s29, s28;
	v40 =	vor.u32 s31, v4  }
0x23d: {  	s29 =	sshrl.u32 s28, $0x1F;
	s28 =	sshra.s32 s28, $0x1;
	s31 =	spop (v2sf)  }
0x23e: {  	s25 =	sadd.s32 s25, s26;
	s26 =	sadd.s32 s29, s28;
	s28 =	spop (v2sf)  }
0x23f: {  	v41 =	vmov s25;
	s29 =	smul.u32 $0xFFFFFFFB, s26;
	s25 =	smax.f32 s31, s28  }
0x240: {  	v42 =	vand.u32 $0xFFFFFF80, v41;
	v26 =	vand.u32 $0x7F, v41;
	s28 =	sshll.u32 s30, $0x7;
	s31 =	ssub.s32 $0x0, s23;
	vm12 =	veq.f32 v23, s25  }
0x241: {  	p3 =	slt.s32 s23, $0x1;
	v43 =	vld.idx.msk [tilespmem:v40+s12+$0x0], $0xffff;
	v44 =	vadd.s32 s28, v42;
	p4 =	sne.s32 s29, s31;
	vm13 =	veq.f32 v24, s25;
	v45 =	vnsel vm12, $0xC0000000, v21  }
0x242: {  	v46 =	vor.u32 v26, v44;
	p0 =	por !p3, !p4;
	v47 =	vnsel vm13, $0xC0000000, v20;
	(xrf0) =	vmin.scan.msk.u32 $0xffff, v45  }
0x243: {  	s28 =	simm.s32 $0x1;
	p0 =	por !p0, !p0;
	(xrf0) =	vmin.scan.msk.u32 $0xffff, v47  }
0x244: {  	s31 =	sshra.s32 s24, $0x1F;
	s28 =	simm.s32 @!p0 $0x0  }
0x245: {  	s29 =	smul.u32 $0x66666667, s31;
	s26 =	ssub.s32 s26, s28  }
0x246: {  	[tilespmem:$0x1A3A0] =	vst v43;
	s28 =	smulhi.u32 $0x66666667, s24;
	s30 =	sadd.s32 $0x5, s26  }
0x247: {  	v23 =	vld.idx.msk [tilespmem:v46+s14+$0x0], $0xffff;
	s31 =	sshll.u32 s30, $0x4  }
0x248: {  	s26 =	smul.u32 $0xFFFFFFFB, s26;
	s28 =	sadd.s32 s29, s28;
	v48 =	vor.u32 s31, v4;
	v49, _, _ =	vpop (xrf0)  }
0x249: {  	s29 =	sshrl.u32 s28, $0x1F;
	s28 =	sshra.s32 s28, $0x1;
	(v2sf) =	vpush v49, $0xF;
	v50, _, _ =	vpop (xrf0)  }
0x24a: {  	s23 =	sadd.s32 s23, s26;
	s26 =	sadd.s32 s29, s28;
	(v2sf) =	vpush v50, $0xF  }
0x24b: {  	v51 =	vmov s23;
	s23 =	smul.u32 $0xFFFFFFFB, s26  }
0x24c: {  	s30 =	sshll.u32 s30, $0x7;
	s31 =	ssub.s32 $0x0, s24;
	v52 =	vand.u32 $0xFFFFFF80, v51;
	[tilespmem:$0x1A3B0] =	vst v23  }
0x24d: {  	p5 =	slt.s32 s24, $0x1;
	v25 =	vand.u32 $0x7F, v51;
	v23 =	vadd.s32 s30, v52;
	p6 =	sne.s32 s23, s31;
	v24 =	vld.idx.msk [tilespmem:v48+s12+$0x0], $0xffff  }
0x24e: {  	v23 =	vor.u32 v25, v23;
	p0 =	por !p5, !p6  }
0x24f: {  	s23 =	simm.s32 $0x1;
	p0 =	por !p0, !p0  }
0x250: {  	s30 =	sshra.s32 s22, $0x1F;
	s23 =	simm.s32 @!p0 $0x0  }
0x251: {  	s28 =	smul.u32 $0x66666667, s30;
	s23 =	ssub.s32 s26, s23  }
0x252: {  	s26 =	smulhi.u32 $0x66666667, s22;
	s29 =	sadd.s32 $0x5, s23;
	[tilespmem:$0x1A3C0] =	vst v24  }
0x253: {  	s31 =	sshll.u32 s29, $0x4;
	v23 =	vld.idx.msk [tilespmem:v23+s14+$0x0], $0xffff  }
0x254: {  	s23 =	smul.u32 $0xFFFFFFFB, s23;
	s26 =	sadd.s32 s28, s26;
	v53 =	vor.u32 s31, v4  }
0x255: {  	s28 =	sshrl.u32 s26, $0x1F;
	s26 =	sshra.s32 s26, $0x1  }
0x256: {  	s23 =	sadd.s32 s24, s23;
	s24 =	sadd.s32 s28, s26  }
0x257: {  	v54 =	vmov s23;
	s23 =	smul.u32 $0xFFFFFFFB, s24  }
0x258: {  	s30 =	ssub.s32 $0x0, s22;
	s26 =	sshll.u32 s29, $0x7;
	v55 =	vand.u32 $0xFFFFFF80, v54;
	[tilespmem:$0x1A3D0] =	vst v23;
	s31 =	spop (v2sf)  }
0x259: {  	p1 =	slt.s32 s22, $0x1;
	v25 =	vand.u32 $0x7F, v54;
	p2 =	sne.s32 s23, s30;
	v23 =	vadd.s32 s26, v55;
	v24 =	vld.idx.msk [tilespmem:v53+s12+$0x0], $0xffff;
	s28 =	spop (v2sf)  }
0x25a: {  	p0 =	por !p1, !p2;
	v23 =	vor.u32 v25, v23;
	s26 =	sxor.u32 $0x80000000, s31;
	s23 =	sxor.u32 $0x80000000, s28  }
0x25b: {  	p0 =	por !p0, !p0;
	s28 =	simm.s32 $0x1;
	p1 =	slt.s32 s26, s23  }
0x25c: {  	s28 =	simm.s32 @!p0 $0x0;
	s23 =	smov.u32 @p1 s26  }
0x25d: {  	s24 =	ssub.s32 s24, s28;
	s26 =	smulhi.u32 $0x66666667, s23;
	s30 =	sshra.s32 s23, $0x1F  }
0x25e: {  	[tilespmem:$0x1A3E0] =	vst v24;
	s29 =	sadd.s32 $0x5, s24;
	s28 =	smul.u32 $0x66666667, s30  }
0x25f: {  	v23 =	vld.idx.msk [tilespmem:v23+s14+$0x0], $0xffff;
	s31 =	sshll.u32 s29, $0x4  }
0x260: {  	s24 =	smul.u32 $0xFFFFFFFB, s24;
	v56 =	vor.u32 s31, v4;
	s26 =	sadd.s32 s28, s26  }
0x261: {  	s28 =	sshrl.u32 s26, $0x1F;
	s26 =	sshra.s32 s26, $0x1  }
0x262: {  	s22 =	sadd.s32 s22, s24;
	s24 =	sadd.s32 s28, s26  }
0x263: {  	v57 =	vmov s22;
	s30 =	smul.u32 $0xFFFFFFFB, s24  }
0x264: {  	s31 =	sshll.u32 s29, $0x7;
	s29 =	ssub.s32 $0x0, s23;
	v58 =	vand.u32 $0xFFFFFF80, v57;
	[tilespmem:$0x1A3F0] =	vst v23  }
0x265: {  	p3 =	slt.s32 s23, $0x1;
	v25 =	vand.u32 $0x7F, v57;
	v23 =	vadd.s32 s31, v58;
	v24 =	vld.idx.msk [tilespmem:v56+s12+$0x0], $0xffff;
	p4 =	sne.s32 s30, s29  }
0x266: {  	v23 =	vor.u32 v25, v23;
	p0 =	por !p3, !p4  }
0x267: {  	s22 =	simm.s32 $0x1;
	p0 =	por !p0, !p0  }
0x268: {  	s22 =	simm.s32 @!p0 $0x0  }
0x269: {  	s22 =	ssub.s32 s24, s22  }
0x26a: {  	[tilespmem:$0x1A400] =	vst v24;
	s24 =	sadd.s32 $0x5, s22  }
0x26b: {  	v23 =	vld.idx.msk [tilespmem:v23+s14+$0x0], $0xffff;
	s30 =	sshll.u32 s24, $0x4  }
0x26c: {  	s22 =	smul.u32 $0xFFFFFFFB, s22;
	v59 =	vor.u32 s30, v4;
	_ =	sdelay $0x1  }
0x26d: {  	s22 =	sadd.s32 s23, s22  }
0x26e: {  	v60 =	vmov s22  }
0x26f: {  	s31 =	sshll.u32 s24, $0x7;
	v61 =	vand.u32 $0xFFFFFF80, v60;
	[tilespmem:$0x1A410] =	vst v23  }
0x270: {  	v25 =	vand.u32 $0x7F, v60;
	v23 =	vadd.s32 s31, v61;
	v24 =	vld.idx.msk [tilespmem:v59+s12+$0x0], $0xffff  }
0x271: {  	v23 =	vor.u32 v25, v23;
	_ =	sdelay $0x2  }
0x272: {  	v62 =	vmov s18  }
0x273: {  	[tilespmem:$0x1A420] =	vst v24;
	v24 =	vnsel vm7, $0xFF61B1E6, v62  }
0x274: {  	v23 =	vld.idx.msk [tilespmem:v23+s14+$0x0], $0xffff;
	v24 =	vsel vm1, s19, v24  }
0x275: {  	v24 =	vnsel vm4, s20, v24  }
0x276: {  	v24 =	vnsel vm5, s21, v24  }
0x277: {  	v24 =	vnsel vm6, s25, v24  }
0x278: {  	[tilespmem:$0x1A590] =	vst v24  }
0x279: {  	[tilespmem:$0x1A430] =	vst v23  }
0x27a: {  	v23 =	vld.idx.msk [tilespmem:v5+s10+$0x0], $0xffff  }
0x27b: {  	v24 =	vld.idx.msk [tilespmem:v16+s13+$0x0], $0xffff  }
0x27c: {  	v63 =	vld.idx.msk [tilespmem:v6+s10+$0x0], $0xffff  }
0x27d: {  	v28 =	vld.idx.msk [tilespmem:v17+s13+$0x0], $0xffff;
	_ =	sdelay $0x4  }
0x27e: {  	v23 =	vadd.f32 v24, v23;
	v29 =	vadd.f32 v28, v63;
	_ =	sdelay $0x1  }
0x27f: {  	v24 =	vnsel vm8, $0xFF61B1E6, v29;
	(xrf0) =	vmax.scan.msk.f32 $0xffff, v23  }
0x280: {  	(xrf0) =	vmax.scan.msk.f32 $0xffff, v24;
	_ =	sdelay $0x4  }
0x281: {  	v30, _, _ =	vpop (xrf0)  }
0x282: {  	(v2sf) =	vpush v30, $0xF;
	v31, _, _ =	vpop (xrf0)  }
0x283: {  	(v2sf) =	vpush v31, $0xF;
	_ =	sdelay $0xd  }
0x284: {  	s20 =	spop (v2sf)  }
0x285: {  	s21 =	spop (v2sf)  }
0x286: {  	s18 =	smax.f32 s20, s21  }
0x287: {  	vm14 =	veq.f32 v23, s18  }
0x288: {  	vm15 =	veq.f32 v24, s18;
	v32 =	vnsel vm14, $0xC0000000, v21  }
0x289: {  	v33 =	vnsel vm15, $0xC0000000, v20;
	(xrf0) =	vmin.scan.msk.u32 $0xffff, v32  }
0x28a: {  	(xrf0) =	vmin.scan.msk.u32 $0xffff, v33;
	_ =	sdelay $0x4  }
0x28b: {  	v34, _, _ =	vpop (xrf0)  }
0x28c: {  	(v2sf) =	vpush v34, $0xF;
	v35, _, _ =	vpop (xrf0)  }
0x28d: {  	(v2sf) =	vpush v35, $0xF;
	_ =	sdelay $0xd  }
0x28e: {  	s22 =	spop (v2sf)  }
0x28f: {  	s23 =	spop (v2sf)  }
0x290: {  	s19 =	sxor.u32 $0x80000000, s22;
	s25 =	sxor.u32 $0x80000000, s23  }
0x291: {  	p0 =	slt.s32 s19, s25  }
0x292: {  	s25 =	smov.u32 @p0 s19  }
0x293: {  	v36 =	vmov s25  }
0x294: {  	vm12 =	veq.s32 v36, v4  }
0x295: {  	vm13 =	veq.s32 v36, v22;
	vm9 =	vmand vm14, vm12  }
0x296: {  	vm14 =	vmand vm15, vm13;
	v23 =	vsel vm9, $0xFF61B1E6, v23  }
0x297: {  	v24 =	vsel vm14, $0xFF61B1E6, v24;
	(xrf0) =	vmax.scan.msk.f32 $0xffff, v23  }
0x298: {  	(xrf0) =	vmax.scan.msk.f32 $0xffff, v24;
	_ =	sdelay $0x4  }
0x299: {  	v37, _, _ =	vpop (xrf0)  }
0x29a: {  	(v2sf) =	vpush v37, $0xF;
	v38, _, _ =	vpop (xrf0)  }
0x29b: {  	(v2sf) =	vpush v38, $0xF;
	_ =	sdelay $0xd  }
0x29c: {  	s24 =	spop (v2sf)  }
0x29d: {  	s26 =	spop (v2sf)  }
0x29e: {  	s19 =	smax.f32 s24, s26  }
0x29f: {  	vm15 =	veq.f32 v23, s19  }
0x2a0: {  	vm12 =	veq.f32 v24, s19;
	v39 =	vnsel vm15, $0xC0000000, v21  }
0x2a1: {  	v40 =	vnsel vm12, $0xC0000000, v20;
	(xrf0) =	vmin.scan.msk.u32 $0xffff, v39  }
0x2a2: {  	(xrf0) =	vmin.scan.msk.u32 $0xffff, v40;
	_ =	sdelay $0x4  }
0x2a3: {  	v41, _, _ =	vpop (xrf0)  }
0x2a4: {  	(v2sf) =	vpush v41, $0xF;
	v42, _, _ =	vpop (xrf0)  }
0x2a5: {  	(v2sf) =	vpush v42, $0xF;
	_ =	sdelay $0xd  }
0x2a6: {  	s28 =	spop (v2sf)  }
0x2a7: {  	s29 =	spop (v2sf)  }
0x2a8: {  	s20 =	sxor.u32 $0x80000000, s28;
	s23 =	sxor.u32 $0x80000000, s29  }
0x2a9: {  	p0 =	slt.s32 s20, s23  }
0x2aa: {  	s23 =	smov.u32 @p0 s20  }
0x2ab: {  	v43 =	vmov s23  }
0x2ac: {  	vm13 =	veq.s32 v43, v4  }
0x2ad: {  	vm14 =	veq.s32 v43, v22;
	vm9 =	vmand vm15, vm13  }
0x2ae: {  	vm15 =	vmand vm12, vm14;
	v23 =	vsel vm9, $0xFF61B1E6, v23  }
0x2af: {  	v24 =	vsel vm15, $0xFF61B1E6, v24;
	(xrf0) =	vmax.scan.msk.f32 $0xffff, v23  }
0x2b0: {  	(xrf0) =	vmax.scan.msk.f32 $0xffff, v24;
	_ =	sdelay $0x4  }
0x2b1: {  	v44, _, _ =	vpop (xrf0)  }
0x2b2: {  	(v2sf) =	vpush v44, $0xF;
	v45, _, _ =	vpop (xrf0)  }
0x2b3: {  	(v2sf) =	vpush v45, $0xF;
	_ =	sdelay $0xd  }
0x2b4: {  	s30 =	spop (v2sf)  }
0x2b5: {  	s31 =	spop (v2sf)  }
0x2b6: {  	s20 =	smax.f32 s30, s31  }
0x2b7: {  	vm12 =	veq.f32 v23, s20  }
0x2b8: {  	vm13 =	veq.f32 v24, s20;
	v46 =	vnsel vm12, $0xC0000000, v21  }
0x2b9: {  	v47 =	vnsel vm13, $0xC0000000, v20;
	(xrf0) =	vmin.scan.msk.u32 $0xffff, v46  }
0x2ba: {  	(xrf0) =	vmin.scan.msk.u32 $0xffff, v47;
	_ =	sdelay $0x4  }
0x2bb: {  	v48, _, _ =	vpop (xrf0)  }
0x2bc: {  	(v2sf) =	vpush v48, $0xF;
	v49, _, _ =	vpop (xrf0)  }
0x2bd: {  	(v2sf) =	vpush v49, $0xF;
	_ =	sdelay $0xd  }
0x2be: {  	s22 =	spop (v2sf)  }
0x2bf: {  	s24 =	spop (v2sf)  }
0x2c0: {  	s21 =	sxor.u32 $0x80000000, s22;
	s24 =	sxor.u32 $0x80000000, s24  }
0x2c1: {  	p0 =	slt.s32 s21, s24  }
0x2c2: {  	s24 =	smov.u32 @p0 s21  }
0x2c3: {  	v50 =	vmov s24  }
0x2c4: {  	vm14 =	veq.s32 v50, v4  }
0x2c5: {  	vm15 =	veq.s32 v50, v22;
	vm9 =	vmand vm12, vm14  }
0x2c6: {  	vm12 =	vmand vm13, vm15;
	v23 =	vsel vm9, $0xFF61B1E6, v23  }
0x2c7: {  	v24 =	vsel vm12, $0xFF61B1E6, v24;
	(xrf0) =	vmax.scan.msk.f32 $0xffff, v23  }
0x2c8: {  	(xrf0) =	vmax.scan.msk.f32 $0xffff, v24;
	_ =	sdelay $0x4  }
0x2c9: {  	v51, _, _ =	vpop (xrf0)  }
0x2ca: {  	(v2sf) =	vpush v51, $0xF;
	v52, _, _ =	vpop (xrf0)  }
0x2cb: {  	(v2sf) =	vpush v52, $0xF;
	_ =	sdelay $0xd  }
0x2cc: {  	s26 =	spop (v2sf)  }
0x2cd: {  	s28 =	spop (v2sf)  }
0x2ce: {  	s21 =	smax.f32 s26, s28  }
0x2cf: {  	vm13 =	veq.f32 v23, s21  }
0x2d0: {  	vm14 =	veq.f32 v24, s21;
	v53 =	vnsel vm13, $0xC0000000, v21  }
0x2d1: {  	v54 =	vnsel vm14, $0xC0000000, v20;
	(xrf0) =	vmin.scan.msk.u32 $0xffff, v53  }
0x2d2: {  	(xrf0) =	vmin.scan.msk.u32 $0xffff, v54;
	_ =	sdelay $0x4  }
0x2d3: {  	v55, _, _ =	vpop (xrf0)  }
0x2d4: {  	(v2sf) =	vpush v55, $0xF;
	v56, _, _ =	vpop (xrf0)  }
0x2d5: {  	(v2sf) =	vpush v56, $0xF;
	_ =	sdelay $0xd  }
0x2d6: {  	s29 =	spop (v2sf)  }
0x2d7: {  	s30 =	spop (v2sf)  }
0x2d8: {  	s28 =	sxor.u32 $0x80000000, s29;
	s22 =	sxor.u32 $0x80000000, s30  }
0x2d9: {  	p0 =	slt.s32 s28, s22  }
0x2da: {  	s22 =	smov.u32 @p0 s28  }
0x2db: {  	v57 =	vmov s22  }
0x2dc: {  	vm15 =	veq.s32 v57, v4  }
0x2dd: {  	vm12 =	veq.s32 v57, v22;
	vm9 =	vmand vm13, vm15  }
0x2de: {  	vm13 =	vmand vm14, vm12;
	v23 =	vsel vm9, $0xFF61B1E6, v23  }
0x2df: {  	v24 =	vsel vm13, $0xFF61B1E6, v24;
	(xrf0) =	vmax.scan.msk.f32 $0xffff, v23  }
0x2e0: {  	(xrf0) =	vmax.scan.msk.f32 $0xffff, v24;
	_ =	sdelay $0x4  }
0x2e1: {  	s31 =	smulhi.u32 $0x66666667, s25;
	s29 =	sshra.s32 s25, $0x1F;
	v58, _, _ =	vpop (xrf0)  }
0x2e2: {  	s28 =	smul.u32 $0x66666667, s29;
	(v2sf) =	vpush v58, $0xF;
	v59, _, _ =	vpop (xrf0)  }
0x2e3: {  	(v2sf) =	vpush v59, $0xF  }
0x2e4: {  	s26 =	sadd.s32 s28, s31  }
0x2e5: {  	s28 =	sshrl.u32 s26, $0x1F;
	s26 =	sshra.s32 s26, $0x1  }
0x2e6: {  	s26 =	sadd.s32 s28, s26  }
0x2e7: {  	s28 =	smul.u32 $0xFFFFFFFB, s26  }
0x2e8: {  	s30 =	ssub.s32 $0x0, s25  }
0x2e9: {  	p5 =	slt.s32 s25, $0x1;
	p6 =	sne.s32 s28, s30  }
0x2ea: {  	p0 =	por !p5, !p6  }
0x2eb: {  	s28 =	simm.s32 $0x1;
	p0 =	por !p0, !p0  }
0x2ec: {  	s31 =	sshra.s32 s23, $0x1F;
	s28 =	simm.s32 @!p0 $0x0  }
0x2ed: {  	s29 =	smul.u32 $0x66666667, s31;
	s26 =	ssub.s32 s26, s28  }
0x2ee: {  	s28 =	smulhi.u32 $0x66666667, s23;
	s30 =	sadd.s32 $0xA, s26  }
0x2ef: {  	s31 =	sshll.u32 s30, $0x4  }
0x2f0: {  	s26 =	smul.u32 $0xFFFFFFFB, s26;
	s28 =	sadd.s32 s29, s28;
	v60 =	vor.u32 s31, v4  }
0x2f1: {  	s29 =	sshrl.u32 s28, $0x1F;
	s28 =	sshra.s32 s28, $0x1;
	s31 =	spop (v2sf)  }
0x2f2: {  	s25 =	sadd.s32 s25, s26;
	s26 =	sadd.s32 s29, s28;
	s28 =	spop (v2sf)  }
0x2f3: {  	v61 =	vmov s25;
	s29 =	smul.u32 $0xFFFFFFFB, s26;
	s25 =	smax.f32 s31, s28  }
0x2f4: {  	v62 =	vand.u32 $0xFFFFFF80, v61;
	v26 =	vand.u32 $0x7F, v61;
	s28 =	sshll.u32 s30, $0x7;
	s31 =	ssub.s32 $0x0, s23;
	vm14 =	veq.f32 v23, s25  }
0x2f5: {  	p1 =	slt.s32 s23, $0x1;
	v63 =	vld.idx.msk [tilespmem:v60+s12+$0x0], $0xffff;
	v30 =	vadd.s32 s28, v62;
	p2 =	sne.s32 s29, s31;
	vm15 =	veq.f32 v24, s25;
	v31 =	vnsel vm14, $0xC0000000, v21  }
0x2f6: {  	v32 =	vor.u32 v26, v30;
	p0 =	por !p1, !p2;
	v33 =	vnsel vm15, $0xC0000000, v20;
	(xrf0) =	vmin.scan.msk.u32 $0xffff, v31  }
0x2f7: {  	s28 =	simm.s32 $0x1;
	p0 =	por !p0, !p0;
	(xrf0) =	vmin.scan.msk.u32 $0xffff, v33  }
0x2f8: {  	s31 =	sshra.s32 s24, $0x1F;
	s28 =	simm.s32 @!p0 $0x0  }
0x2f9: {  	s29 =	smul.u32 $0x66666667, s31;
	s26 =	ssub.s32 s26, s28  }
0x2fa: {  	[tilespmem:$0x1A440] =	vst v63;
	s28 =	smulhi.u32 $0x66666667, s24;
	s30 =	sadd.s32 $0xA, s26  }
0x2fb: {  	v23 =	vld.idx.msk [tilespmem:v32+s14+$0x0], $0xffff;
	s31 =	sshll.u32 s30, $0x4  }
0x2fc: {  	s26 =	smul.u32 $0xFFFFFFFB, s26;
	s28 =	sadd.s32 s29, s28;
	v34 =	vor.u32 s31, v4;
	v35, _, _ =	vpop (xrf0)  }
0x2fd: {  	s29 =	sshrl.u32 s28, $0x1F;
	s28 =	sshra.s32 s28, $0x1;
	(v2sf) =	vpush v35, $0xF;
	v36, _, _ =	vpop (xrf0)  }
0x2fe: {  	s23 =	sadd.s32 s23, s26;
	s26 =	sadd.s32 s29, s28;
	(v2sf) =	vpush v36, $0xF  }
0x2ff: {  	v37 =	vmov s23;
	s23 =	smul.u32 $0xFFFFFFFB, s26  }
0x300: {  	s30 =	sshll.u32 s30, $0x7;
	s31 =	ssub.s32 $0x0, s24;
	v38 =	vand.u32 $0xFFFFFF80, v37;
	[tilespmem:$0x1A450] =	vst v23  }
0x301: {  	p3 =	slt.s32 s24, $0x1;
	v25 =	vand.u32 $0x7F, v37;
	v23 =	vadd.s32 s30, v38;
	p4 =	sne.s32 s23, s31;
	v24 =	vld.idx.msk [tilespmem:v34+s12+$0x0], $0xffff  }
0x302: {  	v23 =	vor.u32 v25, v23;
	p0 =	por !p3, !p4  }
0x303: {  	s23 =	simm.s32 $0x1;
	p0 =	por !p0, !p0  }
0x304: {  	s30 =	sshra.s32 s22, $0x1F;
	s23 =	simm.s32 @!p0 $0x0  }
0x305: {  	s28 =	smul.u32 $0x66666667, s30;
	s23 =	ssub.s32 s26, s23  }
0x306: {  	s26 =	smulhi.u32 $0x66666667, s22;
	s29 =	sadd.s32 $0xA, s23;
	[tilespmem:$0x1A460] =	vst v24  }
0x307: {  	s31 =	sshll.u32 s29, $0x4;
	v23 =	vld.idx.msk [tilespmem:v23+s14+$0x0], $0xffff  }
0x308: {  	s23 =	smul.u32 $0xFFFFFFFB, s23;
	s26 =	sadd.s32 s28, s26;
	v39 =	vor.u32 s31, v4  }
0x309: {  	s28 =	sshrl.u32 s26, $0x1F;
	s26 =	sshra.s32 s26, $0x1  }
0x30a: {  	s23 =	sadd.s32 s24, s23;
	s24 =	sadd.s32 s28, s26  }
0x30b: {  	v40 =	vmov s23;
	s23 =	smul.u32 $0xFFFFFFFB, s24  }
0x30c: {  	s30 =	ssub.s32 $0x0, s22;
	s26 =	sshll.u32 s29, $0x7;
	v41 =	vand.u32 $0xFFFFFF80, v40;
	[tilespmem:$0x1A470] =	vst v23;
	s31 =	spop (v2sf)  }
0x30d: {  	p5 =	slt.s32 s22, $0x1;
	v25 =	vand.u32 $0x7F, v40;
	p6 =	sne.s32 s23, s30;
	v23 =	vadd.s32 s26, v41;
	v24 =	vld.idx.msk [tilespmem:v39+s12+$0x0], $0xffff;
	s28 =	spop (v2sf)  }
0x30e: {  	p0 =	por !p5, !p6;
	v23 =	vor.u32 v25, v23;
	s26 =	sxor.u32 $0x80000000, s31;
	s23 =	sxor.u32 $0x80000000, s28  }
0x30f: {  	p0 =	por !p0, !p0;
	s28 =	simm.s32 $0x1;
	p1 =	slt.s32 s26, s23  }
0x310: {  	s28 =	simm.s32 @!p0 $0x0;
	s23 =	smov.u32 @p1 s26  }
0x311: {  	s24 =	ssub.s32 s24, s28;
	s26 =	smulhi.u32 $0x66666667, s23;
	s30 =	sshra.s32 s23, $0x1F  }
0x312: {  	[tilespmem:$0x1A480] =	vst v24;
	s29 =	sadd.s32 $0xA, s24;
	s28 =	smul.u32 $0x66666667, s30  }
0x313: {  	v23 =	vld.idx.msk [tilespmem:v23+s14+$0x0], $0xffff;
	s31 =	sshll.u32 s29, $0x4  }
0x314: {  	s24 =	smul.u32 $0xFFFFFFFB, s24;
	v42 =	vor.u32 s31, v4;
	s26 =	sadd.s32 s28, s26  }
0x315: {  	s28 =	sshrl.u32 s26, $0x1F;
	s26 =	sshra.s32 s26, $0x1  }
0x316: {  	s22 =	sadd.s32 s22, s24;
	s24 =	sadd.s32 s28, s26  }
0x317: {  	v43 =	vmov s22;
	s30 =	smul.u32 $0xFFFFFFFB, s24  }
0x318: {  	s31 =	sshll.u32 s29, $0x7;
	s29 =	ssub.s32 $0x0, s23;
	v44 =	vand.u32 $0xFFFFFF80, v43;
	[tilespmem:$0x1A490] =	vst v23  }
0x319: {  	p1 =	slt.s32 s23, $0x1;
	v25 =	vand.u32 $0x7F, v43;
	v23 =	vadd.s32 s31, v44;
	v24 =	vld.idx.msk [tilespmem:v42+s12+$0x0], $0xffff;
	p2 =	sne.s32 s30, s29  }
0x31a: {  	v23 =	vor.u32 v25, v23;
	p0 =	por !p1, !p2  }
0x31b: {  	s22 =	simm.s32 $0x1;
	p0 =	por !p0, !p0  }
0x31c: {  	s22 =	simm.s32 @!p0 $0x0  }
0x31d: {  	s22 =	ssub.s32 s24, s22  }
0x31e: {  	[tilespmem:$0x1A4A0] =	vst v24;
	s24 =	sadd.s32 $0xA, s22  }
0x31f: {  	v23 =	vld.idx.msk [tilespmem:v23+s14+$0x0], $0xffff;
	s30 =	sshll.u32 s24, $0x4  }
0x320: {  	s22 =	smul.u32 $0xFFFFFFFB, s22;
	v45 =	vor.u32 s30, v4;
	_ =	sdelay $0x1  }
0x321: {  	s22 =	sadd.s32 s23, s22  }
0x322: {  	v46 =	vmov s22  }
0x323: {  	s31 =	sshll.u32 s24, $0x7;
	v47 =	vand.u32 $0xFFFFFF80, v46;
	[tilespmem:$0x1A4B0] =	vst v23  }
0x324: {  	v25 =	vand.u32 $0x7F, v46;
	v23 =	vadd.s32 s31, v47;
	v24 =	vld.idx.msk [tilespmem:v45+s12+$0x0], $0xffff  }
0x325: {  	v23 =	vor.u32 v25, v23;
	_ =	sdelay $0x2  }
0x326: {  	v48 =	vmov s18  }
0x327: {  	[tilespmem:$0x1A4C0] =	vst v24;
	v24 =	vnsel vm7, $0xFF61B1E6, v48  }
0x328: {  	v23 =	vld.idx.msk [tilespmem:v23+s14+$0x0], $0xffff;
	v24 =	vsel vm1, s19, v24  }
0x329: {  	v24 =	vnsel vm4, s20, v24  }
0x32a: {  	v24 =	vnsel vm5, s21, v24  }
0x32b: {  	v24 =	vnsel vm6, s25, v24  }
0x32c: {  	[tilespmem:$0x1A5A0] =	vst v24  }
0x32d: {  	[tilespmem:$0x1A4D0] =	vst v23  }
0x32e: {  	v23 =	vld.idx.msk [tilespmem:v7+s10+$0x0], $0xffff  }
0x32f: {  	v24 =	vld.idx.msk [tilespmem:v18+s13+$0x0], $0xffff  }
0x330: {  	v49 =	vld.idx.msk [tilespmem:v8+s10+$0x0], $0xffff  }
0x331: {  	v50 =	vld.idx.msk [tilespmem:v19+s13+$0x0], $0xffff;
	_ =	sdelay $0x4  }
0x332: {  	v23 =	vadd.f32 v24, v23;
	v51 =	vadd.f32 v50, v49;
	_ =	sdelay $0x1  }
0x333: {  	v24 =	vnsel vm8, $0xFF61B1E6, v51;
	(xrf0) =	vmax.scan.msk.f32 $0xffff, v23  }
0x334: {  	(xrf0) =	vmax.scan.msk.f32 $0xffff, v24;
	_ =	sdelay $0x4  }
0x335: {  	v52, _, _ =	vpop (xrf0)  }
0x336: {  	(v2sf) =	vpush v52, $0xF;
	v53, _, _ =	vpop (xrf0)  }
0x337: {  	(v2sf) =	vpush v53, $0xF;
	_ =	sdelay $0xd  }
0x338: {  	s20 =	spop (v2sf)  }
0x339: {  	s21 =	spop (v2sf)  }
0x33a: {  	s18 =	smax.f32 s20, s21  }
0x33b: {  	vm8 =	veq.f32 v23, s18  }
0x33c: {  	vm12 =	veq.f32 v24, s18;
	v54 =	vnsel vm8, $0xC0000000, v21  }
0x33d: {  	v55 =	vnsel vm12, $0xC0000000, v20;
	(xrf0) =	vmin.scan.msk.u32 $0xffff, v54  }
0x33e: {  	(xrf0) =	vmin.scan.msk.u32 $0xffff, v55;
	_ =	sdelay $0x4  }
0x33f: {  	v56, _, _ =	vpop (xrf0)  }
0x340: {  	(v2sf) =	vpush v56, $0xF;
	v57, _, _ =	vpop (xrf0)  }
0x341: {  	(v2sf) =	vpush v57, $0xF;
	_ =	sdelay $0xd  }
0x342: {  	s22 =	spop (v2sf)  }
0x343: {  	s23 =	spop (v2sf)  }
0x344: {  	s19 =	sxor.u32 $0x80000000, s22;
	s25 =	sxor.u32 $0x80000000, s23  }
0x345: {  	p0 =	slt.s32 s19, s25  }
0x346: {  	s25 =	smov.u32 @p0 s19  }
0x347: {  	v58 =	vmov s25  }
0x348: {  	vm13 =	veq.s32 v58, v4  }
0x349: {  	vm14 =	veq.s32 v58, v22;
	vm8 =	vmand vm8, vm13  }
0x34a: {  	v23 =	vsel vm8, $0xFF61B1E6, v23;
	vm8 =	vmand vm12, vm14  }
0x34b: {  	v24 =	vsel vm8, $0xFF61B1E6, v24;
	(xrf0) =	vmax.scan.msk.f32 $0xffff, v23  }
0x34c: {  	(xrf0) =	vmax.scan.msk.f32 $0xffff, v24;
	_ =	sdelay $0x4  }
0x34d: {  	v59, _, _ =	vpop (xrf0)  }
0x34e: {  	(v2sf) =	vpush v59, $0xF;
	v60, _, _ =	vpop (xrf0)  }
0x34f: {  	(v2sf) =	vpush v60, $0xF;
	_ =	sdelay $0xd  }
0x350: {  	s24 =	spop (v2sf)  }
0x351: {  	s26 =	spop (v2sf)  }
0x352: {  	s19 =	smax.f32 s24, s26  }
0x353: {  	vm8 =	veq.f32 v23, s19  }
0x354: {  	vm15 =	veq.f32 v24, s19;
	v61 =	vnsel vm8, $0xC0000000, v21  }
0x355: {  	v62 =	vnsel vm15, $0xC0000000, v20;
	(xrf0) =	vmin.scan.msk.u32 $0xffff, v61  }
0x356: {  	(xrf0) =	vmin.scan.msk.u32 $0xffff, v62;
	_ =	sdelay $0x4  }
0x357: {  	v63, _, _ =	vpop (xrf0)  }
0x358: {  	(v2sf) =	vpush v63, $0xF;
	v28, _, _ =	vpop (xrf0)  }
0x359: {  	(v2sf) =	vpush v28, $0xF;
	_ =	sdelay $0xd  }
0x35a: {  	s28 =	spop (v2sf)  }
0x35b: {  	s29 =	spop (v2sf)  }
0x35c: {  	s20 =	sxor.u32 $0x80000000, s28;
	s23 =	sxor.u32 $0x80000000, s29  }
0x35d: {  	p0 =	slt.s32 s20, s23  }
0x35e: {  	s23 =	smov.u32 @p0 s20  }
0x35f: {  	v29 =	vmov s23  }
0x360: {  	vm12 =	veq.s32 v29, v4  }
0x361: {  	vm13 =	veq.s32 v29, v22;
	vm8 =	vmand vm8, vm12  }
0x362: {  	v23 =	vsel vm8, $0xFF61B1E6, v23;
	vm8 =	vmand vm15, vm13  }
0x363: {  	v24 =	vsel vm8, $0xFF61B1E6, v24;
	(xrf0) =	vmax.scan.msk.f32 $0xffff, v23  }
0x364: {  	(xrf0) =	vmax.scan.msk.f32 $0xffff, v24;
	_ =	sdelay $0x4  }
0x365: {  	v30, _, _ =	vpop (xrf0)  }
0x366: {  	(v2sf) =	vpush v30, $0xF;
	v31, _, _ =	vpop (xrf0)  }
0x367: {  	(v2sf) =	vpush v31, $0xF;
	_ =	sdelay $0xd  }
0x368: {  	s30 =	spop (v2sf)  }
0x369: {  	s31 =	spop (v2sf)  }
0x36a: {  	s20 =	smax.f32 s30, s31  }
0x36b: {  	vm8 =	veq.f32 v23, s20  }
0x36c: {  	vm14 =	veq.f32 v24, s20;
	v32 =	vnsel vm8, $0xC0000000, v21  }
0x36d: {  	v33 =	vnsel vm14, $0xC0000000, v20;
	(xrf0) =	vmin.scan.msk.u32 $0xffff, v32  }
0x36e: {  	(xrf0) =	vmin.scan.msk.u32 $0xffff, v33;
	_ =	sdelay $0x4  }
0x36f: {  	v34, _, _ =	vpop (xrf0)  }
0x370: {  	(v2sf) =	vpush v34, $0xF;
	v35, _, _ =	vpop (xrf0)  }
0x371: {  	(v2sf) =	vpush v35, $0xF;
	_ =	sdelay $0xd  }
0x372: {  	s22 =	spop (v2sf)  }
0x373: {  	s24 =	spop (v2sf)  }
0x374: {  	s21 =	sxor.u32 $0x80000000, s22;
	s24 =	sxor.u32 $0x80000000, s24  }
0x375: {  	p0 =	slt.s32 s21, s24  }
0x376: {  	s24 =	smov.u32 @p0 s21  }
0x377: {  	v36 =	vmov s24  }
0x378: {  	vm15 =	veq.s32 v36, v4  }
0x379: {  	vm12 =	veq.s32 v36, v22;
	vm8 =	vmand vm8, vm15  }
0x37a: {  	v23 =	vsel vm8, $0xFF61B1E6, v23;
	vm8 =	vmand vm14, vm12  }
0x37b: {  	v24 =	vsel vm8, $0xFF61B1E6, v24;
	(xrf0) =	vmax.scan.msk.f32 $0xffff, v23  }
0x37c: {  	(xrf0) =	vmax.scan.msk.f32 $0xffff, v24;
	_ =	sdelay $0x4  }
0x37d: {  	v37, _, _ =	vpop (xrf0)  }
0x37e: {  	(v2sf) =	vpush v37, $0xF;
	v38, _, _ =	vpop (xrf0)  }
0x37f: {  	(v2sf) =	vpush v38, $0xF;
	_ =	sdelay $0xd  }
0x380: {  	s26 =	spop (v2sf)  }
0x381: {  	s28 =	spop (v2sf)  }
0x382: {  	s21 =	smax.f32 s26, s28  }
0x383: {  	vm8 =	veq.f32 v23, s21  }
0x384: {  	vm13 =	veq.f32 v24, s21;
	v39 =	vnsel vm8, $0xC0000000, v21  }
0x385: {  	v40 =	vnsel vm13, $0xC0000000, v20;
	(xrf0) =	vmin.scan.msk.u32 $0xffff, v39  }
0x386: {  	(xrf0) =	vmin.scan.msk.u32 $0xffff, v40;
	_ =	sdelay $0x4  }
0x387: {  	v41, _, _ =	vpop (xrf0)  }
0x388: {  	(v2sf) =	vpush v41, $0xF;
	v42, _, _ =	vpop (xrf0)  }
0x389: {  	(v2sf) =	vpush v42, $0xF;
	_ =	sdelay $0xd  }
0x38a: {  	s29 =	spop (v2sf)  }
0x38b: {  	s30 =	spop (v2sf)  }
0x38c: {  	s28 =	sxor.u32 $0x80000000, s29;
	s22 =	sxor.u32 $0x80000000, s30  }
0x38d: {  	p0 =	slt.s32 s28, s22  }
0x38e: {  	s22 =	smov.u32 @p0 s28  }
0x38f: {  	v43 =	vmov s22  }
0x390: {  	vm14 =	veq.s32 v43, v4  }
0x391: {  	vm15 =	veq.s32 v43, v22;
	vm8 =	vmand vm8, vm14  }
0x392: {  	v44 =	vsel vm8, $0xFF61B1E6, v23;
	vm8 =	vmand vm13, vm15  }
0x393: {  	v45 =	vsel vm8, $0xFF61B1E6, v24;
	(xrf0) =	vmax.scan.msk.f32 $0xffff, v44  }
0x394: {  	(xrf0) =	vmax.scan.msk.f32 $0xffff, v45;
	_ =	sdelay $0x4  }
0x395: {  	s31 =	smulhi.u32 $0x66666667, s25;
	s29 =	sshra.s32 s25, $0x1F;
	v46, _, _ =	vpop (xrf0)  }
0x396: {  	s28 =	smul.u32 $0x66666667, s29;
	(v2sf) =	vpush v46, $0xF;
	v47, _, _ =	vpop (xrf0)  }
0x397: {  	(v2sf) =	vpush v47, $0xF  }
0x398: {  	s26 =	sadd.s32 s28, s31  }
0x399: {  	s28 =	sshrl.u32 s26, $0x1F;
	s26 =	sshra.s32 s26, $0x1  }
0x39a: {  	s26 =	sadd.s32 s28, s26  }
0x39b: {  	s28 =	smul.u32 $0xFFFFFFFB, s26  }
0x39c: {  	s30 =	ssub.s32 $0x0, s25  }
0x39d: {  	p3 =	slt.s32 s25, $0x1;
	p4 =	sne.s32 s28, s30  }
0x39e: {  	p0 =	por !p3, !p4  }
0x39f: {  	s28 =	simm.s32 $0x1;
	p0 =	por !p0, !p0  }
0x3a0: {  	s31 =	sshra.s32 s23, $0x1F;
	s28 =	simm.s32 @!p0 $0x0  }
0x3a1: {  	s29 =	smul.u32 $0x66666667, s31;
	s26 =	ssub.s32 s26, s28  }
0x3a2: {  	s28 =	smulhi.u32 $0x66666667, s23;
	s30 =	sadd.s32 $0xF, s26  }
0x3a3: {  	s31 =	sshll.u32 s30, $0x4  }
0x3a4: {  	s26 =	smul.u32 $0xFFFFFFFB, s26;
	s28 =	sadd.s32 s29, s28;
	v48 =	vor.u32 s31, v4  }
0x3a5: {  	s29 =	sshrl.u32 s28, $0x1F;
	s28 =	sshra.s32 s28, $0x1;
	s31 =	spop (v2sf)  }
0x3a6: {  	s25 =	sadd.s32 s25, s26;
	s26 =	sadd.s32 s29, s28;
	s28 =	spop (v2sf)  }
0x3a7: {  	v49 =	vmov s25;
	s29 =	smul.u32 $0xFFFFFFFB, s26;
	s25 =	smax.f32 s31, s28  }
0x3a8: {  	v50 =	vand.u32 $0xFFFFFF80, v49;
	v25 =	vand.u32 $0x7F, v49;
	s28 =	sshll.u32 s30, $0x7;
	s31 =	ssub.s32 $0x0, s23;
	vm8 =	veq.f32 v44, s25  }
0x3a9: {  	p5 =	slt.s32 s23, $0x1;
	v51 =	vld.idx.msk [tilespmem:v48+s12+$0x0], $0xffff;
	v52 =	vadd.s32 s28, v50;
	p6 =	sne.s32 s29, s31;
	v21 =	vnsel vm8, $0xC0000000, v21;
	vm8 =	veq.f32 v45, s25  }
0x3aa: {  	v53 =	vor.u32 v25, v52;
	p0 =	por !p5, !p6;
	(xrf0) =	vmin.scan.msk.u32 $0xffff, v21;
	v20 =	vnsel vm8, $0xC0000000, v20  }
0x3ab: {  	s28 =	simm.s32 $0x1;
	p0 =	por !p0, !p0;
	(xrf0) =	vmin.scan.msk.u32 $0xffff, v20  }
0x3ac: {  	s31 =	sshra.s32 s24, $0x1F;
	s28 =	simm.s32 @!p0 $0x0  }
0x3ad: {  	s29 =	smul.u32 $0x66666667, s31;
	s26 =	ssub.s32 s26, s28  }
0x3ae: {  	[tilespmem:$0x1A4E0] =	vst v51;
	s28 =	smulhi.u32 $0x66666667, s24;
	s30 =	sadd.s32 $0xF, s26  }
0x3af: {  	v20 =	vld.idx.msk [tilespmem:v53+s14+$0x0], $0xffff;
	s31 =	sshll.u32 s30, $0x4  }
0x3b0: {  	s26 =	smul.u32 $0xFFFFFFFB, s26;
	s28 =	sadd.s32 s29, s28;
	v54 =	vor.u32 s31, v4;
	v21, _, _ =	vpop (xrf0)  }
0x3b1: {  	s29 =	sshrl.u32 s28, $0x1F;
	s28 =	sshra.s32 s28, $0x1;
	(v2sf) =	vpush v21, $0xF;
	v55, _, _ =	vpop (xrf0)  }
0x3b2: {  	s23 =	sadd.s32 s23, s26;
	s26 =	sadd.s32 s29, s28;
	(v2sf) =	vpush v55, $0xF  }
0x3b3: {  	v56 =	vmov s23;
	s23 =	smul.u32 $0xFFFFFFFB, s26  }
0x3b4: {  	s30 =	sshll.u32 s30, $0x7;
	s31 =	ssub.s32 $0x0, s24;
	[tilespmem:$0x1A4F0] =	vst v20;
	v20 =	vand.u32 $0xFFFFFF80, v56  }
0x3b5: {  	p1 =	slt.s32 s24, $0x1;
	v21 =	vand.u32 $0x7F, v56;
	p2 =	sne.s32 s23, s31;
	v22 =	vld.idx.msk [tilespmem:v54+s12+$0x0], $0xffff;
	v20 =	vadd.s32 s30, v20  }
0x3b6: {  	p0 =	por !p1, !p2;
	v20 =	vor.u32 v21, v20  }
0x3b7: {  	s23 =	simm.s32 $0x1;
	p0 =	por !p0, !p0  }
0x3b8: {  	s30 =	sshra.s32 s22, $0x1F;
	s23 =	simm.s32 @!p0 $0x0  }
0x3b9: {  	s28 =	smul.u32 $0x66666667, s30;
	s23 =	ssub.s32 s26, s23  }
0x3ba: {  	s26 =	smulhi.u32 $0x66666667, s22;
	s29 =	sadd.s32 $0xF, s23;
	[tilespmem:$0x1A500] =	vst v22  }
0x3bb: {  	s31 =	sshll.u32 s29, $0x4;
	v20 =	vld.idx.msk [tilespmem:v20+s14+$0x0], $0xffff  }
0x3bc: {  	s23 =	smul.u32 $0xFFFFFFFB, s23;
	s26 =	sadd.s32 s28, s26;
	v57 =	vor.u32 s31, v4  }
0x3bd: {  	s28 =	sshrl.u32 s26, $0x1F;
	s26 =	sshra.s32 s26, $0x1  }
0x3be: {  	s23 =	sadd.s32 s24, s23;
	s24 =	sadd.s32 s28, s26  }
0x3bf: {  	v58 =	vmov s23;
	s23 =	smul.u32 $0xFFFFFFFB, s24  }
0x3c0: {  	s30 =	sshll.u32 s29, $0x7;
	s31 =	ssub.s32 $0x0, s22;
	[tilespmem:$0x1A510] =	vst v20;
	v20 =	vand.u32 $0xFFFFFF80, v58;
	s26 =	spop (v2sf)  }
0x3c1: {  	p3 =	slt.s32 s22, $0x1;
	v22 =	vand.u32 $0x7F, v58;
	p4 =	sne.s32 s23, s31;
	v21 =	vld.idx.msk [tilespmem:v57+s12+$0x0], $0xffff;
	v20 =	vadd.s32 s30, v20;
	s29 =	spop (v2sf)  }
0x3c2: {  	p0 =	por !p3, !p4;
	v20 =	vor.u32 v22, v20;
	s26 =	sxor.u32 $0x80000000, s26;
	s23 =	sxor.u32 $0x80000000, s29  }
0x3c3: {  	s28 =	simm.s32 $0x1;
	p0 =	por !p0, !p0;
	p1 =	slt.s32 s26, s23  }
0x3c4: {  	s28 =	simm.s32 @!p0 $0x0;
	s23 =	smov.u32 @p1 s26  }
0x3c5: {  	s24 =	ssub.s32 s24, s28;
	s26 =	smulhi.u32 $0x66666667, s23;
	s30 =	sshra.s32 s23, $0x1F  }
0x3c6: {  	s29 =	sadd.s32 $0xF, s24;
	[tilespmem:$0x1A520] =	vst v21;
	s28 =	smul.u32 $0x66666667, s30  }
0x3c7: {  	s31 =	sshll.u32 s29, $0x4;
	v20 =	vld.idx.msk [tilespmem:v20+s14+$0x0], $0xffff  }
0x3c8: {  	s24 =	smul.u32 $0xFFFFFFFB, s24;
	v59 =	vor.u32 s31, v4;
	s26 =	sadd.s32 s28, s26  }
0x3c9: {  	s28 =	sshrl.u32 s26, $0x1F;
	s26 =	sshra.s32 s26, $0x1  }
0x3ca: {  	s22 =	sadd.s32 s22, s24;
	s24 =	sadd.s32 s28, s26  }
0x3cb: {  	v60 =	vmov s22;
	s30 =	smul.u32 $0xFFFFFFFB, s24  }
0x3cc: {  	s31 =	sshll.u32 s29, $0x7;
	s29 =	ssub.s32 $0x0, s23;
	[tilespmem:$0x1A530] =	vst v20;
	v20 =	vand.u32 $0xFFFFFF80, v60  }
0x3cd: {  	p5 =	slt.s32 s23, $0x1;
	v22 =	vand.u32 $0x7F, v60;
	v20 =	vadd.s32 s31, v20;
	v21 =	vld.idx.msk [tilespmem:v59+s12+$0x0], $0xffff;
	p6 =	sne.s32 s30, s29  }
0x3ce: {  	v20 =	vor.u32 v22, v20;
	p0 =	por !p5, !p6  }
0x3cf: {  	s22 =	simm.s32 $0x1;
	p0 =	por !p0, !p0  }
0x3d0: {  	s22 =	simm.s32 @!p0 $0x0  }
0x3d1: {  	s22 =	ssub.s32 s24, s22  }
0x3d2: {  	[tilespmem:$0x1A540] =	vst v21;
	s24 =	sadd.s32 $0xF, s22  }
0x3d3: {  	v20 =	vld.idx.msk [tilespmem:v20+s14+$0x0], $0xffff;
	s30 =	sshll.u32 s24, $0x4  }
0x3d4: {  	s22 =	smul.u32 $0xFFFFFFFB, s22;
	v61 =	vor.u32 s30, v4;
	_ =	sdelay $0x1  }
0x3d5: {  	s22 =	sadd.s32 s23, s22  }
0x3d6: {  	v62 =	vmov s22  }
0x3d7: {  	s31 =	sshll.u32 s24, $0x7;
	[tilespmem:$0x1A550] =	vst v20;
	v20 =	vand.u32 $0xFFFFFF80, v62  }
0x3d8: {  	v22 =	vand.u32 $0x7F, v62;
	v20 =	vadd.s32 s31, v20;
	v21 =	vld.idx.msk [tilespmem:v61+s12+$0x0], $0xffff  }
0x3d9: {  	v20 =	vor.u32 v22, v20;
	_ =	sdelay $0x2  }
0x3da: {  	v63 =	vmov s18  }
0x3db: {  	[tilespmem:$0x1A560] =	vst v21;
	v21 =	vnsel vm7, $0xFF61B1E6, v63  }
0x3dc: {  	v20 =	vld.idx.msk [tilespmem:v20+s14+$0x0], $0xffff;
	v21 =	vsel vm1, s19, v21  }
0x3dd: {  	v21 =	vnsel vm4, s20, v21  }
0x3de: {  	v21 =	vnsel vm5, s21, v21  }
0x3df: {  	v21 =	vnsel vm6, s25, v21  }
0x3e0: {  	[tilespmem:$0x1A5B0] =	vst v21  }
0x3e1: {  	[tilespmem:$0x1A570] =	vst v20  }
0x3e2: {  	[hbm4b:s7+s4] =	stream.linear.scatter [tilespmem:s15], [sflag:$0x1], $0x280, $0x38;
	[tilespmem:$0x1A600] =	vst v63  }
0x3e3: {  	s17 =	sadd.s32 $0x1, s17;
	_ =	swait.ge [sflag:s11], $0x280  }
0x3e4: {  	p0 =	sne.s32 s17, s9;
	[sflag:s11] =	ssyncset.done $0x0  }
.Ltmp6:
0x3e5: {  	[sflag:s11] =	ssyncadd.s32 $0xFFFFFD80;
	(pc) =	sbr.rel @p0 .LBB2_1-.Ltmp6, $4  }
0x3e6: {  	[hbm4b:s8+s4] =	stream.linear.scatter [tilespmem:s16], [sflag:$0x1], $0x40, $0x38;
	[tilespmem:$0x1A600] =	vst v63  }
0x3e7: {  	_ =	swait.ge [sflag:s11], $0x40  }
0x3e8: {  	[sflag:s11] =	ssyncset.done $0x0  }
0x3e9: {  	[sflag:s11] =	ssyncadd.s32 $0xFFFFFFC0  }
0x3ea: {  	_ =	sfence.sel $0x180000  }
0x3eb: {  	[bflag:$0x0] =	sbarrier.arrive $0xFFFF  }
0x3ec: {  	p0 =	sne.s32 s0, $0x0;
	_ =	strace $0x90000047  }
0x3ed: {  	s0 =	sadd.s32 @!p0 $0x100000, s3;
	[bflag:$0x2] =	sbarrier.arrive $0xFFFF  }
0x3ee: {  	[sflag:s0] =	ssyncadd.tile.s32 @!p0 $0x1;
	_ =	shalt  }
.Lfunc_end2:
_tile_overlayer_lowered:
.L_overlay_start_2:
0x3ef: {  	(tag) =	ssettag $0x2  }
0x3f0: {  	s0 =	rddreg [dreg:$0x0];
	s2 =	stileid.u32  }
0x3f1: {  	s1 =	rddreg [dreg:$0x1];
	p0 =	sne.s32 s2, $0x0  }
0x3f2: {  	s3 =	rddreg [dreg:$0x2];
	[bflag:$0x3] =	sbarrier.arrive $0xFFFF;
	s2 =	simm.s32 @!p0 $0x1C01  }
0x3f3: {  	[timem:s3], [sflag:s2] =	dma.local @!p0 [hbm:s0], s1  }
0x3f4: {  	s0 =	simm.s32 @!p0 $0x1  }
0x3f5: {  	_ =	swait.ge @!p0 [sflag:s0], s1  }
0x3f6: {  	s1 =	ssub.s32 @!p0 $0x0, s1;
	[sflag:s0] =	ssyncset.done @!p0 $0x0  }
0x3f7: {  	[sflag:s0] =	ssyncadd.s32 @!p0 s1  }
0x3f8: {  	[bflag:$0x3] =	sbarrier.arrive $0xFFFF  }
0x3f9: {  	_ =	shalt  }

</sc_bundles>
